<compile_context>
chip_gen: v7x
topology: tpu7x:2x2x1
jax: 0.10.2.dev20260603
libtpu: 0.0.44.dev20260713+nightly
codegen_flags: <defaults>
</compile_context>

<pallas_src>
import functools
import jax
import jax.numpy as jnp
from jax import lax
from jax.experimental import pallas as pl
from jax.experimental.pallas import tpu as pltpu
from jax.experimental.pallas import tpu_sc as plsc

N_LAST = 50000
N_PARTIAL = 25000
N_POINTS = 100000
N_SCALE = 12500
C = 128
KEYSPACE = 524288
TOTAL = float(2 * 128 * 128 * 16)
EPS = 1e-5


def _row_grid(n, r):
    assert n % r == 0
    return n // r


def _bspec(r, c, const=False):
    if const:
        return pl.BlockSpec((r, c), lambda g: (0, 0))
    return pl.BlockSpec((r, c), lambda g: (g, 0))



def _mm_body(x_ref, w_ref, b_ref, y_ref, st_ref, acc):
    g = pl.program_id(0)
    y = jnp.dot(x_ref[...], w_ref[...], preferred_element_type=jnp.float32) + b_ref[...]
    y_ref[...] = y

    @pl.when(g == 0)
    def _():
        acc[...] = jnp.zeros_like(acc)

    acc[...] += jnp.stack([jnp.sum(y, axis=0), jnp.sum(y * y, axis=0)])
    st_ref[...] = acc[...]


def _mm(x, w, b, r):
    n, cin = x.shape
    cout = w.shape[1]
    return pl.pallas_call(
        _mm_body,
        grid=(_row_grid(n, r),),
        in_specs=[_bspec(r, cin), _bspec(cin, cout, True), _bspec(1, cout, True)],
        out_specs=[_bspec(r, cout), _bspec(2, cout, True)],
        out_shape=[jax.ShapeDtypeStruct((n, cout), jnp.float32),
                   jax.ShapeDtypeStruct((2, cout), jnp.float32)],
        scratch_shapes=[pltpu.VMEM((2, cout), jnp.float32)],
        compiler_params=pltpu.CompilerParams(dimension_semantics=("arbitrary",)),
    )(x, w, b.reshape(1, -1))


def _norm(y, st, nf):
    m = st[0:1, :] * (1.0 / nf)
    v = st[1:2, :] * (1.0 / nf) - m * m
    return (y - m) * jax.lax.rsqrt(v + EPS)


def _nrm_body(nf, y_ref, st_in, w_ref, b_ref, y2_ref, st_ref, acc):
    g = pl.program_id(0)
    z = jax.nn.relu(_norm(y_ref[...], st_in[...], nf))
    y2 = jnp.dot(z, w_ref[...], preferred_element_type=jnp.float32) + b_ref[...]
    y2_ref[...] = y2

    @pl.when(g == 0)
    def _():
        acc[...] = jnp.zeros_like(acc)

    acc[...] += jnp.stack([jnp.sum(y2, axis=0), jnp.sum(y2 * y2, axis=0)])
    st_ref[...] = acc[...]


def _nrm(y, st, w, b, r):
    n, cin = y.shape
    cout = w.shape[1]
    return pl.pallas_call(
        functools.partial(_nrm_body, float(n)),
        grid=(_row_grid(n, r),),
        in_specs=[_bspec(r, cin), _bspec(2, cin, True), _bspec(cin, cout, True),
                  _bspec(1, cout, True)],
        out_specs=[_bspec(r, cout), _bspec(2, cout, True)],
        out_shape=[jax.ShapeDtypeStruct((n, cout), jnp.float32),
                   jax.ShapeDtypeStruct((2, cout), jnp.float32)],
        scratch_shapes=[pltpu.VMEM((2, cout), jnp.float32)],
        compiler_params=pltpu.CompilerParams(dimension_semantics=("arbitrary",)),
    )(y, st, w, b.reshape(1, -1))


def _nrmres_body(nf, y_ref, st_in, xres_ref, w_ref, b_ref, x2_ref, y2_ref, st_ref, acc):
    g = pl.program_id(0)
    x2 = jax.nn.relu(_norm(y_ref[...], st_in[...], nf) + xres_ref[...])
    x2_ref[...] = x2
    y2 = jnp.dot(x2, w_ref[...], preferred_element_type=jnp.float32) + b_ref[...]
    y2_ref[...] = y2

    @pl.when(g == 0)
    def _():
        acc[...] = jnp.zeros_like(acc)

    acc[...] += jnp.stack([jnp.sum(y2, axis=0), jnp.sum(y2 * y2, axis=0)])
    st_ref[...] = acc[...]


def _nrmres(y, st, xres, w, b, r):
    n, cin = y.shape
    cout = w.shape[1]
    return pl.pallas_call(
        functools.partial(_nrmres_body, float(n)),
        grid=(_row_grid(n, r),),
        in_specs=[_bspec(r, cin), _bspec(2, cin, True), _bspec(r, cin),
                  _bspec(cin, cout, True), _bspec(1, cout, True)],
        out_specs=[_bspec(r, cin), _bspec(r, cout), _bspec(2, cout, True)],
        out_shape=[jax.ShapeDtypeStruct((n, cin), jnp.float32),
                   jax.ShapeDtypeStruct((n, cout), jnp.float32),
                   jax.ShapeDtypeStruct((2, cout), jnp.float32)],
        scratch_shapes=[pltpu.VMEM((2, cout), jnp.float32)],
        compiler_params=pltpu.CompilerParams(dimension_semantics=("arbitrary",)),
    )(y, st, xres, w, b.reshape(1, -1))


def _lrelu(x):
    return jnp.where(x > 0, x, 0.1 * x)


def _tailf_body(nf, y4_ref, st_in, x2_ref, x_ref, wpi_ref, bpi_ref, wtop_ref,
                b1_ref, feat_ref, a_ref):
    v = jax.nn.relu(_norm(y4_ref[...], st_in[...], nf) + x2_ref[...])
    feat = x_ref[...] + v
    feat_ref[...] = feat
    t = _lrelu(jnp.dot(feat, wpi_ref[...], preferred_element_type=jnp.float32)
               + bpi_ref[...])
    a_ref[...] = jnp.dot(t, wtop_ref[...], preferred_element_type=jnp.float32) + b1_ref[...]


def _tailf(y4, st, x2, x, wpi, bpi, wtop, b1, r):
    n = y4.shape[0]
    return pl.pallas_call(
        functools.partial(_tailf_body, float(n)),
        grid=(_row_grid(n, r),),
        in_specs=[_bspec(r, C), _bspec(2, C, True), _bspec(r, C), _bspec(r, C),
                  _bspec(C, C, True), _bspec(1, C, True), _bspec(C, C, True),
                  _bspec(1, C, True)],
        out_specs=[_bspec(r, C), _bspec(r, C)],
        out_shape=[jax.ShapeDtypeStruct((n, C), jnp.float32),
                   jax.ShapeDtypeStruct((n, C), jnp.float32)],
        compiler_params=pltpu.CompilerParams(dimension_semantics=("arbitrary",)),
    )(y4, st, x2, x, wpi, bpi.reshape(1, -1), wtop, b1.reshape(1, -1))


def _tailp_body(nf, y4_ref, st_in, x2_ref, wlg_ref, blg_ref, loss_ref, acc):
    g = pl.program_id(0)
    vp = jax.nn.relu(_norm(y4_ref[...], st_in[...], nf) + x2_ref[...])
    logits = jnp.sum(vp * wlg_ref[...], axis=1) + blg_ref[0, 0]
    t = -logits
    sp = jnp.maximum(t, 0.0) + jnp.log(1.0 + jnp.exp(-jnp.abs(t)))

    @pl.when(g == 0)
    def _():
        acc[...] = jnp.zeros_like(acc)

    acc[...] += jnp.sum(sp).reshape(1, 1)
    loss_ref[...] = (acc[...] + (TOTAL - nf) * jnp.log(2.0)) / TOTAL


def _tailp(y4, st, x2, wlg, blg, r):
    n = y4.shape[0]
    return pl.pallas_call(
        functools.partial(_tailp_body, float(n)),
        grid=(_row_grid(n, r),),
        in_specs=[_bspec(r, C), _bspec(2, C, True), _bspec(r, C),
                  _bspec(1, C, True), _bspec(1, 1, True)],
        out_specs=[_bspec(1, 1, True)],
        out_shape=[jax.ShapeDtypeStruct((1, 1), jnp.float32)],
        scratch_shapes=[pltpu.VMEM((1, 1), jnp.float32)],
        compiler_params=pltpu.CompilerParams(dimension_semantics=("arbitrary",)),
    )(y4, st, x2, wlg.reshape(1, -1), blg.reshape(1, 1))[0]


def _vchain(x, p, wpi=None, bpi=None, wtop=None, b1=None, wlg=None, blg=None, r=1000):
    y1, s1 = _mm(x, p['v1_W1'], p['v1_b1'], r)
    y2, s2 = _nrm(y1, s1, p['v1_W2'], p['v1_b2'], r)
    x2, y3, s3 = _nrmres(y2, s2, x, p['v2_W1'], p['v2_b1'], r)
    y4, s4 = _nrm(y3, s3, p['v2_W2'], p['v2_b2'], r)
    if wlg is None:
        return _tailf(y4, s4, x2, x, wpi, bpi, wtop, b1, r)
    return _tailp(y4, s4, x2, wlg, blg, r)



def _rank_body(pres_ref, rank_ref, nd_ref):
    p = jnp.minimum(pres_ref[0] + pres_ref[1], 1).astype(jnp.float32)
    ii = jax.lax.broadcasted_iota(jnp.int32, (C, C), 0)
    jj = jax.lax.broadcasted_iota(jnp.int32, (C, C), 1)
    mstrict = (ii < jj).astype(jnp.float32)
    ones = jnp.ones((C, C), jnp.float32)
    in_row = jnp.dot(p, mstrict, preferred_element_type=jnp.float32)
    ctot = jnp.dot(p, ones, preferred_element_type=jnp.float32)
    c = ctot
    for s in (1, 2, 4, 8, 16, 32, 64, 128, 256, 512, 1024, 2048):
        c = c + jnp.concatenate([jnp.zeros((s, C), jnp.float32), c[:-s]], axis=0)
    offs = c - ctot
    rank_ref[...] = (in_row + offs).astype(jnp.int32)
    nd_ref[...] = c[4095:4096, 0:1].astype(jnp.int32)


def _rank(pres2):
    return pl.pallas_call(
        _rank_body,
        in_specs=[pl.BlockSpec((2, 4096, C), lambda: (0, 0, 0))],
        out_specs=[pl.BlockSpec((4096, C), lambda: (0, 0)),
                   pl.BlockSpec((1, 1), lambda: (0, 0))],
        out_shape=[jax.ShapeDtypeStruct((4096, C), jnp.int32),
                   jax.ShapeDtypeStruct((1, 1), jnp.int32)],
    )(pres2)



def _q1_body(dsum_ref, dcnt_ref, nd_ref, w_ref, b_ref, pp_ref, st_ref, acc):
    g = pl.program_id(0)
    r = dsum_ref.shape[0]
    cnt = jnp.clip(dcnt_ref[...], 1.0, None)
    down = dsum_ref[...] / cnt
    pp = _lrelu(jnp.dot(down, w_ref[...], preferred_element_type=jnp.float32) + b_ref[...])
    pp_ref[...] = pp
    rows = jax.lax.broadcasted_iota(jnp.int32, (r, 1), 0) + g * r
    mask = (rows < nd_ref[0]).astype(jnp.float32)
    pm = pp * mask

    @pl.when(g == 0)
    def _():
        acc[...] = jnp.zeros_like(acc)

    acc[...] += jnp.stack([jnp.sum(pm, axis=0), jnp.sum(pp * pm, axis=0)])
    st_ref[...] = acc[...]


def _q1(dsum, dcnt, nd, w, b, r):
    n = dsum.shape[0]
    cout = w.shape[1]
    return pl.pallas_call(
        _q1_body,
        grid=(_row_grid(n, r),),
        in_specs=[_bspec(r, C), _bspec(r, 1),
                  pl.BlockSpec(memory_space=pltpu.SMEM),
                  _bspec(C, cout, True), _bspec(1, cout, True)],
        out_specs=[_bspec(r, cout), _bspec(2, cout, True)],
        out_shape=[jax.ShapeDtypeStruct((n, cout), jnp.float32),
                   jax.ShapeDtypeStruct((2, cout), jnp.float32)],
        scratch_shapes=[pltpu.VMEM((2, cout), jnp.float32)],
        compiler_params=pltpu.CompilerParams(dimension_semantics=("arbitrary",)),
    )(dsum, dcnt, nd, w, b.reshape(1, -1))


def _normm(x, st, ndf):
    m = st[0:1, :] / ndf
    v = st[1:2, :] / ndf - m * m
    return (x - m) * jax.lax.rsqrt(v + EPS)


def _q2_body(x_ref, st_in, nd_ref, w_ref, b_ref, o_ref, st_ref, acc):
    g = pl.program_id(0)
    r = x_ref.shape[0]
    ndf = nd_ref[0].astype(jnp.float32)
    xn = _normm(x_ref[...], st_in[...], ndf)
    o = _lrelu(jnp.dot(xn, w_ref[...], preferred_element_type=jnp.float32) + b_ref[...])
    o_ref[...] = o
    rows = jax.lax.broadcasted_iota(jnp.int32, (r, 1), 0) + g * r
    mask = (rows < nd_ref[0]).astype(jnp.float32)
    om = o * mask

    @pl.when(g == 0)
    def _():
        acc[...] = jnp.zeros_like(acc)

    acc[...] += jnp.stack([jnp.sum(om, axis=0), jnp.sum(o * om, axis=0)])
    st_ref[...] = acc[...]


def _q2(x, st, nd, w, b, r):
    n, cin = x.shape
    cout = w.shape[1]
    return pl.pallas_call(
        _q2_body,
        grid=(_row_grid(n, r),),
        in_specs=[_bspec(r, cin), _bspec(2, cin, True),
                  pl.BlockSpec(memory_space=pltpu.SMEM),
                  _bspec(cin, cout, True), _bspec(1, cout, True)],
        out_specs=[_bspec(r, cout), _bspec(2, cout, True)],
        out_shape=[jax.ShapeDtypeStruct((n, cout), jnp.float32),
                   jax.ShapeDtypeStruct((2, cout), jnp.float32)],
        scratch_shapes=[pltpu.VMEM((2, cout), jnp.float32)],
        compiler_params=pltpu.CompilerParams(dimension_semantics=("arbitrary",)),
    )(x, st, nd, w, b.reshape(1, -1))


def _q3_body(x_ref, st_in, nd_ref, w_ref, b_ref, wbot_ref, b2_ref):
    ndf = nd_ref[0].astype(jnp.float32)
    xn = _normm(x_ref[...], st_in[...], ndf)
    pp3 = _lrelu(jnp.dot(xn, w_ref[...], preferred_element_type=jnp.float32) + b_ref[...])
    b2_ref[...] = jnp.dot(pp3, wbot_ref[...], preferred_element_type=jnp.float32)


def _q3(x, st, nd, w, b, wbot, r):
    n, cin = x.shape
    return pl.pallas_call(
        _q3_body,
        grid=(_row_grid(n, r),),
        in_specs=[_bspec(r, cin), _bspec(2, cin, True),
                  pl.BlockSpec(memory_space=pltpu.SMEM),
                  _bspec(cin, C, True), _bspec(1, C, True), _bspec(C, C, True)],
        out_specs=[_bspec(r, C)],
        out_shape=[jax.ShapeDtypeStruct((n, C), jnp.float32)],
        compiler_params=pltpu.CompilerParams(dimension_semantics=("arbitrary",)),
    )(x, st, nd, w, b.reshape(1, -1), wbot)



def _final_body(acc_ref, cnt_ref, w_ref, b_ref, o_ref):
    a = jnp.concatenate([acc_ref[0, :HALF], acc_ref[1, 1:N_SCALE - HALF + 1]],
                        axis=0)
    cnt = jnp.concatenate([cnt_ref[0, :HALF, 0:1],
                           cnt_ref[1, 1:N_SCALE - HALF + 1, 0:1]], axis=0)
    m = a / jnp.clip(cnt, 1.0, None)
    o_ref[...] = jnp.dot(m, w_ref[...], preferred_element_type=jnp.float32) + b_ref[...]


def _final(acc2, cnt2, w, b):
    return pl.pallas_call(
        _final_body,
        in_specs=[pl.BlockSpec((2, ACC_R, C), lambda: (0, 0, 0)),
                  pl.BlockSpec((2, ACC_R, C), lambda: (0, 0, 0)),
                  pl.BlockSpec((C, C), lambda: (0, 0)),
                  pl.BlockSpec((1, C), lambda: (0, 0))],
        out_specs=[pl.BlockSpec((N_SCALE, C), lambda: (0, 0))],
        out_shape=[jax.ShapeDtypeStruct((N_SCALE, C), jnp.float32)],
    )(acc2, cnt2, w, b.reshape(1, -1))



HALF = 6272
ACC_R = 6400
_CH = 80
_NCHUNK = N_POINTS // _CH


def _sc_mesh():
    return plsc.VectorSubcoreMesh(core_axis_name="c", subcore_axis_name="s")


def _zero_fill(buf, rows, width):
    @pl.loop(0, rows)
    def zrow(r):
        zero16 = jnp.zeros((16,), jnp.float32)
        for j in range(width // 16):
            buf[r, pl.ds(j * 16, 16)] = zero16


def _seg_idx(cid, cis_v, idx_v):
    @pl.when(cid == 0)
    def _():
        for j in range(_CH // 16):
            v = cis_v[pl.ds(j * 16, 16)]
            idx_v[pl.ds(j * 16, 16)] = jnp.minimum(v, HALF)

    @pl.when(cid == 1)
    def _():
        for j in range(_CH // 16):
            v = cis_v[pl.ds(j * 16, 16)]
            idx_v[pl.ds(j * 16, 16)] = jnp.maximum(v - (HALF - 1), 0)


@functools.partial(
    pl.kernel,
    mesh=_sc_mesh(),
    out_type=jax.ShapeDtypeStruct((2, ACC_R, C), jnp.float32),
    scratch_types=[
        pltpu.VMEM((_CH,), jnp.int32),
        pltpu.VMEM((_CH,), jnp.int32),
        pltpu.VMEM((3, _CH), jnp.int32),
        pltpu.VMEM((_CH,), jnp.int32),
        pltpu.VMEM((_CH, C), jnp.float32),
        pltpu.VMEM((_CH, C), jnp.float32),
        pltpu.VMEM((_CH, C), jnp.float32),
        pltpu.VMEM((_CH, C), jnp.float32),
        pltpu.VMEM_SHARED((ACC_R, C), jnp.float32),
        pltpu.SemaphoreType.DMA,
        pltpu.SemaphoreType.DMA,
    ],
)
def _sc_main(a_hbm, b2_hbm, idx3_hbm, acc_out,
             cil_v, invc_v, idx3_v, idx_v, ra_v, rb_v, y_v, z_v, acc_sh,
             sem1, sem2):
    cid = lax.axis_index("c")
    sid = lax.axis_index("s")

    _zero_fill(z_v, _CH, C)

    @pl.loop(0, 5)
    def zcp(i):
        pltpu.sync_copy(z_v, acc_sh.at[pl.ds(sid * 400 + i * 80, 80)])

    plsc.subcore_barrier()

    @pl.loop(0, (_NCHUNK + 15) // 16)
    def chunk(i):
        k = sid + i * 16

        @pl.when(k < _NCHUNK)
        def _():
            base = k * _CH
            pltpu.sync_copy(idx3_hbm.at[k], idx3_v)
            for j in range(_CH // 16):
                cil_v[pl.ds(j * 16, 16)] = idx3_v[0, pl.ds(j * 16, 16)]
                invc_v[pl.ds(j * 16, 16)] = idx3_v[1, pl.ds(j * 16, 16)]
            cp_a = pltpu.async_copy(a_hbm.at[cil_v], ra_v, sem1)
            cp_b = pltpu.async_copy(b2_hbm.at[invc_v], rb_v, sem2)

            @pl.when(cid == 0)
            def _():
                for j in range(_CH // 16):
                    v = idx3_v[2, pl.ds(j * 16, 16)]
                    idx_v[pl.ds(j * 16, 16)] = jnp.minimum(v, HALF)

            @pl.when(cid == 1)
            def _():
                for j in range(_CH // 16):
                    v = idx3_v[2, pl.ds(j * 16, 16)]
                    idx_v[pl.ds(j * 16, 16)] = jnp.maximum(v - (HALF - 1), 0)

            cp_a.wait()
            cp_b.wait()

            @pl.loop(0, _CH)
            def row(r):
                for j in range(C // 16):
                    a = ra_v[r, pl.ds(j * 16, 16)] + rb_v[r, pl.ds(j * 16, 16)]
                    y_v[r, pl.ds(j * 16, 16)] = jnp.maximum(a, 0.1 * a)

            pltpu.sync_copy(y_v, acc_sh.at[idx_v], add=True)

    plsc.subcore_barrier()
    pltpu.sync_copy(acc_sh.at[pl.ds(sid * 400, 400)],
                    acc_out.at[cid, pl.ds(sid * 400, 400)])


@functools.partial(
    pl.kernel,
    mesh=_sc_mesh(),
    out_type=jax.ShapeDtypeStruct((2, ACC_R, C), jnp.float32),
    scratch_types=[
        pltpu.VMEM((_CH,), jnp.int32),
        pltpu.VMEM((_CH,), jnp.int32),
        pltpu.VMEM((_CH, C), jnp.float32),
        pltpu.VMEM((_CH, C), jnp.float32),
        pltpu.VMEM_SHARED((ACC_R, C), jnp.float32),
    ],
)
def _sc_cnt(cis_hbm, cnt_out, cis_v, idx_v, ones_v, z_v, acc_sh):
    cid = lax.axis_index("c")
    sid = lax.axis_index("s")

    _zero_fill(z_v, _CH, C)

    @pl.loop(0, 5)
    def zcp(i):
        pltpu.sync_copy(z_v, acc_sh.at[pl.ds(sid * 400 + i * 80, 80)])

    @pl.loop(0, _CH)
    def fill1(r):
        one16 = jnp.ones((16,), jnp.float32)
        for j in range(C // 16):
            ones_v[r, pl.ds(j * 16, 16)] = one16

    plsc.subcore_barrier()

    @pl.loop(0, (_NCHUNK + 15) // 16)
    def chunk(i):
        k = sid + i * 16

        @pl.when(k < _NCHUNK)
        def _():
            pltpu.sync_copy(cis_hbm.at[pl.ds(k * _CH, _CH)], cis_v)
            _seg_idx(cid, cis_v, idx_v)
            pltpu.sync_copy(ones_v, acc_sh.at[idx_v], add=True)

    plsc.subcore_barrier()
    pltpu.sync_copy(acc_sh.at[pl.ds(sid * 400, 400)],
                    cnt_out.at[cid, pl.ds(sid * 400, 400)])


@functools.partial(
    pl.kernel,
    mesh=_sc_mesh(),
    out_type=jax.ShapeDtypeStruct((N_POINTS, C), jnp.float32),
    scratch_types=[
        pltpu.VMEM((_CH,), jnp.int32),
        pltpu.VMEM((_CH, C), jnp.float32),
        pltpu.SemaphoreType.DMA,
    ],
)
def _sc_fgather(pfea_hbm, cis_hbm, out_hbm, cis_v, rows_v, sem):
    cid = lax.axis_index("c")
    sid = lax.axis_index("s")
    w = sid * 2 + cid

    @pl.loop(0, (_NCHUNK + 31) // 32)
    def chunk(i):
        k = w + i * 32

        @pl.when(k < _NCHUNK)
        def _():
            base = k * _CH
            pltpu.sync_copy(cis_hbm.at[pl.ds(base, _CH)], cis_v)
            pltpu.async_copy(pfea_hbm.at[cis_v], rows_v, sem).wait()
            pltpu.sync_copy(rows_v, out_hbm.at[pl.ds(base, _CH)])



def kernel(features, partial_features, params, coors, coors_inv_last, coors_inv_scale):
    p = params
    feat, A = _vchain(features, p, wpi=p['pi_W'], bpi=p['pi_b'],
                      wtop=p['po_W1'][:C], b1=p['po_b1'])
    loss = _vchain(partial_features, p, wlg=p['lg_W'], blg=p['lg_b'])[0, 0]

    key = ((coors[:, 0] << 18) + ((coors[:, 1] >> 1) << 12)
           + ((coors[:, 2] >> 1) << 6) + (coors[:, 3] >> 1))
    pres = jnp.zeros((2, KEYSPACE), jnp.int32).at[0, key].set(1)
    rank2d, nd2d = _rank(pres.reshape(2, 4096, C))
    inv = rank2d.reshape(-1)[key]
    nd = nd2d.reshape(-1)

    dsum = jnp.zeros((N_LAST, C), jnp.float32).at[inv].add(feat)
    dcnt = jnp.zeros((N_LAST, 1), jnp.float32).at[inv, 0].add(1.0)

    pp1, st1 = _q1(dsum, dcnt, nd, p['pp_W1'], p['pp_b1'], 1000)
    pp2, st2 = _q2(pp1, st1, nd, p['pp_W2'], p['pp_b2'], 1000)
    B2 = _q3(pp2, st2, nd, p['pp_W3'], p['pp_b3'], p['po_W1'][C:], 1000)[0]

    invc = inv[coors_inv_last]
    idx3 = jnp.stack([coors_inv_last, invc, coors_inv_scale]
                     ).reshape(3, _NCHUNK, _CH).transpose(1, 0, 2)
    acc2 = _sc_main(A, B2, idx3)
    cnt2 = _sc_cnt(coors_inv_scale)
    p_fea = _final(acc2, cnt2, p['po_W2'], p['po_b2'])[0]
    return (_sc_fgather(p_fea, coors_inv_scale), loss)

# --- scband reference (transcript-rebuilt; emitter-appended) ---
"""Pipeline reference for scband-spvblock-8469675508142 (READ-ONLY COPY).

The authoritative reference and input builder live on the scoring server;
editing this copy changes nothing except your own understanding.
"""

import jax, jax.numpy as jnp
import numpy as np

N_LAST = 50000
N_PARTIAL = 25000
N_POINTS = 100000
N_SCALE = 12500
C_IN = 128
C_OUT = 128
SCALE = 2
SPATIAL = (128, 128, 16)
BATCH = 2


def _init(key, shape, scale=0.02):
    return jax.random.normal(key, shape, dtype=jnp.float32) * scale


def _bn(x):
    m = jnp.mean(x, axis=0)
    v = jnp.var(x, axis=0)
    return (x - m) / jnp.sqrt(v + 1e-5)


def _lrelu(x):
    return jax.nn.leaky_relu(x, 0.1)


def _seg_mean(data, ids, n):
    s = jax.ops.segment_sum(data, ids, num_segments=n)
    c = jax.ops.segment_sum(jnp.ones((data.shape[0], 1), data.dtype), ids, num_segments=n)
    return s / jnp.clip(c, 1.0)


def _block(x, W1, b1, W2, b2):
    out = jax.nn.relu(_bn(x @ W1 + b1))
    out = _bn(out @ W2 + b2)
    return jax.nn.relu(out + x)


def setup_inputs(seed: int = 0) -> dict:
    key = jax.random.key(seed)
    ks = jax.random.split(key, 20)
    features = jax.random.normal(ks[0], (N_LAST, C_IN), dtype=jnp.float32)
    partial_features = jax.random.normal(ks[1], (N_PARTIAL, C_IN), dtype=jnp.float32)
    cb = jax.random.randint(ks[2], (N_LAST, 1), 0, BATCH)
    cx = jax.random.randint(ks[3], (N_LAST, 3), 0, 128)
    coors = jnp.concatenate([cb, cx], axis=1)
    coors_inv_last = jax.random.randint(ks[4], (N_POINTS,), 0, N_LAST)
    coors_inv_scale = jax.random.randint(ks[5], (N_POINTS,), 0, N_SCALE)
    params = {
        'v1_W1': _init(ks[6], (C_IN, C_OUT)), 'v1_b1': jnp.zeros((C_OUT,), jnp.float32),
        'v1_W2': _init(ks[7], (C_OUT, C_OUT)), 'v1_b2': jnp.zeros((C_OUT,), jnp.float32),
        'v2_W1': _init(ks[8], (C_OUT, C_OUT)), 'v2_b1': jnp.zeros((C_OUT,), jnp.float32),
        'v2_W2': _init(ks[9], (C_OUT, C_OUT)), 'v2_b2': jnp.zeros((C_OUT,), jnp.float32),
        'lg_W': _init(ks[10], (C_OUT, 1)), 'lg_b': jnp.zeros((1,), jnp.float32),
        'pi_W': _init(ks[11], (C_IN, C_OUT)), 'pi_b': jnp.zeros((C_OUT,), jnp.float32),
        'pp_W1': _init(ks[12], (C_IN, C_OUT // 2)), 'pp_b1': jnp.zeros((C_OUT // 2,), jnp.float32),
        'pp_W2': _init(ks[13], (C_OUT // 2, C_OUT // 2)), 'pp_b2': jnp.zeros((C_OUT // 2,), jnp.float32),
        'pp_W3': _init(ks[14], (C_OUT // 2, C_OUT)), 'pp_b3': jnp.zeros((C_OUT,), jnp.float32),
        'po_W1': _init(ks[15], (2 * C_OUT, C_OUT)), 'po_b1': jnp.zeros((C_OUT,), jnp.float32),
        'po_W2': _init(ks[16], (C_OUT, C_OUT)), 'po_b2': jnp.zeros((C_OUT,), jnp.float32),
    }
    return {'features': features, 'partial_features': partial_features, 'params': params,
            'coors': coors, 'coors_inv_last': coors_inv_last, 'coors_inv_scale': coors_inv_scale}


def reference(features, partial_features, params, coors, coors_inv_last, coors_inv_scale):
    p = params
    # v_enc on full and partial sparse tensors (submanifold convs ~ per-voxel linear residual blocks)
    v = _block(_block(features, p['v1_W1'], p['v1_b1'], p['v1_W2'], p['v1_b2']),
               p['v2_W1'], p['v2_b1'], p['v2_W2'], p['v2_b2'])
    vp = _block(_block(partial_features, p['v1_W1'], p['v1_b1'], p['v1_W2'], p['v1_b2']),
                p['v2_W1'], p['v2_b1'], p['v2_W2'], p['v2_b2'])
    # mae logits + dense BCEWithLogits computed analytically (empty cells contribute BCE(0,.)=log 2)
    logits = vp @ p['lg_W'] + p['lg_b']
    total = float(BATCH * SPATIAL[0] * SPATIAL[1] * SPATIAL[2])
    loss = (jnp.sum(jax.nn.softplus(-logits)) + (total - logits.shape[0]) * jnp.log(2.0)) / total
    # voxel features broadcast to points then pooled to next scale
    v_fea_inv = _seg_mean(v[coors_inv_last], coors_inv_scale, N_SCALE)  # used by next layer in data_dict
    # point_encoder
    feat = features + v
    key4 = jnp.concatenate([coors[:, 0:1], coors[:, 1:] // SCALE], axis=1)
    n_max = key4.shape[0]
    inv = jnp.unique(key4, axis=0, return_inverse=True, size=n_max, fill_value=0)[1].reshape(-1)
    n_down = inv.max() + 1
    n_down_f = n_down.astype(jnp.float32)
    seg_mask = (jnp.arange(n_max) < n_down).astype(jnp.float32)[:, None]

    def _bn_masked(x):
        m = jnp.sum(x * seg_mask, axis=0) / n_down_f
        v_ = jnp.sum(((x - m) ** 2) * seg_mask, axis=0) / n_down_f
        return (x - m) / jnp.sqrt(v_ + 1e-5)

    down = _seg_mean(feat, inv, n_max)
    identity = _lrelu(feat @ p['pi_W'] + p['pi_b'])
    pp = _lrelu(down @ p['pp_W1'] + p['pp_b1'])
    pp = _bn_masked(pp)
    pp = _lrelu(pp @ p['pp_W2'] + p['pp_b2'])
    pp = _bn_masked(pp)
    pp = _lrelu(pp @ p['pp_W3'] + p['pp_b3'])
    out = jnp.concatenate([identity, pp[inv]], axis=1)
    lo = _lrelu(out[coors_inv_last] @ p['po_W1'] + p['po_b1']) @ p['po_W2'] + p['po_b2']
    p_fea = _seg_mean(lo, coors_inv_scale, N_SCALE)
    _ = v_fea_inv  # carried in data_dict, not part of returned outputs
    return (p_fea[coors_inv_scale], loss)

if __name__ == "__main__":
    import jax
    _d = setup_inputs()
    print(jax.jit(kernel)(*tuple(_d.values())))

</pallas_src>

<mosaic_0001>
#map = affine_map<(d0, d1) -> (0)>
#map1 = affine_map<(d0, d1) -> (0, 0, 0)>
module attributes {stable_mosaic.version = 14 : i64} {
  func.func @_sc_cnt(%arg0: i32, %arg1: i32, %arg2: memref<100000xi32, #tpu.memory_space<hbm>>, %arg3: memref<2x6400x128xf32, #tpu.memory_space<hbm>>, %arg4: memref<80xi32, #tpu.memory_space<vmem>>, %arg5: memref<80xi32, #tpu.memory_space<vmem>>, %arg6: memref<80x128xf32, #tpu.memory_space<vmem>>, %arg7: memref<80x128xf32, #tpu.memory_space<vmem>>, %arg8: memref<6400x128xf32, #tpu.memory_space<vmem_shared>>) attributes {dimension_semantics = [#tpu.dimension_semantics<core_parallel>, #tpu.dimension_semantics<subcore_parallel>], iteration_bounds = array<i64: 2, 16>, scalar_prefetch = 0 : i64, scratch_operands = 5 : i64, tpu.core_type = #tpu.core_type<sc_vector_subcore>, window_params = [{transform_indices = #map}, {transform_indices = #map1}]} {
    %scan3A = arith.constant 0 : i32
    %scan3A_0 = arith.constant 80 : i32
    %scan3A_1 = arith.addi %scan3A, %scan3A_0 : i32
    %scan3A_2 = arith.constant 1 : i32
    scf.for %scan3A_23 = %scan3A to %scan3A_1 step %scan3A_2  : i32 {
      %mul3A_24 = arith.constant 1 : i32
      %mul3A_25 = arith.muli %scan3A_23, %mul3A_24 : i32
      %add3A = arith.constant 0 : i32
      %add3A_26 = arith.addi %add3A, %mul3A_25 : i32
      %broadcast_in_dim3A = arith.constant 0.000000e+00 : f32
      %broadcast_in_dim3A_27 = vector.broadcast %broadcast_in_dim3A : f32 to vector<16xf32>
      %swap3A = arith.index_cast %add3A_26 : i32 to index
      %swap3A_28 = arith.constant 0 : index
      %swap3A_29 = tpu.vector_load %arg7[%swap3A, %swap3A_28] {strides = array<i32>} : memref<80x128xf32, #tpu.memory_space<vmem>>, vector<1x16xf32>,
      %swap3A_30 = vector.shape_cast %swap3A_29 : vector<1x16xf32> to vector<16xf32>
      %swap3A_31 = vector.shape_cast %broadcast_in_dim3A_27 : vector<16xf32> to vector<1x16xf32>
      tpu.vector_store %arg7[%swap3A, %swap3A_28], %swap3A_31 {strides = array<i32>} : memref<80x128xf32, #tpu.memory_space<vmem>>, vector<1x16xf32>,
      %swap3A_32 = arith.index_cast %add3A_26 : i32 to index
      %swap3A_33 = arith.constant 16 : index
      %swap3A_34 = tpu.vector_load %arg7[%swap3A_32, %swap3A_33] {strides = array<i32>} : memref<80x128xf32, #tpu.memory_space<vmem>>, vector<1x16xf32>,
      %swap3A_35 = vector.shape_cast %swap3A_34 : vector<1x16xf32> to vector<16xf32>
      %swap3A_36 = vector.shape_cast %broadcast_in_dim3A_27 : vector<16xf32> to vector<1x16xf32>
      tpu.vector_store %arg7[%swap3A_32, %swap3A_33], %swap3A_36 {strides = array<i32>} : memref<80x128xf32, #tpu.memory_space<vmem>>, vector<1x16xf32>,
      %swap3A_37 = arith.index_cast %add3A_26 : i32 to index
      %swap3A_38 = arith.constant 32 : index
      %swap3A_39 = tpu.vector_load %arg7[%swap3A_37, %swap3A_38] {strides = array<i32>} : memref<80x128xf32, #tpu.memory_space<vmem>>, vector<1x16xf32>,
      %swap3A_40 = vector.shape_cast %swap3A_39 : vector<1x16xf32> to vector<16xf32>
      %swap3A_41 = vector.shape_cast %broadcast_in_dim3A_27 : vector<16xf32> to vector<1x16xf32>
      tpu.vector_store %arg7[%swap3A_37, %swap3A_38], %swap3A_41 {strides = array<i32>} : memref<80x128xf32, #tpu.memory_space<vmem>>, vector<1x16xf32>,
      %swap3A_42 = arith.index_cast %add3A_26 : i32 to index
      %swap3A_43 = arith.constant 48 : index
      %swap3A_44 = tpu.vector_load %arg7[%swap3A_42, %swap3A_43] {strides = array<i32>} : memref<80x128xf32, #tpu.memory_space<vmem>>, vector<1x16xf32>,
      %swap3A_45 = vector.shape_cast %swap3A_44 : vector<1x16xf32> to vector<16xf32>
      %swap3A_46 = vector.shape_cast %broadcast_in_dim3A_27 : vector<16xf32> to vector<1x16xf32>
      tpu.vector_store %arg7[%swap3A_42, %swap3A_43], %swap3A_46 {strides = array<i32>} : memref<80x128xf32, #tpu.memory_space<vmem>>, vector<1x16xf32>,
      %swap3A_47 = arith.index_cast %add3A_26 : i32 to index
      %swap3A_48 = arith.constant 64 : index
      %swap3A_49 = tpu.vector_load %arg7[%swap3A_47, %swap3A_48] {strides = array<i32>} : memref<80x128xf32, #tpu.memory_space<vmem>>, vector<1x16xf32>,
      %swap3A_50 = vector.shape_cast %swap3A_49 : vector<1x16xf32> to vector<16xf32>
      %swap3A_51 = vector.shape_cast %broadcast_in_dim3A_27 : vector<16xf32> to vector<1x16xf32>
      tpu.vector_store %arg7[%swap3A_47, %swap3A_48], %swap3A_51 {strides = array<i32>} : memref<80x128xf32, #tpu.memory_space<vmem>>, vector<1x16xf32>,
      %swap3A_52 = arith.index_cast %add3A_26 : i32 to index
      %swap3A_53 = arith.constant 80 : index
      %swap3A_54 = tpu.vector_load %arg7[%swap3A_52, %swap3A_53] {strides = array<i32>} : memref<80x128xf32, #tpu.memory_space<vmem>>, vector<1x16xf32>,
      %swap3A_55 = vector.shape_cast %swap3A_54 : vector<1x16xf32> to vector<16xf32>
      %swap3A_56 = vector.shape_cast %broadcast_in_dim3A_27 : vector<16xf32> to vector<1x16xf32>
      tpu.vector_store %arg7[%swap3A_52, %swap3A_53], %swap3A_56 {strides = array<i32>} : memref<80x128xf32, #tpu.memory_space<vmem>>, vector<1x16xf32>,
      %swap3A_57 = arith.index_cast %add3A_26 : i32 to index
      %swap3A_58 = arith.constant 96 : index
      %swap3A_59 = tpu.vector_load %arg7[%swap3A_57, %swap3A_58] {strides = array<i32>} : memref<80x128xf32, #tpu.memory_space<vmem>>, vector<1x16xf32>,
      %swap3A_60 = vector.shape_cast %swap3A_59 : vector<1x16xf32> to vector<16xf32>
      %swap3A_61 = vector.shape_cast %broadcast_in_dim3A_27 : vector<16xf32> to vector<1x16xf32>
      tpu.vector_store %arg7[%swap3A_57, %swap3A_58], %swap3A_61 {strides = array<i32>} : memref<80x128xf32, #tpu.memory_space<vmem>>, vector<1x16xf32>,
      %swap3A_62 = arith.index_cast %add3A_26 : i32 to index
      %swap3A_63 = arith.constant 112 : index
      %swap3A_64 = tpu.vector_load %arg7[%swap3A_62, %swap3A_63] {strides = array<i32>} : memref<80x128xf32, #tpu.memory_space<vmem>>, vector<1x16xf32>,
      %swap3A_65 = vector.shape_cast %swap3A_64 : vector<1x16xf32> to vector<16xf32>
      %swap3A_66 = vector.shape_cast %broadcast_in_dim3A_27 : vector<16xf32> to vector<1x16xf32>
      tpu.vector_store %arg7[%swap3A_62, %swap3A_63], %swap3A_66 {strides = array<i32>} : memref<80x128xf32, #tpu.memory_space<vmem>>, vector<1x16xf32>,
    }
    %scan3A_3 = arith.constant 80 : i32
    %scan3A_4 = arith.constant 0 : i32
    %scan3A_5 = arith.constant 5 : i32
    %scan3A_6 = arith.addi %scan3A_4, %scan3A_5 : i32
    %scan3A_7 = arith.constant 1 : i32
    scf.for %scan3A_23 = %scan3A_4 to %scan3A_6 step %scan3A_7  : i32 {
      %mul3A_24 = arith.constant 1 : i32
      %mul3A_25 = arith.muli %scan3A_23, %mul3A_24 : i32
      %add3A = arith.constant 0 : i32
      %add3A_26 = arith.addi %add3A, %mul3A_25 : i32
      %mul3A_27 = arith.constant 400 : i32
      %mul3A_28 = arith.muli %arg1, %mul3A_27 : i32
      %mul3A_29 = arith.constant 80 : i32
      %mul3A_30 = arith.muli %add3A_26, %mul3A_29 : i32
      %add3A_31 = arith.addi %mul3A_28, %mul3A_30 : i32
      "tpu.region"() ({
        %run_scoped3A = tpu.sem_alloc : memref<!tpu.dma_semaphore, #tpu.memory_space<semaphore_mem>>
        %dma_start3A = arith.constant 0 : i32
        %dma_start3A_32 = tpu.memref_slice %arg8[%add3A_31, %dma_start3A] : memref<6400x128xf32, #tpu.memory_space<vmem_shared>> -> memref<80x128xf32, #tpu.memory_space<vmem_shared>>
        %dma_start3A_33 = arith.constant 0 : i32
        %dma_start3A_34 = tpu.memref_slice %arg8[%add3A_31, %dma_start3A_33] : memref<6400x128xf32, #tpu.memory_space<vmem_shared>> -> memref<80x128xf32, #tpu.memory_space<vmem_shared>>
        tpu.enqueue_dma source(%arg7 : memref<80x128xf32, #tpu.memory_space<vmem>>) target(%dma_start3A_34 : memref<80x128xf32, #tpu.memory_space<vmem_shared>>) target_semaphore(%run_scoped3A : memref<!tpu.dma_semaphore, #tpu.memory_space<semaphore_mem>>)
        %dma_wait3A = arith.constant 0 : i32
        %dma_wait3A_35 = tpu.memref_slice %arg8[%add3A_31, %dma_wait3A] : memref<6400x128xf32, #tpu.memory_space<vmem_shared>> -> memref<80x128xf32, #tpu.memory_space<vmem_shared>>
        %dma_wait3A_36 = arith.constant 0 : i32
        %dma_wait3A_37 = tpu.memref_slice %arg8[%add3A_31, %dma_wait3A_36] : memref<6400x128xf32, #tpu.memory_space<vmem_shared>> -> memref<80x128xf32, #tpu.memory_space<vmem_shared>>
        tpu.wait_dma2 semaphore(%run_scoped3A : memref<!tpu.dma_semaphore, #tpu.memory_space<semaphore_mem>>) src(%arg7 : memref<80x128xf32, #tpu.memory_space<vmem>>) dst(%dma_wait3A_37 : memref<80x128xf32, #tpu.memory_space<vmem_shared>>)
        tpu.yield
      }) : () -> ()
    }
    %scan3A_8 = arith.constant 5 : i32
    %scan3A_9 = arith.constant 0 : i32
    %scan3A_10 = arith.constant 80 : i32
    %scan3A_11 = arith.addi %scan3A_9, %scan3A_10 : i32
    %scan3A_12 = arith.constant 1 : i32
    scf.for %scan3A_23 = %scan3A_9 to %scan3A_11 step %scan3A_12  : i32 {
      %mul3A_24 = arith.constant 1 : i32
      %mul3A_25 = arith.muli %scan3A_23, %mul3A_24 : i32
      %add3A = arith.constant 0 : i32
      %add3A_26 = arith.addi %add3A, %mul3A_25 : i32
      %broadcast_in_dim3A = arith.constant 1.000000e+00 : f32
      %broadcast_in_dim3A_27 = vector.broadcast %broadcast_in_dim3A : f32 to vector<16xf32>
      %swap3A = arith.index_cast %add3A_26 : i32 to index
      %swap3A_28 = arith.constant 0 : index
      %swap3A_29 = tpu.vector_load %arg6[%swap3A, %swap3A_28] {strides = array<i32>} : memref<80x128xf32, #tpu.memory_space<vmem>>, vector<1x16xf32>,
      %swap3A_30 = vector.shape_cast %swap3A_29 : vector<1x16xf32> to vector<16xf32>
      %swap3A_31 = vector.shape_cast %broadcast_in_dim3A_27 : vector<16xf32> to vector<1x16xf32>
      tpu.vector_store %arg6[%swap3A, %swap3A_28], %swap3A_31 {strides = array<i32>} : memref<80x128xf32, #tpu.memory_space<vmem>>, vector<1x16xf32>,
      %swap3A_32 = arith.index_cast %add3A_26 : i32 to index
      %swap3A_33 = arith.constant 16 : index
      %swap3A_34 = tpu.vector_load %arg6[%swap3A_32, %swap3A_33] {strides = array<i32>} : memref<80x128xf32, #tpu.memory_space<vmem>>, vector<1x16xf32>,
      %swap3A_35 = vector.shape_cast %swap3A_34 : vector<1x16xf32> to vector<16xf32>
      %swap3A_36 = vector.shape_cast %broadcast_in_dim3A_27 : vector<16xf32> to vector<1x16xf32>
      tpu.vector_store %arg6[%swap3A_32, %swap3A_33], %swap3A_36 {strides = array<i32>} : memref<80x128xf32, #tpu.memory_space<vmem>>, vector<1x16xf32>,
      %swap3A_37 = arith.index_cast %add3A_26 : i32 to index
      %swap3A_38 = arith.constant 32 : index
      %swap3A_39 = tpu.vector_load %arg6[%swap3A_37, %swap3A_38] {strides = array<i32>} : memref<80x128xf32, #tpu.memory_space<vmem>>, vector<1x16xf32>,
      %swap3A_40 = vector.shape_cast %swap3A_39 : vector<1x16xf32> to vector<16xf32>
      %swap3A_41 = vector.shape_cast %broadcast_in_dim3A_27 : vector<16xf32> to vector<1x16xf32>
      tpu.vector_store %arg6[%swap3A_37, %swap3A_38], %swap3A_41 {strides = array<i32>} : memref<80x128xf32, #tpu.memory_space<vmem>>, vector<1x16xf32>,
      %swap3A_42 = arith.index_cast %add3A_26 : i32 to index
      %swap3A_43 = arith.constant 48 : index
      %swap3A_44 = tpu.vector_load %arg6[%swap3A_42, %swap3A_43] {strides = array<i32>} : memref<80x128xf32, #tpu.memory_space<vmem>>, vector<1x16xf32>,
      %swap3A_45 = vector.shape_cast %swap3A_44 : vector<1x16xf32> to vector<16xf32>
      %swap3A_46 = vector.shape_cast %broadcast_in_dim3A_27 : vector<16xf32> to vector<1x16xf32>
      tpu.vector_store %arg6[%swap3A_42, %swap3A_43], %swap3A_46 {strides = array<i32>} : memref<80x128xf32, #tpu.memory_space<vmem>>, vector<1x16xf32>,
      %swap3A_47 = arith.index_cast %add3A_26 : i32 to index
      %swap3A_48 = arith.constant 64 : index
      %swap3A_49 = tpu.vector_load %arg6[%swap3A_47, %swap3A_48] {strides = array<i32>} : memref<80x128xf32, #tpu.memory_space<vmem>>, vector<1x16xf32>,
      %swap3A_50 = vector.shape_cast %swap3A_49 : vector<1x16xf32> to vector<16xf32>
      %swap3A_51 = vector.shape_cast %broadcast_in_dim3A_27 : vector<16xf32> to vector<1x16xf32>
      tpu.vector_store %arg6[%swap3A_47, %swap3A_48], %swap3A_51 {strides = array<i32>} : memref<80x128xf32, #tpu.memory_space<vmem>>, vector<1x16xf32>,
      %swap3A_52 = arith.index_cast %add3A_26 : i32 to index
      %swap3A_53 = arith.constant 80 : index
      %swap3A_54 = tpu.vector_load %arg6[%swap3A_52, %swap3A_53] {strides = array<i32>} : memref<80x128xf32, #tpu.memory_space<vmem>>, vector<1x16xf32>,
      %swap3A_55 = vector.shape_cast %swap3A_54 : vector<1x16xf32> to vector<16xf32>
      %swap3A_56 = vector.shape_cast %broadcast_in_dim3A_27 : vector<16xf32> to vector<1x16xf32>
      tpu.vector_store %arg6[%swap3A_52, %swap3A_53], %swap3A_56 {strides = array<i32>} : memref<80x128xf32, #tpu.memory_space<vmem>>, vector<1x16xf32>,
      %swap3A_57 = arith.index_cast %add3A_26 : i32 to index
      %swap3A_58 = arith.constant 96 : index
      %swap3A_59 = tpu.vector_load %arg6[%swap3A_57, %swap3A_58] {strides = array<i32>} : memref<80x128xf32, #tpu.memory_space<vmem>>, vector<1x16xf32>,
      %swap3A_60 = vector.shape_cast %swap3A_59 : vector<1x16xf32> to vector<16xf32>
      %swap3A_61 = vector.shape_cast %broadcast_in_dim3A_27 : vector<16xf32> to vector<1x16xf32>
      tpu.vector_store %arg6[%swap3A_57, %swap3A_58], %swap3A_61 {strides = array<i32>} : memref<80x128xf32, #tpu.memory_space<vmem>>, vector<1x16xf32>,
      %swap3A_62 = arith.index_cast %add3A_26 : i32 to index
      %swap3A_63 = arith.constant 112 : index
      %swap3A_64 = tpu.vector_load %arg6[%swap3A_62, %swap3A_63] {strides = array<i32>} : memref<80x128xf32, #tpu.memory_space<vmem>>, vector<1x16xf32>,
      %swap3A_65 = vector.shape_cast %swap3A_64 : vector<1x16xf32> to vector<16xf32>
      %swap3A_66 = vector.shape_cast %broadcast_in_dim3A_27 : vector<16xf32> to vector<1x16xf32>
      tpu.vector_store %arg6[%swap3A_62, %swap3A_63], %swap3A_66 {strides = array<i32>} : memref<80x128xf32, #tpu.memory_space<vmem>>, vector<1x16xf32>,
    }
    %scan3A_13 = arith.constant 80 : i32
    %barrier3A = arith.constant 0 : index
    tpu.barrier barrier_id(%barrier3A)
    %scan3A_14 = arith.constant 0 : i32
    %scan3A_15 = arith.constant 79 : i32
    %scan3A_16 = arith.addi %scan3A_14, %scan3A_15 : i32
    %scan3A_17 = arith.constant 1 : i32
    scf.for %scan3A_23 = %scan3A_14 to %scan3A_16 step %scan3A_17  : i32 {
      %mul3A_24 = arith.constant 1 : i32
      %mul3A_25 = arith.muli %scan3A_23, %mul3A_24 : i32
      %add3A = arith.constant 0 : i32
      %add3A_26 = arith.addi %add3A, %mul3A_25 : i32
      %mul3A_27 = arith.constant 16 : i32
      %mul3A_28 = arith.muli %add3A_26, %mul3A_27 : i32
      %add3A_29 = arith.addi %arg1, %mul3A_28 : i32
      %lt3A = arith.constant 1250 : i32
      %lt3A_30 = arith.cmpi slt, %add3A_29, %lt3A : i32
      %convert_element_type3A = arith.extui %lt3A_30 : i1 to i32
      %cond3A = arith.constant 0 : i32
      %cond3A_31 = arith.cmpi ne, %convert_element_type3A, %cond3A : i32
      scf.if %cond3A_31 {
        %mul3A_32 = arith.constant 80 : i32
        %mul3A_33 = arith.muli %add3A_29, %mul3A_32 : i32
        "tpu.region"() ({
          %run_scoped3A = tpu.sem_alloc : memref<!tpu.dma_semaphore, #tpu.memory_space<semaphore_mem>>
          %dma_start3A = tpu.memref_slice %arg2[%mul3A_33] : memref<100000xi32, #tpu.memory_space<hbm>> -> memref<80xi32, #tpu.memory_space<hbm>>
          %dma_start3A_43 = tpu.memref_slice %arg2[%mul3A_33] : memref<100000xi32, #tpu.memory_space<hbm>> -> memref<80xi32, #tpu.memory_space<hbm>>
          tpu.enqueue_dma source(%dma_start3A_43 : memref<80xi32, #tpu.memory_space<hbm>>) target(%arg4 : memref<80xi32, #tpu.memory_space<vmem>>) target_semaphore(%run_scoped3A : memref<!tpu.dma_semaphore, #tpu.memory_space<semaphore_mem>>)
          %dma_wait3A = tpu.memref_slice %arg2[%mul3A_33] : memref<100000xi32, #tpu.memory_space<hbm>> -> memref<80xi32, #tpu.memory_space<hbm>>
          %dma_wait3A_44 = tpu.memref_slice %arg2[%mul3A_33] : memref<100000xi32, #tpu.memory_space<hbm>> -> memref<80xi32, #tpu.memory_space<hbm>>
          tpu.wait_dma2 semaphore(%run_scoped3A : memref<!tpu.dma_semaphore, #tpu.memory_space<semaphore_mem>>) src(%dma_wait3A_44 : memref<80xi32, #tpu.memory_space<hbm>>) dst(%arg4 : memref<80xi32, #tpu.memory_space<vmem>>)
          tpu.yield
        }) : () -> ()
        %eq3A = arith.constant 0 : i32
        %eq3A_34 = arith.cmpi eq, %arg0, %eq3A : i32
        %convert_element_type3A_35 = arith.extui %eq3A_34 : i1 to i32
        %cond3A_36 = arith.constant 0 : i32
        %cond3A_37 = arith.cmpi ne, %convert_element_type3A_35, %cond3A_36 : i32
        scf.if %cond3A_37 {
          %get3A = arith.constant 0 : index
          %get3A_43 = tpu.vector_load %arg4[%get3A] {strides = array<i32>} : memref<80xi32, #tpu.memory_space<vmem>>, vector<16xi32>,
          %get3A_44 = vector.shape_cast %get3A_43 : vector<16xi32> to vector<16xi32>
          %min3A = arith.constant 6272 : i32
          %min3A_45 = vector.broadcast %min3A : i32 to vector<16xi32>
          %min3A_46 = arith.minsi %get3A_44, %min3A_45 : vector<16xi32>
          %swap3A = arith.constant 0 : index
          %swap3A_47 = tpu.vector_load %arg5[%swap3A] {strides = array<i32>} : memref<80xi32, #tpu.memory_space<vmem>>, vector<16xi32>,
          %swap3A_48 = vector.shape_cast %swap3A_47 : vector<16xi32> to vector<16xi32>
          %swap3A_49 = vector.shape_cast %min3A_46 : vector<16xi32> to vector<16xi32>
          tpu.vector_store %arg5[%swap3A], %swap3A_49 {strides = array<i32>} : memref<80xi32, #tpu.memory_space<vmem>>, vector<16xi32>,
          %get3A_50 = arith.constant 16 : index
          %get3A_51 = tpu.vector_load %arg4[%get3A_50] {strides = array<i32>} : memref<80xi32, #tpu.memory_space<vmem>>, vector<16xi32>,
          %get3A_52 = vector.shape_cast %get3A_51 : vector<16xi32> to vector<16xi32>
          %min3A_53 = arith.constant 6272 : i32
          %min3A_54 = vector.broadcast %min3A_53 : i32 to vector<16xi32>
          %min3A_55 = arith.minsi %get3A_52, %min3A_54 : vector<16xi32>
          %swap3A_56 = arith.constant 16 : index
          %swap3A_57 = tpu.vector_load %arg5[%swap3A_56] {strides = array<i32>} : memref<80xi32, #tpu.memory_space<vmem>>, vector<16xi32>,
          %swap3A_58 = vector.shape_cast %swap3A_57 : vector<16xi32> to vector<16xi32>
          %swap3A_59 = vector.shape_cast %min3A_55 : vector<16xi32> to vector<16xi32>
          tpu.vector_store %arg5[%swap3A_56], %swap3A_59 {strides = array<i32>} : memref<80xi32, #tpu.memory_space<vmem>>, vector<16xi32>,
          %get3A_60 = arith.constant 32 : index
          %get3A_61 = tpu.vector_load %arg4[%get3A_60] {strides = array<i32>} : memref<80xi32, #tpu.memory_space<vmem>>, vector<16xi32>,
          %get3A_62 = vector.shape_cast %get3A_61 : vector<16xi32> to vector<16xi32>
          %min3A_63 = arith.constant 6272 : i32
          %min3A_64 = vector.broadcast %min3A_63 : i32 to vector<16xi32>
          %min3A_65 = arith.minsi %get3A_62, %min3A_64 : vector<16xi32>
          %swap3A_66 = arith.constant 32 : index
          %swap3A_67 = tpu.vector_load %arg5[%swap3A_66] {strides = array<i32>} : memref<80xi32, #tpu.memory_space<vmem>>, vector<16xi32>,
          %swap3A_68 = vector.shape_cast %swap3A_67 : vector<16xi32> to vector<16xi32>
          %swap3A_69 = vector.shape_cast %min3A_65 : vector<16xi32> to vector<16xi32>
          tpu.vector_store %arg5[%swap3A_66], %swap3A_69 {strides = array<i32>} : memref<80xi32, #tpu.memory_space<vmem>>, vector<16xi32>,
          %get3A_70 = arith.constant 48 : index
          %get3A_71 = tpu.vector_load %arg4[%get3A_70] {strides = array<i32>} : memref<80xi32, #tpu.memory_space<vmem>>, vector<16xi32>,
          %get3A_72 = vector.shape_cast %get3A_71 : vector<16xi32> to vector<16xi32>
          %min3A_73 = arith.constant 6272 : i32
          %min3A_74 = vector.broadcast %min3A_73 : i32 to vector<16xi32>
          %min3A_75 = arith.minsi %get3A_72, %min3A_74 : vector<16xi32>
          %swap3A_76 = arith.constant 48 : index
          %swap3A_77 = tpu.vector_load %arg5[%swap3A_76] {strides = array<i32>} : memref<80xi32, #tpu.memory_space<vmem>>, vector<16xi32>,
          %swap3A_78 = vector.shape_cast %swap3A_77 : vector<16xi32> to vector<16xi32>
          %swap3A_79 = vector.shape_cast %min3A_75 : vector<16xi32> to vector<16xi32>
          tpu.vector_store %arg5[%swap3A_76], %swap3A_79 {strides = array<i32>} : memref<80xi32, #tpu.memory_space<vmem>>, vector<16xi32>,
          %get3A_80 = arith.constant 64 : index
          %get3A_81 = tpu.vector_load %arg4[%get3A_80] {strides = array<i32>} : memref<80xi32, #tpu.memory_space<vmem>>, vector<16xi32>,
          %get3A_82 = vector.shape_cast %get3A_81 : vector<16xi32> to vector<16xi32>
          %min3A_83 = arith.constant 6272 : i32
          %min3A_84 = vector.broadcast %min3A_83 : i32 to vector<16xi32>
          %min3A_85 = arith.minsi %get3A_82, %min3A_84 : vector<16xi32>
          %swap3A_86 = arith.constant 64 : index
          %swap3A_87 = tpu.vector_load %arg5[%swap3A_86] {strides = array<i32>} : memref<80xi32, #tpu.memory_space<vmem>>, vector<16xi32>,
          %swap3A_88 = vector.shape_cast %swap3A_87 : vector<16xi32> to vector<16xi32>
          %swap3A_89 = vector.shape_cast %min3A_85 : vector<16xi32> to vector<16xi32>
          tpu.vector_store %arg5[%swap3A_86], %swap3A_89 {strides = array<i32>} : memref<80xi32, #tpu.memory_space<vmem>>, vector<16xi32>,
        } else {
        }
        %eq3A_38 = arith.constant 1 : i32
        %eq3A_39 = arith.cmpi eq, %arg0, %eq3A_38 : i32
        %convert_element_type3A_40 = arith.extui %eq3A_39 : i1 to i32
        %cond3A_41 = arith.constant 0 : i32
        %cond3A_42 = arith.cmpi ne, %convert_element_type3A_40, %cond3A_41 : i32
        scf.if %cond3A_42 {
          %get3A = arith.constant 0 : index
          %get3A_43 = tpu.vector_load %arg4[%get3A] {strides = array<i32>} : memref<80xi32, #tpu.memory_space<vmem>>, vector<16xi32>,
          %get3A_44 = vector.shape_cast %get3A_43 : vector<16xi32> to vector<16xi32>
          %sub3A = arith.constant 6271 : i32
          %sub3A_45 = vector.broadcast %sub3A : i32 to vector<16xi32>
          %sub3A_46 = arith.subi %get3A_44, %sub3A_45 : vector<16xi32>
          %max3A = arith.constant 0 : i32
          %max3A_47 = vector.broadcast %max3A : i32 to vector<16xi32>
          %max3A_48 = arith.maxsi %sub3A_46, %max3A_47 : vector<16xi32>
          %swap3A = arith.constant 0 : index
          %swap3A_49 = tpu.vector_load %arg5[%swap3A] {strides = array<i32>} : memref<80xi32, #tpu.memory_space<vmem>>, vector<16xi32>,
          %swap3A_50 = vector.shape_cast %swap3A_49 : vector<16xi32> to vector<16xi32>
          %swap3A_51 = vector.shape_cast %max3A_48 : vector<16xi32> to vector<16xi32>
          tpu.vector_store %arg5[%swap3A], %swap3A_51 {strides = array<i32>} : memref<80xi32, #tpu.memory_space<vmem>>, vector<16xi32>,
          %get3A_52 = arith.constant 16 : index
          %get3A_53 = tpu.vector_load %arg4[%get3A_52] {strides = array<i32>} : memref<80xi32, #tpu.memory_space<vmem>>, vector<16xi32>,
          %get3A_54 = vector.shape_cast %get3A_53 : vector<16xi32> to vector<16xi32>
          %sub3A_55 = arith.constant 6271 : i32
          %sub3A_56 = vector.broadcast %sub3A_55 : i32 to vector<16xi32>
          %sub3A_57 = arith.subi %get3A_54, %sub3A_56 : vector<16xi32>
          %max3A_58 = arith.constant 0 : i32
          %max3A_59 = vector.broadcast %max3A_58 : i32 to vector<16xi32>
          %max3A_60 = arith.maxsi %sub3A_57, %max3A_59 : vector<16xi32>
          %swap3A_61 = arith.constant 16 : index
          %swap3A_62 = tpu.vector_load %arg5[%swap3A_61] {strides = array<i32>} : memref<80xi32, #tpu.memory_space<vmem>>, vector<16xi32>,
          %swap3A_63 = vector.shape_cast %swap3A_62 : vector<16xi32> to vector<16xi32>
          %swap3A_64 = vector.shape_cast %max3A_60 : vector<16xi32> to vector<16xi32>
          tpu.vector_store %arg5[%swap3A_61], %swap3A_64 {strides = array<i32>} : memref<80xi32, #tpu.memory_space<vmem>>, vector<16xi32>,
          %get3A_65 = arith.constant 32 : index
          %get3A_66 = tpu.vector_load %arg4[%get3A_65] {strides = array<i32>} : memref<80xi32, #tpu.memory_space<vmem>>, vector<16xi32>,
          %get3A_67 = vector.shape_cast %get3A_66 : vector<16xi32> to vector<16xi32>
          %sub3A_68 = arith.constant 6271 : i32
          %sub3A_69 = vector.broadcast %sub3A_68 : i32 to vector<16xi32>
          %sub3A_70 = arith.subi %get3A_67, %sub3A_69 : vector<16xi32>
          %max3A_71 = arith.constant 0 : i32
          %max3A_72 = vector.broadcast %max3A_71 : i32 to vector<16xi32>
          %max3A_73 = arith.maxsi %sub3A_70, %max3A_72 : vector<16xi32>
          %swap3A_74 = arith.constant 32 : index
          %swap3A_75 = tpu.vector_load %arg5[%swap3A_74] {strides = array<i32>} : memref<80xi32, #tpu.memory_space<vmem>>, vector<16xi32>,
          %swap3A_76 = vector.shape_cast %swap3A_75 : vector<16xi32> to vector<16xi32>
          %swap3A_77 = vector.shape_cast %max3A_73 : vector<16xi32> to vector<16xi32>
          tpu.vector_store %arg5[%swap3A_74], %swap3A_77 {strides = array<i32>} : memref<80xi32, #tpu.memory_space<vmem>>, vector<16xi32>,
          %get3A_78 = arith.constant 48 : index
          %get3A_79 = tpu.vector_load %arg4[%get3A_78] {strides = array<i32>} : memref<80xi32, #tpu.memory_space<vmem>>, vector<16xi32>,
          %get3A_80 = vector.shape_cast %get3A_79 : vector<16xi32> to vector<16xi32>
          %sub3A_81 = arith.constant 6271 : i32
          %sub3A_82 = vector.broadcast %sub3A_81 : i32 to vector<16xi32>
          %sub3A_83 = arith.subi %get3A_80, %sub3A_82 : vector<16xi32>
          %max3A_84 = arith.constant 0 : i32
          %max3A_85 = vector.broadcast %max3A_84 : i32 to vector<16xi32>
          %max3A_86 = arith.maxsi %sub3A_83, %max3A_85 : vector<16xi32>
          %swap3A_87 = arith.constant 48 : index
          %swap3A_88 = tpu.vector_load %arg5[%swap3A_87] {strides = array<i32>} : memref<80xi32, #tpu.memory_space<vmem>>, vector<16xi32>,
          %swap3A_89 = vector.shape_cast %swap3A_88 : vector<16xi32> to vector<16xi32>
          %swap3A_90 = vector.shape_cast %max3A_86 : vector<16xi32> to vector<16xi32>
          tpu.vector_store %arg5[%swap3A_87], %swap3A_90 {strides = array<i32>} : memref<80xi32, #tpu.memory_space<vmem>>, vector<16xi32>,
          %get3A_91 = arith.constant 64 : index
          %get3A_92 = tpu.vector_load %arg4[%get3A_91] {strides = array<i32>} : memref<80xi32, #tpu.memory_space<vmem>>, vector<16xi32>,
          %get3A_93 = vector.shape_cast %get3A_92 : vector<16xi32> to vector<16xi32>
          %sub3A_94 = arith.constant 6271 : i32
          %sub3A_95 = vector.broadcast %sub3A_94 : i32 to vector<16xi32>
          %sub3A_96 = arith.subi %get3A_93, %sub3A_95 : vector<16xi32>
          %max3A_97 = arith.constant 0 : i32
          %max3A_98 = vector.broadcast %max3A_97 : i32 to vector<16xi32>
          %max3A_99 = arith.maxsi %sub3A_96, %max3A_98 : vector<16xi32>
          %swap3A_100 = arith.constant 64 : index
          %swap3A_101 = tpu.vector_load %arg5[%swap3A_100] {strides = array<i32>} : memref<80xi32, #tpu.memory_space<vmem>>, vector<16xi32>,
          %swap3A_102 = vector.shape_cast %swap3A_101 : vector<16xi32> to vector<16xi32>
          %swap3A_103 = vector.shape_cast %max3A_99 : vector<16xi32> to vector<16xi32>
          tpu.vector_store %arg5[%swap3A_100], %swap3A_103 {strides = array<i32>} : memref<80xi32, #tpu.memory_space<vmem>>, vector<16xi32>,
        } else {
        }
        "tpu.region"() ({
          %run_scoped3A = tpu.sem_alloc : memref<!tpu.dma_semaphore, #tpu.memory_space<semaphore_mem>>
          %dma_start3A = arith.constant 0 : i32
          %dma_start3A_43 = arith.constant 0 : i32
          %dma_start3A_44 = tpu.memref_slice %arg8[%dma_start3A, %dma_start3A_43] : memref<6400x128xf32, #tpu.memory_space<vmem_shared>> -> memref<6400x128xf32, #tpu.memory_space<vmem_shared>>
          tpu.enqueue_indirect_dma source(%arg6 : memref<80x128xf32, #tpu.memory_space<vmem>>) target(%dma_start3A_44 : memref<6400x128xf32, #tpu.memory_space<vmem_shared>>) offsets(%arg5 : memref<80xi32, #tpu.memory_space<vmem>>) semaphore(%run_scoped3A : memref<!tpu.dma_semaphore, #tpu.memory_space<semaphore_mem>>) {add = true}
          %dma_wait3A = arith.constant 0 : i32
          %dma_wait3A_45 = arith.constant 0 : i32
          %dma_wait3A_46 = tpu.memref_slice %arg8[%dma_wait3A, %dma_wait3A_45] : memref<6400x128xf32, #tpu.memory_space<vmem_shared>> -> memref<6400x128xf32, #tpu.memory_space<vmem_shared>>
          tpu.wait_indirect_dma semaphore(%run_scoped3A : memref<!tpu.dma_semaphore, #tpu.memory_space<semaphore_mem>>) src(%arg6 : memref<80x128xf32, #tpu.memory_space<vmem>>) dst(%dma_wait3A_46 : memref<6400x128xf32, #tpu.memory_space<vmem_shared>>)
          tpu.yield
        }) : () -> ()
      } else {
      }
    }
    %scan3A_18 = arith.constant 79 : i32
    %barrier3A_19 = arith.constant 0 : index
    tpu.barrier barrier_id(%barrier3A_19)
    %mul3A = arith.constant 400 : i32
    %mul3A_20 = arith.muli %arg1, %mul3A : i32
    %mul3A_21 = arith.constant 400 : i32
    %mul3A_22 = arith.muli %arg1, %mul3A_21 : i32
    "tpu.region"() ({
      %run_scoped3A = tpu.sem_alloc : memref<!tpu.dma_semaphore, #tpu.memory_space<semaphore_mem>>
      %dma_start3A = arith.constant 0 : i32
      %dma_start3A_23 = tpu.memref_slice %arg3[%arg0, %mul3A_22, %dma_start3A] : memref<2x6400x128xf32, #tpu.memory_space<hbm>> -> memref<1x400x128xf32, #tpu.memory_space<hbm>>
      %dma_start3A_24 = tpu.memref_squeeze %dma_start3A_23 : memref<1x400x128xf32, #tpu.memory_space<hbm>> -> memref<400x128xf32, #tpu.memory_space<hbm>>
      %dma_start3A_25 = arith.constant 0 : i32
      %dma_start3A_26 = tpu.memref_slice %arg8[%mul3A_20, %dma_start3A_25] : memref<6400x128xf32, #tpu.memory_space<vmem_shared>> -> memref<400x128xf32, #tpu.memory_space<vmem_shared>>
      tpu.enqueue_dma source(%dma_start3A_26 : memref<400x128xf32, #tpu.memory_space<vmem_shared>>) target(%dma_start3A_24 : memref<400x128xf32, #tpu.memory_space<hbm>>) target_semaphore(%run_scoped3A : memref<!tpu.dma_semaphore, #tpu.memory_space<semaphore_mem>>)
      %dma_wait3A = arith.constant 0 : i32
      %dma_wait3A_27 = tpu.memref_slice %arg3[%arg0, %mul3A_22, %dma_wait3A] : memref<2x6400x128xf32, #tpu.memory_space<hbm>> -> memref<1x400x128xf32, #tpu.memory_space<hbm>>
      %dma_wait3A_28 = tpu.memref_squeeze %dma_wait3A_27 : memref<1x400x128xf32, #tpu.memory_space<hbm>> -> memref<400x128xf32, #tpu.memory_space<hbm>>
      %dma_wait3A_29 = arith.constant 0 : i32
      %dma_wait3A_30 = tpu.memref_slice %arg8[%mul3A_20, %dma_wait3A_29] : memref<6400x128xf32, #tpu.memory_space<vmem_shared>> -> memref<400x128xf32, #tpu.memory_space<vmem_shared>>
      tpu.wait_dma2 semaphore(%run_scoped3A : memref<!tpu.dma_semaphore, #tpu.memory_space<semaphore_mem>>) src(%dma_wait3A_30 : memref<400x128xf32, #tpu.memory_space<vmem_shared>>) dst(%dma_wait3A_28 : memref<400x128xf32, #tpu.memory_space<hbm>>)
      tpu.yield
    }) : () -> ()
    return
  }
}

#map = affine_map<(d0, d1) -> (0, 0)>
#map1 = affine_map<(d0, d1) -> (0, 0, 0)>
module attributes {stable_mosaic.version = 14 : i64} {
  func.func @_sc_main(%arg0: i32, %arg1: i32, %arg2: memref<50000x128xf32, #tpu.memory_space<hbm>>, %arg3: memref<50000x128xf32, #tpu.memory_space<hbm>>, %arg4: memref<1250x3x80xi32, #tpu.memory_space<hbm>>, %arg5: memref<2x6400x128xf32, #tpu.memory_space<hbm>>, %arg6: memref<80xi32, #tpu.memory_space<vmem>>, %arg7: memref<80xi32, #tpu.memory_space<vmem>>, %arg8: memref<3x80xi32, #tpu.memory_space<vmem>>, %arg9: memref<80xi32, #tpu.memory_space<vmem>>, %arg10: memref<80x128xf32, #tpu.memory_space<vmem>>, %arg11: memref<80x128xf32, #tpu.memory_space<vmem>>, %arg12: memref<80x128xf32, #tpu.memory_space<vmem>>, %arg13: memref<80x128xf32, #tpu.memory_space<vmem>>, %arg14: memref<6400x128xf32, #tpu.memory_space<vmem_shared>>, %arg15: memref<!tpu.dma_semaphore, #tpu.memory_space<semaphore_mem>>, %arg16: memref<!tpu.dma_semaphore, #tpu.memory_space<semaphore_mem>>) attributes {dimension_semantics = [#tpu.dimension_semantics<core_parallel>, #tpu.dimension_semantics<subcore_parallel>], iteration_bounds = array<i64: 2, 16>, scalar_prefetch = 0 : i64, scratch_operands = 11 : i64, tpu.core_type = #tpu.core_type<sc_vector_subcore>, window_params = [{transform_indices = #map}, {transform_indices = #map}, {transform_indices = #map1}, {transform_indices = #map1}]} {
    %scan3A = arith.constant 0 : i32
    %scan3A_0 = arith.constant 80 : i32
    %scan3A_1 = arith.addi %scan3A, %scan3A_0 : i32
    %scan3A_2 = arith.constant 1 : i32
    scf.for %scan3A_18 = %scan3A to %scan3A_1 step %scan3A_2  : i32 {
      %mul3A_19 = arith.constant 1 : i32
      %mul3A_20 = arith.muli %scan3A_18, %mul3A_19 : i32
      %add3A = arith.constant 0 : i32
      %add3A_21 = arith.addi %add3A, %mul3A_20 : i32
      %broadcast_in_dim3A = arith.constant 0.000000e+00 : f32
      %broadcast_in_dim3A_22 = vector.broadcast %broadcast_in_dim3A : f32 to vector<16xf32>
      %swap3A = arith.index_cast %add3A_21 : i32 to index
      %swap3A_23 = arith.constant 0 : index
      %swap3A_24 = tpu.vector_load %arg13[%swap3A, %swap3A_23] {strides = array<i32>} : memref<80x128xf32, #tpu.memory_space<vmem>>, vector<1x16xf32>,
      %swap3A_25 = vector.shape_cast %swap3A_24 : vector<1x16xf32> to vector<16xf32>
      %swap3A_26 = vector.shape_cast %broadcast_in_dim3A_22 : vector<16xf32> to vector<1x16xf32>
      tpu.vector_store %arg13[%swap3A, %swap3A_23], %swap3A_26 {strides = array<i32>} : memref<80x128xf32, #tpu.memory_space<vmem>>, vector<1x16xf32>,
      %swap3A_27 = arith.index_cast %add3A_21 : i32 to index
      %swap3A_28 = arith.constant 16 : index
      %swap3A_29 = tpu.vector_load %arg13[%swap3A_27, %swap3A_28] {strides = array<i32>} : memref<80x128xf32, #tpu.memory_space<vmem>>, vector<1x16xf32>,
      %swap3A_30 = vector.shape_cast %swap3A_29 : vector<1x16xf32> to vector<16xf32>
      %swap3A_31 = vector.shape_cast %broadcast_in_dim3A_22 : vector<16xf32> to vector<1x16xf32>
      tpu.vector_store %arg13[%swap3A_27, %swap3A_28], %swap3A_31 {strides = array<i32>} : memref<80x128xf32, #tpu.memory_space<vmem>>, vector<1x16xf32>,
      %swap3A_32 = arith.index_cast %add3A_21 : i32 to index
      %swap3A_33 = arith.constant 32 : index
      %swap3A_34 = tpu.vector_load %arg13[%swap3A_32, %swap3A_33] {strides = array<i32>} : memref<80x128xf32, #tpu.memory_space<vmem>>, vector<1x16xf32>,
      %swap3A_35 = vector.shape_cast %swap3A_34 : vector<1x16xf32> to vector<16xf32>
      %swap3A_36 = vector.shape_cast %broadcast_in_dim3A_22 : vector<16xf32> to vector<1x16xf32>
      tpu.vector_store %arg13[%swap3A_32, %swap3A_33], %swap3A_36 {strides = array<i32>} : memref<80x128xf32, #tpu.memory_space<vmem>>, vector<1x16xf32>,
      %swap3A_37 = arith.index_cast %add3A_21 : i32 to index
      %swap3A_38 = arith.constant 48 : index
      %swap3A_39 = tpu.vector_load %arg13[%swap3A_37, %swap3A_38] {strides = array<i32>} : memref<80x128xf32, #tpu.memory_space<vmem>>, vector<1x16xf32>,
      %swap3A_40 = vector.shape_cast %swap3A_39 : vector<1x16xf32> to vector<16xf32>
      %swap3A_41 = vector.shape_cast %broadcast_in_dim3A_22 : vector<16xf32> to vector<1x16xf32>
      tpu.vector_store %arg13[%swap3A_37, %swap3A_38], %swap3A_41 {strides = array<i32>} : memref<80x128xf32, #tpu.memory_space<vmem>>, vector<1x16xf32>,
      %swap3A_42 = arith.index_cast %add3A_21 : i32 to index
      %swap3A_43 = arith.constant 64 : index
      %swap3A_44 = tpu.vector_load %arg13[%swap3A_42, %swap3A_43] {strides = array<i32>} : memref<80x128xf32, #tpu.memory_space<vmem>>, vector<1x16xf32>,
      %swap3A_45 = vector.shape_cast %swap3A_44 : vector<1x16xf32> to vector<16xf32>
      %swap3A_46 = vector.shape_cast %broadcast_in_dim3A_22 : vector<16xf32> to vector<1x16xf32>
      tpu.vector_store %arg13[%swap3A_42, %swap3A_43], %swap3A_46 {strides = array<i32>} : memref<80x128xf32, #tpu.memory_space<vmem>>, vector<1x16xf32>,
      %swap3A_47 = arith.index_cast %add3A_21 : i32 to index
      %swap3A_48 = arith.constant 80 : index
      %swap3A_49 = tpu.vector_load %arg13[%swap3A_47, %swap3A_48] {strides = array<i32>} : memref<80x128xf32, #tpu.memory_space<vmem>>, vector<1x16xf32>,
      %swap3A_50 = vector.shape_cast %swap3A_49 : vector<1x16xf32> to vector<16xf32>
      %swap3A_51 = vector.shape_cast %broadcast_in_dim3A_22 : vector<16xf32> to vector<1x16xf32>
      tpu.vector_store %arg13[%swap3A_47, %swap3A_48], %swap3A_51 {strides = array<i32>} : memref<80x128xf32, #tpu.memory_space<vmem>>, vector<1x16xf32>,
      %swap3A_52 = arith.index_cast %add3A_21 : i32 to index
      %swap3A_53 = arith.constant 96 : index
      %swap3A_54 = tpu.vector_load %arg13[%swap3A_52, %swap3A_53] {strides = array<i32>} : memref<80x128xf32, #tpu.memory_space<vmem>>, vector<1x16xf32>,
      %swap3A_55 = vector.shape_cast %swap3A_54 : vector<1x16xf32> to vector<16xf32>
      %swap3A_56 = vector.shape_cast %broadcast_in_dim3A_22 : vector<16xf32> to vector<1x16xf32>
      tpu.vector_store %arg13[%swap3A_52, %swap3A_53], %swap3A_56 {strides = array<i32>} : memref<80x128xf32, #tpu.memory_space<vmem>>, vector<1x16xf32>,
      %swap3A_57 = arith.index_cast %add3A_21 : i32 to index
      %swap3A_58 = arith.constant 112 : index
      %swap3A_59 = tpu.vector_load %arg13[%swap3A_57, %swap3A_58] {strides = array<i32>} : memref<80x128xf32, #tpu.memory_space<vmem>>, vector<1x16xf32>,
      %swap3A_60 = vector.shape_cast %swap3A_59 : vector<1x16xf32> to vector<16xf32>
      %swap3A_61 = vector.shape_cast %broadcast_in_dim3A_22 : vector<16xf32> to vector<1x16xf32>
      tpu.vector_store %arg13[%swap3A_57, %swap3A_58], %swap3A_61 {strides = array<i32>} : memref<80x128xf32, #tpu.memory_space<vmem>>, vector<1x16xf32>,
    }
    %scan3A_3 = arith.constant 80 : i32
    %scan3A_4 = arith.constant 0 : i32
    %scan3A_5 = arith.constant 5 : i32
    %scan3A_6 = arith.addi %scan3A_4, %scan3A_5 : i32
    %scan3A_7 = arith.constant 1 : i32
    scf.for %scan3A_18 = %scan3A_4 to %scan3A_6 step %scan3A_7  : i32 {
      %mul3A_19 = arith.constant 1 : i32
      %mul3A_20 = arith.muli %scan3A_18, %mul3A_19 : i32
      %add3A = arith.constant 0 : i32
      %add3A_21 = arith.addi %add3A, %mul3A_20 : i32
      %mul3A_22 = arith.constant 400 : i32
      %mul3A_23 = arith.muli %arg1, %mul3A_22 : i32
      %mul3A_24 = arith.constant 80 : i32
      %mul3A_25 = arith.muli %add3A_21, %mul3A_24 : i32
      %add3A_26 = arith.addi %mul3A_23, %mul3A_25 : i32
      "tpu.region"() ({
        %run_scoped3A = tpu.sem_alloc : memref<!tpu.dma_semaphore, #tpu.memory_space<semaphore_mem>>
        %dma_start3A = arith.constant 0 : i32
        %dma_start3A_27 = tpu.memref_slice %arg14[%add3A_26, %dma_start3A] : memref<6400x128xf32, #tpu.memory_space<vmem_shared>> -> memref<80x128xf32, #tpu.memory_space<vmem_shared>>
        %dma_start3A_28 = arith.constant 0 : i32
        %dma_start3A_29 = tpu.memref_slice %arg14[%add3A_26, %dma_start3A_28] : memref<6400x128xf32, #tpu.memory_space<vmem_shared>> -> memref<80x128xf32, #tpu.memory_space<vmem_shared>>
        tpu.enqueue_dma source(%arg13 : memref<80x128xf32, #tpu.memory_space<vmem>>) target(%dma_start3A_29 : memref<80x128xf32, #tpu.memory_space<vmem_shared>>) target_semaphore(%run_scoped3A : memref<!tpu.dma_semaphore, #tpu.memory_space<semaphore_mem>>)
        %dma_wait3A = arith.constant 0 : i32
        %dma_wait3A_30 = tpu.memref_slice %arg14[%add3A_26, %dma_wait3A] : memref<6400x128xf32, #tpu.memory_space<vmem_shared>> -> memref<80x128xf32, #tpu.memory_space<vmem_shared>>
        %dma_wait3A_31 = arith.constant 0 : i32
        %dma_wait3A_32 = tpu.memref_slice %arg14[%add3A_26, %dma_wait3A_31] : memref<6400x128xf32, #tpu.memory_space<vmem_shared>> -> memref<80x128xf32, #tpu.memory_space<vmem_shared>>
        tpu.wait_dma2 semaphore(%run_scoped3A : memref<!tpu.dma_semaphore, #tpu.memory_space<semaphore_mem>>) src(%arg13 : memref<80x128xf32, #tpu.memory_space<vmem>>) dst(%dma_wait3A_32 : memref<80x128xf32, #tpu.memory_space<vmem_shared>>)
        tpu.yield
      }) : () -> ()
    }
    %scan3A_8 = arith.constant 5 : i32
    %barrier3A = arith.constant 0 : index
    tpu.barrier barrier_id(%barrier3A)
    %scan3A_9 = arith.constant 0 : i32
    %scan3A_10 = arith.constant 79 : i32
    %scan3A_11 = arith.addi %scan3A_9, %scan3A_10 : i32
    %scan3A_12 = arith.constant 1 : i32
    scf.for %scan3A_18 = %scan3A_9 to %scan3A_11 step %scan3A_12  : i32 {
      %mul3A_19 = arith.constant 1 : i32
      %mul3A_20 = arith.muli %scan3A_18, %mul3A_19 : i32
      %add3A = arith.constant 0 : i32
      %add3A_21 = arith.addi %add3A, %mul3A_20 : i32
      %mul3A_22 = arith.constant 16 : i32
      %mul3A_23 = arith.muli %add3A_21, %mul3A_22 : i32
      %add3A_24 = arith.addi %arg1, %mul3A_23 : i32
      %lt3A = arith.constant 1250 : i32
      %lt3A_25 = arith.cmpi slt, %add3A_24, %lt3A : i32
      %convert_element_type3A = arith.extui %lt3A_25 : i1 to i32
      %cond3A = arith.constant 0 : i32
      %cond3A_26 = arith.cmpi ne, %convert_element_type3A, %cond3A : i32
      scf.if %cond3A_26 {
        %mul3A_27 = arith.constant 80 : i32
        %mul3A_28 = arith.muli %add3A_24, %mul3A_27 : i32
        "tpu.region"() ({
          %run_scoped3A = tpu.sem_alloc : memref<!tpu.dma_semaphore, #tpu.memory_space<semaphore_mem>>
          %dma_start3A_141 = arith.constant 0 : i32
          %dma_start3A_142 = arith.constant 0 : i32
          %dma_start3A_143 = tpu.memref_slice %arg4[%add3A_24, %dma_start3A_141, %dma_start3A_142] : memref<1250x3x80xi32, #tpu.memory_space<hbm>> -> memref<1x3x80xi32, #tpu.memory_space<hbm>>
          %dma_start3A_144 = tpu.memref_squeeze %dma_start3A_143 : memref<1x3x80xi32, #tpu.memory_space<hbm>> -> memref<3x80xi32, #tpu.memory_space<hbm>>
          %dma_start3A_145 = arith.constant 0 : i32
          %dma_start3A_146 = arith.constant 0 : i32
          %dma_start3A_147 = tpu.memref_slice %arg4[%add3A_24, %dma_start3A_145, %dma_start3A_146] : memref<1250x3x80xi32, #tpu.memory_space<hbm>> -> memref<1x3x80xi32, #tpu.memory_space<hbm>>
          %dma_start3A_148 = tpu.memref_squeeze %dma_start3A_147 : memref<1x3x80xi32, #tpu.memory_space<hbm>> -> memref<3x80xi32, #tpu.memory_space<hbm>>
          tpu.enqueue_dma source(%dma_start3A_148 : memref<3x80xi32, #tpu.memory_space<hbm>>) target(%arg8 : memref<3x80xi32, #tpu.memory_space<vmem>>) target_semaphore(%run_scoped3A : memref<!tpu.dma_semaphore, #tpu.memory_space<semaphore_mem>>)
          %dma_wait3A_149 = arith.constant 0 : i32
          %dma_wait3A_150 = arith.constant 0 : i32
          %dma_wait3A_151 = tpu.memref_slice %arg4[%add3A_24, %dma_wait3A_149, %dma_wait3A_150] : memref<1250x3x80xi32, #tpu.memory_space<hbm>> -> memref<1x3x80xi32, #tpu.memory_space<hbm>>
          %dma_wait3A_152 = tpu.memref_squeeze %dma_wait3A_151 : memref<1x3x80xi32, #tpu.memory_space<hbm>> -> memref<3x80xi32, #tpu.memory_space<hbm>>
          %dma_wait3A_153 = arith.constant 0 : i32
          %dma_wait3A_154 = arith.constant 0 : i32
          %dma_wait3A_155 = tpu.memref_slice %arg4[%add3A_24, %dma_wait3A_153, %dma_wait3A_154] : memref<1250x3x80xi32, #tpu.memory_space<hbm>> -> memref<1x3x80xi32, #tpu.memory_space<hbm>>
          %dma_wait3A_156 = tpu.memref_squeeze %dma_wait3A_155 : memref<1x3x80xi32, #tpu.memory_space<hbm>> -> memref<3x80xi32, #tpu.memory_space<hbm>>
          tpu.wait_dma2 semaphore(%run_scoped3A : memref<!tpu.dma_semaphore, #tpu.memory_space<semaphore_mem>>) src(%dma_wait3A_156 : memref<3x80xi32, #tpu.memory_space<hbm>>) dst(%arg8 : memref<3x80xi32, #tpu.memory_space<vmem>>)
          tpu.yield
        }) : () -> ()
        %get3A = arith.constant 0 : i32
        %get3A_29 = arith.index_cast %get3A : i32 to index
        %get3A_30 = arith.constant 0 : index
        %get3A_31 = tpu.vector_load %arg8[%get3A_29, %get3A_30] {strides = array<i32>} : memref<3x80xi32, #tpu.memory_space<vmem>>, vector<1x16xi32>,
        %get3A_32 = vector.shape_cast %get3A_31 : vector<1x16xi32> to vector<16xi32>
        %swap3A = arith.constant 0 : index
        %swap3A_33 = tpu.vector_load %arg6[%swap3A] {strides = array<i32>} : memref<80xi32, #tpu.memory_space<vmem>>, vector<16xi32>,
        %swap3A_34 = vector.shape_cast %swap3A_33 : vector<16xi32> to vector<16xi32>
        %swap3A_35 = vector.shape_cast %get3A_32 : vector<16xi32> to vector<16xi32>
        tpu.vector_store %arg6[%swap3A], %swap3A_35 {strides = array<i32>} : memref<80xi32, #tpu.memory_space<vmem>>, vector<16xi32>,
        %get3A_36 = arith.constant 1 : i32
        %get3A_37 = arith.index_cast %get3A_36 : i32 to index
        %get3A_38 = arith.constant 0 : index
        %get3A_39 = tpu.vector_load %arg8[%get3A_37, %get3A_38] {strides = array<i32>} : memref<3x80xi32, #tpu.memory_space<vmem>>, vector<1x16xi32>,
        %get3A_40 = vector.shape_cast %get3A_39 : vector<1x16xi32> to vector<16xi32>
        %swap3A_41 = arith.constant 0 : index
        %swap3A_42 = tpu.vector_load %arg7[%swap3A_41] {strides = array<i32>} : memref<80xi32, #tpu.memory_space<vmem>>, vector<16xi32>,
        %swap3A_43 = vector.shape_cast %swap3A_42 : vector<16xi32> to vector<16xi32>
        %swap3A_44 = vector.shape_cast %get3A_40 : vector<16xi32> to vector<16xi32>
        tpu.vector_store %arg7[%swap3A_41], %swap3A_44 {strides = array<i32>} : memref<80xi32, #tpu.memory_space<vmem>>, vector<16xi32>,
        %get3A_45 = arith.constant 0 : i32
        %get3A_46 = arith.index_cast %get3A_45 : i32 to index
        %get3A_47 = arith.constant 16 : index
        %get3A_48 = tpu.vector_load %arg8[%get3A_46, %get3A_47] {strides = array<i32>} : memref<3x80xi32, #tpu.memory_space<vmem>>, vector<1x16xi32>,
        %get3A_49 = vector.shape_cast %get3A_48 : vector<1x16xi32> to vector<16xi32>
        %swap3A_50 = arith.constant 16 : index
        %swap3A_51 = tpu.vector_load %arg6[%swap3A_50] {strides = array<i32>} : memref<80xi32, #tpu.memory_space<vmem>>, vector<16xi32>,
        %swap3A_52 = vector.shape_cast %swap3A_51 : vector<16xi32> to vector<16xi32>
        %swap3A_53 = vector.shape_cast %get3A_49 : vector<16xi32> to vector<16xi32>
        tpu.vector_store %arg6[%swap3A_50], %swap3A_53 {strides = array<i32>} : memref<80xi32, #tpu.memory_space<vmem>>, vector<16xi32>,
        %get3A_54 = arith.constant 1 : i32
        %get3A_55 = arith.index_cast %get3A_54 : i32 to index
        %get3A_56 = arith.constant 16 : index
        %get3A_57 = tpu.vector_load %arg8[%get3A_55, %get3A_56] {strides = array<i32>} : memref<3x80xi32, #tpu.memory_space<vmem>>, vector<1x16xi32>,
        %get3A_58 = vector.shape_cast %get3A_57 : vector<1x16xi32> to vector<16xi32>
        %swap3A_59 = arith.constant 16 : index
        %swap3A_60 = tpu.vector_load %arg7[%swap3A_59] {strides = array<i32>} : memref<80xi32, #tpu.memory_space<vmem>>, vector<16xi32>,
        %swap3A_61 = vector.shape_cast %swap3A_60 : vector<16xi32> to vector<16xi32>
        %swap3A_62 = vector.shape_cast %get3A_58 : vector<16xi32> to vector<16xi32>
        tpu.vector_store %arg7[%swap3A_59], %swap3A_62 {strides = array<i32>} : memref<80xi32, #tpu.memory_space<vmem>>, vector<16xi32>,
        %get3A_63 = arith.constant 0 : i32
        %get3A_64 = arith.index_cast %get3A_63 : i32 to index
        %get3A_65 = arith.constant 32 : index
        %get3A_66 = tpu.vector_load %arg8[%get3A_64, %get3A_65] {strides = array<i32>} : memref<3x80xi32, #tpu.memory_space<vmem>>, vector<1x16xi32>,
        %get3A_67 = vector.shape_cast %get3A_66 : vector<1x16xi32> to vector<16xi32>
        %swap3A_68 = arith.constant 32 : index
        %swap3A_69 = tpu.vector_load %arg6[%swap3A_68] {strides = array<i32>} : memref<80xi32, #tpu.memory_space<vmem>>, vector<16xi32>,
        %swap3A_70 = vector.shape_cast %swap3A_69 : vector<16xi32> to vector<16xi32>
        %swap3A_71 = vector.shape_cast %get3A_67 : vector<16xi32> to vector<16xi32>
        tpu.vector_store %arg6[%swap3A_68], %swap3A_71 {strides = array<i32>} : memref<80xi32, #tpu.memory_space<vmem>>, vector<16xi32>,
        %get3A_72 = arith.constant 1 : i32
        %get3A_73 = arith.index_cast %get3A_72 : i32 to index
        %get3A_74 = arith.constant 32 : index
        %get3A_75 = tpu.vector_load %arg8[%get3A_73, %get3A_74] {strides = array<i32>} : memref<3x80xi32, #tpu.memory_space<vmem>>, vector<1x16xi32>,
        %get3A_76 = vector.shape_cast %get3A_75 : vector<1x16xi32> to vector<16xi32>
        %swap3A_77 = arith.constant 32 : index
        %swap3A_78 = tpu.vector_load %arg7[%swap3A_77] {strides = array<i32>} : memref<80xi32, #tpu.memory_space<vmem>>, vector<16xi32>,
        %swap3A_79 = vector.shape_cast %swap3A_78 : vector<16xi32> to vector<16xi32>
        %swap3A_80 = vector.shape_cast %get3A_76 : vector<16xi32> to vector<16xi32>
        tpu.vector_store %arg7[%swap3A_77], %swap3A_80 {strides = array<i32>} : memref<80xi32, #tpu.memory_space<vmem>>, vector<16xi32>,
        %get3A_81 = arith.constant 0 : i32
        %get3A_82 = arith.index_cast %get3A_81 : i32 to index
        %get3A_83 = arith.constant 48 : index
        %get3A_84 = tpu.vector_load %arg8[%get3A_82, %get3A_83] {strides = array<i32>} : memref<3x80xi32, #tpu.memory_space<vmem>>, vector<1x16xi32>,
        %get3A_85 = vector.shape_cast %get3A_84 : vector<1x16xi32> to vector<16xi32>
        %swap3A_86 = arith.constant 48 : index
        %swap3A_87 = tpu.vector_load %arg6[%swap3A_86] {strides = array<i32>} : memref<80xi32, #tpu.memory_space<vmem>>, vector<16xi32>,
        %swap3A_88 = vector.shape_cast %swap3A_87 : vector<16xi32> to vector<16xi32>
        %swap3A_89 = vector.shape_cast %get3A_85 : vector<16xi32> to vector<16xi32>
        tpu.vector_store %arg6[%swap3A_86], %swap3A_89 {strides = array<i32>} : memref<80xi32, #tpu.memory_space<vmem>>, vector<16xi32>,
        %get3A_90 = arith.constant 1 : i32
        %get3A_91 = arith.index_cast %get3A_90 : i32 to index
        %get3A_92 = arith.constant 48 : index
        %get3A_93 = tpu.vector_load %arg8[%get3A_91, %get3A_92] {strides = array<i32>} : memref<3x80xi32, #tpu.memory_space<vmem>>, vector<1x16xi32>,
        %get3A_94 = vector.shape_cast %get3A_93 : vector<1x16xi32> to vector<16xi32>
        %swap3A_95 = arith.constant 48 : index
        %swap3A_96 = tpu.vector_load %arg7[%swap3A_95] {strides = array<i32>} : memref<80xi32, #tpu.memory_space<vmem>>, vector<16xi32>,
        %swap3A_97 = vector.shape_cast %swap3A_96 : vector<16xi32> to vector<16xi32>
        %swap3A_98 = vector.shape_cast %get3A_94 : vector<16xi32> to vector<16xi32>
        tpu.vector_store %arg7[%swap3A_95], %swap3A_98 {strides = array<i32>} : memref<80xi32, #tpu.memory_space<vmem>>, vector<16xi32>,
        %get3A_99 = arith.constant 0 : i32
        %get3A_100 = arith.index_cast %get3A_99 : i32 to index
        %get3A_101 = arith.constant 64 : index
        %get3A_102 = tpu.vector_load %arg8[%get3A_100, %get3A_101] {strides = array<i32>} : memref<3x80xi32, #tpu.memory_space<vmem>>, vector<1x16xi32>,
        %get3A_103 = vector.shape_cast %get3A_102 : vector<1x16xi32> to vector<16xi32>
        %swap3A_104 = arith.constant 64 : index
        %swap3A_105 = tpu.vector_load %arg6[%swap3A_104] {strides = array<i32>} : memref<80xi32, #tpu.memory_space<vmem>>, vector<16xi32>,
        %swap3A_106 = vector.shape_cast %swap3A_105 : vector<16xi32> to vector<16xi32>
        %swap3A_107 = vector.shape_cast %get3A_103 : vector<16xi32> to vector<16xi32>
        tpu.vector_store %arg6[%swap3A_104], %swap3A_107 {strides = array<i32>} : memref<80xi32, #tpu.memory_space<vmem>>, vector<16xi32>,
        %get3A_108 = arith.constant 1 : i32
        %get3A_109 = arith.index_cast %get3A_108 : i32 to index
        %get3A_110 = arith.constant 64 : index
        %get3A_111 = tpu.vector_load %arg8[%get3A_109, %get3A_110] {strides = array<i32>} : memref<3x80xi32, #tpu.memory_space<vmem>>, vector<1x16xi32>,
        %get3A_112 = vector.shape_cast %get3A_111 : vector<1x16xi32> to vector<16xi32>
        %swap3A_113 = arith.constant 64 : index
        %swap3A_114 = tpu.vector_load %arg7[%swap3A_113] {strides = array<i32>} : memref<80xi32, #tpu.memory_space<vmem>>, vector<16xi32>,
        %swap3A_115 = vector.shape_cast %swap3A_114 : vector<16xi32> to vector<16xi32>
        %swap3A_116 = vector.shape_cast %get3A_112 : vector<16xi32> to vector<16xi32>
        tpu.vector_store %arg7[%swap3A_113], %swap3A_116 {strides = array<i32>} : memref<80xi32, #tpu.memory_space<vmem>>, vector<16xi32>,
        %dma_start3A = arith.constant 0 : i32
        %dma_start3A_117 = arith.constant 0 : i32
        %dma_start3A_118 = tpu.memref_slice %arg2[%dma_start3A, %dma_start3A_117] : memref<50000x128xf32, #tpu.memory_space<hbm>> -> memref<50000x128xf32, #tpu.memory_space<hbm>>
        tpu.enqueue_indirect_dma source(%dma_start3A_118 : memref<50000x128xf32, #tpu.memory_space<hbm>>) target(%arg10 : memref<80x128xf32, #tpu.memory_space<vmem>>) offsets(%arg6 : memref<80xi32, #tpu.memory_space<vmem>>) semaphore(%arg15 : memref<!tpu.dma_semaphore, #tpu.memory_space<semaphore_mem>>)
        %dma_start3A_119 = arith.constant 0 : i32
        %dma_start3A_120 = arith.constant 0 : i32
        %dma_start3A_121 = tpu.memref_slice %arg3[%dma_start3A_119, %dma_start3A_120] : memref<50000x128xf32, #tpu.memory_space<hbm>> -> memref<50000x128xf32, #tpu.memory_space<hbm>>
        tpu.enqueue_indirect_dma source(%dma_start3A_121 : memref<50000x128xf32, #tpu.memory_space<hbm>>) target(%arg11 : memref<80x128xf32, #tpu.memory_space<vmem>>) offsets(%arg7 : memref<80xi32, #tpu.memory_space<vmem>>) semaphore(%arg16 : memref<!tpu.dma_semaphore, #tpu.memory_space<semaphore_mem>>)
        %eq3A = arith.constant 0 : i32
        %eq3A_122 = arith.cmpi eq, %arg0, %eq3A : i32
        %convert_element_type3A_123 = arith.extui %eq3A_122 : i1 to i32
        %cond3A_124 = arith.constant 0 : i32
        %cond3A_125 = arith.cmpi ne, %convert_element_type3A_123, %cond3A_124 : i32
        scf.if %cond3A_125 {
          %get3A_141 = arith.constant 2 : i32
          %get3A_142 = arith.index_cast %get3A_141 : i32 to index
          %get3A_143 = arith.constant 0 : index
          %get3A_144 = tpu.vector_load %arg8[%get3A_142, %get3A_143] {strides = array<i32>} : memref<3x80xi32, #tpu.memory_space<vmem>>, vector<1x16xi32>,
          %get3A_145 = vector.shape_cast %get3A_144 : vector<1x16xi32> to vector<16xi32>
          %min3A = arith.constant 6272 : i32
          %min3A_146 = vector.broadcast %min3A : i32 to vector<16xi32>
          %min3A_147 = arith.minsi %get3A_145, %min3A_146 : vector<16xi32>
          %swap3A_148 = arith.constant 0 : index
          %swap3A_149 = tpu.vector_load %arg9[%swap3A_148] {strides = array<i32>} : memref<80xi32, #tpu.memory_space<vmem>>, vector<16xi32>,
          %swap3A_150 = vector.shape_cast %swap3A_149 : vector<16xi32> to vector<16xi32>
          %swap3A_151 = vector.shape_cast %min3A_147 : vector<16xi32> to vector<16xi32>
          tpu.vector_store %arg9[%swap3A_148], %swap3A_151 {strides = array<i32>} : memref<80xi32, #tpu.memory_space<vmem>>, vector<16xi32>,
          %get3A_152 = arith.constant 2 : i32
          %get3A_153 = arith.index_cast %get3A_152 : i32 to index
          %get3A_154 = arith.constant 16 : index
          %get3A_155 = tpu.vector_load %arg8[%get3A_153, %get3A_154] {strides = array<i32>} : memref<3x80xi32, #tpu.memory_space<vmem>>, vector<1x16xi32>,
          %get3A_156 = vector.shape_cast %get3A_155 : vector<1x16xi32> to vector<16xi32>
          %min3A_157 = arith.constant 6272 : i32
          %min3A_158 = vector.broadcast %min3A_157 : i32 to vector<16xi32>
          %min3A_159 = arith.minsi %get3A_156, %min3A_158 : vector<16xi32>
          %swap3A_160 = arith.constant 16 : index
          %swap3A_161 = tpu.vector_load %arg9[%swap3A_160] {strides = array<i32>} : memref<80xi32, #tpu.memory_space<vmem>>, vector<16xi32>,
          %swap3A_162 = vector.shape_cast %swap3A_161 : vector<16xi32> to vector<16xi32>
          %swap3A_163 = vector.shape_cast %min3A_159 : vector<16xi32> to vector<16xi32>
          tpu.vector_store %arg9[%swap3A_160], %swap3A_163 {strides = array<i32>} : memref<80xi32, #tpu.memory_space<vmem>>, vector<16xi32>,
          %get3A_164 = arith.constant 2 : i32
          %get3A_165 = arith.index_cast %get3A_164 : i32 to index
          %get3A_166 = arith.constant 32 : index
          %get3A_167 = tpu.vector_load %arg8[%get3A_165, %get3A_166] {strides = array<i32>} : memref<3x80xi32, #tpu.memory_space<vmem>>, vector<1x16xi32>,
          %get3A_168 = vector.shape_cast %get3A_167 : vector<1x16xi32> to vector<16xi32>
          %min3A_169 = arith.constant 6272 : i32
          %min3A_170 = vector.broadcast %min3A_169 : i32 to vector<16xi32>
          %min3A_171 = arith.minsi %get3A_168, %min3A_170 : vector<16xi32>
          %swap3A_172 = arith.constant 32 : index
          %swap3A_173 = tpu.vector_load %arg9[%swap3A_172] {strides = array<i32>} : memref<80xi32, #tpu.memory_space<vmem>>, vector<16xi32>,
          %swap3A_174 = vector.shape_cast %swap3A_173 : vector<16xi32> to vector<16xi32>
          %swap3A_175 = vector.shape_cast %min3A_171 : vector<16xi32> to vector<16xi32>
          tpu.vector_store %arg9[%swap3A_172], %swap3A_175 {strides = array<i32>} : memref<80xi32, #tpu.memory_space<vmem>>, vector<16xi32>,
          %get3A_176 = arith.constant 2 : i32
          %get3A_177 = arith.index_cast %get3A_176 : i32 to index
          %get3A_178 = arith.constant 48 : index
          %get3A_179 = tpu.vector_load %arg8[%get3A_177, %get3A_178] {strides = array<i32>} : memref<3x80xi32, #tpu.memory_space<vmem>>, vector<1x16xi32>,
          %get3A_180 = vector.shape_cast %get3A_179 : vector<1x16xi32> to vector<16xi32>
          %min3A_181 = arith.constant 6272 : i32
          %min3A_182 = vector.broadcast %min3A_181 : i32 to vector<16xi32>
          %min3A_183 = arith.minsi %get3A_180, %min3A_182 : vector<16xi32>
          %swap3A_184 = arith.constant 48 : index
          %swap3A_185 = tpu.vector_load %arg9[%swap3A_184] {strides = array<i32>} : memref<80xi32, #tpu.memory_space<vmem>>, vector<16xi32>,
          %swap3A_186 = vector.shape_cast %swap3A_185 : vector<16xi32> to vector<16xi32>
          %swap3A_187 = vector.shape_cast %min3A_183 : vector<16xi32> to vector<16xi32>
          tpu.vector_store %arg9[%swap3A_184], %swap3A_187 {strides = array<i32>} : memref<80xi32, #tpu.memory_space<vmem>>, vector<16xi32>,
          %get3A_188 = arith.constant 2 : i32
          %get3A_189 = arith.index_cast %get3A_188 : i32 to index
          %get3A_190 = arith.constant 64 : index
          %get3A_191 = tpu.vector_load %arg8[%get3A_189, %get3A_190] {strides = array<i32>} : memref<3x80xi32, #tpu.memory_space<vmem>>, vector<1x16xi32>,
          %get3A_192 = vector.shape_cast %get3A_191 : vector<1x16xi32> to vector<16xi32>
          %min3A_193 = arith.constant 6272 : i32
          %min3A_194 = vector.broadcast %min3A_193 : i32 to vector<16xi32>
          %min3A_195 = arith.minsi %get3A_192, %min3A_194 : vector<16xi32>
          %swap3A_196 = arith.constant 64 : index
          %swap3A_197 = tpu.vector_load %arg9[%swap3A_196] {strides = array<i32>} : memref<80xi32, #tpu.memory_space<vmem>>, vector<16xi32>,
          %swap3A_198 = vector.shape_cast %swap3A_197 : vector<16xi32> to vector<16xi32>
          %swap3A_199 = vector.shape_cast %min3A_195 : vector<16xi32> to vector<16xi32>
          tpu.vector_store %arg9[%swap3A_196], %swap3A_199 {strides = array<i32>} : memref<80xi32, #tpu.memory_space<vmem>>, vector<16xi32>,
        } else {
        }
        %eq3A_126 = arith.constant 1 : i32
        %eq3A_127 = arith.cmpi eq, %arg0, %eq3A_126 : i32
        %convert_element_type3A_128 = arith.extui %eq3A_127 : i1 to i32
        %cond3A_129 = arith.constant 0 : i32
        %cond3A_130 = arith.cmpi ne, %convert_element_type3A_128, %cond3A_129 : i32
        scf.if %cond3A_130 {
          %get3A_141 = arith.constant 2 : i32
          %get3A_142 = arith.index_cast %get3A_141 : i32 to index
          %get3A_143 = arith.constant 0 : index
          %get3A_144 = tpu.vector_load %arg8[%get3A_142, %get3A_143] {strides = array<i32>} : memref<3x80xi32, #tpu.memory_space<vmem>>, vector<1x16xi32>,
          %get3A_145 = vector.shape_cast %get3A_144 : vector<1x16xi32> to vector<16xi32>
          %sub3A = arith.constant 6271 : i32
          %sub3A_146 = vector.broadcast %sub3A : i32 to vector<16xi32>
          %sub3A_147 = arith.subi %get3A_145, %sub3A_146 : vector<16xi32>
          %max3A = arith.constant 0 : i32
          %max3A_148 = vector.broadcast %max3A : i32 to vector<16xi32>
          %max3A_149 = arith.maxsi %sub3A_147, %max3A_148 : vector<16xi32>
          %swap3A_150 = arith.constant 0 : index
          %swap3A_151 = tpu.vector_load %arg9[%swap3A_150] {strides = array<i32>} : memref<80xi32, #tpu.memory_space<vmem>>, vector<16xi32>,
          %swap3A_152 = vector.shape_cast %swap3A_151 : vector<16xi32> to vector<16xi32>
          %swap3A_153 = vector.shape_cast %max3A_149 : vector<16xi32> to vector<16xi32>
          tpu.vector_store %arg9[%swap3A_150], %swap3A_153 {strides = array<i32>} : memref<80xi32, #tpu.memory_space<vmem>>, vector<16xi32>,
          %get3A_154 = arith.constant 2 : i32
          %get3A_155 = arith.index_cast %get3A_154 : i32 to index
          %get3A_156 = arith.constant 16 : index
          %get3A_157 = tpu.vector_load %arg8[%get3A_155, %get3A_156] {strides = array<i32>} : memref<3x80xi32, #tpu.memory_space<vmem>>, vector<1x16xi32>,
          %get3A_158 = vector.shape_cast %get3A_157 : vector<1x16xi32> to vector<16xi32>
          %sub3A_159 = arith.constant 6271 : i32
          %sub3A_160 = vector.broadcast %sub3A_159 : i32 to vector<16xi32>
          %sub3A_161 = arith.subi %get3A_158, %sub3A_160 : vector<16xi32>
          %max3A_162 = arith.constant 0 : i32
          %max3A_163 = vector.broadcast %max3A_162 : i32 to vector<16xi32>
          %max3A_164 = arith.maxsi %sub3A_161, %max3A_163 : vector<16xi32>
          %swap3A_165 = arith.constant 16 : index
          %swap3A_166 = tpu.vector_load %arg9[%swap3A_165] {strides = array<i32>} : memref<80xi32, #tpu.memory_space<vmem>>, vector<16xi32>,
          %swap3A_167 = vector.shape_cast %swap3A_166 : vector<16xi32> to vector<16xi32>
          %swap3A_168 = vector.shape_cast %max3A_164 : vector<16xi32> to vector<16xi32>
          tpu.vector_store %arg9[%swap3A_165], %swap3A_168 {strides = array<i32>} : memref<80xi32, #tpu.memory_space<vmem>>, vector<16xi32>,
          %get3A_169 = arith.constant 2 : i32
          %get3A_170 = arith.index_cast %get3A_169 : i32 to index
          %get3A_171 = arith.constant 32 : index
          %get3A_172 = tpu.vector_load %arg8[%get3A_170, %get3A_171] {strides = array<i32>} : memref<3x80xi32, #tpu.memory_space<vmem>>, vector<1x16xi32>,
          %get3A_173 = vector.shape_cast %get3A_172 : vector<1x16xi32> to vector<16xi32>
          %sub3A_174 = arith.constant 6271 : i32
          %sub3A_175 = vector.broadcast %sub3A_174 : i32 to vector<16xi32>
          %sub3A_176 = arith.subi %get3A_173, %sub3A_175 : vector<16xi32>
          %max3A_177 = arith.constant 0 : i32
          %max3A_178 = vector.broadcast %max3A_177 : i32 to vector<16xi32>
          %max3A_179 = arith.maxsi %sub3A_176, %max3A_178 : vector<16xi32>
          %swap3A_180 = arith.constant 32 : index
          %swap3A_181 = tpu.vector_load %arg9[%swap3A_180] {strides = array<i32>} : memref<80xi32, #tpu.memory_space<vmem>>, vector<16xi32>,
          %swap3A_182 = vector.shape_cast %swap3A_181 : vector<16xi32> to vector<16xi32>
          %swap3A_183 = vector.shape_cast %max3A_179 : vector<16xi32> to vector<16xi32>
          tpu.vector_store %arg9[%swap3A_180], %swap3A_183 {strides = array<i32>} : memref<80xi32, #tpu.memory_space<vmem>>, vector<16xi32>,
          %get3A_184 = arith.constant 2 : i32
          %get3A_185 = arith.index_cast %get3A_184 : i32 to index
          %get3A_186 = arith.constant 48 : index
          %get3A_187 = tpu.vector_load %arg8[%get3A_185, %get3A_186] {strides = array<i32>} : memref<3x80xi32, #tpu.memory_space<vmem>>, vector<1x16xi32>,
          %get3A_188 = vector.shape_cast %get3A_187 : vector<1x16xi32> to vector<16xi32>
          %sub3A_189 = arith.constant 6271 : i32
          %sub3A_190 = vector.broadcast %sub3A_189 : i32 to vector<16xi32>
          %sub3A_191 = arith.subi %get3A_188, %sub3A_190 : vector<16xi32>
          %max3A_192 = arith.constant 0 : i32
          %max3A_193 = vector.broadcast %max3A_192 : i32 to vector<16xi32>
          %max3A_194 = arith.maxsi %sub3A_191, %max3A_193 : vector<16xi32>
          %swap3A_195 = arith.constant 48 : index
          %swap3A_196 = tpu.vector_load %arg9[%swap3A_195] {strides = array<i32>} : memref<80xi32, #tpu.memory_space<vmem>>, vector<16xi32>,
          %swap3A_197 = vector.shape_cast %swap3A_196 : vector<16xi32> to vector<16xi32>
          %swap3A_198 = vector.shape_cast %max3A_194 : vector<16xi32> to vector<16xi32>
          tpu.vector_store %arg9[%swap3A_195], %swap3A_198 {strides = array<i32>} : memref<80xi32, #tpu.memory_space<vmem>>, vector<16xi32>,
          %get3A_199 = arith.constant 2 : i32
          %get3A_200 = arith.index_cast %get3A_199 : i32 to index
          %get3A_201 = arith.constant 64 : index
          %get3A_202 = tpu.vector_load %arg8[%get3A_200, %get3A_201] {strides = array<i32>} : memref<3x80xi32, #tpu.memory_space<vmem>>, vector<1x16xi32>,
          %get3A_203 = vector.shape_cast %get3A_202 : vector<1x16xi32> to vector<16xi32>
          %sub3A_204 = arith.constant 6271 : i32
          %sub3A_205 = vector.broadcast %sub3A_204 : i32 to vector<16xi32>
          %sub3A_206 = arith.subi %get3A_203, %sub3A_205 : vector<16xi32>
          %max3A_207 = arith.constant 0 : i32
          %max3A_208 = vector.broadcast %max3A_207 : i32 to vector<16xi32>
          %max3A_209 = arith.maxsi %sub3A_206, %max3A_208 : vector<16xi32>
          %swap3A_210 = arith.constant 64 : index
          %swap3A_211 = tpu.vector_load %arg9[%swap3A_210] {strides = array<i32>} : memref<80xi32, #tpu.memory_space<vmem>>, vector<16xi32>,
          %swap3A_212 = vector.shape_cast %swap3A_211 : vector<16xi32> to vector<16xi32>
          %swap3A_213 = vector.shape_cast %max3A_209 : vector<16xi32> to vector<16xi32>
          tpu.vector_store %arg9[%swap3A_210], %swap3A_213 {strides = array<i32>} : memref<80xi32, #tpu.memory_space<vmem>>, vector<16xi32>,
        } else {
        }
        %dma_wait3A = arith.constant 0 : i32
        %dma_wait3A_131 = arith.constant 0 : i32
        %dma_wait3A_132 = tpu.memref_slice %arg2[%dma_wait3A, %dma_wait3A_131] : memref<50000x128xf32, #tpu.memory_space<hbm>> -> memref<50000x128xf32, #tpu.memory_space<hbm>>
        tpu.wait_indirect_dma semaphore(%arg15 : memref<!tpu.dma_semaphore, #tpu.memory_space<semaphore_mem>>) src(%dma_wait3A_132 : memref<50000x128xf32, #tpu.memory_space<hbm>>) dst(%arg10 : memref<80x128xf32, #tpu.memory_space<vmem>>)
        %dma_wait3A_133 = arith.constant 0 : i32
        %dma_wait3A_134 = arith.constant 0 : i32
        %dma_wait3A_135 = tpu.memref_slice %arg3[%dma_wait3A_133, %dma_wait3A_134] : memref<50000x128xf32, #tpu.memory_space<hbm>> -> memref<50000x128xf32, #tpu.memory_space<hbm>>
        tpu.wait_indirect_dma semaphore(%arg16 : memref<!tpu.dma_semaphore, #tpu.memory_space<semaphore_mem>>) src(%dma_wait3A_135 : memref<50000x128xf32, #tpu.memory_space<hbm>>) dst(%arg11 : memref<80x128xf32, #tpu.memory_space<vmem>>)
        %scan3A_136 = arith.constant 0 : i32
        %scan3A_137 = arith.constant 80 : i32
        %scan3A_138 = arith.addi %scan3A_136, %scan3A_137 : i32
        %scan3A_139 = arith.constant 1 : i32
        scf.for %scan3A_141 = %scan3A_136 to %scan3A_138 step %scan3A_139  : i32 {
          %mul3A_142 = arith.constant 1 : i32
          %mul3A_143 = arith.muli %scan3A_141, %mul3A_142 : i32
          %add3A_144 = arith.constant 0 : i32
          %add3A_145 = arith.addi %add3A_144, %mul3A_143 : i32
          %get3A_146 = arith.index_cast %add3A_145 : i32 to index
          %get3A_147 = arith.constant 0 : index
          %get3A_148 = tpu.vector_load %arg10[%get3A_146, %get3A_147] {strides = array<i32>} : memref<80x128xf32, #tpu.memory_space<vmem>>, vector<1x16xf32>,
          %get3A_149 = vector.shape_cast %get3A_148 : vector<1x16xf32> to vector<16xf32>
          %get3A_150 = arith.index_cast %add3A_145 : i32 to index
          %get3A_151 = arith.constant 0 : index
          %get3A_152 = tpu.vector_load %arg11[%get3A_150, %get3A_151] {strides = array<i32>} : memref<80x128xf32, #tpu.memory_space<vmem>>, vector<1x16xf32>,
          %get3A_153 = vector.shape_cast %get3A_152 : vector<1x16xf32> to vector<16xf32>
          %add3A_154 = arith.addf %get3A_149, %get3A_153 : vector<16xf32>
          %mul3A_155 = arith.constant 1.000000e-01 : f32
          %mul3A_156 = vector.broadcast %mul3A_155 : f32 to vector<16xf32>
          %mul3A_157 = arith.mulf %mul3A_156, %add3A_154 : vector<16xf32>
          %max3A = arith.maximumf %add3A_154, %mul3A_157 : vector<16xf32>
          %swap3A_158 = arith.index_cast %add3A_145 : i32 to index
          %swap3A_159 = arith.constant 0 : index
          %swap3A_160 = tpu.vector_load %arg12[%swap3A_158, %swap3A_159] {strides = array<i32>} : memref<80x128xf32, #tpu.memory_space<vmem>>, vector<1x16xf32>,
          %swap3A_161 = vector.shape_cast %swap3A_160 : vector<1x16xf32> to vector<16xf32>
          %swap3A_162 = vector.shape_cast %max3A : vector<16xf32> to vector<1x16xf32>
          tpu.vector_store %arg12[%swap3A_158, %swap3A_159], %swap3A_162 {strides = array<i32>} : memref<80x128xf32, #tpu.memory_space<vmem>>, vector<1x16xf32>,
          %get3A_163 = arith.index_cast %add3A_145 : i32 to index
          %get3A_164 = arith.constant 16 : index
          %get3A_165 = tpu.vector_load %arg10[%get3A_163, %get3A_164] {strides = array<i32>} : memref<80x128xf32, #tpu.memory_space<vmem>>, vector<1x16xf32>,
          %get3A_166 = vector.shape_cast %get3A_165 : vector<1x16xf32> to vector<16xf32>
          %get3A_167 = arith.index_cast %add3A_145 : i32 to index
          %get3A_168 = arith.constant 16 : index
          %get3A_169 = tpu.vector_load %arg11[%get3A_167, %get3A_168] {strides = array<i32>} : memref<80x128xf32, #tpu.memory_space<vmem>>, vector<1x16xf32>,
          %get3A_170 = vector.shape_cast %get3A_169 : vector<1x16xf32> to vector<16xf32>
          %add3A_171 = arith.addf %get3A_166, %get3A_170 : vector<16xf32>
          %mul3A_172 = arith.constant 1.000000e-01 : f32
          %mul3A_173 = vector.broadcast %mul3A_172 : f32 to vector<16xf32>
          %mul3A_174 = arith.mulf %mul3A_173, %add3A_171 : vector<16xf32>
          %max3A_175 = arith.maximumf %add3A_171, %mul3A_174 : vector<16xf32>
          %swap3A_176 = arith.index_cast %add3A_145 : i32 to index
          %swap3A_177 = arith.constant 16 : index
          %swap3A_178 = tpu.vector_load %arg12[%swap3A_176, %swap3A_177] {strides = array<i32>} : memref<80x128xf32, #tpu.memory_space<vmem>>, vector<1x16xf32>,
          %swap3A_179 = vector.shape_cast %swap3A_178 : vector<1x16xf32> to vector<16xf32>
          %swap3A_180 = vector.shape_cast %max3A_175 : vector<16xf32> to vector<1x16xf32>
          tpu.vector_store %arg12[%swap3A_176, %swap3A_177], %swap3A_180 {strides = array<i32>} : memref<80x128xf32, #tpu.memory_space<vmem>>, vector<1x16xf32>,
          %get3A_181 = arith.index_cast %add3A_145 : i32 to index
          %get3A_182 = arith.constant 32 : index
          %get3A_183 = tpu.vector_load %arg10[%get3A_181, %get3A_182] {strides = array<i32>} : memref<80x128xf32, #tpu.memory_space<vmem>>, vector<1x16xf32>,
          %get3A_184 = vector.shape_cast %get3A_183 : vector<1x16xf32> to vector<16xf32>
          %get3A_185 = arith.index_cast %add3A_145 : i32 to index
          %get3A_186 = arith.constant 32 : index
          %get3A_187 = tpu.vector_load %arg11[%get3A_185, %get3A_186] {strides = array<i32>} : memref<80x128xf32, #tpu.memory_space<vmem>>, vector<1x16xf32>,
          %get3A_188 = vector.shape_cast %get3A_187 : vector<1x16xf32> to vector<16xf32>
          %add3A_189 = arith.addf %get3A_184, %get3A_188 : vector<16xf32>
          %mul3A_190 = arith.constant 1.000000e-01 : f32
          %mul3A_191 = vector.broadcast %mul3A_190 : f32 to vector<16xf32>
          %mul3A_192 = arith.mulf %mul3A_191, %add3A_189 : vector<16xf32>
          %max3A_193 = arith.maximumf %add3A_189, %mul3A_192 : vector<16xf32>
          %swap3A_194 = arith.index_cast %add3A_145 : i32 to index
          %swap3A_195 = arith.constant 32 : index
          %swap3A_196 = tpu.vector_load %arg12[%swap3A_194, %swap3A_195] {strides = array<i32>} : memref<80x128xf32, #tpu.memory_space<vmem>>, vector<1x16xf32>,
          %swap3A_197 = vector.shape_cast %swap3A_196 : vector<1x16xf32> to vector<16xf32>
          %swap3A_198 = vector.shape_cast %max3A_193 : vector<16xf32> to vector<1x16xf32>
          tpu.vector_store %arg12[%swap3A_194, %swap3A_195], %swap3A_198 {strides = array<i32>} : memref<80x128xf32, #tpu.memory_space<vmem>>, vector<1x16xf32>,
          %get3A_199 = arith.index_cast %add3A_145 : i32 to index
          %get3A_200 = arith.constant 48 : index
          %get3A_201 = tpu.vector_load %arg10[%get3A_199, %get3A_200] {strides = array<i32>} : memref<80x128xf32, #tpu.memory_space<vmem>>, vector<1x16xf32>,
          %get3A_202 = vector.shape_cast %get3A_201 : vector<1x16xf32> to vector<16xf32>
          %get3A_203 = arith.index_cast %add3A_145 : i32 to index
          %get3A_204 = arith.constant 48 : index
          %get3A_205 = tpu.vector_load %arg11[%get3A_203, %get3A_204] {strides = array<i32>} : memref<80x128xf32, #tpu.memory_space<vmem>>, vector<1x16xf32>,
          %get3A_206 = vector.shape_cast %get3A_205 : vector<1x16xf32> to vector<16xf32>
          %add3A_207 = arith.addf %get3A_202, %get3A_206 : vector<16xf32>
          %mul3A_208 = arith.constant 1.000000e-01 : f32
          %mul3A_209 = vector.broadcast %mul3A_208 : f32 to vector<16xf32>
          %mul3A_210 = arith.mulf %mul3A_209, %add3A_207 : vector<16xf32>
          %max3A_211 = arith.maximumf %add3A_207, %mul3A_210 : vector<16xf32>
          %swap3A_212 = arith.index_cast %add3A_145 : i32 to index
          %swap3A_213 = arith.constant 48 : index
          %swap3A_214 = tpu.vector_load %arg12[%swap3A_212, %swap3A_213] {strides = array<i32>} : memref<80x128xf32, #tpu.memory_space<vmem>>, vector<1x16xf32>,
          %swap3A_215 = vector.shape_cast %swap3A_214 : vector<1x16xf32> to vector<16xf32>
          %swap3A_216 = vector.shape_cast %max3A_211 : vector<16xf32> to vector<1x16xf32>
          tpu.vector_store %arg12[%swap3A_212, %swap3A_213], %swap3A_216 {strides = array<i32>} : memref<80x128xf32, #tpu.memory_space<vmem>>, vector<1x16xf32>,
          %get3A_217 = arith.index_cast %add3A_145 : i32 to index
          %get3A_218 = arith.constant 64 : index
          %get3A_219 = tpu.vector_load %arg10[%get3A_217, %get3A_218] {strides = array<i32>} : memref<80x128xf32, #tpu.memory_space<vmem>>, vector<1x16xf32>,
          %get3A_220 = vector.shape_cast %get3A_219 : vector<1x16xf32> to vector<16xf32>
          %get3A_221 = arith.index_cast %add3A_145 : i32 to index
          %get3A_222 = arith.constant 64 : index
          %get3A_223 = tpu.vector_load %arg11[%get3A_221, %get3A_222] {strides = array<i32>} : memref<80x128xf32, #tpu.memory_space<vmem>>, vector<1x16xf32>,
          %get3A_224 = vector.shape_cast %get3A_223 : vector<1x16xf32> to vector<16xf32>
          %add3A_225 = arith.addf %get3A_220, %get3A_224 : vector<16xf32>
          %mul3A_226 = arith.constant 1.000000e-01 : f32
          %mul3A_227 = vector.broadcast %mul3A_226 : f32 to vector<16xf32>
          %mul3A_228 = arith.mulf %mul3A_227, %add3A_225 : vector<16xf32>
          %max3A_229 = arith.maximumf %add3A_225, %mul3A_228 : vector<16xf32>
          %swap3A_230 = arith.index_cast %add3A_145 : i32 to index
          %swap3A_231 = arith.constant 64 : index
          %swap3A_232 = tpu.vector_load %arg12[%swap3A_230, %swap3A_231] {strides = array<i32>} : memref<80x128xf32, #tpu.memory_space<vmem>>, vector<1x16xf32>,
          %swap3A_233 = vector.shape_cast %swap3A_232 : vector<1x16xf32> to vector<16xf32>
          %swap3A_234 = vector.shape_cast %max3A_229 : vector<16xf32> to vector<1x16xf32>
          tpu.vector_store %arg12[%swap3A_230, %swap3A_231], %swap3A_234 {strides = array<i32>} : memref<80x128xf32, #tpu.memory_space<vmem>>, vector<1x16xf32>,
          %get3A_235 = arith.index_cast %add3A_145 : i32 to index
          %get3A_236 = arith.constant 80 : index
          %get3A_237 = tpu.vector_load %arg10[%get3A_235, %get3A_236] {strides = array<i32>} : memref<80x128xf32, #tpu.memory_space<vmem>>, vector<1x16xf32>,
          %get3A_238 = vector.shape_cast %get3A_237 : vector<1x16xf32> to vector<16xf32>
          %get3A_239 = arith.index_cast %add3A_145 : i32 to index
          %get3A_240 = arith.constant 80 : index
          %get3A_241 = tpu.vector_load %arg11[%get3A_239, %get3A_240] {strides = array<i32>} : memref<80x128xf32, #tpu.memory_space<vmem>>, vector<1x16xf32>,
          %get3A_242 = vector.shape_cast %get3A_241 : vector<1x16xf32> to vector<16xf32>
          %add3A_243 = arith.addf %get3A_238, %get3A_242 : vector<16xf32>
          %mul3A_244 = arith.constant 1.000000e-01 : f32
          %mul3A_245 = vector.broadcast %mul3A_244 : f32 to vector<16xf32>
          %mul3A_246 = arith.mulf %mul3A_245, %add3A_243 : vector<16xf32>
          %max3A_247 = arith.maximumf %add3A_243, %mul3A_246 : vector<16xf32>
          %swap3A_248 = arith.index_cast %add3A_145 : i32 to index
          %swap3A_249 = arith.constant 80 : index
          %swap3A_250 = tpu.vector_load %arg12[%swap3A_248, %swap3A_249] {strides = array<i32>} : memref<80x128xf32, #tpu.memory_space<vmem>>, vector<1x16xf32>,
          %swap3A_251 = vector.shape_cast %swap3A_250 : vector<1x16xf32> to vector<16xf32>
          %swap3A_252 = vector.shape_cast %max3A_247 : vector<16xf32> to vector<1x16xf32>
          tpu.vector_store %arg12[%swap3A_248, %swap3A_249], %swap3A_252 {strides = array<i32>} : memref<80x128xf32, #tpu.memory_space<vmem>>, vector<1x16xf32>,
          %get3A_253 = arith.index_cast %add3A_145 : i32 to index
          %get3A_254 = arith.constant 96 : index
          %get3A_255 = tpu.vector_load %arg10[%get3A_253, %get3A_254] {strides = array<i32>} : memref<80x128xf32, #tpu.memory_space<vmem>>, vector<1x16xf32>,
          %get3A_256 = vector.shape_cast %get3A_255 : vector<1x16xf32> to vector<16xf32>
          %get3A_257 = arith.index_cast %add3A_145 : i32 to index
          %get3A_258 = arith.constant 96 : index
          %get3A_259 = tpu.vector_load %arg11[%get3A_257, %get3A_258] {strides = array<i32>} : memref<80x128xf32, #tpu.memory_space<vmem>>, vector<1x16xf32>,
          %get3A_260 = vector.shape_cast %get3A_259 : vector<1x16xf32> to vector<16xf32>
          %add3A_261 = arith.addf %get3A_256, %get3A_260 : vector<16xf32>
          %mul3A_262 = arith.constant 1.000000e-01 : f32
          %mul3A_263 = vector.broadcast %mul3A_262 : f32 to vector<16xf32>
          %mul3A_264 = arith.mulf %mul3A_263, %add3A_261 : vector<16xf32>
          %max3A_265 = arith.maximumf %add3A_261, %mul3A_264 : vector<16xf32>
          %swap3A_266 = arith.index_cast %add3A_145 : i32 to index
          %swap3A_267 = arith.constant 96 : index
          %swap3A_268 = tpu.vector_load %arg12[%swap3A_266, %swap3A_267] {strides = array<i32>} : memref<80x128xf32, #tpu.memory_space<vmem>>, vector<1x16xf32>,
          %swap3A_269 = vector.shape_cast %swap3A_268 : vector<1x16xf32> to vector<16xf32>
          %swap3A_270 = vector.shape_cast %max3A_265 : vector<16xf32> to vector<1x16xf32>
          tpu.vector_store %arg12[%swap3A_266, %swap3A_267], %swap3A_270 {strides = array<i32>} : memref<80x128xf32, #tpu.memory_space<vmem>>, vector<1x16xf32>,
          %get3A_271 = arith.index_cast %add3A_145 : i32 to index
          %get3A_272 = arith.constant 112 : index
          %get3A_273 = tpu.vector_load %arg10[%get3A_271, %get3A_272] {strides = array<i32>} : memref<80x128xf32, #tpu.memory_space<vmem>>, vector<1x16xf32>,
          %get3A_274 = vector.shape_cast %get3A_273 : vector<1x16xf32> to vector<16xf32>
          %get3A_275 = arith.index_cast %add3A_145 : i32 to index
          %get3A_276 = arith.constant 112 : index
          %get3A_277 = tpu.vector_load %arg11[%get3A_275, %get3A_276] {strides = array<i32>} : memref<80x128xf32, #tpu.memory_space<vmem>>, vector<1x16xf32>,
          %get3A_278 = vector.shape_cast %get3A_277 : vector<1x16xf32> to vector<16xf32>
          %add3A_279 = arith.addf %get3A_274, %get3A_278 : vector<16xf32>
          %mul3A_280 = arith.constant 1.000000e-01 : f32
          %mul3A_281 = vector.broadcast %mul3A_280 : f32 to vector<16xf32>
          %mul3A_282 = arith.mulf %mul3A_281, %add3A_279 : vector<16xf32>
          %max3A_283 = arith.maximumf %add3A_279, %mul3A_282 : vector<16xf32>
          %swap3A_284 = arith.index_cast %add3A_145 : i32 to index
          %swap3A_285 = arith.constant 112 : index
          %swap3A_286 = tpu.vector_load %arg12[%swap3A_284, %swap3A_285] {strides = array<i32>} : memref<80x128xf32, #tpu.memory_space<vmem>>, vector<1x16xf32>,
          %swap3A_287 = vector.shape_cast %swap3A_286 : vector<1x16xf32> to vector<16xf32>
          %swap3A_288 = vector.shape_cast %max3A_283 : vector<16xf32> to vector<1x16xf32>
          tpu.vector_store %arg12[%swap3A_284, %swap3A_285], %swap3A_288 {strides = array<i32>} : memref<80x128xf32, #tpu.memory_space<vmem>>, vector<1x16xf32>,
        }
        %scan3A_140 = arith.constant 80 : i32
        "tpu.region"() ({
          %run_scoped3A = tpu.sem_alloc : memref<!tpu.dma_semaphore, #tpu.memory_space<semaphore_mem>>
          %dma_start3A_141 = arith.constant 0 : i32
          %dma_start3A_142 = arith.constant 0 : i32
          %dma_start3A_143 = tpu.memref_slice %arg14[%dma_start3A_141, %dma_start3A_142] : memref<6400x128xf32, #tpu.memory_space<vmem_shared>> -> memref<6400x128xf32, #tpu.memory_space<vmem_shared>>
          tpu.enqueue_indirect_dma source(%arg12 : memref<80x128xf32, #tpu.memory_space<vmem>>) target(%dma_start3A_143 : memref<6400x128xf32, #tpu.memory_space<vmem_shared>>) offsets(%arg9 : memref<80xi32, #tpu.memory_space<vmem>>) semaphore(%run_scoped3A : memref<!tpu.dma_semaphore, #tpu.memory_space<semaphore_mem>>) {add = true}
          %dma_wait3A_144 = arith.constant 0 : i32
          %dma_wait3A_145 = arith.constant 0 : i32
          %dma_wait3A_146 = tpu.memref_slice %arg14[%dma_wait3A_144, %dma_wait3A_145] : memref<6400x128xf32, #tpu.memory_space<vmem_shared>> -> memref<6400x128xf32, #tpu.memory_space<vmem_shared>>
          tpu.wait_indirect_dma semaphore(%run_scoped3A : memref<!tpu.dma_semaphore, #tpu.memory_space<semaphore_mem>>) src(%arg12 : memref<80x128xf32, #tpu.memory_space<vmem>>) dst(%dma_wait3A_146 : memref<6400x128xf32, #tpu.memory_space<vmem_shared>>)
          tpu.yield
        }) : () -> ()
      } else {
      }
    }
    %scan3A_13 = arith.constant 79 : i32
    %barrier3A_14 = arith.constant 0 : index
    tpu.barrier barrier_id(%barrier3A_14)
    %mul3A = arith.constant 400 : i32
    %mul3A_15 = arith.muli %arg1, %mul3A : i32
    %mul3A_16 = arith.constant 400 : i32
    %mul3A_17 = arith.muli %arg1, %mul3A_16 : i32
    "tpu.region"() ({
      %run_scoped3A = tpu.sem_alloc : memref<!tpu.dma_semaphore, #tpu.memory_space<semaphore_mem>>
      %dma_start3A = arith.constant 0 : i32
      %dma_start3A_18 = tpu.memref_slice %arg5[%arg0, %mul3A_17, %dma_start3A] : memref<2x6400x128xf32, #tpu.memory_space<hbm>> -> memref<1x400x128xf32, #tpu.memory_space<hbm>>
      %dma_start3A_19 = tpu.memref_squeeze %dma_start3A_18 : memref<1x400x128xf32, #tpu.memory_space<hbm>> -> memref<400x128xf32, #tpu.memory_space<hbm>>
      %dma_start3A_20 = arith.constant 0 : i32
      %dma_start3A_21 = tpu.memref_slice %arg14[%mul3A_15, %dma_start3A_20] : memref<6400x128xf32, #tpu.memory_space<vmem_shared>> -> memref<400x128xf32, #tpu.memory_space<vmem_shared>>
      tpu.enqueue_dma source(%dma_start3A_21 : memref<400x128xf32, #tpu.memory_space<vmem_shared>>) target(%dma_start3A_19 : memref<400x128xf32, #tpu.memory_space<hbm>>) target_semaphore(%run_scoped3A : memref<!tpu.dma_semaphore, #tpu.memory_space<semaphore_mem>>)
      %dma_wait3A = arith.constant 0 : i32
      %dma_wait3A_22 = tpu.memref_slice %arg5[%arg0, %mul3A_17, %dma_wait3A] : memref<2x6400x128xf32, #tpu.memory_space<hbm>> -> memref<1x400x128xf32, #tpu.memory_space<hbm>>
      %dma_wait3A_23 = tpu.memref_squeeze %dma_wait3A_22 : memref<1x400x128xf32, #tpu.memory_space<hbm>> -> memref<400x128xf32, #tpu.memory_space<hbm>>
      %dma_wait3A_24 = arith.constant 0 : i32
      %dma_wait3A_25 = tpu.memref_slice %arg14[%mul3A_15, %dma_wait3A_24] : memref<6400x128xf32, #tpu.memory_space<vmem_shared>> -> memref<400x128xf32, #tpu.memory_space<vmem_shared>>
      tpu.wait_dma2 semaphore(%run_scoped3A : memref<!tpu.dma_semaphore, #tpu.memory_space<semaphore_mem>>) src(%dma_wait3A_25 : memref<400x128xf32, #tpu.memory_space<vmem_shared>>) dst(%dma_wait3A_23 : memref<400x128xf32, #tpu.memory_space<hbm>>)
      tpu.yield
    }) : () -> ()
    return
  }
}

#map = affine_map<(d0, d1) -> (0, 0)>
#map1 = affine_map<(d0, d1) -> (0)>
module attributes {stable_mosaic.version = 14 : i64} {
  func.func @_sc_fgather(%arg0: i32, %arg1: i32, %arg2: memref<12500x128xf32, #tpu.memory_space<hbm>>, %arg3: memref<100000xi32, #tpu.memory_space<hbm>>, %arg4: memref<100000x128xf32, #tpu.memory_space<hbm>>, %arg5: memref<80xi32, #tpu.memory_space<vmem>>, %arg6: memref<80x128xf32, #tpu.memory_space<vmem>>, %arg7: memref<!tpu.dma_semaphore, #tpu.memory_space<semaphore_mem>>) attributes {dimension_semantics = [#tpu.dimension_semantics<core_parallel>, #tpu.dimension_semantics<subcore_parallel>], iteration_bounds = array<i64: 2, 16>, scalar_prefetch = 0 : i64, scratch_operands = 3 : i64, tpu.core_type = #tpu.core_type<sc_vector_subcore>, window_params = [{transform_indices = #map}, {transform_indices = #map1}, {transform_indices = #map}]} {
    %mul3A = arith.constant 2 : i32
    %mul3A_0 = arith.muli %arg1, %mul3A : i32
    %add3A = arith.addi %mul3A_0, %arg0 : i32
    %scan3A = arith.constant 0 : i32
    %scan3A_1 = arith.constant 40 : i32
    %scan3A_2 = arith.addi %scan3A, %scan3A_1 : i32
    %scan3A_3 = arith.constant 1 : i32
    scf.for %scan3A_5 = %scan3A to %scan3A_2 step %scan3A_3  : i32 {
      %mul3A_6 = arith.constant 1 : i32
      %mul3A_7 = arith.muli %scan3A_5, %mul3A_6 : i32
      %add3A_8 = arith.constant 0 : i32
      %add3A_9 = arith.addi %add3A_8, %mul3A_7 : i32
      %mul3A_10 = arith.constant 32 : i32
      %mul3A_11 = arith.muli %add3A_9, %mul3A_10 : i32
      %add3A_12 = arith.addi %add3A, %mul3A_11 : i32
      %lt3A = arith.constant 1250 : i32
      %lt3A_13 = arith.cmpi slt, %add3A_12, %lt3A : i32
      %convert_element_type3A = arith.extui %lt3A_13 : i1 to i32
      %cond3A = arith.constant 0 : i32
      %cond3A_14 = arith.cmpi ne, %convert_element_type3A, %cond3A : i32
      scf.if %cond3A_14 {
        %mul3A_15 = arith.constant 80 : i32
        %mul3A_16 = arith.muli %add3A_12, %mul3A_15 : i32
        "tpu.region"() ({
          %run_scoped3A = tpu.sem_alloc : memref<!tpu.dma_semaphore, #tpu.memory_space<semaphore_mem>>
          %dma_start3A_21 = tpu.memref_slice %arg3[%mul3A_16] : memref<100000xi32, #tpu.memory_space<hbm>> -> memref<80xi32, #tpu.memory_space<hbm>>
          %dma_start3A_22 = tpu.memref_slice %arg3[%mul3A_16] : memref<100000xi32, #tpu.memory_space<hbm>> -> memref<80xi32, #tpu.memory_space<hbm>>
          tpu.enqueue_dma source(%dma_start3A_22 : memref<80xi32, #tpu.memory_space<hbm>>) target(%arg5 : memref<80xi32, #tpu.memory_space<vmem>>) target_semaphore(%run_scoped3A : memref<!tpu.dma_semaphore, #tpu.memory_space<semaphore_mem>>)
          %dma_wait3A_23 = tpu.memref_slice %arg3[%mul3A_16] : memref<100000xi32, #tpu.memory_space<hbm>> -> memref<80xi32, #tpu.memory_space<hbm>>
          %dma_wait3A_24 = tpu.memref_slice %arg3[%mul3A_16] : memref<100000xi32, #tpu.memory_space<hbm>> -> memref<80xi32, #tpu.memory_space<hbm>>
          tpu.wait_dma2 semaphore(%run_scoped3A : memref<!tpu.dma_semaphore, #tpu.memory_space<semaphore_mem>>) src(%dma_wait3A_24 : memref<80xi32, #tpu.memory_space<hbm>>) dst(%arg5 : memref<80xi32, #tpu.memory_space<vmem>>)
          tpu.yield
        }) : () -> ()
        %dma_start3A = arith.constant 0 : i32
        %dma_start3A_17 = arith.constant 0 : i32
        %dma_start3A_18 = tpu.memref_slice %arg2[%dma_start3A, %dma_start3A_17] : memref<12500x128xf32, #tpu.memory_space<hbm>> -> memref<12500x128xf32, #tpu.memory_space<hbm>>
        tpu.enqueue_indirect_dma source(%dma_start3A_18 : memref<12500x128xf32, #tpu.memory_space<hbm>>) target(%arg6 : memref<80x128xf32, #tpu.memory_space<vmem>>) offsets(%arg5 : memref<80xi32, #tpu.memory_space<vmem>>) semaphore(%arg7 : memref<!tpu.dma_semaphore, #tpu.memory_space<semaphore_mem>>)
        %dma_wait3A = arith.constant 0 : i32
        %dma_wait3A_19 = arith.constant 0 : i32
        %dma_wait3A_20 = tpu.memref_slice %arg2[%dma_wait3A, %dma_wait3A_19] : memref<12500x128xf32, #tpu.memory_space<hbm>> -> memref<12500x128xf32, #tpu.memory_space<hbm>>
        tpu.wait_indirect_dma semaphore(%arg7 : memref<!tpu.dma_semaphore, #tpu.memory_space<semaphore_mem>>) src(%dma_wait3A_20 : memref<12500x128xf32, #tpu.memory_space<hbm>>) dst(%arg6 : memref<80x128xf32, #tpu.memory_space<vmem>>)
        "tpu.region"() ({
          %run_scoped3A = tpu.sem_alloc : memref<!tpu.dma_semaphore, #tpu.memory_space<semaphore_mem>>
          %dma_start3A_21 = arith.constant 0 : i32
          %dma_start3A_22 = tpu.memref_slice %arg4[%mul3A_16, %dma_start3A_21] : memref<100000x128xf32, #tpu.memory_space<hbm>> -> memref<80x128xf32, #tpu.memory_space<hbm>>
          %dma_start3A_23 = arith.constant 0 : i32
          %dma_start3A_24 = tpu.memref_slice %arg4[%mul3A_16, %dma_start3A_23] : memref<100000x128xf32, #tpu.memory_space<hbm>> -> memref<80x128xf32, #tpu.memory_space<hbm>>
          tpu.enqueue_dma source(%arg6 : memref<80x128xf32, #tpu.memory_space<vmem>>) target(%dma_start3A_24 : memref<80x128xf32, #tpu.memory_space<hbm>>) target_semaphore(%run_scoped3A : memref<!tpu.dma_semaphore, #tpu.memory_space<semaphore_mem>>)
          %dma_wait3A_25 = arith.constant 0 : i32
          %dma_wait3A_26 = tpu.memref_slice %arg4[%mul3A_16, %dma_wait3A_25] : memref<100000x128xf32, #tpu.memory_space<hbm>> -> memref<80x128xf32, #tpu.memory_space<hbm>>
          %dma_wait3A_27 = arith.constant 0 : i32
          %dma_wait3A_28 = tpu.memref_slice %arg4[%mul3A_16, %dma_wait3A_27] : memref<100000x128xf32, #tpu.memory_space<hbm>> -> memref<80x128xf32, #tpu.memory_space<hbm>>
          tpu.wait_dma2 semaphore(%run_scoped3A : memref<!tpu.dma_semaphore, #tpu.memory_space<semaphore_mem>>) src(%arg6 : memref<80x128xf32, #tpu.memory_space<vmem>>) dst(%dma_wait3A_28 : memref<80x128xf32, #tpu.memory_space<hbm>>)
          tpu.yield
        }) : () -> ()
      } else {
      }
    }
    %scan3A_4 = arith.constant 40 : i32
    return
  }
}

module attributes {stable_mosaic.version = 14 : i64} {
  func.func @_rank_body(%arg0: memref<2x4096x128xi32, #tpu.memory_space<vmem>>, %arg1: memref<4096x128xi32, #tpu.memory_space<vmem>>, %arg2: memref<1x1xi32, #tpu.memory_space<vmem>>) attributes {dimension_semantics = [], scalar_prefetch = 0 : i64, scratch_operands = 0 : i64, tpu.core_type = #tpu.core_type<tc>} {
    %get3A = arith.constant 0 : index
    %get3A_0 = arith.constant 0 : index
    %get3A_1 = arith.constant 0 : index
    %get3A_2 = vector.load %arg0[%get3A, %get3A_0, %get3A_1] : memref<2x4096x128xi32, #tpu.memory_space<vmem>>, vector<1x4096x128xi32>
    %get3A_3 = vector.shape_cast %get3A_2 : vector<1x4096x128xi32> to vector<4096x128xi32>
    %get3A_4 = arith.constant 1 : index
    %get3A_5 = arith.constant 0 : index
    %get3A_6 = arith.constant 0 : index
    %get3A_7 = vector.load %arg0[%get3A_4, %get3A_5, %get3A_6] : memref<2x4096x128xi32, #tpu.memory_space<vmem>>, vector<1x4096x128xi32>
    %get3A_8 = vector.shape_cast %get3A_7 : vector<1x4096x128xi32> to vector<4096x128xi32>
    %add3A = arith.addi %get3A_3, %get3A_8 : vector<4096x128xi32>
    %min3A = arith.constant 1 : i32
    %min3A_9 = vector.broadcast %min3A : i32 to vector<4096x128xi32>
    %min3A_10 = arith.minsi %add3A, %min3A_9 : vector<4096x128xi32>
    %convert_element_type3A = arith.sitofp %min3A_10 : vector<4096x128xi32> to vector<4096x128xf32>
    %iota3A = tpu.iota {dimensions = array<i32: 0>} : vector<128x128xi32>
    %iota3A_11 = tpu.iota {dimensions = array<i32: 1>} : vector<128x128xi32>
    %lt3A = arith.cmpi slt, %iota3A, %iota3A_11 : vector<128x128xi32>
    %convert_element_type3A_12 = arith.extui %lt3A : vector<128x128xi1> to vector<128x128xi32>
    %convert_element_type3A_13 = arith.sitofp %convert_element_type3A_12 : vector<128x128xi32> to vector<128x128xf32>
    %broadcast_in_dim3A = arith.constant 1.000000e+00 : f32
    %broadcast_in_dim3A_14 = vector.broadcast %broadcast_in_dim3A : f32 to vector<128x128xf32>
    %dot_general3A = arith.constant dense<0.000000e+00> : vector<4096x128xf32>
    %dot_general3A_15 = tpu.matmul %convert_element_type3A, %convert_element_type3A_13, %dot_general3A {dimension_numbers = #tpu.dot_dimension_numbers<[1], [0], [0], [1], [0, 0, 1, 1], [], []>, transpose_lhs_hint = false} : vector<4096x128xf32>, vector<128x128xf32>, vector<4096x128xf32> -> vector<4096x128xf32>
    %dot_general3A_16 = arith.constant dense<0.000000e+00> : vector<4096x128xf32>
    %dot_general3A_17 = tpu.matmul %convert_element_type3A, %broadcast_in_dim3A_14, %dot_general3A_16 {dimension_numbers = #tpu.dot_dimension_numbers<[1], [0], [0], [1], [0, 0, 1, 1], [], []>, transpose_lhs_hint = false} : vector<4096x128xf32>, vector<128x128xf32>, vector<4096x128xf32> -> vector<4096x128xf32>
    %broadcast_in_dim3A_18 = arith.constant 0.000000e+00 : f32
    %broadcast_in_dim3A_19 = vector.broadcast %broadcast_in_dim3A_18 : f32 to vector<1x128xf32>
    %slice3A = vector.extract_strided_slice %dot_general3A_17 {offsets = [0, 0], sizes = [4095, 128], strides = [1, 1]} : vector<4096x128xf32> to vector<4095x128xf32>
    %concatenate3A = tpu.concatenate %broadcast_in_dim3A_19, %slice3A in 0 : vector<1x128xf32>, vector<4095x128xf32> -> vector<4096x128xf32>
    %add3A_20 = arith.addf %dot_general3A_17, %concatenate3A : vector<4096x128xf32>
    %broadcast_in_dim3A_21 = arith.constant 0.000000e+00 : f32
    %broadcast_in_dim3A_22 = vector.broadcast %broadcast_in_dim3A_21 : f32 to vector<2x128xf32>
    %slice3A_23 = vector.extract_strided_slice %add3A_20 {offsets = [0, 0], sizes = [4094, 128], strides = [1, 1]} : vector<4096x128xf32> to vector<4094x128xf32>
    %concatenate3A_24 = tpu.concatenate %broadcast_in_dim3A_22, %slice3A_23 in 0 : vector<2x128xf32>, vector<4094x128xf32> -> vector<4096x128xf32>
    %add3A_25 = arith.addf %add3A_20, %concatenate3A_24 : vector<4096x128xf32>
    %broadcast_in_dim3A_26 = arith.constant 0.000000e+00 : f32
    %broadcast_in_dim3A_27 = vector.broadcast %broadcast_in_dim3A_26 : f32 to vector<4x128xf32>
    %slice3A_28 = vector.extract_strided_slice %add3A_25 {offsets = [0, 0], sizes = [4092, 128], strides = [1, 1]} : vector<4096x128xf32> to vector<4092x128xf32>
    %concatenate3A_29 = tpu.concatenate %broadcast_in_dim3A_27, %slice3A_28 in 0 : vector<4x128xf32>, vector<4092x128xf32> -> vector<4096x128xf32>
    %add3A_30 = arith.addf %add3A_25, %concatenate3A_29 : vector<4096x128xf32>
    %broadcast_in_dim3A_31 = arith.constant 0.000000e+00 : f32
    %broadcast_in_dim3A_32 = vector.broadcast %broadcast_in_dim3A_31 : f32 to vector<8x128xf32>
    %slice3A_33 = vector.extract_strided_slice %add3A_30 {offsets = [0, 0], sizes = [4088, 128], strides = [1, 1]} : vector<4096x128xf32> to vector<4088x128xf32>
    %concatenate3A_34 = tpu.concatenate %broadcast_in_dim3A_32, %slice3A_33 in 0 : vector<8x128xf32>, vector<4088x128xf32> -> vector<4096x128xf32>
    %add3A_35 = arith.addf %add3A_30, %concatenate3A_34 : vector<4096x128xf32>
    %broadcast_in_dim3A_36 = arith.constant 0.000000e+00 : f32
    %broadcast_in_dim3A_37 = vector.broadcast %broadcast_in_dim3A_36 : f32 to vector<16x128xf32>
    %slice3A_38 = vector.extract_strided_slice %add3A_35 {offsets = [0, 0], sizes = [4080, 128], strides = [1, 1]} : vector<4096x128xf32> to vector<4080x128xf32>
    %concatenate3A_39 = tpu.concatenate %broadcast_in_dim3A_37, %slice3A_38 in 0 : vector<16x128xf32>, vector<4080x128xf32> -> vector<4096x128xf32>
    %add3A_40 = arith.addf %add3A_35, %concatenate3A_39 : vector<4096x128xf32>
    %broadcast_in_dim3A_41 = arith.constant 0.000000e+00 : f32
    %broadcast_in_dim3A_42 = vector.broadcast %broadcast_in_dim3A_41 : f32 to vector<32x128xf32>
    %slice3A_43 = vector.extract_strided_slice %add3A_40 {offsets = [0, 0], sizes = [4064, 128], strides = [1, 1]} : vector<4096x128xf32> to vector<4064x128xf32>
    %concatenate3A_44 = tpu.concatenate %broadcast_in_dim3A_42, %slice3A_43 in 0 : vector<32x128xf32>, vector<4064x128xf32> -> vector<4096x128xf32>
    %add3A_45 = arith.addf %add3A_40, %concatenate3A_44 : vector<4096x128xf32>
    %broadcast_in_dim3A_46 = arith.constant 0.000000e+00 : f32
    %broadcast_in_dim3A_47 = vector.broadcast %broadcast_in_dim3A_46 : f32 to vector<64x128xf32>
    %slice3A_48 = vector.extract_strided_slice %add3A_45 {offsets = [0, 0], sizes = [4032, 128], strides = [1, 1]} : vector<4096x128xf32> to vector<4032x128xf32>
    %concatenate3A_49 = tpu.concatenate %broadcast_in_dim3A_47, %slice3A_48 in 0 : vector<64x128xf32>, vector<4032x128xf32> -> vector<4096x128xf32>
    %add3A_50 = arith.addf %add3A_45, %concatenate3A_49 : vector<4096x128xf32>
    %broadcast_in_dim3A_51 = arith.constant 0.000000e+00 : f32
    %broadcast_in_dim3A_52 = vector.broadcast %broadcast_in_dim3A_51 : f32 to vector<128x128xf32>
    %slice3A_53 = vector.extract_strided_slice %add3A_50 {offsets = [0, 0], sizes = [3968, 128], strides = [1, 1]} : vector<4096x128xf32> to vector<3968x128xf32>
    %concatenate3A_54 = tpu.concatenate %broadcast_in_dim3A_52, %slice3A_53 in 0 : vector<128x128xf32>, vector<3968x128xf32> -> vector<4096x128xf32>
    %add3A_55 = arith.addf %add3A_50, %concatenate3A_54 : vector<4096x128xf32>
    %broadcast_in_dim3A_56 = arith.constant 0.000000e+00 : f32
    %broadcast_in_dim3A_57 = vector.broadcast %broadcast_in_dim3A_56 : f32 to vector<256x128xf32>
    %slice3A_58 = vector.extract_strided_slice %add3A_55 {offsets = [0, 0], sizes = [3840, 128], strides = [1, 1]} : vector<4096x128xf32> to vector<3840x128xf32>
    %concatenate3A_59 = tpu.concatenate %broadcast_in_dim3A_57, %slice3A_58 in 0 : vector<256x128xf32>, vector<3840x128xf32> -> vector<4096x128xf32>
    %add3A_60 = arith.addf %add3A_55, %concatenate3A_59 : vector<4096x128xf32>
    %broadcast_in_dim3A_61 = arith.constant 0.000000e+00 : f32
    %broadcast_in_dim3A_62 = vector.broadcast %broadcast_in_dim3A_61 : f32 to vector<512x128xf32>
    %slice3A_63 = vector.extract_strided_slice %add3A_60 {offsets = [0, 0], sizes = [3584, 128], strides = [1, 1]} : vector<4096x128xf32> to vector<3584x128xf32>
    %concatenate3A_64 = tpu.concatenate %broadcast_in_dim3A_62, %slice3A_63 in 0 : vector<512x128xf32>, vector<3584x128xf32> -> vector<4096x128xf32>
    %add3A_65 = arith.addf %add3A_60, %concatenate3A_64 : vector<4096x128xf32>
    %broadcast_in_dim3A_66 = arith.constant 0.000000e+00 : f32
    %broadcast_in_dim3A_67 = vector.broadcast %broadcast_in_dim3A_66 : f32 to vector<1024x128xf32>
    %slice3A_68 = vector.extract_strided_slice %add3A_65 {offsets = [0, 0], sizes = [3072, 128], strides = [1, 1]} : vector<4096x128xf32> to vector<3072x128xf32>
    %concatenate3A_69 = tpu.concatenate %broadcast_in_dim3A_67, %slice3A_68 in 0 : vector<1024x128xf32>, vector<3072x128xf32> -> vector<4096x128xf32>
    %add3A_70 = arith.addf %add3A_65, %concatenate3A_69 : vector<4096x128xf32>
    %broadcast_in_dim3A_71 = arith.constant 0.000000e+00 : f32
    %broadcast_in_dim3A_72 = vector.broadcast %broadcast_in_dim3A_71 : f32 to vector<2048x128xf32>
    %slice3A_73 = vector.extract_strided_slice %add3A_70 {offsets = [0, 0], sizes = [2048, 128], strides = [1, 1]} : vector<4096x128xf32> to vector<2048x128xf32>
    %concatenate3A_74 = tpu.concatenate %broadcast_in_dim3A_72, %slice3A_73 in 0 : vector<2048x128xf32>, vector<2048x128xf32> -> vector<4096x128xf32>
    %add3A_75 = arith.addf %add3A_70, %concatenate3A_74 : vector<4096x128xf32>
    %sub3A = arith.subf %add3A_75, %dot_general3A_17 : vector<4096x128xf32>
    %add3A_76 = arith.addf %dot_general3A_15, %sub3A : vector<4096x128xf32>
    %convert_element_type3A_77 = arith.fptosi %add3A_76 : vector<4096x128xf32> to vector<4096x128xi32>
    %swap3A = arith.constant 0 : index
    %swap3A_78 = arith.constant 0 : index
    %swap3A_79 = vector.load %arg1[%swap3A, %swap3A_78] : memref<4096x128xi32, #tpu.memory_space<vmem>>, vector<4096x128xi32>
    tpu.vector_store %arg1[%swap3A, %swap3A_78], %convert_element_type3A_77 {strides = array<i32>} : memref<4096x128xi32, #tpu.memory_space<vmem>>, vector<4096x128xi32>,
    %slice3A_80 = vector.extract_strided_slice %add3A_75 {offsets = [4095, 0], sizes = [1, 1], strides = [1, 1]} : vector<4096x128xf32> to vector<1x1xf32>
    %convert_element_type3A_81 = arith.fptosi %slice3A_80 : vector<1x1xf32> to vector<1x1xi32>
    %swap3A_82 = arith.constant 0 : index
    %swap3A_83 = arith.constant 0 : index
    %swap3A_84 = vector.load %arg2[%swap3A_82, %swap3A_83] : memref<1x1xi32, #tpu.memory_space<vmem>>, vector<1x1xi32>
    tpu.vector_store %arg2[%swap3A_82, %swap3A_83], %convert_element_type3A_81 {strides = array<i32>} : memref<1x1xi32, #tpu.memory_space<vmem>>, vector<1x1xi32>,
    return
  }
}

module attributes {stable_mosaic.version = 14 : i64} {
  func.func @_mm_body(%arg0: i32, %arg1: memref<1000x128xf32, #tpu.memory_space<vmem>>, %arg2: memref<128x128xf32, #tpu.memory_space<vmem>>, %arg3: memref<1x128xf32, #tpu.memory_space<vmem>>, %arg4: memref<1000x128xf32, #tpu.memory_space<vmem>>, %arg5: memref<2x128xf32, #tpu.memory_space<vmem>>, %arg6: memref<2x128xf32, #tpu.memory_space<vmem>>) attributes {dimension_semantics = [#tpu.dimension_semantics<arbitrary>], iteration_bounds = array<i64: 50>, scalar_prefetch = 0 : i64, scratch_operands = 1 : i64, tpu.core_type = #tpu.core_type<tc>, window_params = [{transform_indices = @transform_0, window_bounds = array<i64: 1000, 128>}, {pipeline_mode = #tpu.pipeline_mode<synchronous>, transform_indices = @transform_1, window_bounds = array<i64: 128, 128>}, {pipeline_mode = #tpu.pipeline_mode<synchronous>, transform_indices = @transform_2, window_bounds = array<i64: 1, 128>}, {transform_indices = @transform_3, window_bounds = array<i64: 1000, 128>}, {pipeline_mode = #tpu.pipeline_mode<synchronous>, transform_indices = @transform_4, window_bounds = array<i64: 2, 128>}]} {
    %get3A = arith.constant 0 : index
    %get3A_0 = arith.constant 0 : index
    %get3A_1 = vector.load %arg1[%get3A, %get3A_0] : memref<1000x128xf32, #tpu.memory_space<vmem>>, vector<1000x128xf32>
    %get3A_2 = arith.constant 0 : index
    %get3A_3 = arith.constant 0 : index
    %get3A_4 = vector.load %arg2[%get3A_2, %get3A_3] : memref<128x128xf32, #tpu.memory_space<vmem>>, vector<128x128xf32>
    %dot_general3A = arith.constant dense<0.000000e+00> : vector<1000x128xf32>
    %dot_general3A_5 = tpu.matmul %get3A_1, %get3A_4, %dot_general3A {dimension_numbers = #tpu.dot_dimension_numbers<[1], [0], [0], [1], [0, 0, 1, 1], [], []>, transpose_lhs_hint = false} : vector<1000x128xf32>, vector<128x128xf32>, vector<1000x128xf32> -> vector<1000x128xf32>
    %get3A_6 = arith.constant 0 : index
    %get3A_7 = arith.constant 0 : index
    %get3A_8 = vector.load %arg3[%get3A_6, %get3A_7] : memref<1x128xf32, #tpu.memory_space<vmem>>, vector<1x128xf32>
    %add3A = vector.broadcast %get3A_8 : vector<1x128xf32> to vector<1000x128xf32>
    %add3A_9 = arith.addf %dot_general3A_5, %add3A : vector<1000x128xf32>
    %swap3A = arith.constant 0 : index
    %swap3A_10 = arith.constant 0 : index
    %swap3A_11 = vector.load %arg4[%swap3A, %swap3A_10] : memref<1000x128xf32, #tpu.memory_space<vmem>>, vector<1000x128xf32>
    tpu.vector_store %arg4[%swap3A, %swap3A_10], %add3A_9 {strides = array<i32>} : memref<1000x128xf32, #tpu.memory_space<vmem>>, vector<1000x128xf32>,
    %eq3A = arith.constant 0 : i32
    %eq3A_12 = arith.cmpi eq, %arg0, %eq3A : i32
    %convert_element_type3A = arith.extui %eq3A_12 : i1 to i32
    %cond3A = arith.constant 0 : i32
    %cond3A_13 = arith.cmpi ne, %convert_element_type3A, %cond3A : i32
    scf.if %cond3A_13 {
      %broadcast_in_dim3A = arith.constant 0.000000e+00 : f32
      %broadcast_in_dim3A_32 = vector.broadcast %broadcast_in_dim3A : f32 to vector<2x128xf32>
      %swap3A_33 = arith.constant 0 : index
      %swap3A_34 = arith.constant 0 : index
      %swap3A_35 = vector.load %arg6[%swap3A_33, %swap3A_34] : memref<2x128xf32, #tpu.memory_space<vmem>>, vector<2x128xf32>
      tpu.vector_store %arg6[%swap3A_33, %swap3A_34], %broadcast_in_dim3A_32 {strides = array<i32>} : memref<2x128xf32, #tpu.memory_space<vmem>>, vector<2x128xf32>,
    } else {
    }
    %get3A_14 = arith.constant 0 : index
    %get3A_15 = arith.constant 0 : index
    %get3A_16 = vector.load %arg6[%get3A_14, %get3A_15] : memref<2x128xf32, #tpu.memory_space<vmem>>, vector<2x128xf32>
    %reduce_sum3A = arith.constant dense<0.000000e+00> : vector<128xf32>
    %reduce_sum3A_17 = vector.multi_reduction <add>, %add3A_9, %reduce_sum3A [0] : vector<1000x128xf32> to vector<128xf32>
    %mul3A = arith.mulf %add3A_9, %add3A_9 : vector<1000x128xf32>
    %reduce_sum3A_18 = arith.constant dense<0.000000e+00> : vector<128xf32>
    %reduce_sum3A_19 = vector.multi_reduction <add>, %mul3A, %reduce_sum3A_18 [0] : vector<1000x128xf32> to vector<128xf32>
    %stack3A = vector.shape_cast %reduce_sum3A_17 : vector<128xf32> to vector<1x128xf32>
    %stack3A_20 = vector.shape_cast %reduce_sum3A_19 : vector<128xf32> to vector<1x128xf32>
    %stack3A_21 = tpu.concatenate %stack3A, %stack3A_20 in 0 : vector<1x128xf32>, vector<1x128xf32> -> vector<2x128xf32>
    %add3A_22 = arith.addf %get3A_16, %stack3A_21 : vector<2x128xf32>
    %swap3A_23 = arith.constant 0 : index
    %swap3A_24 = arith.constant 0 : index
    %swap3A_25 = vector.load %arg6[%swap3A_23, %swap3A_24] : memref<2x128xf32, #tpu.memory_space<vmem>>, vector<2x128xf32>
    tpu.vector_store %arg6[%swap3A_23, %swap3A_24], %add3A_22 {strides = array<i32>} : memref<2x128xf32, #tpu.memory_space<vmem>>, vector<2x128xf32>,
    %get3A_26 = arith.constant 0 : index
    %get3A_27 = arith.constant 0 : index
    %get3A_28 = vector.load %arg6[%get3A_26, %get3A_27] : memref<2x128xf32, #tpu.memory_space<vmem>>, vector<2x128xf32>
    %swap3A_29 = arith.constant 0 : index
    %swap3A_30 = arith.constant 0 : index
    %swap3A_31 = vector.load %arg5[%swap3A_29, %swap3A_30] : memref<2x128xf32, #tpu.memory_space<vmem>>, vector<2x128xf32>
    tpu.vector_store %arg5[%swap3A_29, %swap3A_30], %get3A_28 {strides = array<i32>} : memref<2x128xf32, #tpu.memory_space<vmem>>, vector<2x128xf32>,
    return
  }
  func.func @transform_0(%arg0: i32) -> (i32, i32) {
    %c0_i32 = arith.constant 0 : i32
    %c0_i32_0 = arith.constant 0 : i32
    return %arg0, %c0_i32 : i32, i32
  }
  func.func @transform_1(%arg0: i32) -> (i32, i32) {
    %c0_i32 = arith.constant 0 : i32
    %c0_i32_0 = arith.constant 0 : i32
    %c0_i32_1 = arith.constant 0 : i32
    return %c0_i32, %c0_i32_0 : i32, i32
  }
  func.func @transform_2(%arg0: i32) -> (i32, i32) {
    %c0_i32 = arith.constant 0 : i32
    %c0_i32_0 = arith.constant 0 : i32
    %c0_i32_1 = arith.constant 0 : i32
    return %c0_i32, %c0_i32_0 : i32, i32
  }
  func.func @transform_3(%arg0: i32) -> (i32, i32) {
    %c0_i32 = arith.constant 0 : i32
    %c0_i32_0 = arith.constant 0 : i32
    return %arg0, %c0_i32 : i32, i32
  }
  func.func @transform_4(%arg0: i32) -> (i32, i32) {
    %c0_i32 = arith.constant 0 : i32
    %c0_i32_0 = arith.constant 0 : i32
    %c0_i32_1 = arith.constant 0 : i32
    return %c0_i32, %c0_i32_0 : i32, i32
  }
}

module attributes {stable_mosaic.version = 14 : i64} {
  func.func @_nrmres_body(%arg0: i32, %arg1: memref<1000x128xf32, #tpu.memory_space<vmem>>, %arg2: memref<2x128xf32, #tpu.memory_space<vmem>>, %arg3: memref<1000x128xf32, #tpu.memory_space<vmem>>, %arg4: memref<128x128xf32, #tpu.memory_space<vmem>>, %arg5: memref<1x128xf32, #tpu.memory_space<vmem>>, %arg6: memref<1000x128xf32, #tpu.memory_space<vmem>>, %arg7: memref<1000x128xf32, #tpu.memory_space<vmem>>, %arg8: memref<2x128xf32, #tpu.memory_space<vmem>>, %arg9: memref<2x128xf32, #tpu.memory_space<vmem>>) attributes {dimension_semantics = [#tpu.dimension_semantics<arbitrary>], iteration_bounds = array<i64: 50>, scalar_prefetch = 0 : i64, scratch_operands = 1 : i64, tpu.core_type = #tpu.core_type<tc>, window_params = [{transform_indices = @transform_0, window_bounds = array<i64: 1000, 128>}, {pipeline_mode = #tpu.pipeline_mode<synchronous>, transform_indices = @transform_1, window_bounds = array<i64: 2, 128>}, {transform_indices = @transform_2, window_bounds = array<i64: 1000, 128>}, {pipeline_mode = #tpu.pipeline_mode<synchronous>, transform_indices = @transform_3, window_bounds = array<i64: 128, 128>}, {pipeline_mode = #tpu.pipeline_mode<synchronous>, transform_indices = @transform_4, window_bounds = array<i64: 1, 128>}, {transform_indices = @transform_5, window_bounds = array<i64: 1000, 128>}, {transform_indices = @transform_6, window_bounds = array<i64: 1000, 128>}, {pipeline_mode = #tpu.pipeline_mode<synchronous>, transform_indices = @transform_7, window_bounds = array<i64: 2, 128>}]} {
    %get3A = arith.constant 0 : index
    %get3A_0 = arith.constant 0 : index
    %get3A_1 = vector.load %arg1[%get3A, %get3A_0] : memref<1000x128xf32, #tpu.memory_space<vmem>>, vector<1000x128xf32>
    %get3A_2 = arith.constant 0 : index
    %get3A_3 = arith.constant 0 : index
    %get3A_4 = vector.load %arg2[%get3A_2, %get3A_3] : memref<2x128xf32, #tpu.memory_space<vmem>>, vector<2x128xf32>
    %slice3A = vector.extract_strided_slice %get3A_4 {offsets = [0, 0], sizes = [1, 128], strides = [1, 1]} : vector<2x128xf32> to vector<1x128xf32>
    %mul3A = arith.constant 2.000000e-05 : f32
    %mul3A_5 = vector.broadcast %mul3A : f32 to vector<1x128xf32>
    %mul3A_6 = arith.mulf %slice3A, %mul3A_5 : vector<1x128xf32>
    %slice3A_7 = vector.extract_strided_slice %get3A_4 {offsets = [1, 0], sizes = [1, 128], strides = [1, 1]} : vector<2x128xf32> to vector<1x128xf32>
    %mul3A_8 = arith.constant 2.000000e-05 : f32
    %mul3A_9 = vector.broadcast %mul3A_8 : f32 to vector<1x128xf32>
    %mul3A_10 = arith.mulf %slice3A_7, %mul3A_9 : vector<1x128xf32>
    %mul3A_11 = arith.mulf %mul3A_6, %mul3A_6 : vector<1x128xf32>
    %sub3A = arith.subf %mul3A_10, %mul3A_11 : vector<1x128xf32>
    %sub3A_12 = vector.broadcast %mul3A_6 : vector<1x128xf32> to vector<1000x128xf32>
    %sub3A_13 = arith.subf %get3A_1, %sub3A_12 : vector<1000x128xf32>
    %add3A = arith.constant 9.99999974E-6 : f32
    %add3A_14 = vector.broadcast %add3A : f32 to vector<1x128xf32>
    %add3A_15 = arith.addf %sub3A, %add3A_14 : vector<1x128xf32>
    %rsqrt3A = math.rsqrt %add3A_15 : vector<1x128xf32>
    %mul3A_16 = vector.broadcast %rsqrt3A : vector<1x128xf32> to vector<1000x128xf32>
    %mul3A_17 = arith.mulf %sub3A_13, %mul3A_16 : vector<1000x128xf32>
    %get3A_18 = arith.constant 0 : index
    %get3A_19 = arith.constant 0 : index
    %get3A_20 = vector.load %arg3[%get3A_18, %get3A_19] : memref<1000x128xf32, #tpu.memory_space<vmem>>, vector<1000x128xf32>
    %add3A_21 = arith.addf %mul3A_17, %get3A_20 : vector<1000x128xf32>
    %max3A = arith.constant 0.000000e+00 : f32
    %max3A_22 = vector.broadcast %max3A : f32 to vector<1000x128xf32>
    %max3A_23 = arith.maximumf %add3A_21, %max3A_22 : vector<1000x128xf32>
    %swap3A = arith.constant 0 : index
    %swap3A_24 = arith.constant 0 : index
    %swap3A_25 = vector.load %arg6[%swap3A, %swap3A_24] : memref<1000x128xf32, #tpu.memory_space<vmem>>, vector<1000x128xf32>
    tpu.vector_store %arg6[%swap3A, %swap3A_24], %max3A_23 {strides = array<i32>} : memref<1000x128xf32, #tpu.memory_space<vmem>>, vector<1000x128xf32>,
    %get3A_26 = arith.constant 0 : index
    %get3A_27 = arith.constant 0 : index
    %get3A_28 = vector.load %arg4[%get3A_26, %get3A_27] : memref<128x128xf32, #tpu.memory_space<vmem>>, vector<128x128xf32>
    %dot_general3A = arith.constant dense<0.000000e+00> : vector<1000x128xf32>
    %dot_general3A_29 = tpu.matmul %max3A_23, %get3A_28, %dot_general3A {dimension_numbers = #tpu.dot_dimension_numbers<[1], [0], [0], [1], [0, 0, 1, 1], [], []>, transpose_lhs_hint = false} : vector<1000x128xf32>, vector<128x128xf32>, vector<1000x128xf32> -> vector<1000x128xf32>
    %get3A_30 = arith.constant 0 : index
    %get3A_31 = arith.constant 0 : index
    %get3A_32 = vector.load %arg5[%get3A_30, %get3A_31] : memref<1x128xf32, #tpu.memory_space<vmem>>, vector<1x128xf32>
    %add3A_33 = vector.broadcast %get3A_32 : vector<1x128xf32> to vector<1000x128xf32>
    %add3A_34 = arith.addf %dot_general3A_29, %add3A_33 : vector<1000x128xf32>
    %swap3A_35 = arith.constant 0 : index
    %swap3A_36 = arith.constant 0 : index
    %swap3A_37 = vector.load %arg7[%swap3A_35, %swap3A_36] : memref<1000x128xf32, #tpu.memory_space<vmem>>, vector<1000x128xf32>
    tpu.vector_store %arg7[%swap3A_35, %swap3A_36], %add3A_34 {strides = array<i32>} : memref<1000x128xf32, #tpu.memory_space<vmem>>, vector<1000x128xf32>,
    %eq3A = arith.constant 0 : i32
    %eq3A_38 = arith.cmpi eq, %arg0, %eq3A : i32
    %convert_element_type3A = arith.extui %eq3A_38 : i1 to i32
    %cond3A = arith.constant 0 : i32
    %cond3A_39 = arith.cmpi ne, %convert_element_type3A, %cond3A : i32
    scf.if %cond3A_39 {
      %broadcast_in_dim3A = arith.constant 0.000000e+00 : f32
      %broadcast_in_dim3A_59 = vector.broadcast %broadcast_in_dim3A : f32 to vector<2x128xf32>
      %swap3A_60 = arith.constant 0 : index
      %swap3A_61 = arith.constant 0 : index
      %swap3A_62 = vector.load %arg9[%swap3A_60, %swap3A_61] : memref<2x128xf32, #tpu.memory_space<vmem>>, vector<2x128xf32>
      tpu.vector_store %arg9[%swap3A_60, %swap3A_61], %broadcast_in_dim3A_59 {strides = array<i32>} : memref<2x128xf32, #tpu.memory_space<vmem>>, vector<2x128xf32>,
    } else {
    }
    %get3A_40 = arith.constant 0 : index
    %get3A_41 = arith.constant 0 : index
    %get3A_42 = vector.load %arg9[%get3A_40, %get3A_41] : memref<2x128xf32, #tpu.memory_space<vmem>>, vector<2x128xf32>
    %reduce_sum3A = arith.constant dense<0.000000e+00> : vector<128xf32>
    %reduce_sum3A_43 = vector.multi_reduction <add>, %add3A_34, %reduce_sum3A [0] : vector<1000x128xf32> to vector<128xf32>
    %mul3A_44 = arith.mulf %add3A_34, %add3A_34 : vector<1000x128xf32>
    %reduce_sum3A_45 = arith.constant dense<0.000000e+00> : vector<128xf32>
    %reduce_sum3A_46 = vector.multi_reduction <add>, %mul3A_44, %reduce_sum3A_45 [0] : vector<1000x128xf32> to vector<128xf32>
    %stack3A = vector.shape_cast %reduce_sum3A_43 : vector<128xf32> to vector<1x128xf32>
    %stack3A_47 = vector.shape_cast %reduce_sum3A_46 : vector<128xf32> to vector<1x128xf32>
    %stack3A_48 = tpu.concatenate %stack3A, %stack3A_47 in 0 : vector<1x128xf32>, vector<1x128xf32> -> vector<2x128xf32>
    %add3A_49 = arith.addf %get3A_42, %stack3A_48 : vector<2x128xf32>
    %swap3A_50 = arith.constant 0 : index
    %swap3A_51 = arith.constant 0 : index
    %swap3A_52 = vector.load %arg9[%swap3A_50, %swap3A_51] : memref<2x128xf32, #tpu.memory_space<vmem>>, vector<2x128xf32>
    tpu.vector_store %arg9[%swap3A_50, %swap3A_51], %add3A_49 {strides = array<i32>} : memref<2x128xf32, #tpu.memory_space<vmem>>, vector<2x128xf32>,
    %get3A_53 = arith.constant 0 : index
    %get3A_54 = arith.constant 0 : index
    %get3A_55 = vector.load %arg9[%get3A_53, %get3A_54] : memref<2x128xf32, #tpu.memory_space<vmem>>, vector<2x128xf32>
    %swap3A_56 = arith.constant 0 : index
    %swap3A_57 = arith.constant 0 : index
    %swap3A_58 = vector.load %arg8[%swap3A_56, %swap3A_57] : memref<2x128xf32, #tpu.memory_space<vmem>>, vector<2x128xf32>
    tpu.vector_store %arg8[%swap3A_56, %swap3A_57], %get3A_55 {strides = array<i32>} : memref<2x128xf32, #tpu.memory_space<vmem>>, vector<2x128xf32>,
    return
  }
  func.func @transform_0(%arg0: i32) -> (i32, i32) {
    %c0_i32 = arith.constant 0 : i32
    %c0_i32_0 = arith.constant 0 : i32
    return %arg0, %c0_i32 : i32, i32
  }
  func.func @transform_1(%arg0: i32) -> (i32, i32) {
    %c0_i32 = arith.constant 0 : i32
    %c0_i32_0 = arith.constant 0 : i32
    %c0_i32_1 = arith.constant 0 : i32
    return %c0_i32, %c0_i32_0 : i32, i32
  }
  func.func @transform_2(%arg0: i32) -> (i32, i32) {
    %c0_i32 = arith.constant 0 : i32
    %c0_i32_0 = arith.constant 0 : i32
    return %arg0, %c0_i32 : i32, i32
  }
  func.func @transform_3(%arg0: i32) -> (i32, i32) {
    %c0_i32 = arith.constant 0 : i32
    %c0_i32_0 = arith.constant 0 : i32
    %c0_i32_1 = arith.constant 0 : i32
    return %c0_i32, %c0_i32_0 : i32, i32
  }
  func.func @transform_4(%arg0: i32) -> (i32, i32) {
    %c0_i32 = arith.constant 0 : i32
    %c0_i32_0 = arith.constant 0 : i32
    %c0_i32_1 = arith.constant 0 : i32
    return %c0_i32, %c0_i32_0 : i32, i32
  }
  func.func @transform_5(%arg0: i32) -> (i32, i32) {
    %c0_i32 = arith.constant 0 : i32
    %c0_i32_0 = arith.constant 0 : i32
    return %arg0, %c0_i32 : i32, i32
  }
  func.func @transform_6(%arg0: i32) -> (i32, i32) {
    %c0_i32 = arith.constant 0 : i32
    %c0_i32_0 = arith.constant 0 : i32
    return %arg0, %c0_i32 : i32, i32
  }
  func.func @transform_7(%arg0: i32) -> (i32, i32) {
    %c0_i32 = arith.constant 0 : i32
    %c0_i32_0 = arith.constant 0 : i32
    %c0_i32_1 = arith.constant 0 : i32
    return %c0_i32, %c0_i32_0 : i32, i32
  }
}

module attributes {stable_mosaic.version = 14 : i64} {
  func.func @_nrm_body(%arg0: i32, %arg1: memref<1000x128xf32, #tpu.memory_space<vmem>>, %arg2: memref<2x128xf32, #tpu.memory_space<vmem>>, %arg3: memref<128x128xf32, #tpu.memory_space<vmem>>, %arg4: memref<1x128xf32, #tpu.memory_space<vmem>>, %arg5: memref<1000x128xf32, #tpu.memory_space<vmem>>, %arg6: memref<2x128xf32, #tpu.memory_space<vmem>>, %arg7: memref<2x128xf32, #tpu.memory_space<vmem>>) attributes {dimension_semantics = [#tpu.dimension_semantics<arbitrary>], iteration_bounds = array<i64: 50>, scalar_prefetch = 0 : i64, scratch_operands = 1 : i64, tpu.core_type = #tpu.core_type<tc>, window_params = [{transform_indices = @transform_0, window_bounds = array<i64: 1000, 128>}, {pipeline_mode = #tpu.pipeline_mode<synchronous>, transform_indices = @transform_1, window_bounds = array<i64: 2, 128>}, {pipeline_mode = #tpu.pipeline_mode<synchronous>, transform_indices = @transform_2, window_bounds = array<i64: 128, 128>}, {pipeline_mode = #tpu.pipeline_mode<synchronous>, transform_indices = @transform_3, window_bounds = array<i64: 1, 128>}, {transform_indices = @transform_4, window_bounds = array<i64: 1000, 128>}, {pipeline_mode = #tpu.pipeline_mode<synchronous>, transform_indices = @transform_5, window_bounds = array<i64: 2, 128>}]} {
    %get3A = arith.constant 0 : index
    %get3A_0 = arith.constant 0 : index
    %get3A_1 = vector.load %arg1[%get3A, %get3A_0] : memref<1000x128xf32, #tpu.memory_space<vmem>>, vector<1000x128xf32>
    %get3A_2 = arith.constant 0 : index
    %get3A_3 = arith.constant 0 : index
    %get3A_4 = vector.load %arg2[%get3A_2, %get3A_3] : memref<2x128xf32, #tpu.memory_space<vmem>>, vector<2x128xf32>
    %slice3A = vector.extract_strided_slice %get3A_4 {offsets = [0, 0], sizes = [1, 128], strides = [1, 1]} : vector<2x128xf32> to vector<1x128xf32>
    %mul3A = arith.constant 2.000000e-05 : f32
    %mul3A_5 = vector.broadcast %mul3A : f32 to vector<1x128xf32>
    %mul3A_6 = arith.mulf %slice3A, %mul3A_5 : vector<1x128xf32>
    %slice3A_7 = vector.extract_strided_slice %get3A_4 {offsets = [1, 0], sizes = [1, 128], strides = [1, 1]} : vector<2x128xf32> to vector<1x128xf32>
    %mul3A_8 = arith.constant 2.000000e-05 : f32
    %mul3A_9 = vector.broadcast %mul3A_8 : f32 to vector<1x128xf32>
    %mul3A_10 = arith.mulf %slice3A_7, %mul3A_9 : vector<1x128xf32>
    %mul3A_11 = arith.mulf %mul3A_6, %mul3A_6 : vector<1x128xf32>
    %sub3A = arith.subf %mul3A_10, %mul3A_11 : vector<1x128xf32>
    %sub3A_12 = vector.broadcast %mul3A_6 : vector<1x128xf32> to vector<1000x128xf32>
    %sub3A_13 = arith.subf %get3A_1, %sub3A_12 : vector<1000x128xf32>
    %add3A = arith.constant 9.99999974E-6 : f32
    %add3A_14 = vector.broadcast %add3A : f32 to vector<1x128xf32>
    %add3A_15 = arith.addf %sub3A, %add3A_14 : vector<1x128xf32>
    %rsqrt3A = math.rsqrt %add3A_15 : vector<1x128xf32>
    %mul3A_16 = vector.broadcast %rsqrt3A : vector<1x128xf32> to vector<1000x128xf32>
    %mul3A_17 = arith.mulf %sub3A_13, %mul3A_16 : vector<1000x128xf32>
    %max3A = arith.constant 0.000000e+00 : f32
    %max3A_18 = vector.broadcast %max3A : f32 to vector<1000x128xf32>
    %max3A_19 = arith.maximumf %mul3A_17, %max3A_18 : vector<1000x128xf32>
    %get3A_20 = arith.constant 0 : index
    %get3A_21 = arith.constant 0 : index
    %get3A_22 = vector.load %arg3[%get3A_20, %get3A_21] : memref<128x128xf32, #tpu.memory_space<vmem>>, vector<128x128xf32>
    %dot_general3A = arith.constant dense<0.000000e+00> : vector<1000x128xf32>
    %dot_general3A_23 = tpu.matmul %max3A_19, %get3A_22, %dot_general3A {dimension_numbers = #tpu.dot_dimension_numbers<[1], [0], [0], [1], [0, 0, 1, 1], [], []>, transpose_lhs_hint = false} : vector<1000x128xf32>, vector<128x128xf32>, vector<1000x128xf32> -> vector<1000x128xf32>
    %get3A_24 = arith.constant 0 : index
    %get3A_25 = arith.constant 0 : index
    %get3A_26 = vector.load %arg4[%get3A_24, %get3A_25] : memref<1x128xf32, #tpu.memory_space<vmem>>, vector<1x128xf32>
    %add3A_27 = vector.broadcast %get3A_26 : vector<1x128xf32> to vector<1000x128xf32>
    %add3A_28 = arith.addf %dot_general3A_23, %add3A_27 : vector<1000x128xf32>
    %swap3A = arith.constant 0 : index
    %swap3A_29 = arith.constant 0 : index
    %swap3A_30 = vector.load %arg5[%swap3A, %swap3A_29] : memref<1000x128xf32, #tpu.memory_space<vmem>>, vector<1000x128xf32>
    tpu.vector_store %arg5[%swap3A, %swap3A_29], %add3A_28 {strides = array<i32>} : memref<1000x128xf32, #tpu.memory_space<vmem>>, vector<1000x128xf32>,
    %eq3A = arith.constant 0 : i32
    %eq3A_31 = arith.cmpi eq, %arg0, %eq3A : i32
    %convert_element_type3A = arith.extui %eq3A_31 : i1 to i32
    %cond3A = arith.constant 0 : i32
    %cond3A_32 = arith.cmpi ne, %convert_element_type3A, %cond3A : i32
    scf.if %cond3A_32 {
      %broadcast_in_dim3A = arith.constant 0.000000e+00 : f32
      %broadcast_in_dim3A_52 = vector.broadcast %broadcast_in_dim3A : f32 to vector<2x128xf32>
      %swap3A_53 = arith.constant 0 : index
      %swap3A_54 = arith.constant 0 : index
      %swap3A_55 = vector.load %arg7[%swap3A_53, %swap3A_54] : memref<2x128xf32, #tpu.memory_space<vmem>>, vector<2x128xf32>
      tpu.vector_store %arg7[%swap3A_53, %swap3A_54], %broadcast_in_dim3A_52 {strides = array<i32>} : memref<2x128xf32, #tpu.memory_space<vmem>>, vector<2x128xf32>,
    } else {
    }
    %get3A_33 = arith.constant 0 : index
    %get3A_34 = arith.constant 0 : index
    %get3A_35 = vector.load %arg7[%get3A_33, %get3A_34] : memref<2x128xf32, #tpu.memory_space<vmem>>, vector<2x128xf32>
    %reduce_sum3A = arith.constant dense<0.000000e+00> : vector<128xf32>
    %reduce_sum3A_36 = vector.multi_reduction <add>, %add3A_28, %reduce_sum3A [0] : vector<1000x128xf32> to vector<128xf32>
    %mul3A_37 = arith.mulf %add3A_28, %add3A_28 : vector<1000x128xf32>
    %reduce_sum3A_38 = arith.constant dense<0.000000e+00> : vector<128xf32>
    %reduce_sum3A_39 = vector.multi_reduction <add>, %mul3A_37, %reduce_sum3A_38 [0] : vector<1000x128xf32> to vector<128xf32>
    %stack3A = vector.shape_cast %reduce_sum3A_36 : vector<128xf32> to vector<1x128xf32>
    %stack3A_40 = vector.shape_cast %reduce_sum3A_39 : vector<128xf32> to vector<1x128xf32>
    %stack3A_41 = tpu.concatenate %stack3A, %stack3A_40 in 0 : vector<1x128xf32>, vector<1x128xf32> -> vector<2x128xf32>
    %add3A_42 = arith.addf %get3A_35, %stack3A_41 : vector<2x128xf32>
    %swap3A_43 = arith.constant 0 : index
    %swap3A_44 = arith.constant 0 : index
    %swap3A_45 = vector.load %arg7[%swap3A_43, %swap3A_44] : memref<2x128xf32, #tpu.memory_space<vmem>>, vector<2x128xf32>
    tpu.vector_store %arg7[%swap3A_43, %swap3A_44], %add3A_42 {strides = array<i32>} : memref<2x128xf32, #tpu.memory_space<vmem>>, vector<2x128xf32>,
    %get3A_46 = arith.constant 0 : index
    %get3A_47 = arith.constant 0 : index
    %get3A_48 = vector.load %arg7[%get3A_46, %get3A_47] : memref<2x128xf32, #tpu.memory_space<vmem>>, vector<2x128xf32>
    %swap3A_49 = arith.constant 0 : index
    %swap3A_50 = arith.constant 0 : index
    %swap3A_51 = vector.load %arg6[%swap3A_49, %swap3A_50] : memref<2x128xf32, #tpu.memory_space<vmem>>, vector<2x128xf32>
    tpu.vector_store %arg6[%swap3A_49, %swap3A_50], %get3A_48 {strides = array<i32>} : memref<2x128xf32, #tpu.memory_space<vmem>>, vector<2x128xf32>,
    return
  }
  func.func @transform_0(%arg0: i32) -> (i32, i32) {
    %c0_i32 = arith.constant 0 : i32
    %c0_i32_0 = arith.constant 0 : i32
    return %arg0, %c0_i32 : i32, i32
  }
  func.func @transform_1(%arg0: i32) -> (i32, i32) {
    %c0_i32 = arith.constant 0 : i32
    %c0_i32_0 = arith.constant 0 : i32
    %c0_i32_1 = arith.constant 0 : i32
    return %c0_i32, %c0_i32_0 : i32, i32
  }
  func.func @transform_2(%arg0: i32) -> (i32, i32) {
    %c0_i32 = arith.constant 0 : i32
    %c0_i32_0 = arith.constant 0 : i32
    %c0_i32_1 = arith.constant 0 : i32
    return %c0_i32, %c0_i32_0 : i32, i32
  }
  func.func @transform_3(%arg0: i32) -> (i32, i32) {
    %c0_i32 = arith.constant 0 : i32
    %c0_i32_0 = arith.constant 0 : i32
    %c0_i32_1 = arith.constant 0 : i32
    return %c0_i32, %c0_i32_0 : i32, i32
  }
  func.func @transform_4(%arg0: i32) -> (i32, i32) {
    %c0_i32 = arith.constant 0 : i32
    %c0_i32_0 = arith.constant 0 : i32
    return %arg0, %c0_i32 : i32, i32
  }
  func.func @transform_5(%arg0: i32) -> (i32, i32) {
    %c0_i32 = arith.constant 0 : i32
    %c0_i32_0 = arith.constant 0 : i32
    %c0_i32_1 = arith.constant 0 : i32
    return %c0_i32, %c0_i32_0 : i32, i32
  }
}

module attributes {stable_mosaic.version = 14 : i64} {
  func.func @_tailf_body(%arg0: i32, %arg1: memref<1000x128xf32, #tpu.memory_space<vmem>>, %arg2: memref<2x128xf32, #tpu.memory_space<vmem>>, %arg3: memref<1000x128xf32, #tpu.memory_space<vmem>>, %arg4: memref<1000x128xf32, #tpu.memory_space<vmem>>, %arg5: memref<128x128xf32, #tpu.memory_space<vmem>>, %arg6: memref<1x128xf32, #tpu.memory_space<vmem>>, %arg7: memref<128x128xf32, #tpu.memory_space<vmem>>, %arg8: memref<1x128xf32, #tpu.memory_space<vmem>>, %arg9: memref<1000x128xf32, #tpu.memory_space<vmem>>, %arg10: memref<1000x128xf32, #tpu.memory_space<vmem>>) attributes {dimension_semantics = [#tpu.dimension_semantics<arbitrary>], iteration_bounds = array<i64: 50>, scalar_prefetch = 0 : i64, scratch_operands = 0 : i64, tpu.core_type = #tpu.core_type<tc>, window_params = [{transform_indices = @transform_0, window_bounds = array<i64: 1000, 128>}, {pipeline_mode = #tpu.pipeline_mode<synchronous>, transform_indices = @transform_1, window_bounds = array<i64: 2, 128>}, {transform_indices = @transform_2, window_bounds = array<i64: 1000, 128>}, {transform_indices = @transform_3, window_bounds = array<i64: 1000, 128>}, {pipeline_mode = #tpu.pipeline_mode<synchronous>, transform_indices = @transform_4, window_bounds = array<i64: 128, 128>}, {pipeline_mode = #tpu.pipeline_mode<synchronous>, transform_indices = @transform_5, window_bounds = array<i64: 1, 128>}, {pipeline_mode = #tpu.pipeline_mode<synchronous>, transform_indices = @transform_6, window_bounds = array<i64: 128, 128>}, {pipeline_mode = #tpu.pipeline_mode<synchronous>, transform_indices = @transform_7, window_bounds = array<i64: 1, 128>}, {transform_indices = @transform_8, window_bounds = array<i64: 1000, 128>}, {transform_indices = @transform_9, window_bounds = array<i64: 1000, 128>}]} {
    %get3A = arith.constant 0 : index
    %get3A_0 = arith.constant 0 : index
    %get3A_1 = vector.load %arg1[%get3A, %get3A_0] : memref<1000x128xf32, #tpu.memory_space<vmem>>, vector<1000x128xf32>
    %get3A_2 = arith.constant 0 : index
    %get3A_3 = arith.constant 0 : index
    %get3A_4 = vector.load %arg2[%get3A_2, %get3A_3] : memref<2x128xf32, #tpu.memory_space<vmem>>, vector<2x128xf32>
    %slice3A = vector.extract_strided_slice %get3A_4 {offsets = [0, 0], sizes = [1, 128], strides = [1, 1]} : vector<2x128xf32> to vector<1x128xf32>
    %mul3A = arith.constant 2.000000e-05 : f32
    %mul3A_5 = vector.broadcast %mul3A : f32 to vector<1x128xf32>
    %mul3A_6 = arith.mulf %slice3A, %mul3A_5 : vector<1x128xf32>
    %slice3A_7 = vector.extract_strided_slice %get3A_4 {offsets = [1, 0], sizes = [1, 128], strides = [1, 1]} : vector<2x128xf32> to vector<1x128xf32>
    %mul3A_8 = arith.constant 2.000000e-05 : f32
    %mul3A_9 = vector.broadcast %mul3A_8 : f32 to vector<1x128xf32>
    %mul3A_10 = arith.mulf %slice3A_7, %mul3A_9 : vector<1x128xf32>
    %mul3A_11 = arith.mulf %mul3A_6, %mul3A_6 : vector<1x128xf32>
    %sub3A = arith.subf %mul3A_10, %mul3A_11 : vector<1x128xf32>
    %sub3A_12 = vector.broadcast %mul3A_6 : vector<1x128xf32> to vector<1000x128xf32>
    %sub3A_13 = arith.subf %get3A_1, %sub3A_12 : vector<1000x128xf32>
    %add3A = arith.constant 9.99999974E-6 : f32
    %add3A_14 = vector.broadcast %add3A : f32 to vector<1x128xf32>
    %add3A_15 = arith.addf %sub3A, %add3A_14 : vector<1x128xf32>
    %rsqrt3A = math.rsqrt %add3A_15 : vector<1x128xf32>
    %mul3A_16 = vector.broadcast %rsqrt3A : vector<1x128xf32> to vector<1000x128xf32>
    %mul3A_17 = arith.mulf %sub3A_13, %mul3A_16 : vector<1000x128xf32>
    %get3A_18 = arith.constant 0 : index
    %get3A_19 = arith.constant 0 : index
    %get3A_20 = vector.load %arg3[%get3A_18, %get3A_19] : memref<1000x128xf32, #tpu.memory_space<vmem>>, vector<1000x128xf32>
    %add3A_21 = arith.addf %mul3A_17, %get3A_20 : vector<1000x128xf32>
    %max3A = arith.constant 0.000000e+00 : f32
    %max3A_22 = vector.broadcast %max3A : f32 to vector<1000x128xf32>
    %max3A_23 = arith.maximumf %add3A_21, %max3A_22 : vector<1000x128xf32>
    %get3A_24 = arith.constant 0 : index
    %get3A_25 = arith.constant 0 : index
    %get3A_26 = vector.load %arg4[%get3A_24, %get3A_25] : memref<1000x128xf32, #tpu.memory_space<vmem>>, vector<1000x128xf32>
    %add3A_27 = arith.addf %get3A_26, %max3A_23 : vector<1000x128xf32>
    %swap3A = arith.constant 0 : index
    %swap3A_28 = arith.constant 0 : index
    %swap3A_29 = vector.load %arg9[%swap3A, %swap3A_28] : memref<1000x128xf32, #tpu.memory_space<vmem>>, vector<1000x128xf32>
    tpu.vector_store %arg9[%swap3A, %swap3A_28], %add3A_27 {strides = array<i32>} : memref<1000x128xf32, #tpu.memory_space<vmem>>, vector<1000x128xf32>,
    %get3A_30 = arith.constant 0 : index
    %get3A_31 = arith.constant 0 : index
    %get3A_32 = vector.load %arg5[%get3A_30, %get3A_31] : memref<128x128xf32, #tpu.memory_space<vmem>>, vector<128x128xf32>
    %dot_general3A = arith.constant dense<0.000000e+00> : vector<1000x128xf32>
    %dot_general3A_33 = tpu.matmul %add3A_27, %get3A_32, %dot_general3A {dimension_numbers = #tpu.dot_dimension_numbers<[1], [0], [0], [1], [0, 0, 1, 1], [], []>, transpose_lhs_hint = false} : vector<1000x128xf32>, vector<128x128xf32>, vector<1000x128xf32> -> vector<1000x128xf32>
    %get3A_34 = arith.constant 0 : index
    %get3A_35 = arith.constant 0 : index
    %get3A_36 = vector.load %arg6[%get3A_34, %get3A_35] : memref<1x128xf32, #tpu.memory_space<vmem>>, vector<1x128xf32>
    %add3A_37 = vector.broadcast %get3A_36 : vector<1x128xf32> to vector<1000x128xf32>
    %add3A_38 = arith.addf %dot_general3A_33, %add3A_37 : vector<1000x128xf32>
    %jit3A = arith.constant 1.000000e-01 : f32
    %ge3A = arith.constant 0.000000e+00 : f32
    %ge3A_39 = vector.broadcast %ge3A : f32 to vector<1000x128xf32>
    %ge3A_40 = arith.cmpf oge, %add3A_38, %ge3A_39 : vector<1000x128xf32>
    %mul3A_41 = vector.broadcast %jit3A : f32 to vector<1000x128xf32>
    %mul3A_42 = arith.mulf %mul3A_41, %add3A_38 : vector<1000x128xf32>
    %select_n3A = arith.select %ge3A_40, %add3A_38, %mul3A_42 : vector<1000x128xi1>, vector<1000x128xf32>
    %get3A_43 = arith.constant 0 : index
    %get3A_44 = arith.constant 0 : index
    %get3A_45 = vector.load %arg7[%get3A_43, %get3A_44] : memref<128x128xf32, #tpu.memory_space<vmem>>, vector<128x128xf32>
    %dot_general3A_46 = arith.constant dense<0.000000e+00> : vector<1000x128xf32>
    %dot_general3A_47 = tpu.matmul %select_n3A, %get3A_45, %dot_general3A_46 {dimension_numbers = #tpu.dot_dimension_numbers<[1], [0], [0], [1], [0, 0, 1, 1], [], []>, transpose_lhs_hint = false} : vector<1000x128xf32>, vector<128x128xf32>, vector<1000x128xf32> -> vector<1000x128xf32>
    %get3A_48 = arith.constant 0 : index
    %get3A_49 = arith.constant 0 : index
    %get3A_50 = vector.load %arg8[%get3A_48, %get3A_49] : memref<1x128xf32, #tpu.memory_space<vmem>>, vector<1x128xf32>
    %add3A_51 = vector.broadcast %get3A_50 : vector<1x128xf32> to vector<1000x128xf32>
    %add3A_52 = arith.addf %dot_general3A_47, %add3A_51 : vector<1000x128xf32>
    %swap3A_53 = arith.constant 0 : index
    %swap3A_54 = arith.constant 0 : index
    %swap3A_55 = vector.load %arg10[%swap3A_53, %swap3A_54] : memref<1000x128xf32, #tpu.memory_space<vmem>>, vector<1000x128xf32>
    tpu.vector_store %arg10[%swap3A_53, %swap3A_54], %add3A_52 {strides = array<i32>} : memref<1000x128xf32, #tpu.memory_space<vmem>>, vector<1000x128xf32>,
    return
  }
  func.func @transform_0(%arg0: i32) -> (i32, i32) {
    %c0_i32 = arith.constant 0 : i32
    %c0_i32_0 = arith.constant 0 : i32
    return %arg0, %c0_i32 : i32, i32
  }
  func.func @transform_1(%arg0: i32) -> (i32, i32) {
    %c0_i32 = arith.constant 0 : i32
    %c0_i32_0 = arith.constant 0 : i32
    %c0_i32_1 = arith.constant 0 : i32
    return %c0_i32, %c0_i32_0 : i32, i32
  }
  func.func @transform_2(%arg0: i32) -> (i32, i32) {
    %c0_i32 = arith.constant 0 : i32
    %c0_i32_0 = arith.constant 0 : i32
    return %arg0, %c0_i32 : i32, i32
  }
  func.func @transform_3(%arg0: i32) -> (i32, i32) {
    %c0_i32 = arith.constant 0 : i32
    %c0_i32_0 = arith.constant 0 : i32
    return %arg0, %c0_i32 : i32, i32
  }
  func.func @transform_4(%arg0: i32) -> (i32, i32) {
    %c0_i32 = arith.constant 0 : i32
    %c0_i32_0 = arith.constant 0 : i32
    %c0_i32_1 = arith.constant 0 : i32
    return %c0_i32, %c0_i32_0 : i32, i32
  }
  func.func @transform_5(%arg0: i32) -> (i32, i32) {
    %c0_i32 = arith.constant 0 : i32
    %c0_i32_0 = arith.constant 0 : i32
    %c0_i32_1 = arith.constant 0 : i32
    return %c0_i32, %c0_i32_0 : i32, i32
  }
  func.func @transform_6(%arg0: i32) -> (i32, i32) {
    %c0_i32 = arith.constant 0 : i32
    %c0_i32_0 = arith.constant 0 : i32
    %c0_i32_1 = arith.constant 0 : i32
    return %c0_i32, %c0_i32_0 : i32, i32
  }
  func.func @transform_7(%arg0: i32) -> (i32, i32) {
    %c0_i32 = arith.constant 0 : i32
    %c0_i32_0 = arith.constant 0 : i32
    %c0_i32_1 = arith.constant 0 : i32
    return %c0_i32, %c0_i32_0 : i32, i32
  }
  func.func @transform_8(%arg0: i32) -> (i32, i32) {
    %c0_i32 = arith.constant 0 : i32
    %c0_i32_0 = arith.constant 0 : i32
    return %arg0, %c0_i32 : i32, i32
  }
  func.func @transform_9(%arg0: i32) -> (i32, i32) {
    %c0_i32 = arith.constant 0 : i32
    %c0_i32_0 = arith.constant 0 : i32
    return %arg0, %c0_i32 : i32, i32
  }
}

module attributes {stable_mosaic.version = 14 : i64} {
  func.func @_q1_body(%arg0: i32, %arg1: memref<1000x128xf32, #tpu.memory_space<vmem>>, %arg2: memref<1000x1xf32, #tpu.memory_space<vmem>>, %arg3: memref<1xi32, #tpu.memory_space<smem>>, %arg4: memref<128x64xf32, #tpu.memory_space<vmem>>, %arg5: memref<1x64xf32, #tpu.memory_space<vmem>>, %arg6: memref<1000x64xf32, #tpu.memory_space<vmem>>, %arg7: memref<2x64xf32, #tpu.memory_space<vmem>>, %arg8: memref<2x64xf32, #tpu.memory_space<vmem>>) attributes {dimension_semantics = [#tpu.dimension_semantics<arbitrary>], iteration_bounds = array<i64: 50>, scalar_prefetch = 0 : i64, scratch_operands = 1 : i64, tpu.core_type = #tpu.core_type<tc>, window_params = [{transform_indices = @transform_0, window_bounds = array<i64: 1000, 128>}, {transform_indices = @transform_1, window_bounds = array<i64: 1000, 1>}, {transform_indices = @transform_2, window_bounds = array<i64: 1>}, {pipeline_mode = #tpu.pipeline_mode<synchronous>, transform_indices = @transform_3, window_bounds = array<i64: 128, 64>}, {pipeline_mode = #tpu.pipeline_mode<synchronous>, transform_indices = @transform_4, window_bounds = array<i64: 1, 64>}, {transform_indices = @transform_5, window_bounds = array<i64: 1000, 64>}, {pipeline_mode = #tpu.pipeline_mode<synchronous>, transform_indices = @transform_6, window_bounds = array<i64: 2, 64>}]} {
    %get3A = arith.constant 0 : index
    %get3A_0 = arith.constant 0 : index
    %get3A_1 = vector.load %arg2[%get3A, %get3A_0] : memref<1000x1xf32, #tpu.memory_space<vmem>>, vector<1000x1xf32>
    %jit3A = arith.constant 1.000000e+00 : f32
    %max3A = vector.broadcast %jit3A : f32 to vector<1000x1xf32>
    %max3A_2 = arith.maximumf %max3A, %get3A_1 : vector<1000x1xf32>
    %get3A_3 = arith.constant 0 : index
    %get3A_4 = arith.constant 0 : index
    %get3A_5 = vector.load %arg1[%get3A_3, %get3A_4] : memref<1000x128xf32, #tpu.memory_space<vmem>>, vector<1000x128xf32>
    %div3A = vector.broadcast %max3A_2 : vector<1000x1xf32> to vector<1000x128xf32>
    %div3A_6 = arith.divf %get3A_5, %div3A : vector<1000x128xf32>
    %get3A_7 = arith.constant 0 : index
    %get3A_8 = arith.constant 0 : index
    %get3A_9 = vector.load %arg4[%get3A_7, %get3A_8] : memref<128x64xf32, #tpu.memory_space<vmem>>, vector<128x64xf32>
    %dot_general3A = arith.constant dense<0.000000e+00> : vector<1000x64xf32>
    %dot_general3A_10 = tpu.matmul %div3A_6, %get3A_9, %dot_general3A {dimension_numbers = #tpu.dot_dimension_numbers<[1], [0], [0], [1], [0, 0, 1, 1], [], []>, transpose_lhs_hint = false} : vector<1000x128xf32>, vector<128x64xf32>, vector<1000x64xf32> -> vector<1000x64xf32>
    %get3A_11 = arith.constant 0 : index
    %get3A_12 = arith.constant 0 : index
    %get3A_13 = vector.load %arg5[%get3A_11, %get3A_12] : memref<1x64xf32, #tpu.memory_space<vmem>>, vector<1x64xf32>
    %add3A = vector.broadcast %get3A_13 : vector<1x64xf32> to vector<1000x64xf32>
    %add3A_14 = arith.addf %dot_general3A_10, %add3A : vector<1000x64xf32>
    %jit3A_15 = arith.constant 1.000000e-01 : f32
    %ge3A = arith.constant 0.000000e+00 : f32
    %ge3A_16 = vector.broadcast %ge3A : f32 to vector<1000x64xf32>
    %ge3A_17 = arith.cmpf oge, %add3A_14, %ge3A_16 : vector<1000x64xf32>
    %mul3A = vector.broadcast %jit3A_15 : f32 to vector<1000x64xf32>
    %mul3A_18 = arith.mulf %mul3A, %add3A_14 : vector<1000x64xf32>
    %select_n3A = arith.select %ge3A_17, %add3A_14, %mul3A_18 : vector<1000x64xi1>, vector<1000x64xf32>
    %swap3A = arith.constant 0 : index
    %swap3A_19 = arith.constant 0 : index
    %swap3A_20 = vector.load %arg6[%swap3A, %swap3A_19] : memref<1000x64xf32, #tpu.memory_space<vmem>>, vector<1000x64xf32>
    tpu.vector_store %arg6[%swap3A, %swap3A_19], %select_n3A {strides = array<i32>} : memref<1000x64xf32, #tpu.memory_space<vmem>>, vector<1000x64xf32>,
    %iota3A = tpu.iota {dimensions = array<i32: 0>} : vector<1000x1xi32>
    %mul3A_21 = arith.constant 1000 : i32
    %mul3A_22 = arith.muli %arg0, %mul3A_21 : i32
    %add3A_23 = vector.broadcast %mul3A_22 : i32 to vector<1000x1xi32>
    %add3A_24 = arith.addi %iota3A, %add3A_23 : vector<1000x1xi32>
    %get3A_25 = arith.constant 0 : index
    %get3A_26 = memref.load %arg3[%get3A_25] : memref<1xi32, #tpu.memory_space<smem>>
    %lt3A = vector.broadcast %get3A_26 : i32 to vector<1000x1xi32>
    %lt3A_27 = arith.cmpi slt, %add3A_24, %lt3A : vector<1000x1xi32>
    %convert_element_type3A = arith.extui %lt3A_27 : vector<1000x1xi1> to vector<1000x1xi32>
    %convert_element_type3A_28 = arith.sitofp %convert_element_type3A : vector<1000x1xi32> to vector<1000x1xf32>
    %mul3A_29 = vector.broadcast %convert_element_type3A_28 : vector<1000x1xf32> to vector<1000x64xf32>
    %mul3A_30 = arith.mulf %select_n3A, %mul3A_29 : vector<1000x64xf32>
    %eq3A = arith.constant 0 : i32
    %eq3A_31 = arith.cmpi eq, %arg0, %eq3A : i32
    %convert_element_type3A_32 = arith.extui %eq3A_31 : i1 to i32
    %cond3A = arith.constant 0 : i32
    %cond3A_33 = arith.cmpi ne, %convert_element_type3A_32, %cond3A : i32
    scf.if %cond3A_33 {
      %broadcast_in_dim3A = arith.constant 0.000000e+00 : f32
      %broadcast_in_dim3A_53 = vector.broadcast %broadcast_in_dim3A : f32 to vector<2x64xf32>
      %swap3A_54 = arith.constant 0 : index
      %swap3A_55 = arith.constant 0 : index
      %swap3A_56 = vector.load %arg8[%swap3A_54, %swap3A_55] : memref<2x64xf32, #tpu.memory_space<vmem>>, vector<2x64xf32>
      tpu.vector_store %arg8[%swap3A_54, %swap3A_55], %broadcast_in_dim3A_53 {strides = array<i32>} : memref<2x64xf32, #tpu.memory_space<vmem>>, vector<2x64xf32>,
    } else {
    }
    %get3A_34 = arith.constant 0 : index
    %get3A_35 = arith.constant 0 : index
    %get3A_36 = vector.load %arg8[%get3A_34, %get3A_35] : memref<2x64xf32, #tpu.memory_space<vmem>>, vector<2x64xf32>
    %reduce_sum3A = arith.constant dense<0.000000e+00> : vector<64xf32>
    %reduce_sum3A_37 = vector.multi_reduction <add>, %mul3A_30, %reduce_sum3A [0] : vector<1000x64xf32> to vector<64xf32>
    %mul3A_38 = arith.mulf %select_n3A, %mul3A_30 : vector<1000x64xf32>
    %reduce_sum3A_39 = arith.constant dense<0.000000e+00> : vector<64xf32>
    %reduce_sum3A_40 = vector.multi_reduction <add>, %mul3A_38, %reduce_sum3A_39 [0] : vector<1000x64xf32> to vector<64xf32>
    %stack3A = vector.shape_cast %reduce_sum3A_37 : vector<64xf32> to vector<1x64xf32>
    %stack3A_41 = vector.shape_cast %reduce_sum3A_40 : vector<64xf32> to vector<1x64xf32>
    %stack3A_42 = tpu.concatenate %stack3A, %stack3A_41 in 0 : vector<1x64xf32>, vector<1x64xf32> -> vector<2x64xf32>
    %add3A_43 = arith.addf %get3A_36, %stack3A_42 : vector<2x64xf32>
    %swap3A_44 = arith.constant 0 : index
    %swap3A_45 = arith.constant 0 : index
    %swap3A_46 = vector.load %arg8[%swap3A_44, %swap3A_45] : memref<2x64xf32, #tpu.memory_space<vmem>>, vector<2x64xf32>
    tpu.vector_store %arg8[%swap3A_44, %swap3A_45], %add3A_43 {strides = array<i32>} : memref<2x64xf32, #tpu.memory_space<vmem>>, vector<2x64xf32>,
    %get3A_47 = arith.constant 0 : index
    %get3A_48 = arith.constant 0 : index
    %get3A_49 = vector.load %arg8[%get3A_47, %get3A_48] : memref<2x64xf32, #tpu.memory_space<vmem>>, vector<2x64xf32>
    %swap3A_50 = arith.constant 0 : index
    %swap3A_51 = arith.constant 0 : index
    %swap3A_52 = vector.load %arg7[%swap3A_50, %swap3A_51] : memref<2x64xf32, #tpu.memory_space<vmem>>, vector<2x64xf32>
    tpu.vector_store %arg7[%swap3A_50, %swap3A_51], %get3A_49 {strides = array<i32>} : memref<2x64xf32, #tpu.memory_space<vmem>>, vector<2x64xf32>,
    return
  }
  func.func @transform_0(%arg0: i32) -> (i32, i32) {
    %c0_i32 = arith.constant 0 : i32
    %c0_i32_0 = arith.constant 0 : i32
    return %arg0, %c0_i32 : i32, i32
  }
  func.func @transform_1(%arg0: i32) -> (i32, i32) {
    %c0_i32 = arith.constant 0 : i32
    %c0_i32_0 = arith.constant 0 : i32
    return %arg0, %c0_i32 : i32, i32
  }
  func.func @transform_2(%arg0: i32) -> i32 {
    %c0_i32 = arith.constant 0 : i32
    %c0_i32_0 = arith.constant 0 : i32
    return %c0_i32 : i32
  }
  func.func @transform_3(%arg0: i32) -> (i32, i32) {
    %c0_i32 = arith.constant 0 : i32
    %c0_i32_0 = arith.constant 0 : i32
    %c0_i32_1 = arith.constant 0 : i32
    return %c0_i32, %c0_i32_0 : i32, i32
  }
  func.func @transform_4(%arg0: i32) -> (i32, i32) {
    %c0_i32 = arith.constant 0 : i32
    %c0_i32_0 = arith.constant 0 : i32
    %c0_i32_1 = arith.constant 0 : i32
    return %c0_i32, %c0_i32_0 : i32, i32
  }
  func.func @transform_5(%arg0: i32) -> (i32, i32) {
    %c0_i32 = arith.constant 0 : i32
    %c0_i32_0 = arith.constant 0 : i32
    return %arg0, %c0_i32 : i32, i32
  }
  func.func @transform_6(%arg0: i32) -> (i32, i32) {
    %c0_i32 = arith.constant 0 : i32
    %c0_i32_0 = arith.constant 0 : i32
    %c0_i32_1 = arith.constant 0 : i32
    return %c0_i32, %c0_i32_0 : i32, i32
  }
}

module attributes {stable_mosaic.version = 14 : i64} {
  func.func @_q2_body(%arg0: i32, %arg1: memref<1000x64xf32, #tpu.memory_space<vmem>>, %arg2: memref<2x64xf32, #tpu.memory_space<vmem>>, %arg3: memref<1xi32, #tpu.memory_space<smem>>, %arg4: memref<64x64xf32, #tpu.memory_space<vmem>>, %arg5: memref<1x64xf32, #tpu.memory_space<vmem>>, %arg6: memref<1000x64xf32, #tpu.memory_space<vmem>>, %arg7: memref<2x64xf32, #tpu.memory_space<vmem>>, %arg8: memref<2x64xf32, #tpu.memory_space<vmem>>) attributes {dimension_semantics = [#tpu.dimension_semantics<arbitrary>], iteration_bounds = array<i64: 50>, scalar_prefetch = 0 : i64, scratch_operands = 1 : i64, tpu.core_type = #tpu.core_type<tc>, window_params = [{transform_indices = @transform_0, window_bounds = array<i64: 1000, 64>}, {pipeline_mode = #tpu.pipeline_mode<synchronous>, transform_indices = @transform_1, window_bounds = array<i64: 2, 64>}, {transform_indices = @transform_2, window_bounds = array<i64: 1>}, {pipeline_mode = #tpu.pipeline_mode<synchronous>, transform_indices = @transform_3, window_bounds = array<i64: 64, 64>}, {pipeline_mode = #tpu.pipeline_mode<synchronous>, transform_indices = @transform_4, window_bounds = array<i64: 1, 64>}, {transform_indices = @transform_5, window_bounds = array<i64: 1000, 64>}, {pipeline_mode = #tpu.pipeline_mode<synchronous>, transform_indices = @transform_6, window_bounds = array<i64: 2, 64>}]} {
    %get3A = arith.constant 0 : index
    %get3A_0 = memref.load %arg3[%get3A] : memref<1xi32, #tpu.memory_space<smem>>
    %convert_element_type3A = arith.sitofp %get3A_0 : i32 to f32
    %get3A_1 = arith.constant 0 : index
    %get3A_2 = arith.constant 0 : index
    %get3A_3 = vector.load %arg1[%get3A_1, %get3A_2] : memref<1000x64xf32, #tpu.memory_space<vmem>>, vector<1000x64xf32>
    %get3A_4 = arith.constant 0 : index
    %get3A_5 = arith.constant 0 : index
    %get3A_6 = vector.load %arg2[%get3A_4, %get3A_5] : memref<2x64xf32, #tpu.memory_space<vmem>>, vector<2x64xf32>
    %slice3A = vector.extract_strided_slice %get3A_6 {offsets = [0, 0], sizes = [1, 64], strides = [1, 1]} : vector<2x64xf32> to vector<1x64xf32>
    %div3A = vector.broadcast %convert_element_type3A : f32 to vector<1x64xf32>
    %div3A_7 = arith.divf %slice3A, %div3A : vector<1x64xf32>
    %slice3A_8 = vector.extract_strided_slice %get3A_6 {offsets = [1, 0], sizes = [1, 64], strides = [1, 1]} : vector<2x64xf32> to vector<1x64xf32>
    %div3A_9 = vector.broadcast %convert_element_type3A : f32 to vector<1x64xf32>
    %div3A_10 = arith.divf %slice3A_8, %div3A_9 : vector<1x64xf32>
    %mul3A = arith.mulf %div3A_7, %div3A_7 : vector<1x64xf32>
    %sub3A = arith.subf %div3A_10, %mul3A : vector<1x64xf32>
    %sub3A_11 = vector.broadcast %div3A_7 : vector<1x64xf32> to vector<1000x64xf32>
    %sub3A_12 = arith.subf %get3A_3, %sub3A_11 : vector<1000x64xf32>
    %add3A = arith.constant 9.99999974E-6 : f32
    %add3A_13 = vector.broadcast %add3A : f32 to vector<1x64xf32>
    %add3A_14 = arith.addf %sub3A, %add3A_13 : vector<1x64xf32>
    %rsqrt3A = math.rsqrt %add3A_14 : vector<1x64xf32>
    %mul3A_15 = vector.broadcast %rsqrt3A : vector<1x64xf32> to vector<1000x64xf32>
    %mul3A_16 = arith.mulf %sub3A_12, %mul3A_15 : vector<1000x64xf32>
    %get3A_17 = arith.constant 0 : index
    %get3A_18 = arith.constant 0 : index
    %get3A_19 = vector.load %arg4[%get3A_17, %get3A_18] : memref<64x64xf32, #tpu.memory_space<vmem>>, vector<64x64xf32>
    %dot_general3A = arith.constant dense<0.000000e+00> : vector<1000x64xf32>
    %dot_general3A_20 = tpu.matmul %mul3A_16, %get3A_19, %dot_general3A {dimension_numbers = #tpu.dot_dimension_numbers<[1], [0], [0], [1], [0, 0, 1, 1], [], []>, transpose_lhs_hint = false} : vector<1000x64xf32>, vector<64x64xf32>, vector<1000x64xf32> -> vector<1000x64xf32>
    %get3A_21 = arith.constant 0 : index
    %get3A_22 = arith.constant 0 : index
    %get3A_23 = vector.load %arg5[%get3A_21, %get3A_22] : memref<1x64xf32, #tpu.memory_space<vmem>>, vector<1x64xf32>
    %add3A_24 = vector.broadcast %get3A_23 : vector<1x64xf32> to vector<1000x64xf32>
    %add3A_25 = arith.addf %dot_general3A_20, %add3A_24 : vector<1000x64xf32>
    %jit3A = arith.constant 1.000000e-01 : f32
    %ge3A = arith.constant 0.000000e+00 : f32
    %ge3A_26 = vector.broadcast %ge3A : f32 to vector<1000x64xf32>
    %ge3A_27 = arith.cmpf oge, %add3A_25, %ge3A_26 : vector<1000x64xf32>
    %mul3A_28 = vector.broadcast %jit3A : f32 to vector<1000x64xf32>
    %mul3A_29 = arith.mulf %mul3A_28, %add3A_25 : vector<1000x64xf32>
    %select_n3A = arith.select %ge3A_27, %add3A_25, %mul3A_29 : vector<1000x64xi1>, vector<1000x64xf32>
    %swap3A = arith.constant 0 : index
    %swap3A_30 = arith.constant 0 : index
    %swap3A_31 = vector.load %arg6[%swap3A, %swap3A_30] : memref<1000x64xf32, #tpu.memory_space<vmem>>, vector<1000x64xf32>
    tpu.vector_store %arg6[%swap3A, %swap3A_30], %select_n3A {strides = array<i32>} : memref<1000x64xf32, #tpu.memory_space<vmem>>, vector<1000x64xf32>,
    %iota3A = tpu.iota {dimensions = array<i32: 0>} : vector<1000x1xi32>
    %mul3A_32 = arith.constant 1000 : i32
    %mul3A_33 = arith.muli %arg0, %mul3A_32 : i32
    %add3A_34 = vector.broadcast %mul3A_33 : i32 to vector<1000x1xi32>
    %add3A_35 = arith.addi %iota3A, %add3A_34 : vector<1000x1xi32>
    %get3A_36 = arith.constant 0 : index
    %get3A_37 = memref.load %arg3[%get3A_36] : memref<1xi32, #tpu.memory_space<smem>>
    %lt3A = vector.broadcast %get3A_37 : i32 to vector<1000x1xi32>
    %lt3A_38 = arith.cmpi slt, %add3A_35, %lt3A : vector<1000x1xi32>
    %convert_element_type3A_39 = arith.extui %lt3A_38 : vector<1000x1xi1> to vector<1000x1xi32>
    %convert_element_type3A_40 = arith.sitofp %convert_element_type3A_39 : vector<1000x1xi32> to vector<1000x1xf32>
    %mul3A_41 = vector.broadcast %convert_element_type3A_40 : vector<1000x1xf32> to vector<1000x64xf32>
    %mul3A_42 = arith.mulf %select_n3A, %mul3A_41 : vector<1000x64xf32>
    %eq3A = arith.constant 0 : i32
    %eq3A_43 = arith.cmpi eq, %arg0, %eq3A : i32
    %convert_element_type3A_44 = arith.extui %eq3A_43 : i1 to i32
    %cond3A = arith.constant 0 : i32
    %cond3A_45 = arith.cmpi ne, %convert_element_type3A_44, %cond3A : i32
    scf.if %cond3A_45 {
      %broadcast_in_dim3A = arith.constant 0.000000e+00 : f32
      %broadcast_in_dim3A_65 = vector.broadcast %broadcast_in_dim3A : f32 to vector<2x64xf32>
      %swap3A_66 = arith.constant 0 : index
      %swap3A_67 = arith.constant 0 : index
      %swap3A_68 = vector.load %arg8[%swap3A_66, %swap3A_67] : memref<2x64xf32, #tpu.memory_space<vmem>>, vector<2x64xf32>
      tpu.vector_store %arg8[%swap3A_66, %swap3A_67], %broadcast_in_dim3A_65 {strides = array<i32>} : memref<2x64xf32, #tpu.memory_space<vmem>>, vector<2x64xf32>,
    } else {
    }
    %get3A_46 = arith.constant 0 : index
    %get3A_47 = arith.constant 0 : index
    %get3A_48 = vector.load %arg8[%get3A_46, %get3A_47] : memref<2x64xf32, #tpu.memory_space<vmem>>, vector<2x64xf32>
    %reduce_sum3A = arith.constant dense<0.000000e+00> : vector<64xf32>
    %reduce_sum3A_49 = vector.multi_reduction <add>, %mul3A_42, %reduce_sum3A [0] : vector<1000x64xf32> to vector<64xf32>
    %mul3A_50 = arith.mulf %select_n3A, %mul3A_42 : vector<1000x64xf32>
    %reduce_sum3A_51 = arith.constant dense<0.000000e+00> : vector<64xf32>
    %reduce_sum3A_52 = vector.multi_reduction <add>, %mul3A_50, %reduce_sum3A_51 [0] : vector<1000x64xf32> to vector<64xf32>
    %stack3A = vector.shape_cast %reduce_sum3A_49 : vector<64xf32> to vector<1x64xf32>
    %stack3A_53 = vector.shape_cast %reduce_sum3A_52 : vector<64xf32> to vector<1x64xf32>
    %stack3A_54 = tpu.concatenate %stack3A, %stack3A_53 in 0 : vector<1x64xf32>, vector<1x64xf32> -> vector<2x64xf32>
    %add3A_55 = arith.addf %get3A_48, %stack3A_54 : vector<2x64xf32>
    %swap3A_56 = arith.constant 0 : index
    %swap3A_57 = arith.constant 0 : index
    %swap3A_58 = vector.load %arg8[%swap3A_56, %swap3A_57] : memref<2x64xf32, #tpu.memory_space<vmem>>, vector<2x64xf32>
    tpu.vector_store %arg8[%swap3A_56, %swap3A_57], %add3A_55 {strides = array<i32>} : memref<2x64xf32, #tpu.memory_space<vmem>>, vector<2x64xf32>,
    %get3A_59 = arith.constant 0 : index
    %get3A_60 = arith.constant 0 : index
    %get3A_61 = vector.load %arg8[%get3A_59, %get3A_60] : memref<2x64xf32, #tpu.memory_space<vmem>>, vector<2x64xf32>
    %swap3A_62 = arith.constant 0 : index
    %swap3A_63 = arith.constant 0 : index
    %swap3A_64 = vector.load %arg7[%swap3A_62, %swap3A_63] : memref<2x64xf32, #tpu.memory_space<vmem>>, vector<2x64xf32>
    tpu.vector_store %arg7[%swap3A_62, %swap3A_63], %get3A_61 {strides = array<i32>} : memref<2x64xf32, #tpu.memory_space<vmem>>, vector<2x64xf32>,
    return
  }
  func.func @transform_0(%arg0: i32) -> (i32, i32) {
    %c0_i32 = arith.constant 0 : i32
    %c0_i32_0 = arith.constant 0 : i32
    return %arg0, %c0_i32 : i32, i32
  }
  func.func @transform_1(%arg0: i32) -> (i32, i32) {
    %c0_i32 = arith.constant 0 : i32
    %c0_i32_0 = arith.constant 0 : i32
    %c0_i32_1 = arith.constant 0 : i32
    return %c0_i32, %c0_i32_0 : i32, i32
  }
  func.func @transform_2(%arg0: i32) -> i32 {
    %c0_i32 = arith.constant 0 : i32
    %c0_i32_0 = arith.constant 0 : i32
    return %c0_i32 : i32
  }
  func.func @transform_3(%arg0: i32) -> (i32, i32) {
    %c0_i32 = arith.constant 0 : i32
    %c0_i32_0 = arith.constant 0 : i32
    %c0_i32_1 = arith.constant 0 : i32
    return %c0_i32, %c0_i32_0 : i32, i32
  }
  func.func @transform_4(%arg0: i32) -> (i32, i32) {
    %c0_i32 = arith.constant 0 : i32
    %c0_i32_0 = arith.constant 0 : i32
    %c0_i32_1 = arith.constant 0 : i32
    return %c0_i32, %c0_i32_0 : i32, i32
  }
  func.func @transform_5(%arg0: i32) -> (i32, i32) {
    %c0_i32 = arith.constant 0 : i32
    %c0_i32_0 = arith.constant 0 : i32
    return %arg0, %c0_i32 : i32, i32
  }
  func.func @transform_6(%arg0: i32) -> (i32, i32) {
    %c0_i32 = arith.constant 0 : i32
    %c0_i32_0 = arith.constant 0 : i32
    %c0_i32_1 = arith.constant 0 : i32
    return %c0_i32, %c0_i32_0 : i32, i32
  }
}

module attributes {stable_mosaic.version = 14 : i64} {
  func.func @_q3_body(%arg0: i32, %arg1: memref<1000x64xf32, #tpu.memory_space<vmem>>, %arg2: memref<2x64xf32, #tpu.memory_space<vmem>>, %arg3: memref<1xi32, #tpu.memory_space<smem>>, %arg4: memref<64x128xf32, #tpu.memory_space<vmem>>, %arg5: memref<1x128xf32, #tpu.memory_space<vmem>>, %arg6: memref<128x128xf32, #tpu.memory_space<vmem>>, %arg7: memref<1000x128xf32, #tpu.memory_space<vmem>>) attributes {dimension_semantics = [#tpu.dimension_semantics<arbitrary>], iteration_bounds = array<i64: 50>, scalar_prefetch = 0 : i64, scratch_operands = 0 : i64, tpu.core_type = #tpu.core_type<tc>, window_params = [{transform_indices = @transform_0, window_bounds = array<i64: 1000, 64>}, {pipeline_mode = #tpu.pipeline_mode<synchronous>, transform_indices = @transform_1, window_bounds = array<i64: 2, 64>}, {transform_indices = @transform_2, window_bounds = array<i64: 1>}, {pipeline_mode = #tpu.pipeline_mode<synchronous>, transform_indices = @transform_3, window_bounds = array<i64: 64, 128>}, {pipeline_mode = #tpu.pipeline_mode<synchronous>, transform_indices = @transform_4, window_bounds = array<i64: 1, 128>}, {pipeline_mode = #tpu.pipeline_mode<synchronous>, transform_indices = @transform_5, window_bounds = array<i64: 128, 128>}, {transform_indices = @transform_6, window_bounds = array<i64: 1000, 128>}]} {
    %get3A = arith.constant 0 : index
    %get3A_0 = memref.load %arg3[%get3A] : memref<1xi32, #tpu.memory_space<smem>>
    %convert_element_type3A = arith.sitofp %get3A_0 : i32 to f32
    %get3A_1 = arith.constant 0 : index
    %get3A_2 = arith.constant 0 : index
    %get3A_3 = vector.load %arg1[%get3A_1, %get3A_2] : memref<1000x64xf32, #tpu.memory_space<vmem>>, vector<1000x64xf32>
    %get3A_4 = arith.constant 0 : index
    %get3A_5 = arith.constant 0 : index
    %get3A_6 = vector.load %arg2[%get3A_4, %get3A_5] : memref<2x64xf32, #tpu.memory_space<vmem>>, vector<2x64xf32>
    %slice3A = vector.extract_strided_slice %get3A_6 {offsets = [0, 0], sizes = [1, 64], strides = [1, 1]} : vector<2x64xf32> to vector<1x64xf32>
    %div3A = vector.broadcast %convert_element_type3A : f32 to vector<1x64xf32>
    %div3A_7 = arith.divf %slice3A, %div3A : vector<1x64xf32>
    %slice3A_8 = vector.extract_strided_slice %get3A_6 {offsets = [1, 0], sizes = [1, 64], strides = [1, 1]} : vector<2x64xf32> to vector<1x64xf32>
    %div3A_9 = vector.broadcast %convert_element_type3A : f32 to vector<1x64xf32>
    %div3A_10 = arith.divf %slice3A_8, %div3A_9 : vector<1x64xf32>
    %mul3A = arith.mulf %div3A_7, %div3A_7 : vector<1x64xf32>
    %sub3A = arith.subf %div3A_10, %mul3A : vector<1x64xf32>
    %sub3A_11 = vector.broadcast %div3A_7 : vector<1x64xf32> to vector<1000x64xf32>
    %sub3A_12 = arith.subf %get3A_3, %sub3A_11 : vector<1000x64xf32>
    %add3A = arith.constant 9.99999974E-6 : f32
    %add3A_13 = vector.broadcast %add3A : f32 to vector<1x64xf32>
    %add3A_14 = arith.addf %sub3A, %add3A_13 : vector<1x64xf32>
    %rsqrt3A = math.rsqrt %add3A_14 : vector<1x64xf32>
    %mul3A_15 = vector.broadcast %rsqrt3A : vector<1x64xf32> to vector<1000x64xf32>
    %mul3A_16 = arith.mulf %sub3A_12, %mul3A_15 : vector<1000x64xf32>
    %get3A_17 = arith.constant 0 : index
    %get3A_18 = arith.constant 0 : index
    %get3A_19 = vector.load %arg4[%get3A_17, %get3A_18] : memref<64x128xf32, #tpu.memory_space<vmem>>, vector<64x128xf32>
    %dot_general3A = arith.constant dense<0.000000e+00> : vector<1000x128xf32>
    %dot_general3A_20 = tpu.matmul %mul3A_16, %get3A_19, %dot_general3A {dimension_numbers = #tpu.dot_dimension_numbers<[1], [0], [0], [1], [0, 0, 1, 1], [], []>, transpose_lhs_hint = false} : vector<1000x64xf32>, vector<64x128xf32>, vector<1000x128xf32> -> vector<1000x128xf32>
    %get3A_21 = arith.constant 0 : index
    %get3A_22 = arith.constant 0 : index
    %get3A_23 = vector.load %arg5[%get3A_21, %get3A_22] : memref<1x128xf32, #tpu.memory_space<vmem>>, vector<1x128xf32>
    %add3A_24 = vector.broadcast %get3A_23 : vector<1x128xf32> to vector<1000x128xf32>
    %add3A_25 = arith.addf %dot_general3A_20, %add3A_24 : vector<1000x128xf32>
    %jit3A = arith.constant 1.000000e-01 : f32
    %ge3A = arith.constant 0.000000e+00 : f32
    %ge3A_26 = vector.broadcast %ge3A : f32 to vector<1000x128xf32>
    %ge3A_27 = arith.cmpf oge, %add3A_25, %ge3A_26 : vector<1000x128xf32>
    %mul3A_28 = vector.broadcast %jit3A : f32 to vector<1000x128xf32>
    %mul3A_29 = arith.mulf %mul3A_28, %add3A_25 : vector<1000x128xf32>
    %select_n3A = arith.select %ge3A_27, %add3A_25, %mul3A_29 : vector<1000x128xi1>, vector<1000x128xf32>
    %get3A_30 = arith.constant 0 : index
    %get3A_31 = arith.constant 0 : index
    %get3A_32 = vector.load %arg6[%get3A_30, %get3A_31] : memref<128x128xf32, #tpu.memory_space<vmem>>, vector<128x128xf32>
    %dot_general3A_33 = arith.constant dense<0.000000e+00> : vector<1000x128xf32>
    %dot_general3A_34 = tpu.matmul %select_n3A, %get3A_32, %dot_general3A_33 {dimension_numbers = #tpu.dot_dimension_numbers<[1], [0], [0], [1], [0, 0, 1, 1], [], []>, transpose_lhs_hint = false} : vector<1000x128xf32>, vector<128x128xf32>, vector<1000x128xf32> -> vector<1000x128xf32>
    %swap3A = arith.constant 0 : index
    %swap3A_35 = arith.constant 0 : index
    %swap3A_36 = vector.load %arg7[%swap3A, %swap3A_35] : memref<1000x128xf32, #tpu.memory_space<vmem>>, vector<1000x128xf32>
    tpu.vector_store %arg7[%swap3A, %swap3A_35], %dot_general3A_34 {strides = array<i32>} : memref<1000x128xf32, #tpu.memory_space<vmem>>, vector<1000x128xf32>,
    return
  }
  func.func @transform_0(%arg0: i32) -> (i32, i32) {
    %c0_i32 = arith.constant 0 : i32
    %c0_i32_0 = arith.constant 0 : i32
    return %arg0, %c0_i32 : i32, i32
  }
  func.func @transform_1(%arg0: i32) -> (i32, i32) {
    %c0_i32 = arith.constant 0 : i32
    %c0_i32_0 = arith.constant 0 : i32
    %c0_i32_1 = arith.constant 0 : i32
    return %c0_i32, %c0_i32_0 : i32, i32
  }
  func.func @transform_2(%arg0: i32) -> i32 {
    %c0_i32 = arith.constant 0 : i32
    %c0_i32_0 = arith.constant 0 : i32
    return %c0_i32 : i32
  }
  func.func @transform_3(%arg0: i32) -> (i32, i32) {
    %c0_i32 = arith.constant 0 : i32
    %c0_i32_0 = arith.constant 0 : i32
    %c0_i32_1 = arith.constant 0 : i32
    return %c0_i32, %c0_i32_0 : i32, i32
  }
  func.func @transform_4(%arg0: i32) -> (i32, i32) {
    %c0_i32 = arith.constant 0 : i32
    %c0_i32_0 = arith.constant 0 : i32
    %c0_i32_1 = arith.constant 0 : i32
    return %c0_i32, %c0_i32_0 : i32, i32
  }
  func.func @transform_5(%arg0: i32) -> (i32, i32) {
    %c0_i32 = arith.constant 0 : i32
    %c0_i32_0 = arith.constant 0 : i32
    %c0_i32_1 = arith.constant 0 : i32
    return %c0_i32, %c0_i32_0 : i32, i32
  }
  func.func @transform_6(%arg0: i32) -> (i32, i32) {
    %c0_i32 = arith.constant 0 : i32
    %c0_i32_0 = arith.constant 0 : i32
    return %arg0, %c0_i32 : i32, i32
  }
}

module attributes {stable_mosaic.version = 14 : i64} {
  func.func @_final_body(%arg0: memref<2x6400x128xf32, #tpu.memory_space<vmem>>, %arg1: memref<2x6400x128xf32, #tpu.memory_space<vmem>>, %arg2: memref<128x128xf32, #tpu.memory_space<vmem>>, %arg3: memref<1x128xf32, #tpu.memory_space<vmem>>, %arg4: memref<12500x128xf32, #tpu.memory_space<vmem>>) attributes {dimension_semantics = [], scalar_prefetch = 0 : i64, scratch_operands = 0 : i64, tpu.core_type = #tpu.core_type<tc>} {
    %get3A = arith.constant 0 : index
    %get3A_0 = arith.constant 0 : index
    %get3A_1 = arith.constant 0 : index
    %get3A_2 = vector.load %arg0[%get3A, %get3A_0, %get3A_1] : memref<2x6400x128xf32, #tpu.memory_space<vmem>>, vector<1x6272x128xf32>
    %get3A_3 = vector.shape_cast %get3A_2 : vector<1x6272x128xf32> to vector<6272x128xf32>
    %get3A_4 = arith.constant 1 : index
    %get3A_5 = arith.constant 1 : index
    %get3A_6 = arith.constant 0 : index
    %get3A_7 = vector.load %arg0[%get3A_4, %get3A_5, %get3A_6] : memref<2x6400x128xf32, #tpu.memory_space<vmem>>, vector<1x6228x128xf32>
    %get3A_8 = vector.shape_cast %get3A_7 : vector<1x6228x128xf32> to vector<6228x128xf32>
    %concatenate3A = tpu.concatenate %get3A_3, %get3A_8 in 0 : vector<6272x128xf32>, vector<6228x128xf32> -> vector<12500x128xf32>
    %get3A_9 = arith.constant 0 : index
    %get3A_10 = arith.constant 0 : index
    %get3A_11 = arith.constant 0 : index
    %get3A_12 = vector.load %arg1[%get3A_9, %get3A_10, %get3A_11] : memref<2x6400x128xf32, #tpu.memory_space<vmem>>, vector<1x6272x1xf32>
    %get3A_13 = vector.shape_cast %get3A_12 : vector<1x6272x1xf32> to vector<6272x1xf32>
    %get3A_14 = arith.constant 1 : index
    %get3A_15 = arith.constant 1 : index
    %get3A_16 = arith.constant 0 : index
    %get3A_17 = vector.load %arg1[%get3A_14, %get3A_15, %get3A_16] : memref<2x6400x128xf32, #tpu.memory_space<vmem>>, vector<1x6228x1xf32>
    %get3A_18 = vector.shape_cast %get3A_17 : vector<1x6228x1xf32> to vector<6228x1xf32>
    %concatenate3A_19 = tpu.concatenate %get3A_13, %get3A_18 in 0 : vector<6272x1xf32>, vector<6228x1xf32> -> vector<12500x1xf32>
    %jit3A = arith.constant 1.000000e+00 : f32
    %max3A = vector.broadcast %jit3A : f32 to vector<12500x1xf32>
    %max3A_20 = arith.maximumf %max3A, %concatenate3A_19 : vector<12500x1xf32>
    %div3A = vector.broadcast %max3A_20 : vector<12500x1xf32> to vector<12500x128xf32>
    %div3A_21 = arith.divf %concatenate3A, %div3A : vector<12500x128xf32>
    %get3A_22 = arith.constant 0 : index
    %get3A_23 = arith.constant 0 : index
    %get3A_24 = vector.load %arg2[%get3A_22, %get3A_23] : memref<128x128xf32, #tpu.memory_space<vmem>>, vector<128x128xf32>
    %dot_general3A = arith.constant dense<0.000000e+00> : vector<12500x128xf32>
    %dot_general3A_25 = tpu.matmul %div3A_21, %get3A_24, %dot_general3A {dimension_numbers = #tpu.dot_dimension_numbers<[1], [0], [0], [1], [0, 0, 1, 1], [], []>, transpose_lhs_hint = false} : vector<12500x128xf32>, vector<128x128xf32>, vector<12500x128xf32> -> vector<12500x128xf32>
    %get3A_26 = arith.constant 0 : index
    %get3A_27 = arith.constant 0 : index
    %get3A_28 = vector.load %arg3[%get3A_26, %get3A_27] : memref<1x128xf32, #tpu.memory_space<vmem>>, vector<1x128xf32>
    %add3A = vector.broadcast %get3A_28 : vector<1x128xf32> to vector<12500x128xf32>
    %add3A_29 = arith.addf %dot_general3A_25, %add3A : vector<12500x128xf32>
    %swap3A = arith.constant 0 : index
    %swap3A_30 = arith.constant 0 : index
    %swap3A_31 = vector.load %arg4[%swap3A, %swap3A_30] : memref<12500x128xf32, #tpu.memory_space<vmem>>, vector<12500x128xf32>
    tpu.vector_store %arg4[%swap3A, %swap3A_30], %add3A_29 {strides = array<i32>} : memref<12500x128xf32, #tpu.memory_space<vmem>>, vector<12500x128xf32>,
    return
  }
}

module attributes {stable_mosaic.version = 14 : i64} {
  func.func @_mm_body(%arg0: i32, %arg1: memref<1000x128xf32, #tpu.memory_space<vmem>>, %arg2: memref<128x128xf32, #tpu.memory_space<vmem>>, %arg3: memref<1x128xf32, #tpu.memory_space<vmem>>, %arg4: memref<1000x128xf32, #tpu.memory_space<vmem>>, %arg5: memref<2x128xf32, #tpu.memory_space<vmem>>, %arg6: memref<2x128xf32, #tpu.memory_space<vmem>>) attributes {dimension_semantics = [#tpu.dimension_semantics<arbitrary>], iteration_bounds = array<i64: 25>, scalar_prefetch = 0 : i64, scratch_operands = 1 : i64, tpu.core_type = #tpu.core_type<tc>, window_params = [{transform_indices = @transform_0, window_bounds = array<i64: 1000, 128>}, {pipeline_mode = #tpu.pipeline_mode<synchronous>, transform_indices = @transform_1, window_bounds = array<i64: 128, 128>}, {pipeline_mode = #tpu.pipeline_mode<synchronous>, transform_indices = @transform_2, window_bounds = array<i64: 1, 128>}, {transform_indices = @transform_3, window_bounds = array<i64: 1000, 128>}, {pipeline_mode = #tpu.pipeline_mode<synchronous>, transform_indices = @transform_4, window_bounds = array<i64: 2, 128>}]} {
    %get3A = arith.constant 0 : index
    %get3A_0 = arith.constant 0 : index
    %get3A_1 = vector.load %arg1[%get3A, %get3A_0] : memref<1000x128xf32, #tpu.memory_space<vmem>>, vector<1000x128xf32>
    %get3A_2 = arith.constant 0 : index
    %get3A_3 = arith.constant 0 : index
    %get3A_4 = vector.load %arg2[%get3A_2, %get3A_3] : memref<128x128xf32, #tpu.memory_space<vmem>>, vector<128x128xf32>
    %dot_general3A = arith.constant dense<0.000000e+00> : vector<1000x128xf32>
    %dot_general3A_5 = tpu.matmul %get3A_1, %get3A_4, %dot_general3A {dimension_numbers = #tpu.dot_dimension_numbers<[1], [0], [0], [1], [0, 0, 1, 1], [], []>, transpose_lhs_hint = false} : vector<1000x128xf32>, vector<128x128xf32>, vector<1000x128xf32> -> vector<1000x128xf32>
    %get3A_6 = arith.constant 0 : index
    %get3A_7 = arith.constant 0 : index
    %get3A_8 = vector.load %arg3[%get3A_6, %get3A_7] : memref<1x128xf32, #tpu.memory_space<vmem>>, vector<1x128xf32>
    %add3A = vector.broadcast %get3A_8 : vector<1x128xf32> to vector<1000x128xf32>
    %add3A_9 = arith.addf %dot_general3A_5, %add3A : vector<1000x128xf32>
    %swap3A = arith.constant 0 : index
    %swap3A_10 = arith.constant 0 : index
    %swap3A_11 = vector.load %arg4[%swap3A, %swap3A_10] : memref<1000x128xf32, #tpu.memory_space<vmem>>, vector<1000x128xf32>
    tpu.vector_store %arg4[%swap3A, %swap3A_10], %add3A_9 {strides = array<i32>} : memref<1000x128xf32, #tpu.memory_space<vmem>>, vector<1000x128xf32>,
    %eq3A = arith.constant 0 : i32
    %eq3A_12 = arith.cmpi eq, %arg0, %eq3A : i32
    %convert_element_type3A = arith.extui %eq3A_12 : i1 to i32
    %cond3A = arith.constant 0 : i32
    %cond3A_13 = arith.cmpi ne, %convert_element_type3A, %cond3A : i32
    scf.if %cond3A_13 {
      %broadcast_in_dim3A = arith.constant 0.000000e+00 : f32
      %broadcast_in_dim3A_32 = vector.broadcast %broadcast_in_dim3A : f32 to vector<2x128xf32>
      %swap3A_33 = arith.constant 0 : index
      %swap3A_34 = arith.constant 0 : index
      %swap3A_35 = vector.load %arg6[%swap3A_33, %swap3A_34] : memref<2x128xf32, #tpu.memory_space<vmem>>, vector<2x128xf32>
      tpu.vector_store %arg6[%swap3A_33, %swap3A_34], %broadcast_in_dim3A_32 {strides = array<i32>} : memref<2x128xf32, #tpu.memory_space<vmem>>, vector<2x128xf32>,
    } else {
    }
    %get3A_14 = arith.constant 0 : index
    %get3A_15 = arith.constant 0 : index
    %get3A_16 = vector.load %arg6[%get3A_14, %get3A_15] : memref<2x128xf32, #tpu.memory_space<vmem>>, vector<2x128xf32>
    %reduce_sum3A = arith.constant dense<0.000000e+00> : vector<128xf32>
    %reduce_sum3A_17 = vector.multi_reduction <add>, %add3A_9, %reduce_sum3A [0] : vector<1000x128xf32> to vector<128xf32>
    %mul3A = arith.mulf %add3A_9, %add3A_9 : vector<1000x128xf32>
    %reduce_sum3A_18 = arith.constant dense<0.000000e+00> : vector<128xf32>
    %reduce_sum3A_19 = vector.multi_reduction <add>, %mul3A, %reduce_sum3A_18 [0] : vector<1000x128xf32> to vector<128xf32>
    %stack3A = vector.shape_cast %reduce_sum3A_17 : vector<128xf32> to vector<1x128xf32>
    %stack3A_20 = vector.shape_cast %reduce_sum3A_19 : vector<128xf32> to vector<1x128xf32>
    %stack3A_21 = tpu.concatenate %stack3A, %stack3A_20 in 0 : vector<1x128xf32>, vector<1x128xf32> -> vector<2x128xf32>
    %add3A_22 = arith.addf %get3A_16, %stack3A_21 : vector<2x128xf32>
    %swap3A_23 = arith.constant 0 : index
    %swap3A_24 = arith.constant 0 : index
    %swap3A_25 = vector.load %arg6[%swap3A_23, %swap3A_24] : memref<2x128xf32, #tpu.memory_space<vmem>>, vector<2x128xf32>
    tpu.vector_store %arg6[%swap3A_23, %swap3A_24], %add3A_22 {strides = array<i32>} : memref<2x128xf32, #tpu.memory_space<vmem>>, vector<2x128xf32>,
    %get3A_26 = arith.constant 0 : index
    %get3A_27 = arith.constant 0 : index
    %get3A_28 = vector.load %arg6[%get3A_26, %get3A_27] : memref<2x128xf32, #tpu.memory_space<vmem>>, vector<2x128xf32>
    %swap3A_29 = arith.constant 0 : index
    %swap3A_30 = arith.constant 0 : index
    %swap3A_31 = vector.load %arg5[%swap3A_29, %swap3A_30] : memref<2x128xf32, #tpu.memory_space<vmem>>, vector<2x128xf32>
    tpu.vector_store %arg5[%swap3A_29, %swap3A_30], %get3A_28 {strides = array<i32>} : memref<2x128xf32, #tpu.memory_space<vmem>>, vector<2x128xf32>,
    return
  }
  func.func @transform_0(%arg0: i32) -> (i32, i32) {
    %c0_i32 = arith.constant 0 : i32
    %c0_i32_0 = arith.constant 0 : i32
    return %arg0, %c0_i32 : i32, i32
  }
  func.func @transform_1(%arg0: i32) -> (i32, i32) {
    %c0_i32 = arith.constant 0 : i32
    %c0_i32_0 = arith.constant 0 : i32
    %c0_i32_1 = arith.constant 0 : i32
    return %c0_i32, %c0_i32_0 : i32, i32
  }
  func.func @transform_2(%arg0: i32) -> (i32, i32) {
    %c0_i32 = arith.constant 0 : i32
    %c0_i32_0 = arith.constant 0 : i32
    %c0_i32_1 = arith.constant 0 : i32
    return %c0_i32, %c0_i32_0 : i32, i32
  }
  func.func @transform_3(%arg0: i32) -> (i32, i32) {
    %c0_i32 = arith.constant 0 : i32
    %c0_i32_0 = arith.constant 0 : i32
    return %arg0, %c0_i32 : i32, i32
  }
  func.func @transform_4(%arg0: i32) -> (i32, i32) {
    %c0_i32 = arith.constant 0 : i32
    %c0_i32_0 = arith.constant 0 : i32
    %c0_i32_1 = arith.constant 0 : i32
    return %c0_i32, %c0_i32_0 : i32, i32
  }
}

module attributes {stable_mosaic.version = 14 : i64} {
  func.func @_nrm_body(%arg0: i32, %arg1: memref<1000x128xf32, #tpu.memory_space<vmem>>, %arg2: memref<2x128xf32, #tpu.memory_space<vmem>>, %arg3: memref<128x128xf32, #tpu.memory_space<vmem>>, %arg4: memref<1x128xf32, #tpu.memory_space<vmem>>, %arg5: memref<1000x128xf32, #tpu.memory_space<vmem>>, %arg6: memref<2x128xf32, #tpu.memory_space<vmem>>, %arg7: memref<2x128xf32, #tpu.memory_space<vmem>>) attributes {dimension_semantics = [#tpu.dimension_semantics<arbitrary>], iteration_bounds = array<i64: 25>, scalar_prefetch = 0 : i64, scratch_operands = 1 : i64, tpu.core_type = #tpu.core_type<tc>, window_params = [{transform_indices = @transform_0, window_bounds = array<i64: 1000, 128>}, {pipeline_mode = #tpu.pipeline_mode<synchronous>, transform_indices = @transform_1, window_bounds = array<i64: 2, 128>}, {pipeline_mode = #tpu.pipeline_mode<synchronous>, transform_indices = @transform_2, window_bounds = array<i64: 128, 128>}, {pipeline_mode = #tpu.pipeline_mode<synchronous>, transform_indices = @transform_3, window_bounds = array<i64: 1, 128>}, {transform_indices = @transform_4, window_bounds = array<i64: 1000, 128>}, {pipeline_mode = #tpu.pipeline_mode<synchronous>, transform_indices = @transform_5, window_bounds = array<i64: 2, 128>}]} {
    %get3A = arith.constant 0 : index
    %get3A_0 = arith.constant 0 : index
    %get3A_1 = vector.load %arg1[%get3A, %get3A_0] : memref<1000x128xf32, #tpu.memory_space<vmem>>, vector<1000x128xf32>
    %get3A_2 = arith.constant 0 : index
    %get3A_3 = arith.constant 0 : index
    %get3A_4 = vector.load %arg2[%get3A_2, %get3A_3] : memref<2x128xf32, #tpu.memory_space<vmem>>, vector<2x128xf32>
    %slice3A = vector.extract_strided_slice %get3A_4 {offsets = [0, 0], sizes = [1, 128], strides = [1, 1]} : vector<2x128xf32> to vector<1x128xf32>
    %mul3A = arith.constant 4.000000e-05 : f32
    %mul3A_5 = vector.broadcast %mul3A : f32 to vector<1x128xf32>
    %mul3A_6 = arith.mulf %slice3A, %mul3A_5 : vector<1x128xf32>
    %slice3A_7 = vector.extract_strided_slice %get3A_4 {offsets = [1, 0], sizes = [1, 128], strides = [1, 1]} : vector<2x128xf32> to vector<1x128xf32>
    %mul3A_8 = arith.constant 4.000000e-05 : f32
    %mul3A_9 = vector.broadcast %mul3A_8 : f32 to vector<1x128xf32>
    %mul3A_10 = arith.mulf %slice3A_7, %mul3A_9 : vector<1x128xf32>
    %mul3A_11 = arith.mulf %mul3A_6, %mul3A_6 : vector<1x128xf32>
    %sub3A = arith.subf %mul3A_10, %mul3A_11 : vector<1x128xf32>
    %sub3A_12 = vector.broadcast %mul3A_6 : vector<1x128xf32> to vector<1000x128xf32>
    %sub3A_13 = arith.subf %get3A_1, %sub3A_12 : vector<1000x128xf32>
    %add3A = arith.constant 9.99999974E-6 : f32
    %add3A_14 = vector.broadcast %add3A : f32 to vector<1x128xf32>
    %add3A_15 = arith.addf %sub3A, %add3A_14 : vector<1x128xf32>
    %rsqrt3A = math.rsqrt %add3A_15 : vector<1x128xf32>
    %mul3A_16 = vector.broadcast %rsqrt3A : vector<1x128xf32> to vector<1000x128xf32>
    %mul3A_17 = arith.mulf %sub3A_13, %mul3A_16 : vector<1000x128xf32>
    %max3A = arith.constant 0.000000e+00 : f32
    %max3A_18 = vector.broadcast %max3A : f32 to vector<1000x128xf32>
    %max3A_19 = arith.maximumf %mul3A_17, %max3A_18 : vector<1000x128xf32>
    %get3A_20 = arith.constant 0 : index
    %get3A_21 = arith.constant 0 : index
    %get3A_22 = vector.load %arg3[%get3A_20, %get3A_21] : memref<128x128xf32, #tpu.memory_space<vmem>>, vector<128x128xf32>
    %dot_general3A = arith.constant dense<0.000000e+00> : vector<1000x128xf32>
    %dot_general3A_23 = tpu.matmul %max3A_19, %get3A_22, %dot_general3A {dimension_numbers = #tpu.dot_dimension_numbers<[1], [0], [0], [1], [0, 0, 1, 1], [], []>, transpose_lhs_hint = false} : vector<1000x128xf32>, vector<128x128xf32>, vector<1000x128xf32> -> vector<1000x128xf32>
    %get3A_24 = arith.constant 0 : index
    %get3A_25 = arith.constant 0 : index
    %get3A_26 = vector.load %arg4[%get3A_24, %get3A_25] : memref<1x128xf32, #tpu.memory_space<vmem>>, vector<1x128xf32>
    %add3A_27 = vector.broadcast %get3A_26 : vector<1x128xf32> to vector<1000x128xf32>
    %add3A_28 = arith.addf %dot_general3A_23, %add3A_27 : vector<1000x128xf32>
    %swap3A = arith.constant 0 : index
    %swap3A_29 = arith.constant 0 : index
    %swap3A_30 = vector.load %arg5[%swap3A, %swap3A_29] : memref<1000x128xf32, #tpu.memory_space<vmem>>, vector<1000x128xf32>
    tpu.vector_store %arg5[%swap3A, %swap3A_29], %add3A_28 {strides = array<i32>} : memref<1000x128xf32, #tpu.memory_space<vmem>>, vector<1000x128xf32>,
    %eq3A = arith.constant 0 : i32
    %eq3A_31 = arith.cmpi eq, %arg0, %eq3A : i32
    %convert_element_type3A = arith.extui %eq3A_31 : i1 to i32
    %cond3A = arith.constant 0 : i32
    %cond3A_32 = arith.cmpi ne, %convert_element_type3A, %cond3A : i32
    scf.if %cond3A_32 {
      %broadcast_in_dim3A = arith.constant 0.000000e+00 : f32
      %broadcast_in_dim3A_52 = vector.broadcast %broadcast_in_dim3A : f32 to vector<2x128xf32>
      %swap3A_53 = arith.constant 0 : index
      %swap3A_54 = arith.constant 0 : index
      %swap3A_55 = vector.load %arg7[%swap3A_53, %swap3A_54] : memref<2x128xf32, #tpu.memory_space<vmem>>, vector<2x128xf32>
      tpu.vector_store %arg7[%swap3A_53, %swap3A_54], %broadcast_in_dim3A_52 {strides = array<i32>} : memref<2x128xf32, #tpu.memory_space<vmem>>, vector<2x128xf32>,
    } else {
    }
    %get3A_33 = arith.constant 0 : index
    %get3A_34 = arith.constant 0 : index
    %get3A_35 = vector.load %arg7[%get3A_33, %get3A_34] : memref<2x128xf32, #tpu.memory_space<vmem>>, vector<2x128xf32>
    %reduce_sum3A = arith.constant dense<0.000000e+00> : vector<128xf32>
    %reduce_sum3A_36 = vector.multi_reduction <add>, %add3A_28, %reduce_sum3A [0] : vector<1000x128xf32> to vector<128xf32>
    %mul3A_37 = arith.mulf %add3A_28, %add3A_28 : vector<1000x128xf32>
    %reduce_sum3A_38 = arith.constant dense<0.000000e+00> : vector<128xf32>
    %reduce_sum3A_39 = vector.multi_reduction <add>, %mul3A_37, %reduce_sum3A_38 [0] : vector<1000x128xf32> to vector<128xf32>
    %stack3A = vector.shape_cast %reduce_sum3A_36 : vector<128xf32> to vector<1x128xf32>
    %stack3A_40 = vector.shape_cast %reduce_sum3A_39 : vector<128xf32> to vector<1x128xf32>
    %stack3A_41 = tpu.concatenate %stack3A, %stack3A_40 in 0 : vector<1x128xf32>, vector<1x128xf32> -> vector<2x128xf32>
    %add3A_42 = arith.addf %get3A_35, %stack3A_41 : vector<2x128xf32>
    %swap3A_43 = arith.constant 0 : index
    %swap3A_44 = arith.constant 0 : index
    %swap3A_45 = vector.load %arg7[%swap3A_43, %swap3A_44] : memref<2x128xf32, #tpu.memory_space<vmem>>, vector<2x128xf32>
    tpu.vector_store %arg7[%swap3A_43, %swap3A_44], %add3A_42 {strides = array<i32>} : memref<2x128xf32, #tpu.memory_space<vmem>>, vector<2x128xf32>,
    %get3A_46 = arith.constant 0 : index
    %get3A_47 = arith.constant 0 : index
    %get3A_48 = vector.load %arg7[%get3A_46, %get3A_47] : memref<2x128xf32, #tpu.memory_space<vmem>>, vector<2x128xf32>
    %swap3A_49 = arith.constant 0 : index
    %swap3A_50 = arith.constant 0 : index
    %swap3A_51 = vector.load %arg6[%swap3A_49, %swap3A_50] : memref<2x128xf32, #tpu.memory_space<vmem>>, vector<2x128xf32>
    tpu.vector_store %arg6[%swap3A_49, %swap3A_50], %get3A_48 {strides = array<i32>} : memref<2x128xf32, #tpu.memory_space<vmem>>, vector<2x128xf32>,
    return
  }
  func.func @transform_0(%arg0: i32) -> (i32, i32) {
    %c0_i32 = arith.constant 0 : i32
    %c0_i32_0 = arith.constant 0 : i32
    return %arg0, %c0_i32 : i32, i32
  }
  func.func @transform_1(%arg0: i32) -> (i32, i32) {
    %c0_i32 = arith.constant 0 : i32
    %c0_i32_0 = arith.constant 0 : i32
    %c0_i32_1 = arith.constant 0 : i32
    return %c0_i32, %c0_i32_0 : i32, i32
  }
  func.func @transform_2(%arg0: i32) -> (i32, i32) {
    %c0_i32 = arith.constant 0 : i32
    %c0_i32_0 = arith.constant 0 : i32
    %c0_i32_1 = arith.constant 0 : i32
    return %c0_i32, %c0_i32_0 : i32, i32
  }
  func.func @transform_3(%arg0: i32) -> (i32, i32) {
    %c0_i32 = arith.constant 0 : i32
    %c0_i32_0 = arith.constant 0 : i32
    %c0_i32_1 = arith.constant 0 : i32
    return %c0_i32, %c0_i32_0 : i32, i32
  }
  func.func @transform_4(%arg0: i32) -> (i32, i32) {
    %c0_i32 = arith.constant 0 : i32
    %c0_i32_0 = arith.constant 0 : i32
    return %arg0, %c0_i32 : i32, i32
  }
  func.func @transform_5(%arg0: i32) -> (i32, i32) {
    %c0_i32 = arith.constant 0 : i32
    %c0_i32_0 = arith.constant 0 : i32
    %c0_i32_1 = arith.constant 0 : i32
    return %c0_i32, %c0_i32_0 : i32, i32
  }
}

module attributes {stable_mosaic.version = 14 : i64} {
  func.func @_nrmres_body(%arg0: i32, %arg1: memref<1000x128xf32, #tpu.memory_space<vmem>>, %arg2: memref<2x128xf32, #tpu.memory_space<vmem>>, %arg3: memref<1000x128xf32, #tpu.memory_space<vmem>>, %arg4: memref<128x128xf32, #tpu.memory_space<vmem>>, %arg5: memref<1x128xf32, #tpu.memory_space<vmem>>, %arg6: memref<1000x128xf32, #tpu.memory_space<vmem>>, %arg7: memref<1000x128xf32, #tpu.memory_space<vmem>>, %arg8: memref<2x128xf32, #tpu.memory_space<vmem>>, %arg9: memref<2x128xf32, #tpu.memory_space<vmem>>) attributes {dimension_semantics = [#tpu.dimension_semantics<arbitrary>], iteration_bounds = array<i64: 25>, scalar_prefetch = 0 : i64, scratch_operands = 1 : i64, tpu.core_type = #tpu.core_type<tc>, window_params = [{transform_indices = @transform_0, window_bounds = array<i64: 1000, 128>}, {pipeline_mode = #tpu.pipeline_mode<synchronous>, transform_indices = @transform_1, window_bounds = array<i64: 2, 128>}, {transform_indices = @transform_2, window_bounds = array<i64: 1000, 128>}, {pipeline_mode = #tpu.pipeline_mode<synchronous>, transform_indices = @transform_3, window_bounds = array<i64: 128, 128>}, {pipeline_mode = #tpu.pipeline_mode<synchronous>, transform_indices = @transform_4, window_bounds = array<i64: 1, 128>}, {transform_indices = @transform_5, window_bounds = array<i64: 1000, 128>}, {transform_indices = @transform_6, window_bounds = array<i64: 1000, 128>}, {pipeline_mode = #tpu.pipeline_mode<synchronous>, transform_indices = @transform_7, window_bounds = array<i64: 2, 128>}]} {
    %get3A = arith.constant 0 : index
    %get3A_0 = arith.constant 0 : index
    %get3A_1 = vector.load %arg1[%get3A, %get3A_0] : memref<1000x128xf32, #tpu.memory_space<vmem>>, vector<1000x128xf32>
    %get3A_2 = arith.constant 0 : index
    %get3A_3 = arith.constant 0 : index
    %get3A_4 = vector.load %arg2[%get3A_2, %get3A_3] : memref<2x128xf32, #tpu.memory_space<vmem>>, vector<2x128xf32>
    %slice3A = vector.extract_strided_slice %get3A_4 {offsets = [0, 0], sizes = [1, 128], strides = [1, 1]} : vector<2x128xf32> to vector<1x128xf32>
    %mul3A = arith.constant 4.000000e-05 : f32
    %mul3A_5 = vector.broadcast %mul3A : f32 to vector<1x128xf32>
    %mul3A_6 = arith.mulf %slice3A, %mul3A_5 : vector<1x128xf32>
    %slice3A_7 = vector.extract_strided_slice %get3A_4 {offsets = [1, 0], sizes = [1, 128], strides = [1, 1]} : vector<2x128xf32> to vector<1x128xf32>
    %mul3A_8 = arith.constant 4.000000e-05 : f32
    %mul3A_9 = vector.broadcast %mul3A_8 : f32 to vector<1x128xf32>
    %mul3A_10 = arith.mulf %slice3A_7, %mul3A_9 : vector<1x128xf32>
    %mul3A_11 = arith.mulf %mul3A_6, %mul3A_6 : vector<1x128xf32>
    %sub3A = arith.subf %mul3A_10, %mul3A_11 : vector<1x128xf32>
    %sub3A_12 = vector.broadcast %mul3A_6 : vector<1x128xf32> to vector<1000x128xf32>
    %sub3A_13 = arith.subf %get3A_1, %sub3A_12 : vector<1000x128xf32>
    %add3A = arith.constant 9.99999974E-6 : f32
    %add3A_14 = vector.broadcast %add3A : f32 to vector<1x128xf32>
    %add3A_15 = arith.addf %sub3A, %add3A_14 : vector<1x128xf32>
    %rsqrt3A = math.rsqrt %add3A_15 : vector<1x128xf32>
    %mul3A_16 = vector.broadcast %rsqrt3A : vector<1x128xf32> to vector<1000x128xf32>
    %mul3A_17 = arith.mulf %sub3A_13, %mul3A_16 : vector<1000x128xf32>
    %get3A_18 = arith.constant 0 : index
    %get3A_19 = arith.constant 0 : index
    %get3A_20 = vector.load %arg3[%get3A_18, %get3A_19] : memref<1000x128xf32, #tpu.memory_space<vmem>>, vector<1000x128xf32>
    %add3A_21 = arith.addf %mul3A_17, %get3A_20 : vector<1000x128xf32>
    %max3A = arith.constant 0.000000e+00 : f32
    %max3A_22 = vector.broadcast %max3A : f32 to vector<1000x128xf32>
    %max3A_23 = arith.maximumf %add3A_21, %max3A_22 : vector<1000x128xf32>
    %swap3A = arith.constant 0 : index
    %swap3A_24 = arith.constant 0 : index
    %swap3A_25 = vector.load %arg6[%swap3A, %swap3A_24] : memref<1000x128xf32, #tpu.memory_space<vmem>>, vector<1000x128xf32>
    tpu.vector_store %arg6[%swap3A, %swap3A_24], %max3A_23 {strides = array<i32>} : memref<1000x128xf32, #tpu.memory_space<vmem>>, vector<1000x128xf32>,
    %get3A_26 = arith.constant 0 : index
    %get3A_27 = arith.constant 0 : index
    %get3A_28 = vector.load %arg4[%get3A_26, %get3A_27] : memref<128x128xf32, #tpu.memory_space<vmem>>, vector<128x128xf32>
    %dot_general3A = arith.constant dense<0.000000e+00> : vector<1000x128xf32>
    %dot_general3A_29 = tpu.matmul %max3A_23, %get3A_28, %dot_general3A {dimension_numbers = #tpu.dot_dimension_numbers<[1], [0], [0], [1], [0, 0, 1, 1], [], []>, transpose_lhs_hint = false} : vector<1000x128xf32>, vector<128x128xf32>, vector<1000x128xf32> -> vector<1000x128xf32>
    %get3A_30 = arith.constant 0 : index
    %get3A_31 = arith.constant 0 : index
    %get3A_32 = vector.load %arg5[%get3A_30, %get3A_31] : memref<1x128xf32, #tpu.memory_space<vmem>>, vector<1x128xf32>
    %add3A_33 = vector.broadcast %get3A_32 : vector<1x128xf32> to vector<1000x128xf32>
    %add3A_34 = arith.addf %dot_general3A_29, %add3A_33 : vector<1000x128xf32>
    %swap3A_35 = arith.constant 0 : index
    %swap3A_36 = arith.constant 0 : index
    %swap3A_37 = vector.load %arg7[%swap3A_35, %swap3A_36] : memref<1000x128xf32, #tpu.memory_space<vmem>>, vector<1000x128xf32>
    tpu.vector_store %arg7[%swap3A_35, %swap3A_36], %add3A_34 {strides = array<i32>} : memref<1000x128xf32, #tpu.memory_space<vmem>>, vector<1000x128xf32>,
    %eq3A = arith.constant 0 : i32
    %eq3A_38 = arith.cmpi eq, %arg0, %eq3A : i32
    %convert_element_type3A = arith.extui %eq3A_38 : i1 to i32
    %cond3A = arith.constant 0 : i32
    %cond3A_39 = arith.cmpi ne, %convert_element_type3A, %cond3A : i32
    scf.if %cond3A_39 {
      %broadcast_in_dim3A = arith.constant 0.000000e+00 : f32
      %broadcast_in_dim3A_59 = vector.broadcast %broadcast_in_dim3A : f32 to vector<2x128xf32>
      %swap3A_60 = arith.constant 0 : index
      %swap3A_61 = arith.constant 0 : index
      %swap3A_62 = vector.load %arg9[%swap3A_60, %swap3A_61] : memref<2x128xf32, #tpu.memory_space<vmem>>, vector<2x128xf32>
      tpu.vector_store %arg9[%swap3A_60, %swap3A_61], %broadcast_in_dim3A_59 {strides = array<i32>} : memref<2x128xf32, #tpu.memory_space<vmem>>, vector<2x128xf32>,
    } else {
    }
    %get3A_40 = arith.constant 0 : index
    %get3A_41 = arith.constant 0 : index
    %get3A_42 = vector.load %arg9[%get3A_40, %get3A_41] : memref<2x128xf32, #tpu.memory_space<vmem>>, vector<2x128xf32>
    %reduce_sum3A = arith.constant dense<0.000000e+00> : vector<128xf32>
    %reduce_sum3A_43 = vector.multi_reduction <add>, %add3A_34, %reduce_sum3A [0] : vector<1000x128xf32> to vector<128xf32>
    %mul3A_44 = arith.mulf %add3A_34, %add3A_34 : vector<1000x128xf32>
    %reduce_sum3A_45 = arith.constant dense<0.000000e+00> : vector<128xf32>
    %reduce_sum3A_46 = vector.multi_reduction <add>, %mul3A_44, %reduce_sum3A_45 [0] : vector<1000x128xf32> to vector<128xf32>
    %stack3A = vector.shape_cast %reduce_sum3A_43 : vector<128xf32> to vector<1x128xf32>
    %stack3A_47 = vector.shape_cast %reduce_sum3A_46 : vector<128xf32> to vector<1x128xf32>
    %stack3A_48 = tpu.concatenate %stack3A, %stack3A_47 in 0 : vector<1x128xf32>, vector<1x128xf32> -> vector<2x128xf32>
    %add3A_49 = arith.addf %get3A_42, %stack3A_48 : vector<2x128xf32>
    %swap3A_50 = arith.constant 0 : index
    %swap3A_51 = arith.constant 0 : index
    %swap3A_52 = vector.load %arg9[%swap3A_50, %swap3A_51] : memref<2x128xf32, #tpu.memory_space<vmem>>, vector<2x128xf32>
    tpu.vector_store %arg9[%swap3A_50, %swap3A_51], %add3A_49 {strides = array<i32>} : memref<2x128xf32, #tpu.memory_space<vmem>>, vector<2x128xf32>,
    %get3A_53 = arith.constant 0 : index
    %get3A_54 = arith.constant 0 : index
    %get3A_55 = vector.load %arg9[%get3A_53, %get3A_54] : memref<2x128xf32, #tpu.memory_space<vmem>>, vector<2x128xf32>
    %swap3A_56 = arith.constant 0 : index
    %swap3A_57 = arith.constant 0 : index
    %swap3A_58 = vector.load %arg8[%swap3A_56, %swap3A_57] : memref<2x128xf32, #tpu.memory_space<vmem>>, vector<2x128xf32>
    tpu.vector_store %arg8[%swap3A_56, %swap3A_57], %get3A_55 {strides = array<i32>} : memref<2x128xf32, #tpu.memory_space<vmem>>, vector<2x128xf32>,
    return
  }
  func.func @transform_0(%arg0: i32) -> (i32, i32) {
    %c0_i32 = arith.constant 0 : i32
    %c0_i32_0 = arith.constant 0 : i32
    return %arg0, %c0_i32 : i32, i32
  }
  func.func @transform_1(%arg0: i32) -> (i32, i32) {
    %c0_i32 = arith.constant 0 : i32
    %c0_i32_0 = arith.constant 0 : i32
    %c0_i32_1 = arith.constant 0 : i32
    return %c0_i32, %c0_i32_0 : i32, i32
  }
  func.func @transform_2(%arg0: i32) -> (i32, i32) {
    %c0_i32 = arith.constant 0 : i32
    %c0_i32_0 = arith.constant 0 : i32
    return %arg0, %c0_i32 : i32, i32
  }
  func.func @transform_3(%arg0: i32) -> (i32, i32) {
    %c0_i32 = arith.constant 0 : i32
    %c0_i32_0 = arith.constant 0 : i32
    %c0_i32_1 = arith.constant 0 : i32
    return %c0_i32, %c0_i32_0 : i32, i32
  }
  func.func @transform_4(%arg0: i32) -> (i32, i32) {
    %c0_i32 = arith.constant 0 : i32
    %c0_i32_0 = arith.constant 0 : i32
    %c0_i32_1 = arith.constant 0 : i32
    return %c0_i32, %c0_i32_0 : i32, i32
  }
  func.func @transform_5(%arg0: i32) -> (i32, i32) {
    %c0_i32 = arith.constant 0 : i32
    %c0_i32_0 = arith.constant 0 : i32
    return %arg0, %c0_i32 : i32, i32
  }
  func.func @transform_6(%arg0: i32) -> (i32, i32) {
    %c0_i32 = arith.constant 0 : i32
    %c0_i32_0 = arith.constant 0 : i32
    return %arg0, %c0_i32 : i32, i32
  }
  func.func @transform_7(%arg0: i32) -> (i32, i32) {
    %c0_i32 = arith.constant 0 : i32
    %c0_i32_0 = arith.constant 0 : i32
    %c0_i32_1 = arith.constant 0 : i32
    return %c0_i32, %c0_i32_0 : i32, i32
  }
}

module attributes {stable_mosaic.version = 14 : i64} {
  func.func @_tailp_body(%arg0: i32, %arg1: memref<1000x128xf32, #tpu.memory_space<vmem>>, %arg2: memref<2x128xf32, #tpu.memory_space<vmem>>, %arg3: memref<1000x128xf32, #tpu.memory_space<vmem>>, %arg4: memref<1x128xf32, #tpu.memory_space<vmem>>, %arg5: memref<1x1xf32, #tpu.memory_space<vmem>>, %arg6: memref<1x1xf32, #tpu.memory_space<vmem>>, %arg7: memref<1x1xf32, #tpu.memory_space<vmem>>) attributes {dimension_semantics = [#tpu.dimension_semantics<arbitrary>], iteration_bounds = array<i64: 25>, scalar_prefetch = 0 : i64, scratch_operands = 1 : i64, tpu.core_type = #tpu.core_type<tc>, window_params = [{transform_indices = @transform_0, window_bounds = array<i64: 1000, 128>}, {pipeline_mode = #tpu.pipeline_mode<synchronous>, transform_indices = @transform_1, window_bounds = array<i64: 2, 128>}, {transform_indices = @transform_2, window_bounds = array<i64: 1000, 128>}, {pipeline_mode = #tpu.pipeline_mode<synchronous>, transform_indices = @transform_3, window_bounds = array<i64: 1, 128>}, {pipeline_mode = #tpu.pipeline_mode<synchronous>, transform_indices = @transform_4, window_bounds = array<i64: 1, 1>}, {pipeline_mode = #tpu.pipeline_mode<synchronous>, transform_indices = @transform_5, window_bounds = array<i64: 1, 1>}]} {
    %get3A = arith.constant 0 : index
    %get3A_0 = arith.constant 0 : index
    %get3A_1 = vector.load %arg1[%get3A, %get3A_0] : memref<1000x128xf32, #tpu.memory_space<vmem>>, vector<1000x128xf32>
    %get3A_2 = arith.constant 0 : index
    %get3A_3 = arith.constant 0 : index
    %get3A_4 = vector.load %arg2[%get3A_2, %get3A_3] : memref<2x128xf32, #tpu.memory_space<vmem>>, vector<2x128xf32>
    %slice3A = vector.extract_strided_slice %get3A_4 {offsets = [0, 0], sizes = [1, 128], strides = [1, 1]} : vector<2x128xf32> to vector<1x128xf32>
    %mul3A = arith.constant 4.000000e-05 : f32
    %mul3A_5 = vector.broadcast %mul3A : f32 to vector<1x128xf32>
    %mul3A_6 = arith.mulf %slice3A, %mul3A_5 : vector<1x128xf32>
    %slice3A_7 = vector.extract_strided_slice %get3A_4 {offsets = [1, 0], sizes = [1, 128], strides = [1, 1]} : vector<2x128xf32> to vector<1x128xf32>
    %mul3A_8 = arith.constant 4.000000e-05 : f32
    %mul3A_9 = vector.broadcast %mul3A_8 : f32 to vector<1x128xf32>
    %mul3A_10 = arith.mulf %slice3A_7, %mul3A_9 : vector<1x128xf32>
    %mul3A_11 = arith.mulf %mul3A_6, %mul3A_6 : vector<1x128xf32>
    %sub3A = arith.subf %mul3A_10, %mul3A_11 : vector<1x128xf32>
    %sub3A_12 = vector.broadcast %mul3A_6 : vector<1x128xf32> to vector<1000x128xf32>
    %sub3A_13 = arith.subf %get3A_1, %sub3A_12 : vector<1000x128xf32>
    %add3A = arith.constant 9.99999974E-6 : f32
    %add3A_14 = vector.broadcast %add3A : f32 to vector<1x128xf32>
    %add3A_15 = arith.addf %sub3A, %add3A_14 : vector<1x128xf32>
    %rsqrt3A = math.rsqrt %add3A_15 : vector<1x128xf32>
    %mul3A_16 = vector.broadcast %rsqrt3A : vector<1x128xf32> to vector<1000x128xf32>
    %mul3A_17 = arith.mulf %sub3A_13, %mul3A_16 : vector<1000x128xf32>
    %get3A_18 = arith.constant 0 : index
    %get3A_19 = arith.constant 0 : index
    %get3A_20 = vector.load %arg3[%get3A_18, %get3A_19] : memref<1000x128xf32, #tpu.memory_space<vmem>>, vector<1000x128xf32>
    %add3A_21 = arith.addf %mul3A_17, %get3A_20 : vector<1000x128xf32>
    %max3A = arith.constant 0.000000e+00 : f32
    %max3A_22 = vector.broadcast %max3A : f32 to vector<1000x128xf32>
    %max3A_23 = arith.maximumf %add3A_21, %max3A_22 : vector<1000x128xf32>
    %get3A_24 = arith.constant 0 : index
    %get3A_25 = arith.constant 0 : index
    %get3A_26 = vector.load %arg4[%get3A_24, %get3A_25] : memref<1x128xf32, #tpu.memory_space<vmem>>, vector<1x128xf32>
    %mul3A_27 = vector.broadcast %get3A_26 : vector<1x128xf32> to vector<1000x128xf32>
    %mul3A_28 = arith.mulf %max3A_23, %mul3A_27 : vector<1000x128xf32>
    %reduce_sum3A = arith.constant dense<0.000000e+00> : vector<1000xf32>
    %reduce_sum3A_29 = vector.multi_reduction <add>, %mul3A_28, %reduce_sum3A [1] : vector<1000x128xf32> to vector<1000xf32>
    %get3A_30 = arith.constant 0 : index
    %get3A_31 = arith.constant 0 : index
    %get3A_32 = vector.load %arg5[%get3A_30, %get3A_31] : memref<1x1xf32, #tpu.memory_space<vmem>>, vector<1x1xf32>
    %get3A_33 = vector.extract %get3A_32[0, 0] : f32 from vector<1x1xf32>
    %add3A_34 = vector.broadcast %get3A_33 : f32 to vector<1000xf32>
    %add3A_35 = arith.addf %reduce_sum3A_29, %add3A_34 : vector<1000xf32>
    %neg3A = arith.constant 0.000000e+00 : f32
    %neg3A_36 = vector.broadcast %neg3A : f32 to vector<1000xf32>
    %neg3A_37 = arith.subf %neg3A_36, %add3A_35 : vector<1000xf32>
    %max3A_38 = arith.constant 0.000000e+00 : f32
    %max3A_39 = vector.broadcast %max3A_38 : f32 to vector<1000xf32>
    %max3A_40 = arith.maximumf %neg3A_37, %max3A_39 : vector<1000xf32>
    %abs3A = math.absf %neg3A_37 : vector<1000xf32>
    %neg3A_41 = arith.constant 0.000000e+00 : f32
    %neg3A_42 = vector.broadcast %neg3A_41 : f32 to vector<1000xf32>
    %neg3A_43 = arith.subf %neg3A_42, %abs3A : vector<1000xf32>
    %exp3A = math.exp %neg3A_43 : vector<1000xf32>
    %add3A_44 = arith.constant 1.000000e+00 : f32
    %add3A_45 = vector.broadcast %add3A_44 : f32 to vector<1000xf32>
    %add3A_46 = arith.addf %add3A_45, %exp3A : vector<1000xf32>
    %log3A = math.log %add3A_46 : vector<1000xf32>
    %add3A_47 = arith.addf %max3A_40, %log3A : vector<1000xf32>
    %eq3A = arith.constant 0 : i32
    %eq3A_48 = arith.cmpi eq, %arg0, %eq3A : i32
    %convert_element_type3A = arith.extui %eq3A_48 : i1 to i32
    %cond3A = arith.constant 0 : i32
    %cond3A_49 = arith.cmpi ne, %convert_element_type3A, %cond3A : i32
    scf.if %cond3A_49 {
      %broadcast_in_dim3A = arith.constant 0.000000e+00 : f32
      %broadcast_in_dim3A_75 = vector.broadcast %broadcast_in_dim3A : f32 to vector<1x1xf32>
      %swap3A_76 = arith.constant 0 : index
      %swap3A_77 = arith.constant 0 : index
      %swap3A_78 = vector.load %arg7[%swap3A_76, %swap3A_77] : memref<1x1xf32, #tpu.memory_space<vmem>>, vector<1x1xf32>
      tpu.vector_store %arg7[%swap3A_76, %swap3A_77], %broadcast_in_dim3A_75 {strides = array<i32>} : memref<1x1xf32, #tpu.memory_space<vmem>>, vector<1x1xf32>,
    } else {
    }
    %get3A_50 = arith.constant 0 : index
    %get3A_51 = arith.constant 0 : index
    %get3A_52 = vector.load %arg7[%get3A_50, %get3A_51] : memref<1x1xf32, #tpu.memory_space<vmem>>, vector<1x1xf32>
    %reduce_sum3A_53 = vector.shape_cast %add3A_47 : vector<1000xf32> to vector<1x1000xf32>
    %reduce_sum3A_54 = arith.constant dense<0.000000e+00> : vector<1xf32>
    %reduce_sum3A_55 = vector.multi_reduction <add>, %reduce_sum3A_53, %reduce_sum3A_54 [1] : vector<1x1000xf32> to vector<1xf32>
    %reduce_sum3A_56 = vector.shape_cast %reduce_sum3A_55 : vector<1xf32> to vector<1x1xf32>
    %reduce_sum3A_57 = vector.extract %reduce_sum3A_56[0, 0] : f32 from vector<1x1xf32>
    %reshape3A = vector.broadcast %reduce_sum3A_57 : f32 to vector<1x1xf32>
    %add3A_58 = arith.addf %get3A_52, %reshape3A : vector<1x1xf32>
    %swap3A = arith.constant 0 : index
    %swap3A_59 = arith.constant 0 : index
    %swap3A_60 = vector.load %arg7[%swap3A, %swap3A_59] : memref<1x1xf32, #tpu.memory_space<vmem>>, vector<1x1xf32>
    tpu.vector_store %arg7[%swap3A, %swap3A_59], %add3A_58 {strides = array<i32>} : memref<1x1xf32, #tpu.memory_space<vmem>>, vector<1x1xf32>,
    %get3A_61 = arith.constant 0 : index
    %get3A_62 = arith.constant 0 : index
    %get3A_63 = vector.load %arg7[%get3A_61, %get3A_62] : memref<1x1xf32, #tpu.memory_space<vmem>>, vector<1x1xf32>
    %log3A_64 = arith.constant 2.000000e+00 : f32
    %log3A_65 = math.log %log3A_64 : f32
    %mul3A_66 = arith.constant 4.992880e+05 : f32
    %mul3A_67 = arith.mulf %mul3A_66, %log3A_65 : f32
    %add3A_68 = vector.broadcast %mul3A_67 : f32 to vector<1x1xf32>
    %add3A_69 = arith.addf %get3A_63, %add3A_68 : vector<1x1xf32>
    %div3A = arith.constant 5.242880e+05 : f32
    %div3A_70 = vector.broadcast %div3A : f32 to vector<1x1xf32>
    %div3A_71 = arith.divf %add3A_69, %div3A_70 : vector<1x1xf32>
    %swap3A_72 = arith.constant 0 : index
    %swap3A_73 = arith.constant 0 : index
    %swap3A_74 = vector.load %arg6[%swap3A_72, %swap3A_73] : memref<1x1xf32, #tpu.memory_space<vmem>>, vector<1x1xf32>
    tpu.vector_store %arg6[%swap3A_72, %swap3A_73], %div3A_71 {strides = array<i32>} : memref<1x1xf32, #tpu.memory_space<vmem>>, vector<1x1xf32>,
    return
  }
  func.func @transform_0(%arg0: i32) -> (i32, i32) {
    %c0_i32 = arith.constant 0 : i32
    %c0_i32_0 = arith.constant 0 : i32
    return %arg0, %c0_i32 : i32, i32
  }
  func.func @transform_1(%arg0: i32) -> (i32, i32) {
    %c0_i32 = arith.constant 0 : i32
    %c0_i32_0 = arith.constant 0 : i32
    %c0_i32_1 = arith.constant 0 : i32
    return %c0_i32, %c0_i32_0 : i32, i32
  }
  func.func @transform_2(%arg0: i32) -> (i32, i32) {
    %c0_i32 = arith.constant 0 : i32
    %c0_i32_0 = arith.constant 0 : i32
    return %arg0, %c0_i32 : i32, i32
  }
  func.func @transform_3(%arg0: i32) -> (i32, i32) {
    %c0_i32 = arith.constant 0 : i32
    %c0_i32_0 = arith.constant 0 : i32
    %c0_i32_1 = arith.constant 0 : i32
    return %c0_i32, %c0_i32_0 : i32, i32
  }
  func.func @transform_4(%arg0: i32) -> (i32, i32) {
    %c0_i32 = arith.constant 0 : i32
    %c0_i32_0 = arith.constant 0 : i32
    %c0_i32_1 = arith.constant 0 : i32
    return %c0_i32, %c0_i32_0 : i32, i32
  }
  func.func @transform_5(%arg0: i32) -> (i32, i32) {
    %c0_i32 = arith.constant 0 : i32
    %c0_i32_0 = arith.constant 0 : i32
    %c0_i32_1 = arith.constant 0 : i32
    return %c0_i32, %c0_i32_0 : i32, i32
  }
}

</mosaic_0001>

<sc_bundles>
// kernel: gather_offload_async_start
scs
__scs_entry_jumppad:
0x0: {  	(pc) =	sbr.rel $0x88, $3  }
0x1: {  	(tag) =	ssettag $0x0;
	lr =	simm.s32 $0x1  }
0x2: {  	[smem:$0x3F86] =	sst lr;
	_ =	strace $0xD0000000  }
0x3: {  	_ = 	snop  }
0x4: {  	_ = 	snop  }
0x5: {  	_ = 	snop  }
0x6: {  	_ = 	snop  }
0x7: {  	_ = 	snop  }
__scs_overlays_trampoline_lowered:
0x8: {  	[smem:$0x3F95] =	sst s0  }
0x9: {  	[smem:$0x3F96] =	sst s1  }
0xa: {  	[smem:$0x3F97] =	sst s2  }
0xb: {  	[smem:$0x3F98] =	sst s3  }
0xc: {  	[smem:$0x3F99] =	sst s4  }
0xd: {  	[smem:$0x3F9A] =	sst s5  }
0xe: {  	[smem:$0x3F9B] =	sst s6  }
0xf: {  	[smem:$0x3F9C] =	sst s7  }
0x10: {  	[smem:$0x3F9D] =	sst s8  }
0x11: {  	[smem:$0x3F9E] =	sst s9;
	s0 =	simm.s32 @!p0 $0x0  }
0x12: {  	s1 =	sld [smem:$0x3F84];
	s0 =	simm.s32 @p0 $0x1  }
0x13: {  	[smem:$0x3F9F] =	sst s0;
	s0 =	simm.s32 @!p1 $0x0  }
0x14: {  	s2 =	sld [smem:$0x3F83];
	s0 =	simm.s32 @p1 $0x1  }
0x15: {  	[smem:$0x3FA0] =	sst s0;
	s0 =	simm.s32 @!p2 $0x0  }
0x16: {  	s3 =	sld [smem:$0x3FDB];
	s0 =	simm.s32 @p2 $0x1  }
0x17: {  	s4 =	simm.s32 $0x1BF5;
	[smem:$0x3FA2] =	sst s0  }
0x18: {  	s0 =	sld [smem:$0x3F85];
	_ =	swait.ge [sflag:s4], $0x0  }
0x19: {  	s7 =	sld [smem:$0x3F86]  }
0x1a: {  	s8 =	sadd.s32 $0xFFFFE003, lr  }
0x1b: {  	s9 =	sadd.s32 $0xFFFFFEF7, lr;
	s5 =	simm.s32 $0xFFFFFFFF;
	p2 =	slt.u32 s8, $0xFFFFF086  }
0x1c: {  	p1 =	slt.u32 s9, $0xF7A;
	s5 =	simm.s32 @!p2 $0x0  }
0x1d: {  	s5 =	simm.s32 @p1 $0x1;
	p0 =	seq.s32 s7, s2  }
0x1e: {  	s7 =	smul.u32 @!p0 $0xF7A, s2;
	p2 =	seq.s32 @!p0 s5, $0x0  }
0x1f: {  	s9 =	smul.u32 $0xF7A, s1;
	s8 =	simm.s32 @!p0 $0x1BF5;
	p2 =	por !p2, p0  }
0x20: {  	[sflag:s8] =	ssyncset.s32 @!p0 $0xFFFFF086;
	s6 =	sadd.s32 @!p0 s3, s7;
	s7 =	simm.s32 @!p0 $0x108  }
0x21: {  	s3 =	sadd.s32 s3, s9;
	s6 =	sadd.s32 @!p0 $0x88, s6;
	s7 =	simm.s32 @p2 $0x1082  }
0x22: {  	[simem:s7], [sflag:s8] =	dma.local @!p0 [hbm:s6], $0xF7A  }
0x23: {  	s9 =	sor.u32 $0xD0000000, s2;
	s6 =	simm.s32 $0x108;
	_ =	swait.ge @!p0 [sflag:s8], $0x0  }
0x24: {  	s3 =	sadd.s32 $0x88, s3;
	s6 =	simm.s32 @!p1 $0x1082;
	[sflag:s4] =	ssyncset.s32 $0xFFFFF086  }
0x25: {  	[simem:s6], [sflag:s4] =	dma.local [hbm:s3], $0xF7A  }
0x26: {  	[smem:$0x3F86] =	sst s1;
	(tag) =	ssettag s2;
	_ =	strace s9  }
0x27: {  	s1 =	sld [smem:$0x3F96]  }
0x28: {  	s2 =	sld [smem:$0x3F97]  }
0x29: {  	s4 =	sld [smem:$0x3F99]  }
0x2a: {  	p0 =	seq.s32 s5, $0x0;
	s5 =	sld [smem:$0x3F9A]  }
0x2b: {  	s6 =	sld [smem:$0x3F9B]  }
0x2c: {  	s7 =	sld [smem:$0x3F9C]  }
0x2d: {  	s3 =	simm.s32 $0x108;
	s8 =	sld [smem:$0x3F9D]  }
0x2e: {  	s3 =	simm.s32 @!p0 $0x1082;
	s9 =	sld [smem:$0x3F9E]  }
0x2f: {  	lr =	sadd.s32 s0, s3;
	s0 =	sld [smem:$0x3F95]  }
0x30: {  	s3 =	sld [smem:$0x3F98]  }
0x31: {  	[smem:$0x3FA1] =	sst s10  }
0x32: {  	s10 =	sld [smem:$0x3F9F];
	_ =	sdelay $0x3  }
0x33: {  	p0 =	seq.s32 s10, $0x1;
	s10 =	sld [smem:$0x3FA1];
	_ =	sdelay $0x3  }
0x34: {  	[smem:$0x3FA1] =	sst s10  }
0x35: {  	s10 =	sld [smem:$0x3FA0];
	_ =	sdelay $0x3  }
0x36: {  	p1 =	seq.s32 s10, $0x1;
	s10 =	sld [smem:$0x3FA1];
	_ =	sdelay $0x3  }
0x37: {  	[smem:$0x3FA1] =	sst s10  }
0x38: {  	s10 =	sld [smem:$0x3FA2]  }
0x39: {  	_ = 	snop;
	(pc) =	sbr.ind lr, $3  }
0x3a: {  	_ = 	snop  }
0x3b: {  	_ = 	snop  }
0x3c: {  	p2 =	seq.s32 s10, $0x1;
	s10 =	sld [smem:$0x3FA1]  }
0x3d: {  	_ =	shalt  }
0x3e: {  	_ =	shalt  }
0x3f: {  	_ =	shalt  }
0x40: {  	_ =	shalt  }
0x41: {  	_ =	shalt  }
0x42: {  	_ =	shalt  }
0x43: {  	_ =	shalt  }
0x44: {  	_ =	shalt  }
0x45: {  	_ =	shalt  }
0x46: {  	_ =	shalt  }
0x47: {  	_ =	shalt  }
0x48: {  	_ =	shalt  }
0x49: {  	_ =	shalt  }
0x4a: {  	_ =	shalt  }
0x4b: {  	_ =	shalt  }
0x4c: {  	_ =	shalt  }
0x4d: {  	_ =	shalt  }
0x4e: {  	_ =	shalt  }
0x4f: {  	_ =	shalt  }
0x50: {  	_ =	shalt  }
0x51: {  	_ =	shalt  }
0x52: {  	_ =	shalt  }
0x53: {  	_ =	shalt  }
0x54: {  	_ =	shalt  }
0x55: {  	_ =	shalt  }
0x56: {  	_ =	shalt  }
0x57: {  	_ =	shalt  }
0x58: {  	_ =	shalt  }
0x59: {  	_ =	shalt  }
0x5a: {  	_ =	shalt  }
0x5b: {  	_ =	shalt  }
0x5c: {  	_ =	shalt  }
0x5d: {  	_ =	shalt  }
0x5e: {  	_ =	shalt  }
0x5f: {  	_ =	shalt  }
0x60: {  	_ =	shalt  }
0x61: {  	_ =	shalt  }
0x62: {  	_ =	shalt  }
0x63: {  	_ =	shalt  }
0x64: {  	_ =	shalt  }
0x65: {  	_ =	shalt  }
0x66: {  	_ =	shalt  }
0x67: {  	_ =	shalt  }
0x68: {  	_ =	shalt  }
0x69: {  	_ =	shalt  }
0x6a: {  	_ =	shalt  }
0x6b: {  	_ =	shalt  }
0x6c: {  	_ =	shalt  }
0x6d: {  	_ =	shalt  }
0x6e: {  	_ =	shalt  }
0x6f: {  	_ =	shalt  }
0x70: {  	_ =	shalt  }
0x71: {  	_ =	shalt  }
0x72: {  	_ =	shalt  }
0x73: {  	_ =	shalt  }
0x74: {  	_ =	shalt  }
0x75: {  	_ =	shalt  }
0x76: {  	_ =	shalt  }
0x77: {  	_ =	shalt  }
0x78: {  	_ =	shalt  }
0x79: {  	_ =	shalt  }
0x7a: {  	_ =	shalt  }
0x7b: {  	_ =	shalt  }
0x7c: {  	_ =	shalt  }
0x7d: {  	_ =	shalt  }
0x7e: {  	_ =	shalt  }
0x7f: {  	_ =	shalt  }
0x80: {  	_ =	shalt  }
0x81: {  	_ =	shalt  }
0x82: {  	_ =	shalt  }
0x83: {  	_ =	shalt  }
0x84: {  	_ =	shalt  }
0x85: {  	_ =	shalt  }
0x86: {  	_ =	shalt  }
0x87: {  	_ =	shalt  }
.Lfunc_end0:
.L_simem_size_0:
called_computation.2_lowered:
.L_overlay_start_0:
0x88: {  	s0 =	sld [smem:$0x3FD9]  }
0x89: {  	s1 =	sld [smem:$0x3FFE];
	_ =	sdelay $0x3  }
0x8a: {  	s0 =	sadd.s32 s1, s0  }
0x8b: {  	[smem:$0x3FAD] =	sst s0  }
0x8c: {  	_ = 	snop  }
0x8d: {  	(tm) =	ssettm $0x1  }
0x8e: {  	s15 =	sld [smem:$0x3FFB];
	_ =	sdelay $0x3  }
0x8f: {  	_ =	strace s15  }
0x90: {  	s0 =	sld [smem:$0x3FFC];
	_ =	sdelay $0x3  }
0x91: {  	_ =	strace s0  }
0x92: {  	s0 =	sld [smem:$0x3FFD];
	_ =	sdelay $0x3  }
0x93: {  	_ =	strace s0  }
0x94: {  	_ =	strace $0x8FFFFFFF  }
0x95: {  	s16 =	sld [smem:$0x3FDB];
	_ =	sdelay $0x1  }
0x96: {  	s17 =	simm.s32 $_scs_section_size  }
0x97: {  	s2 =	simm.s32 $_size__tile_overlayer_lowered;
	s3 =	simm.s32 $_tile_overlayer_lowered  }
0x98: {  	s20 =	simm.s32 $0x1BFF;
	s19 =	sshll.u32 s3, $0x1;
	s0 =	sadd.s32 s17, s16  }
0x99: {  	s4 =	simm.s32 $0x0;
	s18 =	sshll.u32 s2, $0x1;
	s2 =	sadd.s32 s19, s0  }
0x9a: {  	[timem:s4], [sflag:s20] =	dma.local [hbm:s2], s18  }
0x9b: {  	_ =	swait.ge [sflag:s20], s18  }
0x9c: {  	s1 =	ssub.s32 $0x0, s18;
	[sflag:s20] =	ssyncset.done $0x0  }
0x9d: {  	[sflag:s20] =	ssyncadd.s32 s1;
	_ =	sdelay $0x1  }
0x9e: {  	s21 =	simm.s32 $0x1B8B  }
0x9f: {  	_ =	swait.ge [sflag:s21], $0x1  }
0xa0: {  	[sflag:s21] =	ssyncset.done $0x0  }
0xa1: {  	s23 =	simm.s32 $0x1B8E;
	s22 =	sld [smem:$0x3FFE];
	[sflag:s21] =	ssyncadd.s32 $0xFFFFFFFF  }
0xa2: {  	s24 =	simm.s32 $execute0_lowered;
	[smem:$0x3FD2] =	sst s23  }
0xa3: {  	s2 =	sshll.u32 s24, $0x1;
	_ =	strace $0x80000046;
	[dreg:$0x1] =	wrdreg $0xFFFFFFFF  }
0xa4: {  	s25 =	simm.s32 $_size_execute0_lowered;
	s0 =	sadd.s32 s0, s2;
	[dreg:$0x0] =	wrdreg $0x0  }
0xa5: {  	s2 =	sshll.u32 s25, $0x1;
	[dreg:$0x2] =	wrdreg s0  }
0xa6: {  	[dreg:$0x3] =	wrdreg s2  }
0xa7: {  	[dreg:$0x4] =	wrdreg $0xC0  }
0xa8: {  	_ =	task [dreg:s4], $0x5FFFF  }
0xa9: {  	[dreg:$0x1] =	wrdreg $0xFFFFFFFF  }
0xaa: {  	[dreg:$0x0] =	wrdreg $0x60  }
0xab: {  	[dreg:$0x2] =	wrdreg s22  }
0xac: {  	[dreg:$0x3] =	wrdreg $0x9  }
0xad: {  	_ =	task.clear_ibuf [dreg:s4], $0x4FFFF;
	_ =	strace $0x90000046  }
0xae: {  	s26 =	simm.s32 $0x9;
	_ =	strace $0x80000048  }
0xaf: {  	_ =	swait.ge [sflag:s26], $0x1  }
0xb0: {  	[sflag:s26] =	ssyncadd.s32 $0xFFFFFFFF  }
0xb1: {  	_ =	strace $0x90000048  }
0xb2: {  	_ =	sfence  }
0xb3: {  	s28 =	sld [smem:$0x0];
	_ =	sdelay $0x1  }
0xb4: {  	s29 =	srdreg.scid  }
0xb5: {  	s30 =	sshll.u32 s29, $0xD;
	s31 =	sshrl.u32 s29, $0x2  }
0xb6: {  	s1 =	sand.u32 $0x1, s29;
	s2 =	sand.u32 $0x4000, s30;
	s0 =	sadd.s32 s31, s28  }
0xb7: {  	s1 =	sor.u32 s2, s1;
	s0 =	sshll.u32 s0, $0x11  }
0xb8: {  	s0 =	sor.u32 s0, s1  }
0xb9: {  	s0 =	sadd.s32 $0x8F2B, s0  }
0xba: {  	[sflag:s0] =	ssyncadd.remote.s32 $0x1  }
0xbb: {  	_ =	sfence.sel $0xFFFF  }
0xbc: {  	[dreg:$0x0] =	wrdreg $0xFFFFFFFF;
	(pc) =	sbr.abs _section_cstart, $3  }
0xbd: {  	[dreg:$0x1] =	wrdreg $0xFFFFFFFF  }
0xbe: {  	_ =	task.clear_ibuf [dreg:s4], $0x2FFFF;
	_ =	strace $0x9FFFFFFF  }
0xbf: {  	(tm) =	ssettm $0x7FFFFFFF  }
tec
execute0_lowered:
.L_overlay_start_1:
0x0: {  	(tag) =	ssettag $0x1  }
0x1: {  	s8 =	rddreg [dreg:$0x0]  }
0x2: {  	s0 =	rddreg [dreg:$0x1];
	_ =	strace $0x80000047  }
0x3: {  	s4 =	simm.s32 $0x1;
	s1 =	stileid.u32;
	s7 =	simm.s32 $0x1  }
0x4: {  	s9 =	simm.s32 $0x1;
	s6 =	simm.s32 $0x2;
	s10 =	simm.s32 $0x3  }
0x5: {  	s13 =	simm.s32 $0x0;
	s12 =	simm.s32 $0x0;
	s2 =	sadd.s32 $0x5600, s8  }
.Ltmp0:
0x6: {  	s3 =	sadd.s32 $0x15600, s8;
	p0 =	slt.u32 s1, $0xA;
	(pc) =	sbr.rel .LBB2_1-.Ltmp0, $4  }
0x7: {  	[sflag:s4] =	ssyncpa.u1 $0x0;
	s7 =	simm.s32 @!p0 $0x0;
	p0 =	sne.s32 s1, $0x9  }
0x8: {  	s5 =	smul.u32 $0x7D0, s1;
	[sflag:s6] =	ssyncpa.u1 $0x0;
	s9 =	simm.s32 @!p0 $0x0  }
0x9: {  	s8 =	sadd.s32 $0xDA800, s8;
	[sflag:s10] =	ssyncpa.u1 $0x0;
	s7 =	sadd.s32 s9, s7  }
0xa: {  	vm0 =	vmmov $0xffff;
	s10 =	simm.s32 $0x0;
	s11 =	smov.u32 s5;
	s9 =	sadd.s32 $0x1, s7  }
.LBB2_4:
0xb: {  	v2 =	vnsel vm1, $0x0, v2  }
0xc: {  	vm1 =	vgt.s32 v0, $0x0;
	v2 =	vmin.u32 v2, $0x7FFFF  }
0xd: {  	v0 =	vnsel vm1, $0x0, v0  }
0xe: {  	v0 =	vmin.u32 v0, $0x7FFFF  }
0xf: {  	[tilespmem:s18], [sflag:$0x1] =	stream.indirect_vreg.gather [hbm4b:s2+s10], $0x1, v1, vm0, $0x4038;
	[tilespmem:$0x1F40] =	vst v63  }
0x10: {  	(ifvalue) =	ssetifvalue $0x7FFFFFFF  }
0x11: {  	[tilespmem:s15], [sflag:$0x1] =	stream.indirect_vreg.gather [hbm4b:s2+s10], $0x1, v2, vm0, $0x4038;
	[tilespmem:$0x1F40] =	vst v63  }
0x12: {  	s29 =	sadd.s32 $0x10, s15;
	(ifvalue) =	ssetifvalue $0x7FFFFFFF  }
0x13: {  	[tilespmem:s29], [sflag:$0x1] =	stream.indirect_vreg.gather [hbm4b:s2+s10], $0x1, v0, vm0, $0x4038;
	[tilespmem:$0x1F40] =	vst v63  }
0x14: {  	_ =	swait.ge [sflag:s4], $0x7D0  }
0x15: {  	s30 =	sshrl.u32 s13, $0x3;
	[sflag:s4] =	ssyncset.done $0x0  }
0x16: {  	s31 =	sand.u32 $0x7, s13;
	s15 =	sadd.s32 s8, s30;
	[sflag:s4] =	ssyncadd.s32 $0xFFFFF830  }
0x17: {  	[hbm4b:s15+s31] =	stream.linear.scatter [tilespmem:s14], [sflag:$0x3], $0x7D0, $0x38;
	[tilespmem:$0x1F40] =	vst v63  }
.LBB2_5:
0x18: {  	s15 =	sadd.s32 $0x7D00, s11  }
0x19: {  	p1 =	sgt.s32 s15, $0xC34F  }
0x1a: {  	s15 =	smov.u32 @p1 s5;
	p1 =	sne.s32 s12, s9  }
.Ltmp1:
0x1b: {  	p0 =	slt.u32 s12, $0x2;
	(pc) =	sbr.rel @!p1 .LBB2_6-.Ltmp1, $4  }
0x1c: {  	s14 =	simm.s32 @!p0 $0x3  }
0x1d: {  	_ =	swait.ge @!p0 [sflag:s14], $0x7D0  }
0x1e: {  	s16 =	sadd.s32 $0x1, s12;
	s13 =	smov.u32 s11;
	[sflag:s14] =	ssyncset.done @!p0 $0x0  }
0x1f: {  	s12 =	smov.u32 s16;
	s11 =	smov.u32 s15;
	[sflag:s14] =	ssyncadd.s32 @!p0 $0xFFFFF830  }
.LBB2_1:
0x20: {  	p0 =	sge.u32 s12, s7  }
0x21: {  	s14 =	sxor.u32 @!p0 $0x1, s12  }
0x22: {  	s14 =	smul.u32 @!p0 $0x1F40, s14  }
0x23: {  	s31 =	sadd.s32 $0xFFFFFFFF, s12;
	s15 =	sshrl.u32 @!p0 s11, $0x3  }
0x24: {  	s16 =	sand.u32 @!p0 $0x7, s11;
	s15 =	sadd.s32 @!p0 s3, s15;
	s14 =	sshra.s32 @!p0 s14, $0x2  }
0x25: {  	[tilespmem:s14], [sflag:$0x2] =	stream.linear.gather @!p0 [hbm4b:s15+s16], $0x7D0, $0x38;
	[tilespmem:$0x1F40] =	vst v63  }
0x26: {  	p0 =	sge.u32 s31, s7  }
.Ltmp2:
0x27: {  	_ = 	snop;
	(pc) =	sbr.rel @p0 .LBB2_5-.Ltmp2, $1  }
0x28: {  	_ =	sdelay $0x3  }
0x29: {  	s14 =	sand.u32 $0x1, s12  }
0x2a: {  	_ =	swait.ge [sflag:s6], $0x7D0;
	p0 =	seq.s32 s14, $0x1;
	s14 =	simm.s32 $0x7D0  }
0x2b: {  	[sflag:s6] =	ssyncset.done $0x0;
	s14 =	simm.s32 @!p0 $0x0  }
0x2c: {  	[sflag:s6] =	ssyncadd.s32 $0xFFFFF830;
	(ifvalue) =	ssetifvalue $0x7FFFFFFF;
	v0 =	vld.msk [tilespmem:s14+$0x0 ss:$0x1], $0xffff;
	_ =	sdelay $0x4  }
0x2d: {  	s15 =	sadd.s32 $0x10, s14;
	vm1 =	vgt.s32 v0, $0x0  }
0x2e: {  	v2 =	vld.msk [tilespmem:s15+$0x0 ss:$0x1], $0xffff;
	v1 =	vnsel vm1, $0x0, v0  }
0x2f: {  	v1 =	vmin.u32 v1, $0x7FFFF;
	_ =	sdelay $0x2  }
0x30: {  	s17 =	simm.s32 $0x20;
	s14 =	sadd.s32 $0xFA0, s14;
	s16 =	sadd.s32 $0x10, s15  }
0x31: {  	s15 =	sadd.s32 $0x10, s14;
	s18 =	smov.u32 s14;
	v0 =	vld.msk [tilespmem:s16+$0x0 ss:$0x1], $0xffff;
	vm1 =	vgt.s32 v2, $0x0;
	(ifvalue) =	ssetifvalue $0x7FFFFFFF  }
.LBB2_3:
0x32: {  	[tilespmem:s18], [sflag:$0x1] =	stream.indirect_vreg.gather [hbm4b:s2+s10], $0x1, v1, vm0, $0x4038;
	[tilespmem:$0x1F40] =	vst v63  }
0x33: {  	s17 =	sadd.s32 $0x10, s17  }
0x34: {  	v2 =	vnsel vm1, $0x0, v2;
	p0 =	slt.u32 s17, $0x7C0  }
.Ltmp3:
0x35: {  	s18 =	smov.u32 s15;
	v1 =	vmin.u32 v2, $0x7FFFF;
	(pc) =	sbr.rel @p0 .LBB2_3-.Ltmp3, $3  }
0x36: {  	_ =	sdelay $0x1  }
0x37: {  	s16 =	sadd.s32 $0x10, s16  }
0x38: {  	vm1 =	vgt.s32 v0, $0x0;
	s15 =	sadd.s32 $0x10, s15;
	v2 =	vmov v0;
	(ifvalue) =	ssetifvalue $0x7FFFFFFF;
	v0 =	vld.msk [tilespmem:s16+$0x0 ss:$0x1], $0xffff  }
.Ltmp4:
0x39: {  	_ = 	snop;
	(pc) =	sbr.rel .LBB2_4-.Ltmp4, $1  }
0x3a: {  	_ =	sdelay $0x3  }
.LBB2_6:
0x3b: {  	_ =	sfence.sel $0x180000  }
0x3c: {  	s2 =	simm.s32 $0x2;
	[bflag:$0x0] =	sbarrier.arrive $0xFFFF  }
0x3d: {  	s30 =	simm.s32 $0x3;
	[sflag:s2] =	ssyncpa.u1 $0x1  }
0x3e: {  	s31 =	simm.s32 $0x1;
	[sflag:s30] =	ssyncpa.u1 $0x1  }
0x3f: {  	[sflag:s31] =	ssyncpa.u1 $0x1  }
0x40: {  	p0 =	sne.s32 s1, $0x0;
	_ =	strace $0x90000047  }
0x41: {  	s0 =	sadd.s32 @!p0 $0x100000, s0;
	[bflag:$0x2] =	sbarrier.arrive $0xFFFF  }
0x42: {  	[sflag:s0] =	ssyncadd.tile.s32 @!p0 $0x1;
	_ =	shalt  }
.Lfunc_end2:
_tile_overlayer_lowered:
.L_overlay_start_2:
0x43: {  	(tag) =	ssettag $0x2  }
0x44: {  	s0 =	rddreg [dreg:$0x0];
	s2 =	stileid.u32  }
0x45: {  	s1 =	rddreg [dreg:$0x1];
	p0 =	sne.s32 s2, $0x0  }
0x46: {  	s3 =	rddreg [dreg:$0x2];
	[bflag:$0x3] =	sbarrier.arrive $0xFFFF;
	s2 =	simm.s32 @!p0 $0x1C01  }
0x47: {  	[timem:s3], [sflag:s2] =	dma.local @!p0 [hbm:s0], s1  }
0x48: {  	s0 =	simm.s32 @!p0 $0x1  }
0x49: {  	_ =	swait.ge @!p0 [sflag:s0], s1  }
0x4a: {  	s1 =	ssub.s32 @!p0 $0x0, s1;
	[sflag:s0] =	ssyncset.done @!p0 $0x0  }
0x4b: {  	[sflag:s0] =	ssyncadd.s32 @!p0 s1  }
0x4c: {  	[bflag:$0x3] =	sbarrier.arrive $0xFFFF  }
0x4d: {  	_ =	shalt  }

// kernel: kernel.20.cloned.1.call-start
scs
__scs_entry_jumppad:
0x0: {  	(pc) =	sbr.rel $0x88, $3  }
0x1: {  	(tag) =	ssettag $0x0;
	lr =	simm.s32 $0x1  }
0x2: {  	[smem:$0x3F86] =	sst lr;
	_ =	strace $0xD0000000  }
0x3: {  	_ = 	snop  }
0x4: {  	_ = 	snop  }
0x5: {  	_ = 	snop  }
0x6: {  	_ = 	snop  }
0x7: {  	_ = 	snop  }
__scs_overlays_trampoline_lowered:
0x8: {  	[smem:$0x3F95] =	sst s0  }
0x9: {  	[smem:$0x3F96] =	sst s1  }
0xa: {  	[smem:$0x3F97] =	sst s2  }
0xb: {  	[smem:$0x3F98] =	sst s3  }
0xc: {  	[smem:$0x3F99] =	sst s4  }
0xd: {  	[smem:$0x3F9A] =	sst s5  }
0xe: {  	[smem:$0x3F9B] =	sst s6  }
0xf: {  	[smem:$0x3F9C] =	sst s7  }
0x10: {  	[smem:$0x3F9D] =	sst s8  }
0x11: {  	[smem:$0x3F9E] =	sst s9;
	s0 =	simm.s32 @!p0 $0x0  }
0x12: {  	s1 =	sld [smem:$0x3F84];
	s0 =	simm.s32 @p0 $0x1  }
0x13: {  	[smem:$0x3F9F] =	sst s0;
	s0 =	simm.s32 @!p1 $0x0  }
0x14: {  	s2 =	sld [smem:$0x3F83];
	s0 =	simm.s32 @p1 $0x1  }
0x15: {  	[smem:$0x3FA0] =	sst s0;
	s0 =	simm.s32 @!p2 $0x0  }
0x16: {  	s3 =	sld [smem:$0x3FDB];
	s0 =	simm.s32 @p2 $0x1  }
0x17: {  	s4 =	simm.s32 $0x1BF5;
	[smem:$0x3FA2] =	sst s0  }
0x18: {  	s0 =	sld [smem:$0x3F85];
	_ =	swait.ge [sflag:s4], $0x0  }
0x19: {  	s7 =	sld [smem:$0x3F86]  }
0x1a: {  	s8 =	sadd.s32 $0xFFFFE003, lr  }
0x1b: {  	s9 =	sadd.s32 $0xFFFFFEF7, lr;
	s5 =	simm.s32 $0xFFFFFFFF;
	p2 =	slt.u32 s8, $0xFFFFF086  }
0x1c: {  	p1 =	slt.u32 s9, $0xF7A;
	s5 =	simm.s32 @!p2 $0x0  }
0x1d: {  	s5 =	simm.s32 @p1 $0x1;
	p0 =	seq.s32 s7, s2  }
0x1e: {  	s7 =	smul.u32 @!p0 $0xF7A, s2;
	p2 =	seq.s32 @!p0 s5, $0x0  }
0x1f: {  	s9 =	smul.u32 $0xF7A, s1;
	s8 =	simm.s32 @!p0 $0x1BF5;
	p2 =	por !p2, p0  }
0x20: {  	[sflag:s8] =	ssyncset.s32 @!p0 $0xFFFFF086;
	s6 =	sadd.s32 @!p0 s3, s7;
	s7 =	simm.s32 @!p0 $0x108  }
0x21: {  	s3 =	sadd.s32 s3, s9;
	s6 =	sadd.s32 @!p0 $0x88, s6;
	s7 =	simm.s32 @p2 $0x1082  }
0x22: {  	[simem:s7], [sflag:s8] =	dma.local @!p0 [hbm:s6], $0xF7A  }
0x23: {  	s9 =	sor.u32 $0xD0000000, s2;
	s6 =	simm.s32 $0x108;
	_ =	swait.ge @!p0 [sflag:s8], $0x0  }
0x24: {  	s3 =	sadd.s32 $0x88, s3;
	s6 =	simm.s32 @!p1 $0x1082;
	[sflag:s4] =	ssyncset.s32 $0xFFFFF086  }
0x25: {  	[simem:s6], [sflag:s4] =	dma.local [hbm:s3], $0xF7A  }
0x26: {  	[smem:$0x3F86] =	sst s1;
	(tag) =	ssettag s2;
	_ =	strace s9  }
0x27: {  	s1 =	sld [smem:$0x3F96]  }
0x28: {  	s2 =	sld [smem:$0x3F97]  }
0x29: {  	s4 =	sld [smem:$0x3F99]  }
0x2a: {  	p0 =	seq.s32 s5, $0x0;
	s5 =	sld [smem:$0x3F9A]  }
0x2b: {  	s6 =	sld [smem:$0x3F9B]  }
0x2c: {  	s7 =	sld [smem:$0x3F9C]  }
0x2d: {  	s3 =	simm.s32 $0x108;
	s8 =	sld [smem:$0x3F9D]  }
0x2e: {  	s3 =	simm.s32 @!p0 $0x1082;
	s9 =	sld [smem:$0x3F9E]  }
0x2f: {  	lr =	sadd.s32 s0, s3;
	s0 =	sld [smem:$0x3F95]  }
0x30: {  	s3 =	sld [smem:$0x3F98]  }
0x31: {  	[smem:$0x3FA1] =	sst s10  }
0x32: {  	s10 =	sld [smem:$0x3F9F];
	_ =	sdelay $0x3  }
0x33: {  	p0 =	seq.s32 s10, $0x1;
	s10 =	sld [smem:$0x3FA1];
	_ =	sdelay $0x3  }
0x34: {  	[smem:$0x3FA1] =	sst s10  }
0x35: {  	s10 =	sld [smem:$0x3FA0];
	_ =	sdelay $0x3  }
0x36: {  	p1 =	seq.s32 s10, $0x1;
	s10 =	sld [smem:$0x3FA1];
	_ =	sdelay $0x3  }
0x37: {  	[smem:$0x3FA1] =	sst s10  }
0x38: {  	s10 =	sld [smem:$0x3FA2]  }
0x39: {  	_ = 	snop;
	(pc) =	sbr.ind lr, $3  }
0x3a: {  	_ = 	snop  }
0x3b: {  	_ = 	snop  }
0x3c: {  	p2 =	seq.s32 s10, $0x1;
	s10 =	sld [smem:$0x3FA1]  }
0x3d: {  	_ =	shalt  }
0x3e: {  	_ =	shalt  }
0x3f: {  	_ =	shalt  }
0x40: {  	_ =	shalt  }
0x41: {  	_ =	shalt  }
0x42: {  	_ =	shalt  }
0x43: {  	_ =	shalt  }
0x44: {  	_ =	shalt  }
0x45: {  	_ =	shalt  }
0x46: {  	_ =	shalt  }
0x47: {  	_ =	shalt  }
0x48: {  	_ =	shalt  }
0x49: {  	_ =	shalt  }
0x4a: {  	_ =	shalt  }
0x4b: {  	_ =	shalt  }
0x4c: {  	_ =	shalt  }
0x4d: {  	_ =	shalt  }
0x4e: {  	_ =	shalt  }
0x4f: {  	_ =	shalt  }
0x50: {  	_ =	shalt  }
0x51: {  	_ =	shalt  }
0x52: {  	_ =	shalt  }
0x53: {  	_ =	shalt  }
0x54: {  	_ =	shalt  }
0x55: {  	_ =	shalt  }
0x56: {  	_ =	shalt  }
0x57: {  	_ =	shalt  }
0x58: {  	_ =	shalt  }
0x59: {  	_ =	shalt  }
0x5a: {  	_ =	shalt  }
0x5b: {  	_ =	shalt  }
0x5c: {  	_ =	shalt  }
0x5d: {  	_ =	shalt  }
0x5e: {  	_ =	shalt  }
0x5f: {  	_ =	shalt  }
0x60: {  	_ =	shalt  }
0x61: {  	_ =	shalt  }
0x62: {  	_ =	shalt  }
0x63: {  	_ =	shalt  }
0x64: {  	_ =	shalt  }
0x65: {  	_ =	shalt  }
0x66: {  	_ =	shalt  }
0x67: {  	_ =	shalt  }
0x68: {  	_ =	shalt  }
0x69: {  	_ =	shalt  }
0x6a: {  	_ =	shalt  }
0x6b: {  	_ =	shalt  }
0x6c: {  	_ =	shalt  }
0x6d: {  	_ =	shalt  }
0x6e: {  	_ =	shalt  }
0x6f: {  	_ =	shalt  }
0x70: {  	_ =	shalt  }
0x71: {  	_ =	shalt  }
0x72: {  	_ =	shalt  }
0x73: {  	_ =	shalt  }
0x74: {  	_ =	shalt  }
0x75: {  	_ =	shalt  }
0x76: {  	_ =	shalt  }
0x77: {  	_ =	shalt  }
0x78: {  	_ =	shalt  }
0x79: {  	_ =	shalt  }
0x7a: {  	_ =	shalt  }
0x7b: {  	_ =	shalt  }
0x7c: {  	_ =	shalt  }
0x7d: {  	_ =	shalt  }
0x7e: {  	_ =	shalt  }
0x7f: {  	_ =	shalt  }
0x80: {  	_ =	shalt  }
0x81: {  	_ =	shalt  }
0x82: {  	_ =	shalt  }
0x83: {  	_ =	shalt  }
0x84: {  	_ =	shalt  }
0x85: {  	_ =	shalt  }
0x86: {  	_ =	shalt  }
0x87: {  	_ =	shalt  }
.Lfunc_end0:
.L_simem_size_0:
called_computation.3_lowered:
.L_overlay_start_0:
0x88: {  	s2 =	sld [smem:$0x3FD9]  }
0x89: {  	s3 =	sld [smem:$0x3FFE];
	_ =	sdelay $0x1  }
0x8a: {  	s1 =	srdreg.scid  }
0x8b: {  	s0 =	sand.u32 $0x1, s1  }
0x8c: {  	s15 =	sshll.u32 s0, $0xA;
	s2 =	sadd.s32 s3, s2  }
0x8d: {  	s2 =	sadd.s32 s2, s15  }
0x8e: {  	[smem:$0x3FAD] =	sst s2  }
0x8f: {  	_ = 	snop  }
0x90: {  	s2 =	sld [smem:$0x3FD0];
	_ =	sdelay $0x2  }
0x91: {  	s16 =	simm.s32 $0xC;
	s4 =	simm.s32 $0x10  }
0x92: {  	[smem:s4], [sflag:s16] =	dma.local [hbm:s2], $0x1  }
0x93: {  	_ =	swait.eq [sflag:s16], $0x1  }
0x94: {  	[sflag:s16] =	ssyncset.done $0x0  }
0x95: {  	[sflag:s16] =	ssyncadd.s32 $0xFFFFFFFF  }
0x96: {  	s17 =	sld [smem:$0x10];
	(tm) =	ssettm $0x1  }
0x97: {  	s18 =	sld [smem:$0x3FFB];
	_ =	sdelay $0x3  }
0x98: {  	_ =	strace s18  }
0x99: {  	s2 =	sld [smem:$0x3FFC];
	_ =	sdelay $0x3  }
0x9a: {  	_ =	strace s2  }
0x9b: {  	s2 =	sld [smem:$0x3FFD];
	_ =	sdelay $0x3  }
0x9c: {  	_ =	strace s2  }
0x9d: {  	_ =	strace $0x8FFFFFFF  }
0x9e: {  	s19 =	sld [smem:$0x3FDB];
	_ =	sdelay $0x1  }
0x9f: {  	s20 =	simm.s32 $_scs_section_size  }
0xa0: {  	s5 =	simm.s32 $_size__tile_overlayer_lowered;
	s6 =	simm.s32 $_tile_overlayer_lowered  }
0xa1: {  	s7 =	simm.s32 $0x1BFF;
	s21 =	sshll.u32 s6, $0x1;
	s4 =	sadd.s32 s20, s19  }
0xa2: {  	s22 =	simm.s32 $0x0;
	s5 =	sshll.u32 s5, $0x1;
	s6 =	sadd.s32 s21, s4  }
0xa3: {  	[timem:s22], [sflag:s7] =	dma.local [hbm:s6], s5  }
0xa4: {  	_ =	swait.ge [sflag:s7], s5  }
0xa5: {  	s5 =	ssub.s32 $0x0, s5;
	[sflag:s7] =	ssyncset.done $0x0  }
0xa6: {  	[sflag:s7] =	ssyncadd.s32 s5;
	_ =	sdelay $0x1  }
0xa7: {  	s23 =	simm.s32 $0x1B8B  }
0xa8: {  	_ =	swait.ge [sflag:s23], $0x1  }
0xa9: {  	[sflag:s23] =	ssyncset.done $0x0  }
0xaa: {  	[sflag:s23] =	ssyncadd.s32 $0xFFFFFFFF  }
0xab: {  	s5 =	sld [smem:$0x0]  }
0xac: {  	s6 =	sand.u32 $0xFFFFFFFE, s1  }
0xad: {  	p0 =	sne.s32 s1, s6  }
0xae: {  	s6 =	sshll.u32 @p0 s6, $0xE  }
0xaf: {  	s6 =	sadd.s32 @p0 $0x11B8D, s6;
	s7 =	sshll.u32 @p0 s5, $0x11  }
0xb0: {  	s6 =	sor.u32 @p0 s7, s6  }
0xb1: {  	[sflag:s6] =	ssyncadd.remote.s32 @p0 $0x1;
	_ =	sdelay $0x1  }
0xb2: {  	s6 =	simm.s32 @p0 $0x1B8D  }
0xb3: {  	_ =	swait.eq @p0 [sflag:s6], $0x1  }
0xb4: {  	[sflag:s6] =	ssyncadd.s32 @p0 $0xFFFFFFFF  }
0xb5: {  	s7 =	sshll.u32 @!p0 s1, $0xE  }
0xb6: {  	s7 =	sor.u32 @!p0 $0x4000, s7;
	s6 =	simm.s32 @!p0 $0x1B8D  }
0xb7: {  	s5 =	sshll.u32 @!p0 s5, $0x11;
	s7 =	sadd.s32 @!p0 $0x11B8D, s7;
	_ =	swait.eq @!p0 [sflag:s6], $0x1  }
0xb8: {  	s5 =	sor.u32 @!p0 s5, s7;
	[sflag:s6] =	ssyncadd.s32 @!p0 $0xFFFFFFFF  }
0xb9: {  	s25 =	simm.s32 $0x1B8E;
	s24 =	sld [smem:$0x3FFE];
	[sflag:s5] =	ssyncadd.remote.s32 @!p0 $0x1  }
0xba: {  	s26 =	simm.s32 $execute0_lowered;
	[smem:$0x3FD2] =	sst s25  }
0xbb: {  	s6 =	sshll.u32 s26, $0x1;
	_ =	strace $0x80000052;
	[dreg:$0x1] =	wrdreg $0xFFFFFFFF  }
0xbc: {  	s28 =	simm.s32 $_size_execute0_lowered;
	s4 =	sadd.s32 s4, s6;
	[dreg:$0x0] =	wrdreg $0x0  }
0xbd: {  	s6 =	sshll.u32 s28, $0x1;
	[dreg:$0x2] =	wrdreg s4  }
0xbe: {  	[dreg:$0x3] =	wrdreg s6  }
0xbf: {  	[dreg:$0x4] =	wrdreg $0xC0  }
0xc0: {  	_ =	task [dreg:s22], $0x5FFFF  }
0xc1: {  	[dreg:$0x1] =	wrdreg $0xFFFFFFFF  }
0xc2: {  	[dreg:$0x0] =	wrdreg $0x60  }
0xc3: {  	[dreg:$0x2] =	wrdreg s24  }
0xc4: {  	[dreg:$0x3] =	wrdreg s17  }
0xc5: {  	[dreg:$0x4] =	wrdreg $0xA3800  }
0xc6: {  	[dreg:$0x5] =	wrdreg $0xA  }
0xc7: {  	_ =	task.clear_ibuf [dreg:s22], $0x6FFFF;
	_ =	strace $0x90000052  }
0xc8: {  	s29 =	simm.s32 $0xA;
	_ =	strace $0x80000054  }
0xc9: {  	_ =	swait.ge [sflag:s29], $0x1  }
0xca: {  	[sflag:s29] =	ssyncadd.s32 $0xFFFFFFFF  }
0xcb: {  	_ =	strace $0x90000054  }
0xcc: {  	_ =	sfence  }
0xcd: {  	s30 =	sld [smem:$0x0];
	_ =	sdelay $0x2  }
0xce: {  	s31 =	sshll.u32 s1, $0xD;
	s1 =	sshrl.u32 s1, $0x2  }
0xcf: {  	s4 =	sand.u32 $0x4000, s31;
	s1 =	sadd.s32 s1, s30  }
0xd0: {  	s0 =	sor.u32 s4, s0;
	s1 =	sshll.u32 s1, $0x11  }
0xd1: {  	s0 =	sor.u32 s1, s0  }
0xd2: {  	s0 =	sadd.s32 $0x8F2B, s0  }
0xd3: {  	[sflag:s0] =	ssyncadd.remote.s32 $0x1  }
0xd4: {  	_ =	sfence.sel $0xFFFF  }
0xd5: {  	[dreg:$0x0] =	wrdreg $0xFFFFFFFF;
	(pc) =	sbr.abs _section_cstart, $3  }
0xd6: {  	[dreg:$0x1] =	wrdreg $0xFFFFFFFF  }
0xd7: {  	_ =	task.clear_ibuf [dreg:s22], $0x2FFFF;
	_ =	strace $0x9FFFFFFF  }
0xd8: {  	(tm) =	ssettm $0x7FFFFFFF  }
0xd9: {  	_ =	shalt  }
tec
execute0_lowered:
.L_overlay_start_1:
0x0: {  	(tag) =	ssettag $0x1  }
0x1: {  	s6 =	rddreg [dreg:$0x0]  }
0x2: {  	s7 =	rddreg [dreg:$0x1]  }
0x3: {  	s1 =	rddreg [dreg:$0x2]  }
0x4: {  	s0 =	rddreg [dreg:$0x3];
	s2 =	simm.s32 $0x0  }
0x5: {  	s3 =	srdreg.scid;
	s14 =	simm.s32 $0x7B80;
	s15 =	simm.s32 $0x3  }
0x6: {  	s16 =	simm.s32 $0x100;
	s17 =	simm.s32 $0x4;
	s18 =	simm.s32 $0x50  }
0x7: {  	s19 =	simm.s32 $0x380;
	s20 =	simm.s32 $0x80;
	s21 =	simm.s32 $0x2B80  }
0x8: {  	s22 =	simm.s32 $0x1;
	s23 =	simm.s32 $0x2;
	s24 =	simm.s32 $0x300  }
0x9: {  	s25 =	simm.s32 $0x5380;
	[smem:$0x7FF] =	sst s2;
	s8 =	sand.u32 $0x1, s3  }
0xa: {  	s26 =	simm.s32 $0x0;
	s3 =	stileid.u32;
	s9 =	smul.u32 $0xC8000, s8  }
0xb: {  	s4 =	sadd.s32 $0x19F800, s6;
	s5 =	sadd.s32 $0x53200, s6;
	s10 =	smul.u32 $0xC800, s3  }
0xc: {  	s6 =	sadd.s32 $0x3F800, s6;
	_ =	strace $0x80000053;
	s12 =	smul.u32 $0x32000, s3  }
.Ltmp0:
0xd: {  	s11 =	ssub.s32 $0x2, s8;
	p0 =	seq.s32 s8, $0x1;
	(pc) =	sbr.rel .LBB2_1-.Ltmp0, $4  }
0xe: {  	s13 =	sshrl.u32 s11, $0x1;
	s9 =	sadd.s32 s10, s9;
	s31 =	sshrl.u32 s12, $0x2  }
0xf: {  	s30 =	ssub.s32 s11, s13;
	s9 =	sshrl.u32 s9, $0x3;
	s8 =	sadd.s32 s31, s1  }
0x10: {  	s7 =	sadd.s32 s7, s9;
	s9 =	smax.u32 s30, $0x1;
	s10 =	sadd.s32 $0x2800, s8  }
0x11: {  	v0 =	vimm.f32 $0.0e+00;
	s11 =	sadd.s32 $0x5000, s8;
	s12 =	sadd.s32 $0x7800, s8;
	s13 =	sadd.s32 $0xA000, s8  }
.LBB2_9:
0x12: {  	s26 =	sadd.s32 $0x1, s26  }
0x13: {  	s28 =	sshll.u32 s3, $0x6;
	[bflag:$0x0] =	sbarrier.arrive $0xFFFF;
	p1 =	sne.s32 s26, s9  }
.Ltmp1:
0x14: {  	s29 =	sshrl.u32 s8, $0x3;
	s28 =	sor.u32 $0x1C03, s28;
	(pc) =	sbr.rel @!p1 .LBB2_10-.Ltmp1, $4  }
0x15: {  	[hbm:s7], [sflag:s28] =	dma.local [spmem:s29], $0x1900  }
0x16: {  	_ =	swait.ge [sflag:s15], $0x1900  }
0x17: {  	[sflag:s15] =	ssyncset.done $0x0  }
0x18: {  	[sflag:s15] =	ssyncadd.s32 $0xFFFFE700  }
.LBB2_1:
0x19: {  	s28 =	simm.s32 $0x0;
	s29 =	simm.s32 $0x200  }
.LBB2_2:
0x1a: {  	p1 =	sne.s32 s29, $0x9E00;
	[tilespmem:s28+$0x7BF0] =	vst v0  }
0x1b: {  	[tilespmem:s28+$0x7B80] =	vst v0  }
0x1c: {  	[tilespmem:s28+$0x7B90] =	vst v0  }
.Ltmp2:
0x1d: {  	[tilespmem:s28+$0x7BA0] =	vst v0;
	(pc) =	sbr.rel @p1 .LBB2_2-.Ltmp2, $4  }
0x1e: {  	[tilespmem:s28+$0x7BB0] =	vst v0  }
0x1f: {  	[tilespmem:s28+$0x7BC0] =	vst v0  }
0x20: {  	[tilespmem:s28+$0x7BD0] =	vst v0  }
0x21: {  	[tilespmem:s28+$0x7BE0] =	vst v0;
	s28 =	sshra.s32 s29, $0x2;
	s29 =	sadd.s32 $0x200, s29  }
0x22: {  	[tilespmem:s28+$0x7BF0] =	vst v0  }
0x23: {  	[tilespmem:s28+$0x7B80] =	vst v0  }
0x24: {  	[tilespmem:s28+$0x7B90] =	vst v0  }
0x25: {  	[tilespmem:s28+$0x7BA0] =	vst v0  }
0x26: {  	[tilespmem:s28+$0x7BB0] =	vst v0  }
0x27: {  	[tilespmem:s28+$0x7BC0] =	vst v0  }
0x28: {  	[tilespmem:s28+$0x7BD0] =	vst v0  }
0x29: {  	[tilespmem:s28+$0x7BE0] =	vst v0  }
0x2a: {  	[spmem:s8] =	stream.linear.scatter [tilespmem:s14], [sflag:$0x3], $0x2800, $0x38;
	[tilespmem:$0x16B80] =	vst v63  }
0x2b: {  	_ =	swait.ge [sflag:s15], $0x2800  }
0x2c: {  	[sflag:s15] =	ssyncset.done $0x0  }
0x2d: {  	[sflag:s15] =	ssyncadd.s32 $0xFFFFD800  }
0x2e: {  	[spmem:s10] =	stream.linear.scatter [tilespmem:s14], [sflag:$0x3], $0x2800, $0x38;
	[tilespmem:$0x16B80] =	vst v63  }
0x2f: {  	_ =	swait.ge [sflag:s15], $0x2800  }
0x30: {  	[sflag:s15] =	ssyncset.done $0x0  }
0x31: {  	[sflag:s15] =	ssyncadd.s32 $0xFFFFD800  }
0x32: {  	[spmem:s11] =	stream.linear.scatter [tilespmem:s14], [sflag:$0x3], $0x2800, $0x38;
	[tilespmem:$0x16B80] =	vst v63  }
0x33: {  	_ =	swait.ge [sflag:s15], $0x2800  }
0x34: {  	[sflag:s15] =	ssyncset.done $0x0  }
0x35: {  	[sflag:s15] =	ssyncadd.s32 $0xFFFFD800  }
0x36: {  	[spmem:s12] =	stream.linear.scatter [tilespmem:s14], [sflag:$0x3], $0x2800, $0x38;
	[tilespmem:$0x16B80] =	vst v63  }
0x37: {  	_ =	swait.ge [sflag:s15], $0x2800  }
0x38: {  	[sflag:s15] =	ssyncset.done $0x0  }
0x39: {  	[sflag:s15] =	ssyncadd.s32 $0xFFFFD800  }
0x3a: {  	[spmem:s13] =	stream.linear.scatter [tilespmem:s14], [sflag:$0x3], $0x2800, $0x38;
	[tilespmem:$0x16B80] =	vst v63  }
.Ltmp3:
0x3b: {  	_ =	swait.ge [sflag:s15], $0x2800;
	(pc) =	sbr.rel .LBB2_4-.Ltmp3, $4  }
0x3c: {  	[sflag:s15] =	ssyncset.done $0x0  }
0x3d: {  	[sflag:s15] =	ssyncadd.s32 $0xFFFFD800  }
0x3e: {  	[bflag:$0x0] =	sbarrier.arrive $0xFFFF  }
0x3f: {  	s28 =	simm.s32 $0x0  }
.LBB2_8:
0x40: {  	s28 =	sadd.s32 $0x1, s28  }
0x41: {  	p1 =	sne.s32 s28, $0x4F  }
.Ltmp4:
0x42: {  	_ = 	snop;
	(pc) =	sbr.rel @!p1 .LBB2_9-.Ltmp4, $1  }
0x43: {  	_ =	sdelay $0x3  }
.LBB2_4:
0x44: {  	s29 =	sshll.u32 s28, $0x4  }
0x45: {  	s29 =	sor.u32 s3, s29  }
0x46: {  	p1 =	sgt.u32 s29, $0x4E1  }
.Ltmp5:
0x47: {  	_ = 	snop;
	(pc) =	sbr.rel @p1 .LBB2_8-.Ltmp5, $1  }
0x48: {  	_ =	sdelay $0x3  }
0x49: {  	s29 =	sshll.u32 s29, $0x6  }
0x4a: {  	s29 =	sadd.s32 s6, s29  }
0x4b: {  	[tilespmem:s16], [sflag:$0x4] =	stream.linear.gather [hbm4b:s29+s2], $0x180, $0x38;
	[tilespmem:$0x16B80] =	vst v63  }
0x4c: {  	_ =	swait.ge [sflag:s17], $0x180  }
0x4d: {  	[sflag:s17] =	ssyncset.done $0x0  }
0x4e: {  	[sflag:s17] =	ssyncadd.s32 $0xFFFFFE80  }
0x4f: {  	v1 =	vld [tilespmem:$0x100]  }
0x50: {  	v2 =	vld [tilespmem:$0x180]  }
0x51: {  	v3 =	vld [tilespmem:$0x110]  }
0x52: {  	v4 =	vld [tilespmem:$0x190]  }
0x53: {  	v5 =	vld [tilespmem:$0x120]  }
0x54: {  	[tilespmem:$0x0] =	vst v1;
	v1 =	vld [tilespmem:$0x1A0]  }
0x55: {  	[tilespmem:$0x80] =	vst v2;
	v2 =	vld [tilespmem:$0x130]  }
0x56: {  	[tilespmem:$0x10] =	vst v3;
	v3 =	vld [tilespmem:$0x1B0]  }
0x57: {  	[tilespmem:$0x90] =	vst v4;
	v4 =	vld [tilespmem:$0x140]  }
0x58: {  	[tilespmem:$0x20] =	vst v5;
	v5 =	vld [tilespmem:$0x1C0]  }
0x59: {  	[tilespmem:$0xA0] =	vst v1  }
0x5a: {  	[tilespmem:$0x30] =	vst v2  }
0x5b: {  	[tilespmem:$0xB0] =	vst v3  }
0x5c: {  	[tilespmem:$0x40] =	vst v4  }
0x5d: {  	[tilespmem:$0xC0] =	vst v5  }
0x5e: {  	[tilespmem:s19], [sflag:$0x1] =	stream.indirect.gather [hbm4b:s4+s18], $0x80, s2, s18, $0xb8;
	[tilespmem:$0x16B80] =	vst v63  }
0x5f: {  	_ = 	snop  }
0x60: {  	[tilespmem:s21], [sflag:$0x2] =	stream.indirect.gather [hbm4b:s5+s18], $0x80, s20, s18, $0xb8;
	[tilespmem:$0x16B80] =	vst v63  }
0x61: {  	v1 =	vld [tilespmem:$0x200]  }
0x62: {  	v2 =	vld @p0 [tilespmem:$0x210]  }
0x63: {  	v3 =	vld @p0 [tilespmem:$0x220]  }
0x64: {  	v4 =	vld @p0 [tilespmem:$0x230]  }
0x65: {  	v5 =	vld @p0 [tilespmem:$0x240]  }
0x66: {  	v7 =	vld @!p0 [tilespmem:$0x210];
	v6 =	vadd.s32 @p0 $0xFFFFE781, v1  }
0x67: {  	v8 =	vld @!p0 [tilespmem:$0x220];
	v2 =	vadd.s32 @p0 $0xFFFFE781, v2;
	vm0 =	vgt.s32 @p0 v6, $0x0  }
0x68: {  	v9 =	vld @!p0 [tilespmem:$0x230];
	v3 =	vadd.s32 @p0 $0xFFFFE781, v3;
	v6 =	vnsel @p0 vm0, $0x0, v6;
	vm0 =	vgt.s32 @p0 v2, $0x0  }
0x69: {  	v4 =	vadd.s32 @p0 $0xFFFFE781, v4;
	[tilespmem:$0x300] =	vst @p0 v6;
	v2 =	vnsel @p0 vm0, $0x0, v2;
	vm0 =	vgt.s32 @p0 v3, $0x0;
	v6 =	vld @!p0 [tilespmem:$0x240]  }
0x6a: {  	[tilespmem:$0x310] =	vst @p0 v2;
	v2 =	vnsel @p0 vm0, $0x0, v3;
	vm0 =	vgt.s32 @p0 v4, $0x0  }
0x6b: {  	[tilespmem:$0x320] =	vst @p0 v2;
	v2 =	vnsel @p0 vm0, $0x0, v4;
	vm0 =	vlt.s32 @!p0 v1, $0x1880  }
0x6c: {  	[tilespmem:$0x330] =	vst @p0 v2;
	v2 =	vadd.s32 @p0 $0xFFFFE781, v5;
	v1 =	vnsel @!p0 vm0, $0x1880, v1;
	vm0 =	vlt.s32 @!p0 v7, $0x1880  }
0x6d: {  	vm1 =	vgt.s32 @p0 v2, $0x0;
	[tilespmem:$0x300] =	vst @!p0 v1;
	v1 =	vnsel @!p0 vm0, $0x1880, v7;
	vm0 =	vlt.s32 @!p0 v8, $0x1880  }
0x6e: {  	[tilespmem:$0x310] =	vst @!p0 v1;
	v1 =	vnsel @!p0 vm0, $0x1880, v8;
	vm0 =	vlt.s32 @!p0 v9, $0x1880;
	vm2 =	vlt.s32 @!p0 v6, $0x1880  }
0x6f: {  	v2 =	vnsel @p0 vm1, $0x0, v2;
	v3 =	vnsel @!p0 vm0, $0x1880, v9;
	[tilespmem:$0x320] =	vst @!p0 v1;
	v1 =	vnsel @!p0 vm2, $0x1880, v6  }
0x70: {  	[tilespmem:$0x330] =	vst @!p0 v3;
	v1 =	vpsel p0, v2, v1  }
0x71: {  	[tilespmem:$0x340] =	vst v1  }
0x72: {  	_ =	swait.ge [sflag:s22], $0x2800  }
0x73: {  	[sflag:s22] =	ssyncset.done $0x0  }
0x74: {  	[sflag:s22] =	ssyncadd.s32 $0xFFFFD800  }
0x75: {  	_ =	swait.ge [sflag:s23], $0x2800  }
0x76: {  	[sflag:s23] =	ssyncset.done $0x0  }
0x77: {  	s29 =	simm.s32 $0x0;
	[sflag:s23] =	ssyncadd.s32 $0xFFFFD800  }
0x78: {  	v1 =	vld [tilespmem:s29+$0x3F0]  }
0x79: {  	v2 =	vld [tilespmem:s29+$0x2BF0]  }
0x7a: {  	v3 =	vld [tilespmem:s29+$0x380]  }
0x7b: {  	v4 =	vld [tilespmem:s29+$0x2B80]  }
0x7c: {  	v5 =	vld [tilespmem:s29+$0x390]  }
0x7d: {  	v6 =	vld [tilespmem:s29+$0x2B90]  }
0x7e: {  	v7 =	vld [tilespmem:s29+$0x3A0]  }
0x7f: {  	v1 =	vadd.f32 v2, v1;
	v2 =	vld [tilespmem:s29+$0x2BA0]  }
0x80: {  	v8 =	vld [tilespmem:s29+$0x3B0]  }
0x81: {  	v9 =	vld [tilespmem:s29+$0x2BB0];
	v3 =	vadd.f32 v4, v3  }
0x82: {  	v10 =	vld [tilespmem:s29+$0x3C0];
	v5 =	vadd.f32 v6, v5;
	v4 =	vmul.f32 $1.000000010e-01, v1  }
0x83: {  	v12 =	vld [tilespmem:s29+$0x2BC0];
	v11 =	vmul.f32 $1.000000010e-01, v3  }
0x84: {  	v6 =	vmul.f32 $1.000000010e-01, v5;
	v1 =	vmax.f32 v1, v4;
	v4 =	vld [tilespmem:s29+$0x2BD0];
	v7 =	vadd.f32 v2, v7  }
0x85: {  	v3 =	vmax.f32 v3, v11;
	[tilespmem:s29+$0x53F0] =	vst v1;
	v1 =	vld [tilespmem:s29+$0x3D0]  }
0x86: {  	[tilespmem:s29+$0x5380] =	vst v3;
	v3 =	vmax.f32 v5, v6;
	v2 =	vld [tilespmem:s29+$0x3E0];
	v6 =	vadd.f32 v9, v8;
	v11 =	vmul.f32 $1.000000010e-01, v7  }
0x87: {  	s30 =	simm.s32 $0x80;
	v5 =	vld [tilespmem:s29+$0x2BE0];
	[tilespmem:s29+$0x5390] =	vst v3  }
0x88: {  	s31 =	simm.s32 $0x400;
	v3 =	vld [tilespmem:s30+$0x3F0];
	v8 =	vmul.f32 $1.000000010e-01, v6;
	v9 =	vmax.f32 v7, v11;
	v7 =	vadd.f32 v12, v10  }
.LBB2_6:
0x89: {  	p1 =	sne.s32 s31, $0x9E00;
	v10 =	vld [tilespmem:s30+$0x2BF0];
	[tilespmem:s29+$0x53A0] =	vst v9  }
0x8a: {  	v9 =	vld [tilespmem:s30+$0x380];
	v6 =	vmax.f32 v6, v8;
	v8 =	vmul.f32 $1.000000010e-01, v7;
	v1 =	vadd.f32 v4, v1  }
0x8b: {  	v4 =	vld [tilespmem:s30+$0x2B80];
	[tilespmem:s29+$0x53B0] =	vst v6  }
0x8c: {  	v6 =	vld [tilespmem:s30+$0x390];
	v7 =	vmax.f32 v7, v8;
	v8 =	vmul.f32 $1.000000010e-01, v1;
	v2 =	vadd.f32 v5, v2  }
0x8d: {  	v5 =	vld [tilespmem:s30+$0x2B90];
	[tilespmem:s29+$0x53C0] =	vst v7  }
0x8e: {  	v7 =	vld [tilespmem:s30+$0x3A0];
	v3 =	vadd.f32 v10, v3;
	v1 =	vmax.f32 v1, v8;
	v8 =	vmul.f32 $1.000000010e-01, v2  }
0x8f: {  	v10 =	vld [tilespmem:s30+$0x2BA0];
	[tilespmem:s29+$0x53D0] =	vst v1  }
0x90: {  	v1 =	vadd.f32 v4, v9;
	v9 =	vld [tilespmem:s30+$0x3B0];
	v4 =	vmul.f32 $1.000000010e-01, v3;
	v2 =	vmax.f32 v2, v8  }
0x91: {  	v8 =	vld [tilespmem:s30+$0x2BB0];
	[tilespmem:s29+$0x53E0] =	vst v2;
	s29 =	smov.u32 s30  }
0x92: {  	v2 =	vmul.f32 $1.000000010e-01, v1;
	v5 =	vadd.f32 v5, v6;
	v11 =	vld [tilespmem:s29+$0x3C0];
	v3 =	vmax.f32 v3, v4  }
0x93: {  	v12 =	vld [tilespmem:s29+$0x2BC0];
	[tilespmem:s29+$0x53F0] =	vst v3  }
.Ltmp6:
0x94: {  	v2 =	vmax.f32 v1, v2;
	v3 =	vmul.f32 $1.000000010e-01, v5;
	v7 =	vadd.f32 v10, v7;
	v1 =	vld [tilespmem:s29+$0x3D0];
	(pc) =	sbr.rel @p1 .LBB2_6-.Ltmp6, $4  }
0x95: {  	[tilespmem:s29+$0x5380] =	vst v2;
	v4 =	vld [tilespmem:s29+$0x2BD0]  }
0x96: {  	v3 =	vmax.f32 v5, v3;
	v10 =	vmul.f32 $1.000000010e-01, v7;
	v6 =	vadd.f32 v8, v9;
	v2 =	vld [tilespmem:s29+$0x3E0]  }
0x97: {  	s30 =	sshra.s32 s31, $0x2;
	[tilespmem:s29+$0x5390] =	vst v3;
	v5 =	vld [tilespmem:s29+$0x2BE0]  }
0x98: {  	s31 =	sadd.s32 $0x200, s31;
	v3 =	vld [tilespmem:s30+$0x3F0];
	v9 =	vmax.f32 v7, v10;
	v8 =	vmul.f32 $1.000000010e-01, v6;
	v7 =	vadd.f32 v12, v11  }
0x99: {  	v10 =	vld [tilespmem:s30+$0x2BF0];
	[tilespmem:s29+$0x53A0] =	vst v9  }
0x9a: {  	v9 =	vld [tilespmem:s30+$0x380];
	v6 =	vmax.f32 v6, v8;
	v11 =	vmul.f32 $1.000000010e-01, v7;
	v1 =	vadd.f32 v4, v1  }
0x9b: {  	v46 =	vld [tilespmem:s30+$0x2B80];
	[tilespmem:s29+$0x53B0] =	vst v6  }
0x9c: {  	v47 =	vld [tilespmem:s30+$0x390];
	v48 =	vmax.f32 v7, v11;
	v50 =	vmul.f32 $1.000000010e-01, v1;
	v2 =	vadd.f32 v5, v2  }
0x9d: {  	v49 =	vld [tilespmem:s30+$0x2B90];
	[tilespmem:s29+$0x53C0] =	vst v48  }
0x9e: {  	v51 =	vld [tilespmem:s30+$0x3A0];
	v1 =	vmax.f32 v1, v50;
	v52 =	vmul.f32 $1.000000010e-01, v2  }
0x9f: {  	v6 =	vld [tilespmem:s30+$0x2BA0];
	[tilespmem:s29+$0x53D0] =	vst v1  }
0xa0: {  	v1 =	vadd.f32 v10, v3;
	v3 =	vld [tilespmem:s30+$0x3B0];
	v2 =	vmax.f32 v2, v52  }
0xa1: {  	v8 =	vadd.f32 v46, v9;
	v53 =	vld [tilespmem:s30+$0x2BB0];
	[tilespmem:s29+$0x53E0] =	vst v2  }
0xa2: {  	v54 =	vmul.f32 $1.000000010e-01, v1;
	v2 =	vld [tilespmem:s30+$0x3C0]  }
0xa3: {  	v55 =	vmul.f32 $1.000000010e-01, v8;
	v56 =	vld [tilespmem:s30+$0x2BC0]  }
0xa4: {  	v57 =	vld [tilespmem:s30+$0x3D0];
	v1 =	vmax.f32 v1, v54  }
0xa5: {  	v59 =	vld [tilespmem:s30+$0x3E0];
	[tilespmem:s30+$0x53F0] =	vst v1;
	v1 =	vmax.f32 v8, v55  }
0xa6: {  	[tilespmem:s30+$0x5380] =	vst v1;
	v1 =	vld [tilespmem:s30+$0x2BD0]  }
0xa7: {  	v4 =	vadd.f32 v49, v47;
	v60 =	vld [tilespmem:s30+$0x2BE0]  }
0xa8: {  	v5 =	vadd.f32 v6, v51  }
0xa9: {  	v58 =	vmul.f32 $1.000000010e-01, v4;
	v3 =	vadd.f32 v53, v3  }
0xaa: {  	v6 =	vmul.f32 $1.000000010e-01, v5;
	v2 =	vadd.f32 v56, v2  }
0xab: {  	v4 =	vmax.f32 v4, v58;
	v61 =	vmul.f32 $1.000000010e-01, v3;
	v1 =	vadd.f32 v1, v57  }
0xac: {  	[tilespmem:s30+$0x5390] =	vst v4;
	v5 =	vmax.f32 v5, v6;
	v4 =	vadd.f32 v60, v59;
	v62 =	vmul.f32 $1.000000010e-01, v2  }
0xad: {  	[tilespmem:s30+$0x53A0] =	vst v5;
	v3 =	vmax.f32 v3, v61;
	v63 =	vmul.f32 $1.000000010e-01, v1  }
0xae: {  	[tilespmem:s30+$0x53B0] =	vst v3;
	v3 =	vmul.f32 $1.000000010e-01, v4;
	v2 =	vmax.f32 v2, v62  }
0xaf: {  	[tilespmem:s30+$0x53C0] =	vst v2;
	v1 =	vmax.f32 v1, v63  }
0xb0: {  	[tilespmem:s30+$0x53D0] =	vst v1;
	v1 =	vmax.f32 v4, v3  }
.Ltmp7:
0xb1: {  	[tilespmem:s30+$0x53E0] =	vst v1;
	(pc) =	sbr.rel .LBB2_8-.Ltmp7, $4  }
0xb2: {  	[spmem:s1] =	stream.indirect.scatter.add.f32 [tilespmem:s25], [sflag:$0x3], $0x80, s24, s18, $0xb8;
	[tilespmem:$0x16B80] =	vst v63  }
0xb3: {  	_ =	swait.ge [sflag:s15], $0x2800  }
0xb4: {  	[sflag:s15] =	ssyncset.done $0x0  }
0xb5: {  	[sflag:s15] =	ssyncadd.s32 $0xFFFFD800  }
.LBB2_10:
0xb6: {  	_ =	sfence.sel $0x180000  }
0xb7: {  	[bflag:$0x0] =	sbarrier.arrive $0xFFFF  }
0xb8: {  	p0 =	sne.s32 s3, $0x0;
	_ =	strace $0x90000053  }
0xb9: {  	s0 =	sadd.s32 @!p0 $0x100000, s0;
	[bflag:$0x2] =	sbarrier.arrive $0xFFFF  }
0xba: {  	[sflag:s0] =	ssyncadd.tile.s32 @!p0 $0x1;
	_ =	shalt  }
.Lfunc_end2:
_tile_overlayer_lowered:
.L_overlay_start_2:
0xbb: {  	(tag) =	ssettag $0x2  }
0xbc: {  	s0 =	rddreg [dreg:$0x0];
	s2 =	stileid.u32  }
0xbd: {  	s1 =	rddreg [dreg:$0x1];
	p0 =	sne.s32 s2, $0x0  }
0xbe: {  	s3 =	rddreg [dreg:$0x2];
	[bflag:$0x3] =	sbarrier.arrive $0xFFFF;
	s2 =	simm.s32 @!p0 $0x1C03  }
0xbf: {  	[timem:s3], [sflag:s2] =	dma.local @!p0 [hbm:s0], s1  }
0xc0: {  	s0 =	simm.s32 @!p0 $0x3  }
0xc1: {  	_ =	swait.ge @!p0 [sflag:s0], s1  }
0xc2: {  	s1 =	ssub.s32 @!p0 $0x0, s1;
	[sflag:s0] =	ssyncset.done @!p0 $0x0  }
0xc3: {  	[sflag:s0] =	ssyncadd.s32 @!p0 s1  }
0xc4: {  	[bflag:$0x3] =	sbarrier.arrive $0xFFFF  }
0xc5: {  	_ =	shalt  }

// kernel: kernel.23.cloned.1.call-start
scs
__scs_entry_jumppad:
0x0: {  	(pc) =	sbr.rel $0x88, $3  }
0x1: {  	(tag) =	ssettag $0x0;
	lr =	simm.s32 $0x1  }
0x2: {  	[smem:$0x3F86] =	sst lr;
	_ =	strace $0xD0000000  }
0x3: {  	_ = 	snop  }
0x4: {  	_ = 	snop  }
0x5: {  	_ = 	snop  }
0x6: {  	_ = 	snop  }
0x7: {  	_ = 	snop  }
__scs_overlays_trampoline_lowered:
0x8: {  	[smem:$0x3F95] =	sst s0  }
0x9: {  	[smem:$0x3F96] =	sst s1  }
0xa: {  	[smem:$0x3F97] =	sst s2  }
0xb: {  	[smem:$0x3F98] =	sst s3  }
0xc: {  	[smem:$0x3F99] =	sst s4  }
0xd: {  	[smem:$0x3F9A] =	sst s5  }
0xe: {  	[smem:$0x3F9B] =	sst s6  }
0xf: {  	[smem:$0x3F9C] =	sst s7  }
0x10: {  	[smem:$0x3F9D] =	sst s8  }
0x11: {  	[smem:$0x3F9E] =	sst s9;
	s0 =	simm.s32 @!p0 $0x0  }
0x12: {  	s1 =	sld [smem:$0x3F84];
	s0 =	simm.s32 @p0 $0x1  }
0x13: {  	[smem:$0x3F9F] =	sst s0;
	s0 =	simm.s32 @!p1 $0x0  }
0x14: {  	s2 =	sld [smem:$0x3F83];
	s0 =	simm.s32 @p1 $0x1  }
0x15: {  	[smem:$0x3FA0] =	sst s0;
	s0 =	simm.s32 @!p2 $0x0  }
0x16: {  	s3 =	sld [smem:$0x3FDB];
	s0 =	simm.s32 @p2 $0x1  }
0x17: {  	s4 =	simm.s32 $0x1BF5;
	[smem:$0x3FA2] =	sst s0  }
0x18: {  	s0 =	sld [smem:$0x3F85];
	_ =	swait.ge [sflag:s4], $0x0  }
0x19: {  	s7 =	sld [smem:$0x3F86]  }
0x1a: {  	s8 =	sadd.s32 $0xFFFFE003, lr  }
0x1b: {  	s9 =	sadd.s32 $0xFFFFFEF7, lr;
	s5 =	simm.s32 $0xFFFFFFFF;
	p2 =	slt.u32 s8, $0xFFFFF086  }
0x1c: {  	p1 =	slt.u32 s9, $0xF7A;
	s5 =	simm.s32 @!p2 $0x0  }
0x1d: {  	s5 =	simm.s32 @p1 $0x1;
	p0 =	seq.s32 s7, s2  }
0x1e: {  	s7 =	smul.u32 @!p0 $0xF7A, s2;
	p2 =	seq.s32 @!p0 s5, $0x0  }
0x1f: {  	s9 =	smul.u32 $0xF7A, s1;
	s8 =	simm.s32 @!p0 $0x1BF5;
	p2 =	por !p2, p0  }
0x20: {  	[sflag:s8] =	ssyncset.s32 @!p0 $0xFFFFF086;
	s6 =	sadd.s32 @!p0 s3, s7;
	s7 =	simm.s32 @!p0 $0x108  }
0x21: {  	s3 =	sadd.s32 s3, s9;
	s6 =	sadd.s32 @!p0 $0x88, s6;
	s7 =	simm.s32 @p2 $0x1082  }
0x22: {  	[simem:s7], [sflag:s8] =	dma.local @!p0 [hbm:s6], $0xF7A  }
0x23: {  	s9 =	sor.u32 $0xD0000000, s2;
	s6 =	simm.s32 $0x108;
	_ =	swait.ge @!p0 [sflag:s8], $0x0  }
0x24: {  	s3 =	sadd.s32 $0x88, s3;
	s6 =	simm.s32 @!p1 $0x1082;
	[sflag:s4] =	ssyncset.s32 $0xFFFFF086  }
0x25: {  	[simem:s6], [sflag:s4] =	dma.local [hbm:s3], $0xF7A  }
0x26: {  	[smem:$0x3F86] =	sst s1;
	(tag) =	ssettag s2;
	_ =	strace s9  }
0x27: {  	s1 =	sld [smem:$0x3F96]  }
0x28: {  	s2 =	sld [smem:$0x3F97]  }
0x29: {  	s4 =	sld [smem:$0x3F99]  }
0x2a: {  	p0 =	seq.s32 s5, $0x0;
	s5 =	sld [smem:$0x3F9A]  }
0x2b: {  	s6 =	sld [smem:$0x3F9B]  }
0x2c: {  	s7 =	sld [smem:$0x3F9C]  }
0x2d: {  	s3 =	simm.s32 $0x108;
	s8 =	sld [smem:$0x3F9D]  }
0x2e: {  	s3 =	simm.s32 @!p0 $0x1082;
	s9 =	sld [smem:$0x3F9E]  }
0x2f: {  	lr =	sadd.s32 s0, s3;
	s0 =	sld [smem:$0x3F95]  }
0x30: {  	s3 =	sld [smem:$0x3F98]  }
0x31: {  	[smem:$0x3FA1] =	sst s10  }
0x32: {  	s10 =	sld [smem:$0x3F9F];
	_ =	sdelay $0x3  }
0x33: {  	p0 =	seq.s32 s10, $0x1;
	s10 =	sld [smem:$0x3FA1];
	_ =	sdelay $0x3  }
0x34: {  	[smem:$0x3FA1] =	sst s10  }
0x35: {  	s10 =	sld [smem:$0x3FA0];
	_ =	sdelay $0x3  }
0x36: {  	p1 =	seq.s32 s10, $0x1;
	s10 =	sld [smem:$0x3FA1];
	_ =	sdelay $0x3  }
0x37: {  	[smem:$0x3FA1] =	sst s10  }
0x38: {  	s10 =	sld [smem:$0x3FA2]  }
0x39: {  	_ = 	snop;
	(pc) =	sbr.ind lr, $3  }
0x3a: {  	_ = 	snop  }
0x3b: {  	_ = 	snop  }
0x3c: {  	p2 =	seq.s32 s10, $0x1;
	s10 =	sld [smem:$0x3FA1]  }
0x3d: {  	_ =	shalt  }
0x3e: {  	_ =	shalt  }
0x3f: {  	_ =	shalt  }
0x40: {  	_ =	shalt  }
0x41: {  	_ =	shalt  }
0x42: {  	_ =	shalt  }
0x43: {  	_ =	shalt  }
0x44: {  	_ =	shalt  }
0x45: {  	_ =	shalt  }
0x46: {  	_ =	shalt  }
0x47: {  	_ =	shalt  }
0x48: {  	_ =	shalt  }
0x49: {  	_ =	shalt  }
0x4a: {  	_ =	shalt  }
0x4b: {  	_ =	shalt  }
0x4c: {  	_ =	shalt  }
0x4d: {  	_ =	shalt  }
0x4e: {  	_ =	shalt  }
0x4f: {  	_ =	shalt  }
0x50: {  	_ =	shalt  }
0x51: {  	_ =	shalt  }
0x52: {  	_ =	shalt  }
0x53: {  	_ =	shalt  }
0x54: {  	_ =	shalt  }
0x55: {  	_ =	shalt  }
0x56: {  	_ =	shalt  }
0x57: {  	_ =	shalt  }
0x58: {  	_ =	shalt  }
0x59: {  	_ =	shalt  }
0x5a: {  	_ =	shalt  }
0x5b: {  	_ =	shalt  }
0x5c: {  	_ =	shalt  }
0x5d: {  	_ =	shalt  }
0x5e: {  	_ =	shalt  }
0x5f: {  	_ =	shalt  }
0x60: {  	_ =	shalt  }
0x61: {  	_ =	shalt  }
0x62: {  	_ =	shalt  }
0x63: {  	_ =	shalt  }
0x64: {  	_ =	shalt  }
0x65: {  	_ =	shalt  }
0x66: {  	_ =	shalt  }
0x67: {  	_ =	shalt  }
0x68: {  	_ =	shalt  }
0x69: {  	_ =	shalt  }
0x6a: {  	_ =	shalt  }
0x6b: {  	_ =	shalt  }
0x6c: {  	_ =	shalt  }
0x6d: {  	_ =	shalt  }
0x6e: {  	_ =	shalt  }
0x6f: {  	_ =	shalt  }
0x70: {  	_ =	shalt  }
0x71: {  	_ =	shalt  }
0x72: {  	_ =	shalt  }
0x73: {  	_ =	shalt  }
0x74: {  	_ =	shalt  }
0x75: {  	_ =	shalt  }
0x76: {  	_ =	shalt  }
0x77: {  	_ =	shalt  }
0x78: {  	_ =	shalt  }
0x79: {  	_ =	shalt  }
0x7a: {  	_ =	shalt  }
0x7b: {  	_ =	shalt  }
0x7c: {  	_ =	shalt  }
0x7d: {  	_ =	shalt  }
0x7e: {  	_ =	shalt  }
0x7f: {  	_ =	shalt  }
0x80: {  	_ =	shalt  }
0x81: {  	_ =	shalt  }
0x82: {  	_ =	shalt  }
0x83: {  	_ =	shalt  }
0x84: {  	_ =	shalt  }
0x85: {  	_ =	shalt  }
0x86: {  	_ =	shalt  }
0x87: {  	_ =	shalt  }
.Lfunc_end0:
.L_simem_size_0:
called_computation.4_lowered:
.L_overlay_start_0:
0x88: {  	s2 =	sld [smem:$0x3FD9]  }
0x89: {  	s3 =	sld [smem:$0x3FFE];
	_ =	sdelay $0x1  }
0x8a: {  	s1 =	srdreg.scid  }
0x8b: {  	s0 =	sand.u32 $0x1, s1  }
0x8c: {  	s17 =	sshll.u32 s0, $0xA;
	s2 =	sadd.s32 s3, s2  }
0x8d: {  	s2 =	sadd.s32 s2, s17  }
0x8e: {  	[smem:$0x3FAD] =	sst s2  }
0x8f: {  	_ = 	snop  }
0x90: {  	s18 =	sld [smem:$0x3FAF];
	(tm) =	ssettm $0x1  }
0x91: {  	s19 =	sld [smem:$0x3FFB];
	_ =	sdelay $0x3  }
0x92: {  	_ =	strace s19  }
0x93: {  	s2 =	sld [smem:$0x3FFC];
	_ =	sdelay $0x3  }
0x94: {  	_ =	strace s2  }
0x95: {  	s2 =	sld [smem:$0x3FFD];
	_ =	sdelay $0x3  }
0x96: {  	_ =	strace s2  }
0x97: {  	_ =	strace $0x8FFFFFFF  }
0x98: {  	s20 =	sld [smem:$0x3FDB];
	_ =	sdelay $0x1  }
0x99: {  	s4 =	simm.s32 $_scs_section_size  }
0x9a: {  	s5 =	simm.s32 $_size__tile_overlayer_lowered;
	s6 =	simm.s32 $_tile_overlayer_lowered  }
0x9b: {  	s7 =	simm.s32 $0x1BFF;
	s21 =	sshll.u32 s6, $0x1;
	s4 =	sadd.s32 s4, s20  }
0x9c: {  	s22 =	simm.s32 $0x0;
	s5 =	sshll.u32 s5, $0x1;
	s6 =	sadd.s32 s21, s4  }
0x9d: {  	[timem:s22], [sflag:s7] =	dma.local [hbm:s6], s5  }
0x9e: {  	_ =	swait.ge [sflag:s7], s5  }
0x9f: {  	s5 =	ssub.s32 $0x0, s5;
	[sflag:s7] =	ssyncset.done $0x0  }
0xa0: {  	[sflag:s7] =	ssyncadd.s32 s5;
	_ =	sdelay $0x1  }
0xa1: {  	s23 =	simm.s32 $0x1B8B  }
0xa2: {  	_ =	swait.ge [sflag:s23], $0x1  }
0xa3: {  	[sflag:s23] =	ssyncset.done $0x0  }
0xa4: {  	[sflag:s23] =	ssyncadd.s32 $0xFFFFFFFF  }
0xa5: {  	s5 =	sld [smem:$0x0]  }
0xa6: {  	s6 =	sand.u32 $0xFFFFFFFE, s1  }
0xa7: {  	p0 =	sne.s32 s1, s6  }
0xa8: {  	s6 =	sshll.u32 @p0 s6, $0xE  }
0xa9: {  	s6 =	sadd.s32 @p0 $0x11B8D, s6;
	s7 =	sshll.u32 @p0 s5, $0x11  }
0xaa: {  	s6 =	sor.u32 @p0 s7, s6  }
0xab: {  	[sflag:s6] =	ssyncadd.remote.s32 @p0 $0x1;
	_ =	sdelay $0x1  }
0xac: {  	s6 =	simm.s32 @p0 $0x1B8D  }
0xad: {  	_ =	swait.eq @p0 [sflag:s6], $0x1  }
0xae: {  	[sflag:s6] =	ssyncadd.s32 @p0 $0xFFFFFFFF  }
0xaf: {  	s7 =	sshll.u32 @!p0 s1, $0xE  }
0xb0: {  	s7 =	sor.u32 @!p0 $0x4000, s7;
	s6 =	simm.s32 @!p0 $0x1B8D  }
0xb1: {  	s5 =	sshll.u32 @!p0 s5, $0x11;
	s7 =	sadd.s32 @!p0 $0x11B8D, s7;
	_ =	swait.eq @!p0 [sflag:s6], $0x1  }
0xb2: {  	s5 =	sor.u32 @!p0 s5, s7;
	[sflag:s6] =	ssyncadd.s32 @!p0 $0xFFFFFFFF  }
0xb3: {  	s25 =	simm.s32 $0x1B8E;
	s24 =	sld [smem:$0x3FFE];
	[sflag:s5] =	ssyncadd.remote.s32 @!p0 $0x1  }
0xb4: {  	s26 =	simm.s32 $execute0_lowered;
	[smem:$0x3FD2] =	sst s25  }
0xb5: {  	s6 =	sshll.u32 s26, $0x1;
	_ =	strace $0x8000004F;
	[dreg:$0x1] =	wrdreg $0xFFFFFFFF  }
0xb6: {  	s28 =	simm.s32 $_size_execute0_lowered;
	s4 =	sadd.s32 s4, s6;
	[dreg:$0x0] =	wrdreg $0x0  }
0xb7: {  	s6 =	sshll.u32 s28, $0x1;
	[dreg:$0x2] =	wrdreg s4  }
0xb8: {  	[dreg:$0x3] =	wrdreg s6  }
0xb9: {  	[dreg:$0x4] =	wrdreg $0xC0  }
0xba: {  	_ =	task [dreg:s22], $0x5FFFF  }
0xbb: {  	[dreg:$0x1] =	wrdreg $0xFFFFFFFF  }
0xbc: {  	[dreg:$0x0] =	wrdreg $0x60  }
0xbd: {  	[dreg:$0x2] =	wrdreg s18  }
0xbe: {  	[dreg:$0x3] =	wrdreg s24  }
0xbf: {  	[dreg:$0x4] =	wrdreg $0x51000  }
0xc0: {  	[dreg:$0x5] =	wrdreg $0x9  }
0xc1: {  	_ =	task.clear_ibuf [dreg:s22], $0x6FFFF;
	_ =	strace $0x9000004F  }
0xc2: {  	s29 =	simm.s32 $0x9;
	_ =	strace $0x80000051  }
0xc3: {  	_ =	swait.ge [sflag:s29], $0x1  }
0xc4: {  	[sflag:s29] =	ssyncadd.s32 $0xFFFFFFFF  }
0xc5: {  	_ =	strace $0x90000051  }
0xc6: {  	_ =	sfence  }
0xc7: {  	s30 =	sld [smem:$0x0];
	_ =	sdelay $0x2  }
0xc8: {  	s31 =	sshll.u32 s1, $0xD;
	s1 =	sshrl.u32 s1, $0x2  }
0xc9: {  	s4 =	sand.u32 $0x4000, s31;
	s1 =	sadd.s32 s1, s30  }
0xca: {  	s0 =	sor.u32 s4, s0;
	s1 =	sshll.u32 s1, $0x11  }
0xcb: {  	s0 =	sor.u32 s1, s0  }
0xcc: {  	s0 =	sadd.s32 $0x8F2B, s0  }
0xcd: {  	[sflag:s0] =	ssyncadd.remote.s32 $0x1  }
0xce: {  	_ =	sfence.sel $0xFFFF  }
0xcf: {  	[dreg:$0x0] =	wrdreg $0xFFFFFFFF;
	(pc) =	sbr.abs _section_cstart, $3  }
0xd0: {  	[dreg:$0x1] =	wrdreg $0xFFFFFFFF  }
0xd1: {  	_ =	task.clear_ibuf [dreg:s22], $0x2FFFF;
	_ =	strace $0x9FFFFFFF  }
0xd2: {  	(tm) =	ssettm $0x7FFFFFFF  }
0xd3: {  	_ =	shalt  }
tec
execute0_lowered:
.L_overlay_start_1:
0x0: {  	(tag) =	ssettag $0x1  }
0x1: {  	s11 =	rddreg [dreg:$0x0]  }
0x2: {  	s4 =	rddreg [dreg:$0x1]  }
0x3: {  	s0 =	srdreg.scid;
	s2 =	rddreg [dreg:$0x2]  }
0x4: {  	s1 =	rddreg [dreg:$0x3];
	s3 =	simm.s32 $0x0;
	s5 =	sand.u32 $0x1, s0  }
0x5: {  	s13 =	simm.s32 $0x1;
	s0 =	stileid.u32;
	s6 =	smul.u32 $0xC8000, s5  }
0x6: {  	[smem:$0x7FF] =	sst s3;
	s7 =	smul.u32 $0xC800, s0;
	s29 =	ssub.s32 $0x2, s5  }
0x7: {  	s9 =	smul.u32 $0x32000, s0;
	_ =	strace $0x80000050;
	p0 =	seq.s32 s5, $0x1  }
0x8: {  	s12 =	smul.u32 $0xA, s0;
	s14 =	sshll.u32 s0, $0x6;
	s8 =	sshrl.u32 s29, $0x1  }
0x9: {  	s14 =	sor.u32 $0x1C01, s14;
	s6 =	sadd.s32 s7, s6;
	s30 =	ssub.s32 s29, s8  }
0xa: {  	s31 =	sshrl.u32 s9, $0x2;
	s11 =	sadd.s32 s12, s11;
	s6 =	sshrl.u32 s6, $0x3  }
0xb: {  	s12 =	simm.s32 $0x2900;
	s5 =	sadd.s32 s31, s2;
	s4 =	sadd.s32 s6, s4  }
0xc: {  	s6 =	smax.u32 s30, $0x1;
	s7 =	sadd.s32 $0x2800, s5;
	s8 =	sadd.s32 $0x5000, s5  }
0xd: {  	v0 =	vimm.f32 $0.0e+00;
	v1 =	vimm.f32 $1.000000000e+00;
	s9 =	sadd.s32 $0x7800, s5;
	s10 =	sadd.s32 $0xA000, s5;
	s4 =	sadd.s32 $0xD800, s4  }
.LBB2_1:
0xe: {  	s15 =	simm.s32 $0x0;
	s16 =	simm.s32 $0x200  }
.LBB2_2:
0xf: {  	p1 =	sne.s32 s16, $0x9E00;
	[tilespmem:s15+$0x2970] =	vst v0  }
0x10: {  	[tilespmem:s15+$0x2900] =	vst v0  }
0x11: {  	[tilespmem:s15+$0x2910] =	vst v0  }
.Ltmp0:
0x12: {  	[tilespmem:s15+$0x2920] =	vst v0;
	(pc) =	sbr.rel @p1 .LBB2_2-.Ltmp0, $4  }
0x13: {  	[tilespmem:s15+$0x2930] =	vst v0  }
0x14: {  	[tilespmem:s15+$0x2940] =	vst v0  }
0x15: {  	[tilespmem:s15+$0x2950] =	vst v0  }
0x16: {  	[tilespmem:s15+$0x2960] =	vst v0;
	s15 =	sshra.s32 s16, $0x2;
	s16 =	sadd.s32 $0x200, s16  }
0x17: {  	[tilespmem:s15+$0x2970] =	vst v0  }
0x18: {  	[tilespmem:s15+$0x2900] =	vst v0  }
0x19: {  	[tilespmem:s15+$0x2910] =	vst v0  }
0x1a: {  	[tilespmem:s15+$0x2920] =	vst v0  }
0x1b: {  	[tilespmem:s15+$0x2930] =	vst v0  }
0x1c: {  	[tilespmem:s15+$0x2940] =	vst v0  }
0x1d: {  	[tilespmem:s15+$0x2950] =	vst v0  }
0x1e: {  	[tilespmem:s15+$0x2960] =	vst v0  }
0x1f: {  	[spmem:s5] =	stream.linear.scatter [tilespmem:s12], [sflag:$0x1], $0x2800, $0x38;
	[tilespmem:$0x11900] =	vst v63  }
0x20: {  	_ =	swait.ge [sflag:s13], $0x2800  }
0x21: {  	[sflag:s13] =	ssyncset.done $0x0  }
0x22: {  	[sflag:s13] =	ssyncadd.s32 $0xFFFFD800  }
0x23: {  	[spmem:s7] =	stream.linear.scatter [tilespmem:s12], [sflag:$0x1], $0x2800, $0x38;
	[tilespmem:$0x11900] =	vst v63  }
0x24: {  	_ =	swait.ge [sflag:s13], $0x2800  }
0x25: {  	[sflag:s13] =	ssyncset.done $0x0  }
0x26: {  	[sflag:s13] =	ssyncadd.s32 $0xFFFFD800  }
0x27: {  	[spmem:s8] =	stream.linear.scatter [tilespmem:s12], [sflag:$0x1], $0x2800, $0x38;
	[tilespmem:$0x11900] =	vst v63  }
0x28: {  	_ =	swait.ge [sflag:s13], $0x2800  }
0x29: {  	[sflag:s13] =	ssyncset.done $0x0  }
0x2a: {  	[sflag:s13] =	ssyncadd.s32 $0xFFFFD800  }
0x2b: {  	[spmem:s9] =	stream.linear.scatter [tilespmem:s12], [sflag:$0x1], $0x2800, $0x38;
	[tilespmem:$0x11900] =	vst v63  }
0x2c: {  	_ =	swait.ge [sflag:s13], $0x2800  }
0x2d: {  	[sflag:s13] =	ssyncset.done $0x0  }
0x2e: {  	[sflag:s13] =	ssyncadd.s32 $0xFFFFD800  }
0x2f: {  	[spmem:s10] =	stream.linear.scatter [tilespmem:s12], [sflag:$0x1], $0x2800, $0x38;
	[tilespmem:$0x11900] =	vst v63  }
0x30: {  	_ =	swait.ge [sflag:s13], $0x2800  }
0x31: {  	[sflag:s13] =	ssyncset.done $0x0  }
0x32: {  	s15 =	simm.s32 $0x0;
	s16 =	simm.s32 $0x200;
	[sflag:s13] =	ssyncadd.s32 $0xFFFFD800  }
.LBB2_4:
0x33: {  	p1 =	sne.s32 s16, $0x9E00;
	[tilespmem:s15+$0x170] =	vst v1  }
0x34: {  	[tilespmem:s15+$0x100] =	vst v1  }
0x35: {  	[tilespmem:s15+$0x110] =	vst v1  }
.Ltmp1:
0x36: {  	[tilespmem:s15+$0x120] =	vst v1;
	(pc) =	sbr.rel @p1 .LBB2_4-.Ltmp1, $4  }
0x37: {  	[tilespmem:s15+$0x130] =	vst v1  }
0x38: {  	[tilespmem:s15+$0x140] =	vst v1  }
0x39: {  	[tilespmem:s15+$0x150] =	vst v1  }
0x3a: {  	[tilespmem:s15+$0x160] =	vst v1;
	s15 =	sshra.s32 s16, $0x2;
	s16 =	sadd.s32 $0x200, s16  }
0x3b: {  	[tilespmem:s15+$0x170] =	vst v1  }
0x3c: {  	[tilespmem:s15+$0x100] =	vst v1  }
0x3d: {  	[tilespmem:s15+$0x110] =	vst v1  }
0x3e: {  	[tilespmem:s15+$0x120] =	vst v1  }
0x3f: {  	[tilespmem:s15+$0x130] =	vst v1  }
0x40: {  	[tilespmem:s15+$0x140] =	vst v1  }
0x41: {  	[tilespmem:s15+$0x150] =	vst v1;
	s31 =	sadd.s32 $0x0, s0  }
0x42: {  	[tilespmem:s15+$0x160] =	vst v1;
	s18 =	simm.s32 $0x10;
	s16 =	simm.s32 $0x20;
	p1 =	sgt.u32 s31, $0x4E1  }
0x43: {  	[bflag:$0x0] =	sbarrier.arrive $0xFFFF;
	s15 =	simm.s32 @!p1 $0x0;
	s21 =	simm.s32 @!p1 $0x2  }
0x44: {  	[tilespmem:s15], [sflag:$0x2] =	stream.linear.gather @!p1 [hbm4b:s11+s15], $0x50, $0x38;
	[tilespmem:$0x11900] =	vst v63  }
0x45: {  	s17 =	sadd.s32 $0xA0, s11;
	s20 =	simm.s32 $0x30;
	_ =	swait.ge @!p1 [sflag:s21], $0x50  }
0x46: {  	s19 =	sadd.s32 $0xA0, s17;
	[sflag:s21] =	ssyncset.done @!p1 $0x0;
	p1 =	por p1, p1  }
0x47: {  	s15 =	smov.u32 s19;
	[sflag:s21] =	ssyncadd.s32 @!p1 $0xFFFFFFB0;
	p2 =	por !p0, p1  }
.LBB2_6:
0x48: {  	s19 =	sadd.s32 $0xA0, s19;
	v2 =	vld @!p2 [tilespmem:$0x20];
	s21 =	smov.u32 s20;
	s20 =	sadd.s32 $0x10, s20  }
0x49: {  	p3 =	sne.s32 s20, $0x4F0;
	v3 =	vld @!p1 [tilespmem:$0x0]  }
0x4a: {  	v4 =	vld @!p2 [tilespmem:$0x10]  }
0x4b: {  	v5 =	vld @!p2 [tilespmem:$0x40]  }
0x4c: {  	p4 =	por p0, p1;
	v6 =	vld @!p2 [tilespmem:$0x30]  }
0x4d: {  	v2 =	vadd.s32 @!p2 $0xFFFFE781, v2;
	v7 =	vld @!p4 [tilespmem:$0x40]  }
0x4e: {  	v8 =	vadd.s32 @!p2 $0xFFFFE781, v3;
	vm0 =	vlt.s32 @!p4 v3, $0x1880  }
0x4f: {  	vm2 =	vgt.s32 @!p2 v2, $0x0;
	vm1 =	vgt.s32 @!p2 v8, $0x0;
	v4 =	vadd.s32 @!p2 $0xFFFFE781, v4  }
0x50: {  	v2 =	vnsel @!p2 vm2, $0x0, v2;
	v3 =	vnsel @!p4 vm0, $0x1880, v3;
	v8 =	vnsel @!p2 vm1, $0x0, v8;
	v9 =	vld @!p4 [tilespmem:$0x10]  }
0x51: {  	vm0 =	vgt.s32 @!p2 v4, $0x0;
	v5 =	vadd.s32 @!p2 $0xFFFFE781, v5;
	[tilespmem:$0xA0] =	vst @!p2 v2;
	v2 =	vadd.s32 @!p2 $0xFFFFE781, v6;
	v6 =	vld @!p4 [tilespmem:$0x30]  }
0x52: {  	v4 =	vnsel @!p2 vm0, $0x0, v4;
	vm1 =	vgt.s32 @!p2 v5, $0x0;
	[tilespmem:$0x80] =	vst @!p2 v8;
	vm0 =	vgt.s32 @!p2 v2, $0x0;
	v8 =	vld @!p4 [tilespmem:$0x20]  }
0x53: {  	[tilespmem:$0x90] =	vst @!p2 v4;
	v2 =	vnsel @!p2 vm0, $0x0, v2;
	v4 =	vnsel @!p2 vm1, $0x0, v5;
	vm0 =	vlt.s32 @!p4 v7, $0x1880  }
0x54: {  	[tilespmem:$0xB0] =	vst @!p2 v2;
	v2 =	vnsel @!p4 vm0, $0x1880, v7  }
0x55: {  	[tilespmem:$0x80] =	vst @!p4 v3;
	vm0 =	vlt.s32 @!p4 v9, $0x1880;
	v2 =	vpsel p2, v2, v4  }
0x56: {  	v3 =	vnsel @!p4 vm0, $0x1880, v9;
	vm0 =	vlt.s32 @!p4 v6, $0x1880;
	[tilespmem:$0xC0] =	vst @!p1 v2  }
0x57: {  	[tilespmem:$0x90] =	vst @!p4 v3;
	vm1 =	vlt.s32 @!p4 v8, $0x1880;
	v2 =	vnsel @!p4 vm0, $0x1880, v6  }
0x58: {  	s22 =	simm.s32 @!p1 $0x50;
	s23 =	simm.s32 @!p1 $0x80;
	s24 =	simm.s32 @!p1 $0x100;
	v3 =	vnsel @!p4 vm1, $0x1880, v8;
	[tilespmem:$0xB0] =	vst @!p4 v2  }
0x59: {  	s25 =	simm.s32 @!p1 $0x1;
	[tilespmem:$0xA0] =	vst @!p4 v3  }
0x5a: {  	[spmem:s2] =	stream.indirect.scatter.add.f32 @!p1 [tilespmem:s24], [sflag:$0x1], $0x80, s23, s22, $0xb8;
	[tilespmem:$0x11900] =	vst v63  }
0x5b: {  	s22 =	sadd.s32 s18, s0  }
0x5c: {  	s18 =	smov.u32 s16;
	_ =	swait.ge @!p1 [sflag:s25], $0x2800;
	p2 =	sgt.u32 s22, $0x4E1  }
0x5d: {  	s16 =	smov.u32 s21;
	[sflag:s25] =	ssyncset.done @!p1 $0x0;
	s21 =	simm.s32 @!p2 $0x0  }
.Ltmp2:
0x5e: {  	s22 =	simm.s32 @!p2 $0x2;
	[sflag:s25] =	ssyncadd.s32 @!p1 $0xFFFFD800;
	(pc) =	sbr.rel @p3 .LBB2_6-.Ltmp2, $4  }
0x5f: {  	[tilespmem:s21], [sflag:$0x2] =	stream.linear.gather @!p2 [hbm4b:s17+s21], $0x50, $0x38;
	[tilespmem:$0x11900] =	vst v63  }
0x60: {  	s17 =	smov.u32 s15;
	s15 =	smov.u32 s19;
	_ =	swait.ge @!p2 [sflag:s22], $0x50  }
0x61: {  	p1 =	por p2, p2;
	[sflag:s22] =	ssyncset.done @!p2 $0x0  }
0x62: {  	p2 =	por !p0, p1;
	[sflag:s22] =	ssyncadd.s32 @!p1 $0xFFFFFFB0  }
0x63: {  	v2 =	vld @!p2 [tilespmem:$0x20]  }
0x64: {  	v3 =	vld @!p1 [tilespmem:$0x0]  }
0x65: {  	v4 =	vld @!p2 [tilespmem:$0x10]  }
0x66: {  	v5 =	vld @!p2 [tilespmem:$0x30]  }
0x67: {  	v6 =	vld @!p2 [tilespmem:$0x40];
	p3 =	por p0, p1  }
0x68: {  	v9 =	vld @!p3 [tilespmem:$0x10];
	v2 =	vadd.s32 @!p2 $0xFFFFE781, v2  }
0x69: {  	v7 =	vld @!p3 [tilespmem:$0x40];
	v8 =	vadd.s32 @!p2 $0xFFFFE781, v3;
	vm1 =	vgt.s32 @!p2 v2, $0x0  }
0x6a: {  	v4 =	vadd.s32 @!p2 $0xFFFFE781, v4;
	vm2 =	vgt.s32 @!p2 v8, $0x0;
	v2 =	vnsel @!p2 vm1, $0x0, v2  }
0x6b: {  	v8 =	vnsel @!p2 vm2, $0x0, v8;
	vm1 =	vgt.s32 @!p2 v4, $0x0;
	[tilespmem:$0xA0] =	vst @!p2 v2;
	v2 =	vadd.s32 @!p2 $0xFFFFE781, v5;
	v5 =	vld @!p3 [tilespmem:$0x30]  }
0x6c: {  	vm0 =	vlt.s32 @!p3 v3, $0x1880;
	v6 =	vadd.s32 @!p2 $0xFFFFE781, v6;
	[tilespmem:$0x80] =	vst @!p2 v8;
	v4 =	vnsel @!p2 vm1, $0x0, v4;
	v8 =	vld @!p3 [tilespmem:$0x20]  }
0x6d: {  	v3 =	vnsel @!p3 vm0, $0x1880, v3;
	vm0 =	vlt.s32 @!p3 v9, $0x1880;
	vm1 =	vgt.s32 @!p2 v2, $0x0;
	[tilespmem:$0x90] =	vst @!p2 v4  }
0x6e: {  	vm2 =	vgt.s32 @!p2 v6, $0x0;
	[tilespmem:$0x80] =	vst @!p3 v3;
	v2 =	vnsel @!p2 vm1, $0x0, v2;
	vm1 =	vlt.s32 @!p3 v7, $0x1880  }
0x6f: {  	v4 =	vnsel @!p2 vm2, $0x0, v6;
	v3 =	vnsel @!p3 vm0, $0x1880, v9;
	[tilespmem:$0xB0] =	vst @!p2 v2;
	v2 =	vnsel @!p3 vm1, $0x1880, v7  }
0x70: {  	[tilespmem:$0x90] =	vst @!p3 v3;
	v2 =	vpsel p2, v2, v4;
	vm0 =	vlt.s32 @!p3 v5, $0x1880  }
0x71: {  	[tilespmem:$0xC0] =	vst @!p1 v2;
	vm1 =	vlt.s32 @!p3 v8, $0x1880;
	v2 =	vnsel @!p3 vm0, $0x1880, v5  }
0x72: {  	s19 =	simm.s32 @!p1 $0x50;
	v3 =	vnsel @!p3 vm1, $0x1880, v8;
	[tilespmem:$0xB0] =	vst @!p3 v2  }
0x73: {  	s20 =	simm.s32 @!p1 $0x80;
	s21 =	simm.s32 @!p1 $0x100;
	s22 =	simm.s32 @!p1 $0x1;
	[tilespmem:$0xA0] =	vst @!p3 v3  }
0x74: {  	[spmem:s2] =	stream.indirect.scatter.add.f32 @!p1 [tilespmem:s21], [sflag:$0x1], $0x80, s20, s19, $0xb8;
	[tilespmem:$0x11900] =	vst v63  }
0x75: {  	s18 =	sadd.s32 s18, s0;
	_ =	swait.ge @!p1 [sflag:s22], $0x2800  }
0x76: {  	p2 =	sgt.u32 s18, $0x4E1;
	[sflag:s22] =	ssyncset.done @!p1 $0x0  }
0x77: {  	s18 =	simm.s32 @!p2 $0x0;
	s19 =	simm.s32 @!p2 $0x2;
	[sflag:s22] =	ssyncadd.s32 @!p1 $0xFFFFD800  }
0x78: {  	[tilespmem:s18], [sflag:$0x2] =	stream.linear.gather @!p2 [hbm4b:s17+s18], $0x50, $0x38;
	[tilespmem:$0x11900] =	vst v63  }
0x79: {  	_ =	swait.ge @!p2 [sflag:s19], $0x50  }
0x7a: {  	p1 =	por p2, p2;
	[sflag:s19] =	ssyncset.done @!p2 $0x0  }
0x7b: {  	p3 =	por !p0, p1;
	[sflag:s19] =	ssyncadd.s32 @!p1 $0xFFFFFFB0  }
0x7c: {  	v2 =	vld @!p3 [tilespmem:$0x20]  }
0x7d: {  	v3 =	vld @!p1 [tilespmem:$0x0]  }
0x7e: {  	v4 =	vld @!p3 [tilespmem:$0x10]  }
0x7f: {  	v5 =	vld @!p3 [tilespmem:$0x30]  }
0x80: {  	p2 =	por p0, p1;
	v6 =	vld @!p3 [tilespmem:$0x40]  }
0x81: {  	v9 =	vld @!p2 [tilespmem:$0x10];
	v2 =	vadd.s32 @!p3 $0xFFFFE781, v2  }
0x82: {  	v7 =	vld @!p2 [tilespmem:$0x40];
	v8 =	vadd.s32 @!p3 $0xFFFFE781, v3;
	vm1 =	vgt.s32 @!p3 v2, $0x0  }
0x83: {  	v4 =	vadd.s32 @!p3 $0xFFFFE781, v4;
	vm2 =	vgt.s32 @!p3 v8, $0x0;
	v2 =	vnsel @!p3 vm1, $0x0, v2  }
0x84: {  	v8 =	vnsel @!p3 vm2, $0x0, v8;
	vm1 =	vgt.s32 @!p3 v4, $0x0;
	[tilespmem:$0xA0] =	vst @!p3 v2;
	v2 =	vadd.s32 @!p3 $0xFFFFE781, v5;
	v5 =	vld @!p2 [tilespmem:$0x30]  }
0x85: {  	vm0 =	vlt.s32 @!p2 v3, $0x1880;
	v6 =	vadd.s32 @!p3 $0xFFFFE781, v6;
	[tilespmem:$0x80] =	vst @!p3 v8;
	v4 =	vnsel @!p3 vm1, $0x0, v4;
	v8 =	vld @!p2 [tilespmem:$0x20]  }
0x86: {  	v3 =	vnsel @!p2 vm0, $0x1880, v3;
	vm0 =	vlt.s32 @!p2 v9, $0x1880;
	vm1 =	vgt.s32 @!p3 v2, $0x0;
	[tilespmem:$0x90] =	vst @!p3 v4  }
0x87: {  	vm2 =	vgt.s32 @!p3 v6, $0x0;
	[tilespmem:$0x80] =	vst @!p2 v3;
	v2 =	vnsel @!p3 vm1, $0x0, v2;
	vm1 =	vlt.s32 @!p2 v7, $0x1880  }
0x88: {  	v4 =	vnsel @!p3 vm2, $0x0, v6;
	v3 =	vnsel @!p2 vm0, $0x1880, v9;
	[tilespmem:$0xB0] =	vst @!p3 v2;
	v2 =	vnsel @!p2 vm1, $0x1880, v7  }
0x89: {  	[tilespmem:$0x90] =	vst @!p2 v3;
	v2 =	vpsel p3, v2, v4;
	vm0 =	vlt.s32 @!p2 v5, $0x1880  }
0x8a: {  	[tilespmem:$0xC0] =	vst @!p1 v2;
	vm1 =	vlt.s32 @!p2 v8, $0x1880;
	v2 =	vnsel @!p2 vm0, $0x1880, v5  }
0x8b: {  	s17 =	simm.s32 @!p1 $0x50;
	v3 =	vnsel @!p2 vm1, $0x1880, v8;
	[tilespmem:$0xB0] =	vst @!p2 v2  }
0x8c: {  	s18 =	simm.s32 @!p1 $0x80;
	s20 =	simm.s32 @!p1 $0x1;
	s19 =	simm.s32 @!p1 $0x100;
	[tilespmem:$0xA0] =	vst @!p2 v3  }
0x8d: {  	[spmem:s2] =	stream.indirect.scatter.add.f32 @!p1 [tilespmem:s19], [sflag:$0x1], $0x80, s18, s17, $0xb8;
	[tilespmem:$0x11900] =	vst v63  }
0x8e: {  	s16 =	sadd.s32 s16, s0;
	_ =	swait.ge @!p1 [sflag:s20], $0x2800  }
0x8f: {  	p2 =	sgt.u32 s16, $0x4E1;
	[sflag:s20] =	ssyncset.done @!p1 $0x0  }
0x90: {  	s16 =	simm.s32 @!p2 $0x0;
	s17 =	simm.s32 @!p2 $0x2;
	[sflag:s20] =	ssyncadd.s32 @!p1 $0xFFFFD800  }
0x91: {  	[tilespmem:s16], [sflag:$0x2] =	stream.linear.gather @!p2 [hbm4b:s15+s16], $0x50, $0x38;
	[tilespmem:$0x11900] =	vst v63  }
0x92: {  	_ =	swait.ge @!p2 [sflag:s17], $0x50  }
0x93: {  	p1 =	por p2, p2;
	[sflag:s17] =	ssyncset.done @!p2 $0x0  }
0x94: {  	p3 =	por !p0, p1;
	[sflag:s17] =	ssyncadd.s32 @!p1 $0xFFFFFFB0  }
0x95: {  	v2 =	vld @!p3 [tilespmem:$0x20]  }
0x96: {  	v3 =	vld @!p1 [tilespmem:$0x0]  }
0x97: {  	v4 =	vld @!p3 [tilespmem:$0x10]  }
0x98: {  	v5 =	vld @!p3 [tilespmem:$0x30]  }
0x99: {  	p2 =	por p0, p1;
	v6 =	vld @!p3 [tilespmem:$0x40]  }
0x9a: {  	v9 =	vld @!p2 [tilespmem:$0x10];
	v2 =	vadd.s32 @!p3 $0xFFFFE781, v2  }
0x9b: {  	v7 =	vld @!p2 [tilespmem:$0x40];
	v8 =	vadd.s32 @!p3 $0xFFFFE781, v3;
	vm1 =	vgt.s32 @!p3 v2, $0x0  }
0x9c: {  	v4 =	vadd.s32 @!p3 $0xFFFFE781, v4;
	vm2 =	vgt.s32 @!p3 v8, $0x0;
	v2 =	vnsel @!p3 vm1, $0x0, v2  }
0x9d: {  	v8 =	vnsel @!p3 vm2, $0x0, v8;
	vm1 =	vgt.s32 @!p3 v4, $0x0;
	[tilespmem:$0xA0] =	vst @!p3 v2;
	v2 =	vadd.s32 @!p3 $0xFFFFE781, v5;
	v5 =	vld @!p2 [tilespmem:$0x30]  }
0x9e: {  	vm0 =	vlt.s32 @!p2 v3, $0x1880;
	v6 =	vadd.s32 @!p3 $0xFFFFE781, v6;
	[tilespmem:$0x80] =	vst @!p3 v8;
	v4 =	vnsel @!p3 vm1, $0x0, v4;
	v8 =	vld @!p2 [tilespmem:$0x20]  }
0x9f: {  	v3 =	vnsel @!p2 vm0, $0x1880, v3;
	vm0 =	vlt.s32 @!p2 v9, $0x1880;
	vm1 =	vgt.s32 @!p3 v2, $0x0;
	[tilespmem:$0x90] =	vst @!p3 v4  }
0xa0: {  	vm2 =	vgt.s32 @!p3 v6, $0x0;
	[tilespmem:$0x80] =	vst @!p2 v3;
	v2 =	vnsel @!p3 vm1, $0x0, v2;
	vm1 =	vlt.s32 @!p2 v7, $0x1880  }
0xa1: {  	v4 =	vnsel @!p3 vm2, $0x0, v6;
	v3 =	vnsel @!p2 vm0, $0x1880, v9;
	[tilespmem:$0xB0] =	vst @!p3 v2;
	v2 =	vnsel @!p2 vm1, $0x1880, v7  }
0xa2: {  	[tilespmem:$0x90] =	vst @!p2 v3;
	v2 =	vpsel p3, v2, v4;
	vm0 =	vlt.s32 @!p2 v5, $0x1880  }
0xa3: {  	[tilespmem:$0xC0] =	vst @!p1 v2;
	vm1 =	vlt.s32 @!p2 v8, $0x1880;
	v2 =	vnsel @!p2 vm0, $0x1880, v5  }
0xa4: {  	s15 =	simm.s32 @!p1 $0x50;
	v3 =	vnsel @!p2 vm1, $0x1880, v8;
	[tilespmem:$0xB0] =	vst @!p2 v2  }
0xa5: {  	s16 =	simm.s32 @!p1 $0x80;
	s18 =	simm.s32 @!p1 $0x1;
	s17 =	simm.s32 @!p1 $0x100;
	[tilespmem:$0xA0] =	vst @!p2 v3  }
0xa6: {  	[spmem:s2] =	stream.indirect.scatter.add.f32 @!p1 [tilespmem:s17], [sflag:$0x1], $0x80, s16, s15, $0xb8;
	[tilespmem:$0x11900] =	vst v63  }
0xa7: {  	_ =	swait.ge @!p1 [sflag:s18], $0x2800  }
0xa8: {  	s3 =	sadd.s32 $0x1, s3;
	[sflag:s18] =	ssyncset.done @!p1 $0x0  }
0xa9: {  	[sflag:s18] =	ssyncadd.s32 @!p1 $0xFFFFD800;
	p1 =	sne.s32 s3, s6  }
.Ltmp3:
0xaa: {  	s31 =	sshrl.u32 s5, $0x3;
	[bflag:$0x0] =	sbarrier.arrive $0xFFFF;
	(pc) =	sbr.rel @p1 .LBB2_1-.Ltmp3, $4  }
0xab: {  	[hbm:s4], [sflag:s14] =	dma.local [spmem:s31], $0x1900  }
0xac: {  	_ =	swait.ge [sflag:s13], $0x1900  }
0xad: {  	[sflag:s13] =	ssyncset.done $0x0  }
0xae: {  	[sflag:s13] =	ssyncadd.s32 $0xFFFFE700  }
0xaf: {  	_ =	sfence.sel $0x180000  }
0xb0: {  	[bflag:$0x0] =	sbarrier.arrive $0xFFFF  }
0xb1: {  	p0 =	sne.s32 s0, $0x0;
	_ =	strace $0x90000050  }
0xb2: {  	s0 =	sadd.s32 @!p0 $0x100000, s1;
	[bflag:$0x2] =	sbarrier.arrive $0xFFFF  }
0xb3: {  	[sflag:s0] =	ssyncadd.tile.s32 @!p0 $0x1;
	_ =	shalt  }
.Lfunc_end2:
_tile_overlayer_lowered:
.L_overlay_start_2:
0xb4: {  	(tag) =	ssettag $0x2  }
0xb5: {  	s0 =	rddreg [dreg:$0x0];
	s2 =	stileid.u32  }
0xb6: {  	s1 =	rddreg [dreg:$0x1];
	p0 =	sne.s32 s2, $0x0  }
0xb7: {  	s3 =	rddreg [dreg:$0x2];
	[bflag:$0x3] =	sbarrier.arrive $0xFFFF;
	s2 =	simm.s32 @!p0 $0x1C01  }
0xb8: {  	[timem:s3], [sflag:s2] =	dma.local @!p0 [hbm:s0], s1  }
0xb9: {  	s0 =	simm.s32 @!p0 $0x1  }
0xba: {  	_ =	swait.ge @!p0 [sflag:s0], s1  }
0xbb: {  	s1 =	ssub.s32 @!p0 $0x0, s1;
	[sflag:s0] =	ssyncset.done @!p0 $0x0  }
0xbc: {  	[sflag:s0] =	ssyncadd.s32 @!p0 s1  }
0xbd: {  	[bflag:$0x3] =	sbarrier.arrive $0xFFFF  }
0xbe: {  	_ =	shalt  }

// kernel: kernel.26.cloned.1.call-start
scs
__scs_entry_jumppad:
0x0: {  	(pc) =	sbr.rel $0x88, $3  }
0x1: {  	(tag) =	ssettag $0x0;
	lr =	simm.s32 $0x1  }
0x2: {  	[smem:$0x3F86] =	sst lr;
	_ =	strace $0xD0000000  }
0x3: {  	_ = 	snop  }
0x4: {  	_ = 	snop  }
0x5: {  	_ = 	snop  }
0x6: {  	_ = 	snop  }
0x7: {  	_ = 	snop  }
__scs_overlays_trampoline_lowered:
0x8: {  	[smem:$0x3F95] =	sst s0  }
0x9: {  	[smem:$0x3F96] =	sst s1  }
0xa: {  	[smem:$0x3F97] =	sst s2  }
0xb: {  	[smem:$0x3F98] =	sst s3  }
0xc: {  	[smem:$0x3F99] =	sst s4  }
0xd: {  	[smem:$0x3F9A] =	sst s5  }
0xe: {  	[smem:$0x3F9B] =	sst s6  }
0xf: {  	[smem:$0x3F9C] =	sst s7  }
0x10: {  	[smem:$0x3F9D] =	sst s8  }
0x11: {  	[smem:$0x3F9E] =	sst s9;
	s0 =	simm.s32 @!p0 $0x0  }
0x12: {  	s1 =	sld [smem:$0x3F84];
	s0 =	simm.s32 @p0 $0x1  }
0x13: {  	[smem:$0x3F9F] =	sst s0;
	s0 =	simm.s32 @!p1 $0x0  }
0x14: {  	s2 =	sld [smem:$0x3F83];
	s0 =	simm.s32 @p1 $0x1  }
0x15: {  	[smem:$0x3FA0] =	sst s0;
	s0 =	simm.s32 @!p2 $0x0  }
0x16: {  	s3 =	sld [smem:$0x3FDB];
	s0 =	simm.s32 @p2 $0x1  }
0x17: {  	s4 =	simm.s32 $0x1BF5;
	[smem:$0x3FA2] =	sst s0  }
0x18: {  	s0 =	sld [smem:$0x3F85];
	_ =	swait.ge [sflag:s4], $0x0  }
0x19: {  	s7 =	sld [smem:$0x3F86]  }
0x1a: {  	s8 =	sadd.s32 $0xFFFFE003, lr  }
0x1b: {  	s9 =	sadd.s32 $0xFFFFFEF7, lr;
	s5 =	simm.s32 $0xFFFFFFFF;
	p2 =	slt.u32 s8, $0xFFFFF086  }
0x1c: {  	p1 =	slt.u32 s9, $0xF7A;
	s5 =	simm.s32 @!p2 $0x0  }
0x1d: {  	s5 =	simm.s32 @p1 $0x1;
	p0 =	seq.s32 s7, s2  }
0x1e: {  	s7 =	smul.u32 @!p0 $0xF7A, s2;
	p2 =	seq.s32 @!p0 s5, $0x0  }
0x1f: {  	s9 =	smul.u32 $0xF7A, s1;
	s8 =	simm.s32 @!p0 $0x1BF5;
	p2 =	por !p2, p0  }
0x20: {  	[sflag:s8] =	ssyncset.s32 @!p0 $0xFFFFF086;
	s6 =	sadd.s32 @!p0 s3, s7;
	s7 =	simm.s32 @!p0 $0x108  }
0x21: {  	s3 =	sadd.s32 s3, s9;
	s6 =	sadd.s32 @!p0 $0x88, s6;
	s7 =	simm.s32 @p2 $0x1082  }
0x22: {  	[simem:s7], [sflag:s8] =	dma.local @!p0 [hbm:s6], $0xF7A  }
0x23: {  	s9 =	sor.u32 $0xD0000000, s2;
	s6 =	simm.s32 $0x108;
	_ =	swait.ge @!p0 [sflag:s8], $0x0  }
0x24: {  	s3 =	sadd.s32 $0x88, s3;
	s6 =	simm.s32 @!p1 $0x1082;
	[sflag:s4] =	ssyncset.s32 $0xFFFFF086  }
0x25: {  	[simem:s6], [sflag:s4] =	dma.local [hbm:s3], $0xF7A  }
0x26: {  	[smem:$0x3F86] =	sst s1;
	(tag) =	ssettag s2;
	_ =	strace s9  }
0x27: {  	s1 =	sld [smem:$0x3F96]  }
0x28: {  	s2 =	sld [smem:$0x3F97]  }
0x29: {  	s4 =	sld [smem:$0x3F99]  }
0x2a: {  	p0 =	seq.s32 s5, $0x0;
	s5 =	sld [smem:$0x3F9A]  }
0x2b: {  	s6 =	sld [smem:$0x3F9B]  }
0x2c: {  	s7 =	sld [smem:$0x3F9C]  }
0x2d: {  	s3 =	simm.s32 $0x108;
	s8 =	sld [smem:$0x3F9D]  }
0x2e: {  	s3 =	simm.s32 @!p0 $0x1082;
	s9 =	sld [smem:$0x3F9E]  }
0x2f: {  	lr =	sadd.s32 s0, s3;
	s0 =	sld [smem:$0x3F95]  }
0x30: {  	s3 =	sld [smem:$0x3F98]  }
0x31: {  	[smem:$0x3FA1] =	sst s10  }
0x32: {  	s10 =	sld [smem:$0x3F9F];
	_ =	sdelay $0x3  }
0x33: {  	p0 =	seq.s32 s10, $0x1;
	s10 =	sld [smem:$0x3FA1];
	_ =	sdelay $0x3  }
0x34: {  	[smem:$0x3FA1] =	sst s10  }
0x35: {  	s10 =	sld [smem:$0x3FA0];
	_ =	sdelay $0x3  }
0x36: {  	p1 =	seq.s32 s10, $0x1;
	s10 =	sld [smem:$0x3FA1];
	_ =	sdelay $0x3  }
0x37: {  	[smem:$0x3FA1] =	sst s10  }
0x38: {  	s10 =	sld [smem:$0x3FA2]  }
0x39: {  	_ = 	snop;
	(pc) =	sbr.ind lr, $3  }
0x3a: {  	_ = 	snop  }
0x3b: {  	_ = 	snop  }
0x3c: {  	p2 =	seq.s32 s10, $0x1;
	s10 =	sld [smem:$0x3FA1]  }
0x3d: {  	_ =	shalt  }
0x3e: {  	_ =	shalt  }
0x3f: {  	_ =	shalt  }
0x40: {  	_ =	shalt  }
0x41: {  	_ =	shalt  }
0x42: {  	_ =	shalt  }
0x43: {  	_ =	shalt  }
0x44: {  	_ =	shalt  }
0x45: {  	_ =	shalt  }
0x46: {  	_ =	shalt  }
0x47: {  	_ =	shalt  }
0x48: {  	_ =	shalt  }
0x49: {  	_ =	shalt  }
0x4a: {  	_ =	shalt  }
0x4b: {  	_ =	shalt  }
0x4c: {  	_ =	shalt  }
0x4d: {  	_ =	shalt  }
0x4e: {  	_ =	shalt  }
0x4f: {  	_ =	shalt  }
0x50: {  	_ =	shalt  }
0x51: {  	_ =	shalt  }
0x52: {  	_ =	shalt  }
0x53: {  	_ =	shalt  }
0x54: {  	_ =	shalt  }
0x55: {  	_ =	shalt  }
0x56: {  	_ =	shalt  }
0x57: {  	_ =	shalt  }
0x58: {  	_ =	shalt  }
0x59: {  	_ =	shalt  }
0x5a: {  	_ =	shalt  }
0x5b: {  	_ =	shalt  }
0x5c: {  	_ =	shalt  }
0x5d: {  	_ =	shalt  }
0x5e: {  	_ =	shalt  }
0x5f: {  	_ =	shalt  }
0x60: {  	_ =	shalt  }
0x61: {  	_ =	shalt  }
0x62: {  	_ =	shalt  }
0x63: {  	_ =	shalt  }
0x64: {  	_ =	shalt  }
0x65: {  	_ =	shalt  }
0x66: {  	_ =	shalt  }
0x67: {  	_ =	shalt  }
0x68: {  	_ =	shalt  }
0x69: {  	_ =	shalt  }
0x6a: {  	_ =	shalt  }
0x6b: {  	_ =	shalt  }
0x6c: {  	_ =	shalt  }
0x6d: {  	_ =	shalt  }
0x6e: {  	_ =	shalt  }
0x6f: {  	_ =	shalt  }
0x70: {  	_ =	shalt  }
0x71: {  	_ =	shalt  }
0x72: {  	_ =	shalt  }
0x73: {  	_ =	shalt  }
0x74: {  	_ =	shalt  }
0x75: {  	_ =	shalt  }
0x76: {  	_ =	shalt  }
0x77: {  	_ =	shalt  }
0x78: {  	_ =	shalt  }
0x79: {  	_ =	shalt  }
0x7a: {  	_ =	shalt  }
0x7b: {  	_ =	shalt  }
0x7c: {  	_ =	shalt  }
0x7d: {  	_ =	shalt  }
0x7e: {  	_ =	shalt  }
0x7f: {  	_ =	shalt  }
0x80: {  	_ =	shalt  }
0x81: {  	_ =	shalt  }
0x82: {  	_ =	shalt  }
0x83: {  	_ =	shalt  }
0x84: {  	_ =	shalt  }
0x85: {  	_ =	shalt  }
0x86: {  	_ =	shalt  }
0x87: {  	_ =	shalt  }
.Lfunc_end0:
.L_simem_size_0:
called_computation.5_lowered:
.L_overlay_start_0:
0x88: {  	s2 =	sld [smem:$0x3FD9]  }
0x89: {  	s3 =	sld [smem:$0x3FFE];
	_ =	sdelay $0x1  }
0x8a: {  	s1 =	srdreg.scid  }
0x8b: {  	s0 =	sand.u32 $0x1, s1  }
0x8c: {  	s14 =	sshll.u32 s0, $0xA;
	s2 =	sadd.s32 s3, s2  }
0x8d: {  	s2 =	sadd.s32 s2, s14  }
0x8e: {  	[smem:$0x3FAD] =	sst s2  }
0x8f: {  	_ = 	snop  }
0x90: {  	s2 =	sld [smem:$0x3FD0];
	_ =	sdelay $0x2  }
0x91: {  	s4 =	simm.s32 $0xC;
	s5 =	simm.s32 $0x10;
	s15 =	sld [smem:$0x3FAF]  }
0x92: {  	[smem:s5], [sflag:s4] =	dma.local [hbm:s2], $0x1  }
0x93: {  	_ =	swait.eq [sflag:s4], $0x1  }
0x94: {  	[sflag:s4] =	ssyncset.done $0x0  }
0x95: {  	[sflag:s4] =	ssyncadd.s32 $0xFFFFFFFF  }
0x96: {  	s16 =	sld [smem:$0x10];
	(tm) =	ssettm $0x1  }
0x97: {  	s17 =	sld [smem:$0x3FFB];
	_ =	sdelay $0x3  }
0x98: {  	_ =	strace s17  }
0x99: {  	s4 =	sld [smem:$0x3FFC];
	_ =	sdelay $0x3  }
0x9a: {  	_ =	strace s4  }
0x9b: {  	s4 =	sld [smem:$0x3FFD];
	_ =	sdelay $0x3  }
0x9c: {  	_ =	strace s4  }
0x9d: {  	_ =	strace $0x8FFFFFFF  }
0x9e: {  	s18 =	sld [smem:$0x3FDB];
	_ =	sdelay $0x1  }
0x9f: {  	s19 =	simm.s32 $_scs_section_size  }
0xa0: {  	s6 =	simm.s32 $_size__tile_overlayer_lowered;
	s7 =	simm.s32 $_tile_overlayer_lowered  }
0xa1: {  	s22 =	simm.s32 $0x1BFF;
	s21 =	sshll.u32 s7, $0x1;
	s4 =	sadd.s32 s19, s18  }
0xa2: {  	s8 =	simm.s32 $0x0;
	s20 =	sshll.u32 s6, $0x1;
	s6 =	sadd.s32 s21, s4  }
0xa3: {  	[timem:s8], [sflag:s22] =	dma.local [hbm:s6], s20  }
0xa4: {  	_ =	swait.ge [sflag:s22], s20  }
0xa5: {  	s5 =	ssub.s32 $0x0, s20;
	[sflag:s22] =	ssyncset.done $0x0  }
0xa6: {  	[sflag:s22] =	ssyncadd.s32 s5;
	_ =	sdelay $0x1  }
0xa7: {  	s23 =	simm.s32 $0x1B8B  }
0xa8: {  	_ =	swait.ge [sflag:s23], $0x1  }
0xa9: {  	[sflag:s23] =	ssyncset.done $0x0  }
0xaa: {  	s25 =	simm.s32 $0x1B8E;
	s24 =	sld [smem:$0x3FFE];
	[sflag:s23] =	ssyncadd.s32 $0xFFFFFFFF  }
0xab: {  	s26 =	simm.s32 $execute0_lowered;
	[smem:$0x3FD2] =	sst s25  }
0xac: {  	s6 =	sshll.u32 s26, $0x1;
	_ =	strace $0x80000055;
	[dreg:$0x1] =	wrdreg $0xFFFFFFFF  }
0xad: {  	s28 =	simm.s32 $_size_execute0_lowered;
	s4 =	sadd.s32 s4, s6;
	[dreg:$0x0] =	wrdreg $0x0  }
0xae: {  	s6 =	sshll.u32 s28, $0x1;
	[dreg:$0x2] =	wrdreg s4  }
0xaf: {  	[dreg:$0x3] =	wrdreg s6  }
0xb0: {  	[dreg:$0x4] =	wrdreg $0xC0  }
0xb1: {  	_ =	task [dreg:s8], $0x5FFFF  }
0xb2: {  	[dreg:$0x1] =	wrdreg $0xFFFFFFFF  }
0xb3: {  	[dreg:$0x0] =	wrdreg $0x60  }
0xb4: {  	[dreg:$0x2] =	wrdreg s24  }
0xb5: {  	[dreg:$0x3] =	wrdreg s15  }
0xb6: {  	[dreg:$0x4] =	wrdreg s16  }
0xb7: {  	[dreg:$0x5] =	wrdreg $0x9  }
0xb8: {  	_ =	task.clear_ibuf [dreg:s8], $0x6FFFF;
	_ =	strace $0x90000055  }
0xb9: {  	s29 =	simm.s32 $0x9;
	_ =	strace $0x80000057  }
0xba: {  	_ =	swait.ge [sflag:s29], $0x1  }
0xbb: {  	[sflag:s29] =	ssyncadd.s32 $0xFFFFFFFF  }
0xbc: {  	_ =	strace $0x90000057  }
0xbd: {  	_ =	sfence  }
0xbe: {  	s30 =	sld [smem:$0x0];
	_ =	sdelay $0x2  }
0xbf: {  	s31 =	sshll.u32 s1, $0xD;
	s1 =	sshrl.u32 s1, $0x2  }
0xc0: {  	s3 =	sand.u32 $0x4000, s31;
	s1 =	sadd.s32 s1, s30  }
0xc1: {  	s0 =	sor.u32 s3, s0;
	s1 =	sshll.u32 s1, $0x11  }
0xc2: {  	s0 =	sor.u32 s1, s0  }
0xc3: {  	s0 =	sadd.s32 $0x8F2B, s0  }
0xc4: {  	[sflag:s0] =	ssyncadd.remote.s32 $0x1  }
0xc5: {  	_ =	sfence.sel $0xFFFF  }
0xc6: {  	[dreg:$0x0] =	wrdreg $0xFFFFFFFF;
	(pc) =	sbr.abs _section_cstart, $3  }
0xc7: {  	[dreg:$0x1] =	wrdreg $0xFFFFFFFF  }
0xc8: {  	_ =	task.clear_ibuf [dreg:s8], $0x2FFFF;
	_ =	strace $0x9FFFFFFF  }
0xc9: {  	(tm) =	ssettm $0x7FFFFFFF  }
tec
execute0_lowered:
.L_overlay_start_1:
0x0: {  	(tag) =	ssettag $0x1  }
0x1: {  	s3 =	rddreg [dreg:$0x0]  }
0x2: {  	s4 =	rddreg [dreg:$0x1];
	s0 =	srdreg.scid  }
0x3: {  	s5 =	rddreg [dreg:$0x2];
	s1 =	stileid.u32;
	s2 =	simm.s32 $0x0  }
0x4: {  	s6 =	sand.u32 $0x1, s0;
	s0 =	rddreg [dreg:$0x3];
	s8 =	smul.u32 $0xA00, s1  }
0x5: {  	[smem:$0x7FF] =	sst s2;
	s31 =	smul.u32 $0x14, s1;
	s3 =	sadd.s32 $0x4600, s3  }
0x6: {  	s7 =	ssub.s32 $0x2, s6;
	s10 =	smul.u32 $0x500, s6;
	_ =	strace $0x80000056  }
0x7: {  	s11 =	smul.u32 $0xA, s6;
	s9 =	sshrl.u32 s7, $0x1;
	s8 =	sadd.s32 s8, s5  }
0x8: {  	s7 =	ssub.s32 s7, s9;
	s9 =	sadd.s32 s31, s4;
	s4 =	sshll.u32 s1, $0x1  }
0x9: {  	s6 =	sadd.s32 s10, s8;
	s5 =	smax.u32 s7, $0x1;
	s7 =	sadd.s32 s11, s9  }
.LBB2_1:
0xa: {  	s8 =	sadd.s32 $0x0, s4  }
0xb: {  	p0 =	sgt.u32 s8, $0x4E1  }
0xc: {  	s8 =	simm.s32 @!p0 $0x0;
	s9 =	simm.s32 @!p0 $0x3  }
0xd: {  	[tilespmem:s8], [sflag:$0x3] =	stream.linear.gather @!p0 [hbm4b:s7+s8], $0x50, $0x38;
	[tilespmem:$0x2880] =	vst v63  }
0xe: {  	_ =	swait.ge @!p0 [sflag:s9], $0x50  }
0xf: {  	s10 =	simm.s32 @!p0 $0x1;
	[sflag:s9] =	ssyncset.done @!p0 $0x0  }
0x10: {  	s12 =	simm.s32 @!p0 $0x80;
	[sflag:s9] =	ssyncadd.s32 @!p0 $0xFFFFFFB0;
	s9 =	simm.s32 @!p0 $0x50  }
0x11: {  	[tilespmem:s12], [sflag:$0x1] =	stream.indirect.gather @!p0 [hbm4b:s3+s9], $0x80, s8, s9, $0xb8;
	[tilespmem:$0x2880] =	vst v63  }
0x12: {  	p1 =	por p0, p0;
	_ =	swait.ge @!p0 [sflag:s10], $0x2800  }
0x13: {  	[sflag:s10] =	ssyncset.done @!p1 $0x0  }
0x14: {  	s31 =	sadd.s32 $0x20, s4;
	s11 =	simm.s32 @!p1 $0x2;
	[sflag:s10] =	ssyncadd.s32 @!p1 $0xFFFFD800  }
0x15: {  	[hbm4b:s6+s8] =	stream.linear.scatter @!p1 [tilespmem:s12], [sflag:$0x2], $0x2800, $0x38;
	[tilespmem:$0x2880] =	vst v63  }
0x16: {  	s9 =	simm.s32 $0x40;
	p0 =	sgt.u32 s31, $0x4E1;
	_ =	swait.ge @!p1 [sflag:s11], $0x2800  }
0x17: {  	s10 =	sadd.s32 $0x140, s7;
	s8 =	sadd.s32 $0xA000, s6;
	[sflag:s11] =	ssyncset.done @!p1 $0x0  }
.LBB2_2:
0x18: {  	s12 =	simm.s32 @!p0 $0x0;
	s13 =	simm.s32 @!p0 $0x3;
	[sflag:s11] =	ssyncadd.s32 @!p1 $0xFFFFD800  }
0x19: {  	[tilespmem:s12], [sflag:$0x3] =	stream.linear.gather @!p0 [hbm4b:s10+s12], $0x50, $0x38;
	[tilespmem:$0x2880] =	vst v63  }
0x1a: {  	s14 =	smov.u32 s9;
	s9 =	sadd.s32 $0x20, s9;
	_ =	swait.ge @!p0 [sflag:s13], $0x50  }
0x1b: {  	s11 =	simm.s32 @!p0 $0x1;
	p2 =	sne.s32 s9, $0x500;
	[sflag:s13] =	ssyncset.done @!p0 $0x0  }
0x1c: {  	s15 =	simm.s32 @!p0 $0x80;
	[sflag:s13] =	ssyncadd.s32 @!p0 $0xFFFFFFB0;
	s13 =	simm.s32 @!p0 $0x50  }
0x1d: {  	[tilespmem:s15], [sflag:$0x1] =	stream.indirect.gather @!p0 [hbm4b:s3+s13], $0x80, s12, s13, $0xb8;
	[tilespmem:$0x2880] =	vst v63  }
0x1e: {  	p1 =	por p0, p0;
	_ =	swait.ge @!p0 [sflag:s11], $0x2800  }
.Ltmp0:
0x1f: {  	[sflag:s11] =	ssyncset.done @!p1 $0x0;
	(pc) =	sbr.rel @p2 .LBB2_2-.Ltmp0, $4  }
0x20: {  	[sflag:s11] =	ssyncadd.s32 @!p1 $0xFFFFD800;
	s11 =	simm.s32 @!p1 $0x2  }
0x21: {  	[hbm4b:s8+s12] =	stream.linear.scatter @!p1 [tilespmem:s15], [sflag:$0x2], $0x2800, $0x38;
	[tilespmem:$0x2880] =	vst v63  }
0x22: {  	s10 =	sadd.s32 $0x140, s10;
	s12 =	sadd.s32 s14, s4;
	_ =	swait.ge @!p1 [sflag:s11], $0x2800  }
0x23: {  	s8 =	sadd.s32 $0xA000, s8;
	p0 =	sgt.u32 s12, $0x4E1;
	[sflag:s11] =	ssyncset.done @!p1 $0x0  }
0x24: {  	s9 =	simm.s32 @!p0 $0x0;
	s12 =	simm.s32 @!p0 $0x3;
	[sflag:s11] =	ssyncadd.s32 @!p1 $0xFFFFD800  }
0x25: {  	[tilespmem:s9], [sflag:$0x3] =	stream.linear.gather @!p0 [hbm4b:s10+s9], $0x50, $0x38;
	[tilespmem:$0x2880] =	vst v63  }
0x26: {  	_ =	swait.ge @!p0 [sflag:s12], $0x50  }
0x27: {  	s11 =	simm.s32 @!p0 $0x50;
	[sflag:s12] =	ssyncset.done @!p0 $0x0  }
0x28: {  	s10 =	simm.s32 @!p0 $0x1;
	[sflag:s12] =	ssyncadd.s32 @!p0 $0xFFFFFFB0;
	s12 =	simm.s32 @!p0 $0x80  }
0x29: {  	[tilespmem:s12], [sflag:$0x1] =	stream.indirect.gather @!p0 [hbm4b:s3+s11], $0x80, s9, s11, $0xb8;
	[tilespmem:$0x2880] =	vst v63  }
0x2a: {  	s2 =	sadd.s32 $0x1, s2;
	_ =	swait.ge @!p0 [sflag:s10], $0x2800;
	p0 =	por p0, p0  }
0x2b: {  	p1 =	sne.s32 s2, s5;
	[sflag:s10] =	ssyncset.done @!p0 $0x0  }
.Ltmp1:
0x2c: {  	[sflag:s10] =	ssyncadd.s32 @!p0 $0xFFFFD800;
	s10 =	simm.s32 @!p0 $0x2;
	(pc) =	sbr.rel @p1 .LBB2_1-.Ltmp1, $4  }
0x2d: {  	[hbm4b:s8+s9] =	stream.linear.scatter @!p0 [tilespmem:s12], [sflag:$0x2], $0x2800, $0x38;
	[tilespmem:$0x2880] =	vst v63  }
0x2e: {  	_ =	swait.ge @!p0 [sflag:s10], $0x2800  }
0x2f: {  	[sflag:s10] =	ssyncset.done @!p0 $0x0  }
0x30: {  	[sflag:s10] =	ssyncadd.s32 @!p0 $0xFFFFD800  }
0x31: {  	_ =	sfence.sel $0x180000  }
0x32: {  	[bflag:$0x0] =	sbarrier.arrive $0xFFFF  }
0x33: {  	p0 =	sne.s32 s1, $0x0;
	_ =	strace $0x90000056  }
0x34: {  	s0 =	sadd.s32 @!p0 $0x100000, s0;
	[bflag:$0x2] =	sbarrier.arrive $0xFFFF  }
0x35: {  	[sflag:s0] =	ssyncadd.tile.s32 @!p0 $0x1;
	_ =	shalt  }
.Lfunc_end2:
_tile_overlayer_lowered:
.L_overlay_start_2:
0x36: {  	(tag) =	ssettag $0x2  }
0x37: {  	s0 =	rddreg [dreg:$0x0];
	s2 =	stileid.u32  }
0x38: {  	s1 =	rddreg [dreg:$0x1];
	p0 =	sne.s32 s2, $0x0  }
0x39: {  	s3 =	rddreg [dreg:$0x2];
	[bflag:$0x3] =	sbarrier.arrive $0xFFFF;
	s2 =	simm.s32 @!p0 $0x1C02  }
0x3a: {  	[timem:s3], [sflag:s2] =	dma.local @!p0 [hbm:s0], s1  }
0x3b: {  	s0 =	simm.s32 @!p0 $0x2  }
0x3c: {  	_ =	swait.ge @!p0 [sflag:s0], s1  }
0x3d: {  	s1 =	ssub.s32 @!p0 $0x0, s1;
	[sflag:s0] =	ssyncset.done @!p0 $0x0  }
0x3e: {  	[sflag:s0] =	ssyncadd.s32 @!p0 s1  }
0x3f: {  	[bflag:$0x3] =	sbarrier.arrive $0xFFFF  }
0x40: {  	_ =	shalt  }

// kernel: scatter_offload_async_start.1
scs
__scs_entry_jumppad:
0x0: {  	(pc) =	sbr.rel $0x88, $3  }
0x1: {  	(tag) =	ssettag $0x0;
	lr =	simm.s32 $0x1  }
0x2: {  	[smem:$0x3F86] =	sst lr;
	_ =	strace $0xD0000000  }
0x3: {  	_ = 	snop  }
0x4: {  	_ = 	snop  }
0x5: {  	_ = 	snop  }
0x6: {  	_ = 	snop  }
0x7: {  	_ = 	snop  }
__scs_overlays_trampoline_lowered:
0x8: {  	[smem:$0x3F95] =	sst s0  }
0x9: {  	[smem:$0x3F96] =	sst s1  }
0xa: {  	[smem:$0x3F97] =	sst s2  }
0xb: {  	[smem:$0x3F98] =	sst s3  }
0xc: {  	[smem:$0x3F99] =	sst s4  }
0xd: {  	[smem:$0x3F9A] =	sst s5  }
0xe: {  	[smem:$0x3F9B] =	sst s6  }
0xf: {  	[smem:$0x3F9C] =	sst s7  }
0x10: {  	[smem:$0x3F9D] =	sst s8  }
0x11: {  	[smem:$0x3F9E] =	sst s9;
	s0 =	simm.s32 @!p0 $0x0  }
0x12: {  	s1 =	sld [smem:$0x3F84];
	s0 =	simm.s32 @p0 $0x1  }
0x13: {  	[smem:$0x3F9F] =	sst s0;
	s0 =	simm.s32 @!p1 $0x0  }
0x14: {  	s2 =	sld [smem:$0x3F83];
	s0 =	simm.s32 @p1 $0x1  }
0x15: {  	[smem:$0x3FA0] =	sst s0;
	s0 =	simm.s32 @!p2 $0x0  }
0x16: {  	s3 =	sld [smem:$0x3FDB];
	s0 =	simm.s32 @p2 $0x1  }
0x17: {  	s4 =	simm.s32 $0x1BF5;
	[smem:$0x3FA2] =	sst s0  }
0x18: {  	s0 =	sld [smem:$0x3F85];
	_ =	swait.ge [sflag:s4], $0x0  }
0x19: {  	s7 =	sld [smem:$0x3F86]  }
0x1a: {  	s8 =	sadd.s32 $0xFFFFE003, lr  }
0x1b: {  	s9 =	sadd.s32 $0xFFFFFEF7, lr;
	s5 =	simm.s32 $0xFFFFFFFF;
	p2 =	slt.u32 s8, $0xFFFFF086  }
0x1c: {  	p1 =	slt.u32 s9, $0xF7A;
	s5 =	simm.s32 @!p2 $0x0  }
0x1d: {  	s5 =	simm.s32 @p1 $0x1;
	p0 =	seq.s32 s7, s2  }
0x1e: {  	s7 =	smul.u32 @!p0 $0xF7A, s2;
	p2 =	seq.s32 @!p0 s5, $0x0  }
0x1f: {  	s9 =	smul.u32 $0xF7A, s1;
	s8 =	simm.s32 @!p0 $0x1BF5;
	p2 =	por !p2, p0  }
0x20: {  	[sflag:s8] =	ssyncset.s32 @!p0 $0xFFFFF086;
	s6 =	sadd.s32 @!p0 s3, s7;
	s7 =	simm.s32 @!p0 $0x108  }
0x21: {  	s3 =	sadd.s32 s3, s9;
	s6 =	sadd.s32 @!p0 $0x88, s6;
	s7 =	simm.s32 @p2 $0x1082  }
0x22: {  	[simem:s7], [sflag:s8] =	dma.local @!p0 [hbm:s6], $0xF7A  }
0x23: {  	s9 =	sor.u32 $0xD0000000, s2;
	s6 =	simm.s32 $0x108;
	_ =	swait.ge @!p0 [sflag:s8], $0x0  }
0x24: {  	s3 =	sadd.s32 $0x88, s3;
	s6 =	simm.s32 @!p1 $0x1082;
	[sflag:s4] =	ssyncset.s32 $0xFFFFF086  }
0x25: {  	[simem:s6], [sflag:s4] =	dma.local [hbm:s3], $0xF7A  }
0x26: {  	[smem:$0x3F86] =	sst s1;
	(tag) =	ssettag s2;
	_ =	strace s9  }
0x27: {  	s1 =	sld [smem:$0x3F96]  }
0x28: {  	s2 =	sld [smem:$0x3F97]  }
0x29: {  	s4 =	sld [smem:$0x3F99]  }
0x2a: {  	p0 =	seq.s32 s5, $0x0;
	s5 =	sld [smem:$0x3F9A]  }
0x2b: {  	s6 =	sld [smem:$0x3F9B]  }
0x2c: {  	s7 =	sld [smem:$0x3F9C]  }
0x2d: {  	s3 =	simm.s32 $0x108;
	s8 =	sld [smem:$0x3F9D]  }
0x2e: {  	s3 =	simm.s32 @!p0 $0x1082;
	s9 =	sld [smem:$0x3F9E]  }
0x2f: {  	lr =	sadd.s32 s0, s3;
	s0 =	sld [smem:$0x3F95]  }
0x30: {  	s3 =	sld [smem:$0x3F98]  }
0x31: {  	[smem:$0x3FA1] =	sst s10  }
0x32: {  	s10 =	sld [smem:$0x3F9F];
	_ =	sdelay $0x3  }
0x33: {  	p0 =	seq.s32 s10, $0x1;
	s10 =	sld [smem:$0x3FA1];
	_ =	sdelay $0x3  }
0x34: {  	[smem:$0x3FA1] =	sst s10  }
0x35: {  	s10 =	sld [smem:$0x3FA0];
	_ =	sdelay $0x3  }
0x36: {  	p1 =	seq.s32 s10, $0x1;
	s10 =	sld [smem:$0x3FA1];
	_ =	sdelay $0x3  }
0x37: {  	[smem:$0x3FA1] =	sst s10  }
0x38: {  	s10 =	sld [smem:$0x3FA2]  }
0x39: {  	_ = 	snop;
	(pc) =	sbr.ind lr, $3  }
0x3a: {  	_ = 	snop  }
0x3b: {  	_ = 	snop  }
0x3c: {  	p2 =	seq.s32 s10, $0x1;
	s10 =	sld [smem:$0x3FA1]  }
0x3d: {  	_ =	shalt  }
0x3e: {  	_ =	shalt  }
0x3f: {  	_ =	shalt  }
0x40: {  	_ =	shalt  }
0x41: {  	_ =	shalt  }
0x42: {  	_ =	shalt  }
0x43: {  	_ =	shalt  }
0x44: {  	_ =	shalt  }
0x45: {  	_ =	shalt  }
0x46: {  	_ =	shalt  }
0x47: {  	_ =	shalt  }
0x48: {  	_ =	shalt  }
0x49: {  	_ =	shalt  }
0x4a: {  	_ =	shalt  }
0x4b: {  	_ =	shalt  }
0x4c: {  	_ =	shalt  }
0x4d: {  	_ =	shalt  }
0x4e: {  	_ =	shalt  }
0x4f: {  	_ =	shalt  }
0x50: {  	_ =	shalt  }
0x51: {  	_ =	shalt  }
0x52: {  	_ =	shalt  }
0x53: {  	_ =	shalt  }
0x54: {  	_ =	shalt  }
0x55: {  	_ =	shalt  }
0x56: {  	_ =	shalt  }
0x57: {  	_ =	shalt  }
0x58: {  	_ =	shalt  }
0x59: {  	_ =	shalt  }
0x5a: {  	_ =	shalt  }
0x5b: {  	_ =	shalt  }
0x5c: {  	_ =	shalt  }
0x5d: {  	_ =	shalt  }
0x5e: {  	_ =	shalt  }
0x5f: {  	_ =	shalt  }
0x60: {  	_ =	shalt  }
0x61: {  	_ =	shalt  }
0x62: {  	_ =	shalt  }
0x63: {  	_ =	shalt  }
0x64: {  	_ =	shalt  }
0x65: {  	_ =	shalt  }
0x66: {  	_ =	shalt  }
0x67: {  	_ =	shalt  }
0x68: {  	_ =	shalt  }
0x69: {  	_ =	shalt  }
0x6a: {  	_ =	shalt  }
0x6b: {  	_ =	shalt  }
0x6c: {  	_ =	shalt  }
0x6d: {  	_ =	shalt  }
0x6e: {  	_ =	shalt  }
0x6f: {  	_ =	shalt  }
0x70: {  	_ =	shalt  }
0x71: {  	_ =	shalt  }
0x72: {  	_ =	shalt  }
0x73: {  	_ =	shalt  }
0x74: {  	_ =	shalt  }
0x75: {  	_ =	shalt  }
0x76: {  	_ =	shalt  }
0x77: {  	_ =	shalt  }
0x78: {  	_ =	shalt  }
0x79: {  	_ =	shalt  }
0x7a: {  	_ =	shalt  }
0x7b: {  	_ =	shalt  }
0x7c: {  	_ =	shalt  }
0x7d: {  	_ =	shalt  }
0x7e: {  	_ =	shalt  }
0x7f: {  	_ =	shalt  }
0x80: {  	_ =	shalt  }
0x81: {  	_ =	shalt  }
0x82: {  	_ =	shalt  }
0x83: {  	_ =	shalt  }
0x84: {  	_ =	shalt  }
0x85: {  	_ =	shalt  }
0x86: {  	_ =	shalt  }
0x87: {  	_ =	shalt  }
.Lfunc_end0:
.L_simem_size_0:
called_computation.1_lowered:
.L_overlay_start_0:
0x88: {  	s0 =	sld [smem:$0x3FD9]  }
0x89: {  	s1 =	sld [smem:$0x3FFE];
	_ =	sdelay $0x3  }
0x8a: {  	s0 =	sadd.s32 s1, s0  }
0x8b: {  	[smem:$0x3FAD] =	sst s0  }
0x8c: {  	_ = 	snop  }
0x8d: {  	(tm) =	ssettm $0x1  }
0x8e: {  	s15 =	sld [smem:$0x3FFB];
	_ =	sdelay $0x3  }
0x8f: {  	_ =	strace s15  }
0x90: {  	s0 =	sld [smem:$0x3FFC];
	_ =	sdelay $0x3  }
0x91: {  	_ =	strace s0  }
0x92: {  	s0 =	sld [smem:$0x3FFD];
	_ =	sdelay $0x3  }
0x93: {  	_ =	strace s0  }
0x94: {  	_ =	strace $0x8FFFFFFF  }
0x95: {  	s16 =	sld [smem:$0x3FDB];
	_ =	sdelay $0x1  }
0x96: {  	s17 =	simm.s32 $_scs_section_size  }
0x97: {  	s2 =	simm.s32 $_size__tile_overlayer_lowered;
	s3 =	simm.s32 $_tile_overlayer_lowered  }
0x98: {  	s20 =	simm.s32 $0x1BFF;
	s19 =	sshll.u32 s3, $0x1;
	s0 =	sadd.s32 s17, s16  }
0x99: {  	s4 =	simm.s32 $0x0;
	s18 =	sshll.u32 s2, $0x1;
	s2 =	sadd.s32 s19, s0  }
0x9a: {  	[timem:s4], [sflag:s20] =	dma.local [hbm:s2], s18  }
0x9b: {  	_ =	swait.ge [sflag:s20], s18  }
0x9c: {  	s1 =	ssub.s32 $0x0, s18;
	[sflag:s20] =	ssyncset.done $0x0  }
0x9d: {  	[sflag:s20] =	ssyncadd.s32 s1;
	_ =	sdelay $0x1  }
0x9e: {  	s21 =	simm.s32 $0x1B8B  }
0x9f: {  	_ =	swait.ge [sflag:s21], $0x1  }
0xa0: {  	[sflag:s21] =	ssyncset.done $0x0  }
0xa1: {  	s23 =	simm.s32 $0x1B8E;
	s22 =	sld [smem:$0x3FFE];
	[sflag:s21] =	ssyncadd.s32 $0xFFFFFFFF  }
0xa2: {  	s24 =	simm.s32 $execute0_lowered;
	[smem:$0x3FD2] =	sst s23  }
0xa3: {  	s2 =	sshll.u32 s24, $0x1;
	_ =	strace $0x80000049;
	[dreg:$0x1] =	wrdreg $0xFFFFFFFF  }
0xa4: {  	s25 =	simm.s32 $_size_execute0_lowered;
	s0 =	sadd.s32 s0, s2;
	[dreg:$0x0] =	wrdreg $0x0  }
0xa5: {  	s2 =	sshll.u32 s25, $0x1;
	[dreg:$0x2] =	wrdreg s0  }
0xa6: {  	[dreg:$0x3] =	wrdreg s2  }
0xa7: {  	[dreg:$0x4] =	wrdreg $0xC0  }
0xa8: {  	_ =	task [dreg:s4], $0x5FFFF  }
0xa9: {  	[dreg:$0x1] =	wrdreg $0xFFFFFFFF  }
0xaa: {  	[dreg:$0x0] =	wrdreg $0x60  }
0xab: {  	[dreg:$0x2] =	wrdreg s22  }
0xac: {  	[dreg:$0x3] =	wrdreg $0xB  }
0xad: {  	_ =	task.clear_ibuf [dreg:s4], $0x4FFFF;
	_ =	strace $0x90000049  }
0xae: {  	s26 =	simm.s32 $0xB;
	_ =	strace $0x8000004B  }
0xaf: {  	_ =	swait.ge [sflag:s26], $0x1  }
0xb0: {  	[sflag:s26] =	ssyncadd.s32 $0xFFFFFFFF  }
0xb1: {  	_ =	strace $0x9000004B  }
0xb2: {  	_ =	sfence  }
0xb3: {  	s28 =	sld [smem:$0x0];
	_ =	sdelay $0x1  }
0xb4: {  	s29 =	srdreg.scid  }
0xb5: {  	s30 =	sshll.u32 s29, $0xD;
	s31 =	sshrl.u32 s29, $0x2  }
0xb6: {  	s1 =	sand.u32 $0x1, s29;
	s2 =	sand.u32 $0x4000, s30;
	s0 =	sadd.s32 s31, s28  }
0xb7: {  	s1 =	sor.u32 s2, s1;
	s0 =	sshll.u32 s0, $0x11  }
0xb8: {  	s0 =	sor.u32 s0, s1  }
0xb9: {  	s0 =	sadd.s32 $0x8F2B, s0  }
0xba: {  	[sflag:s0] =	ssyncadd.remote.s32 $0x1  }
0xbb: {  	_ =	sfence.sel $0xFFFF  }
0xbc: {  	[dreg:$0x0] =	wrdreg $0xFFFFFFFF;
	(pc) =	sbr.abs _section_cstart, $3  }
0xbd: {  	[dreg:$0x1] =	wrdreg $0xFFFFFFFF  }
0xbe: {  	_ =	task.clear_ibuf [dreg:s4], $0x2FFFF;
	_ =	strace $0x9FFFFFFF  }
0xbf: {  	(tm) =	ssettm $0x7FFFFFFF  }
tec
execute0_lowered:
.L_overlay_start_1:
0x0: {  	(tag) =	ssettag $0x1  }
0x1: {  	s6 =	stileid.u32  }
0x2: {  	s0 =	rddreg [dreg:$0x0];
	_ =	strace $0x8000004A;
	s1 =	smin.u32 s6, $0x9  }
0x3: {  	s2 =	simm.s32 $0x1;
	p0 =	slt.u32 s6, $0x9;
	s1 =	sadd.s32 s6, s1  }
0x4: {  	v1 =	vimm.s32 $0xFFFFFFFF;
	[sflag:s2] =	ssyncpa.u1 $0x0;
	s3 =	smul.u32 $0x7D0, s1;
	s1 =	simm.s32 $0xFA0  }
0x5: {  	[tilespmem:$0x10] =	vst v1;
	s1 =	simm.s32 @!p0 $0x7D0  }
0x6: {  	v0 =	vimm.f32 $0.0e+00;
	[tilespmem:$0x20] =	vst v1;
	s1 =	sadd.s32 s1, s3  }
0x7: {  	[tilespmem:$0x30] =	vst v0;
	s4 =	smin.u32 s1, $0xC350  }
0x8: {  	[tilespmem:$0x40] =	vst v0;
	s9 =	ssub.s32 s4, s3  }
0x9: {  	[tilespmem:$0x50] =	vst v0;
	p0 =	sgt.s32 s9, $0x0  }
0xa: {  	s7 =	simm.s32 $0x2;
	[tilespmem:$0x60] =	vst v1;
	s9 =	simm.s32 @!p0 $0x0  }
0xb: {  	s8 =	simm.s32 $0x8;
	s31 =	simm.s32 $0x9;
	[tilespmem:$0x70] =	vst v1;
	s30 =	sand.u32 $0xFFF0, s9  }
0xc: {  	s16 =	simm.s32 $0x0;
	s17 =	simm.s32 $0xF0;
	[tilespmem:$0x80] =	vst v1;
	s1 =	sshrl.u32 s30, $0x4  }
0xd: {  	s18 =	simm.s32 $0xFFFFFFFF;
	s19 =	simm.s32 $0xFFFFF160;
	v1 =	vimm.s32 $0x0;
	[tilespmem:$0xB0] =	vst v0;
	s5 =	smul.u32 $0x1063, s1  }
0xe: {  	s20 =	simm.s32 $0xFFFFFFFE;
	s21 =	simm.s32 $0xF;
	s25 =	simm.s32 $0x0;
	[tilespmem:$0x90] =	vst v1  }
0xf: {  	[tilespmem:$0xA0] =	vst v1;
	[sflag:s7] =	ssyncpa.u1 $0x0;
	s7 =	simm.s32 $0x7;
	s10 =	sshrl.u32 s5, $0x13  }
0x10: {  	s24 =	simm.s32 $0x0;
	[sflag:s7] =	ssyncpa.u1 $0x0;
	s11 =	smul.u32 $0x7D0, s10  }
0x11: {  	s14 =	sshllo.u32 s6, $0x1;
	[sflag:s8] =	ssyncpa.u1 $0x0;
	s23 =	smov.u32 s3  }
.Ltmp0:
0x12: {  	s1 =	sadd.s32 $0xBE00, s0;
	p0 =	sne.s32 s9, s11;
	(pc) =	sbr.rel .LBB2_1-.Ltmp0, $4  }
0x13: {  	s5 =	sadd.s32 $0x8A00, s0;
	s0 =	sadd.s32 $0xA400, s0;
	s2 =	simm.s32 @!p0 $0x0  }
0x14: {  	[sflag:s31] =	ssyncpa.u1 $0x0;
	[dreg:$0x2] =	wrdreg s0;
	s9 =	sadd.s32 s10, s2  }
0x15: {  	vm0 =	vmmov $0xffff;
	v2 =	vlaneseq.u32;
	p0 =	por $0x0, $0x0;
	s10 =	sshll.u32 s6, $0x1;
	s11 =	sadd.s32 $0x1, s9  }
0x16: {  	vm1 =	vmxor vm1, vm1;
	vm2 =	vmmov $0x1;
	vm3 =	vcmask $0x3F3C;
	s12 =	sadd.s32 $0x2, s9;
	s13 =	sor.u32 $0x81, s10;
	s15 =	sor.u32 $0x80, s10  }
.LBB2_9:
0x17: {  	p1 =	slt.u32 s24, $0x3  }
0x18: {  	s0 =	simm.s32 @!p1 $0x2  }
0x19: {  	_ =	swait.ge @!p1 [sflag:s0], $0x7D0  }
0x1a: {  	[sflag:s0] =	ssyncset.done @!p1 $0x0  }
0x1b: {  	[sflag:s0] =	ssyncadd.s32 @!p1 $0xFFFFF830;
	s0 =	simm.s32 @!p1 $0x9  }
0x1c: {  	_ =	swait.ge @!p1 [sflag:s0], $0x10  }
0x1d: {  	[sflag:s0] =	ssyncset.done @!p1 $0x0  }
0x1e: {  	[sflag:s0] =	ssyncadd.s32 @!p1 $0xFFFFFFF0;
	p1 =	sne.s32 s24, s12  }
.Ltmp1:
0x1f: {  	s2 =	sadd.s32 $0x7D0, s23;
	(pc) =	sbr.rel @!p1 .LBB2_10-.Ltmp1, $4  }
0x20: {  	s6 =	smov.u32 s3;
	s31 =	sadd.s32 $0x1, s24;
	s17 =	sadd.s32 $0x7D0, s17  }
0x21: {  	s18 =	sadd.s32 $0x1, s18;
	s25 =	smov.u32 s23;
	p2 =	slt.s32 s2, s4  }
0x22: {  	p0 =	por !p0, !p0;
	s19 =	sadd.s32 $0x7D0, s19;
	s6 =	smov.u32 @p2 s2  }
0x23: {  	s20 =	sadd.s32 $0x1, s20;
	s23 =	smov.u32 s6;
	s24 =	smov.u32 s31  }
.LBB2_1:
0x24: {  	p1 =	sge.u32 s24, s9  }
0x25: {  	s0 =	smulhi.u32 @!p1 $0xAAAAAAAB, s24;
	_ =	sdelay $0x1  }
0x26: {  	s0 =	sshrl.u32 @!p1 s0, $0x1  }
0x27: {  	s0 =	smul.u32 @!p1 $0x3, s0;
	_ =	sdelay $0x1  }
0x28: {  	s0 =	ssub.s32 @!p1 s24, s0  }
0x29: {  	s0 =	smul.u32 @!p1 $0x1F40, s0;
	_ =	sdelay $0x1  }
0x2a: {  	s2 =	sshrl.u32 @!p1 s23, $0x3;
	s0 =	sshrl.u32 @!p1 s0, $0x2  }
0x2b: {  	s22 =	sand.u32 @!p1 $0x7, s23;
	s2 =	sadd.s32 @!p1 s5, s2;
	s0 =	sadd.s32 @!p1 $0x100, s0  }
0x2c: {  	[tilespmem:s0], [sflag:$0x7] =	stream.linear.gather @!p1 [hbm4b:s2+s22], $0x7D0, $0x38;
	[tilespmem:$0x4770] =	vst v63  }
0x2d: {  	s0 =	sadd.s32 $0xFFFFFFFF, s24  }
0x2e: {  	p1 =	sge.u32 s0, s9  }
.Ltmp2:
0x2f: {  	_ = 	snop;
	(pc) =	sbr.rel @p1 .LBB2_5-.Ltmp2, $1  }
0x30: {  	_ =	sdelay $0x3  }
0x31: {  	s2 =	smulhi.u32 $0xAAAAAAAB, s0;
	_ =	sdelay $0x1  }
0x32: {  	s2 =	sshrl.u32 s2, $0x1  }
0x33: {  	s2 =	smul.u32 $0x3, s2;
	_ =	sdelay $0x1  }
0x34: {  	s2 =	ssub.s32 s0, s2  }
0x35: {  	s2 =	smul.u32 $0x1F40, s2  }
0x36: {  	_ =	swait.ge [sflag:s7], $0x7D0  }
0x37: {  	[sflag:s7] =	ssyncset.done $0x0;
	s2 =	sshrl.u32 s2, $0x2  }
0x38: {  	[sflag:s7] =	ssyncadd.s32 $0xFFFFF830;
	(ifvalue) =	ssetifvalue $0xFFFFFFFF;
	v3 =	vld.msk [tilespmem:s2+$0x100 ss:$0x1], $0xffff;
	_ =	sdelay $0x2  }
0x39: {  	s30 =	smulhi.u32 $0xAAAAAAAB, s18;
	p1 =	sne.s32 s24, $0x1  }
0x3a: {  	v4 =	vimm.s32 @!p1 $0x0  }
0x3b: {  	s2 =	sshrl.u32 s30, $0x1;
	v4 =	vperm.xlane @!p1 v3, v4  }
0x3c: {  	s22 =	sshll.u32 s24, $0x4;
	s2 =	smul.u32 $0xFFFFA240, s2;
	vm4 =	vlt.u32 v3, $0xC400  }
0x3d: {  	s22 =	sand.u32 $0x10, s22;
	v3 =	vnsel vm4, $0xFFFFFFFE, v3;
	vm4 =	vlt.u32 @!p1 v4, $0xC400  }
0x3e: {  	s2 =	sshra.s32 s2, $0x2;
	[tilespmem:s22+$0x60] =	vst v3;
	v3 =	vnsel @!p1 vm4, $0xFFFFFFFE, v4  }
0x3f: {  	s28 =	sadd.s32 s2, s17;
	[tilespmem:$0x80] =	vst @!p1 v3  }
0x40: {  	v3 =	vld.msk [tilespmem:s28+$0x0 ss:$0x1], $0xffff;
	_ =	sdelay $0x4  }
0x41: {  	(xrf1) =	vunique.msk.u32 $0xffff, v3;
	_ =	sdelay $0xd  }
0x42: {  	v4 =	vimm.s32 $0xFFFFFFFF;
	v5, _, _ =	vpop (xrf1)  }
0x43: {  	vm5 =	vne.s32 v3, v4;
	vm4 =	veq.s32 v5, v2  }
0x44: {  	vm6 =	vlt.u32 v3, $0xC400;
	vm4 =	vmand vm5, vm4  }
0x45: {  	vm4 =	vmand vm6, vm4  }
0x46: {  	v4 =	vnsel vm4, $0xFFFFFFFF, v3  }
0x47: {  	s31 =	sand.u32 $0x1, s0  }
0x48: {  	s0 =	simm.s32 $0x7D0;
	p1 =	seq.s32 s31, $0x1  }
0x49: {  	s0 =	simm.s32 @!p1 $0x0  }
0x4a: {  	s26 =	sadd.s32 $0x2030, s0;
	(ifvalue) =	ssetifvalue $0xFFFFFFFF  }
0x4b: {  	v3 =	vperm.xlane v3, v1;
	[tilespmem:s26], [sflag:$0x8] =	stream.indirect_vreg.gather [hbm4b:s1+s16], $0x1, v4, vm0, $0x4038;
	v4 =	vnsel vm6, $0xFFFFFFFE, v4;
	[tilespmem:$0x4770] =	vst v63  }
0x4c: {  	s2 =	simm.s32 $0x0;
	s22 =	sadd.s32 $0xFFFFFFF0, s28;
	[tilespmem:s28+$0x0] =	vst v4  }
.LBB2_3:
0x4d: {  	v4 =	vld.msk [tilespmem:s22+$0x0 ss:$0x1], $0xffff;
	s2 =	sadd.s32 $0x10, s2;
	v5 =	vmov v3;
	s28 =	smov.u32 s22  }
0x4e: {  	p1 =	slt.u32 s2, $0x7C0;
	_ =	sdelay $0x4  }
0x4f: {  	v3 =	vperm.xlane v4, v1;
	(xrf1) =	vunique.msk.u32 $0xffff, v4;
	_ =	sdelay $0xd  }
0x50: {  	v6, _, _ =	vpop (xrf1)  }
0x51: {  	vm5 =	vne.s32 v4, v5;
	vm4 =	veq.s32 v6, v2  }
0x52: {  	vm6 =	vlt.u32 v4, $0xC400;
	vm4 =	vmand vm5, vm4  }
0x53: {  	vm4 =	vmand vm6, vm4  }
0x54: {  	v4 =	vnsel vm4, $0xFFFFFFFF, v4  }
.Ltmp3:
0x55: {  	v5 =	vnsel vm6, $0xFFFFFFFE, v4;
	(pc) =	sbr.rel @p1 .LBB2_3-.Ltmp3, $3  }
0x56: {  	_ =	sdelay $0x1  }
0x57: {  	s22 =	sadd.s32 $0xFFFFFFF0, s22;
	s26 =	sadd.s32 $0xFFFFFFF0, s26;
	(ifvalue) =	ssetifvalue $0xFFFFFFFF  }
0x58: {  	[tilespmem:s26], [sflag:$0x8] =	stream.indirect_vreg.gather [hbm4b:s1+s16], $0x1, v4, vm0, $0x4038;
	[tilespmem:s28+$0x0] =	vst v5  }
0x59: {  	s2 =	sshrl.u32 s25, $0x3;
	s6 =	rddreg [dreg:$0x2]  }
0x5a: {  	s0 =	sadd.s32 $0x2810, s0;
	s2 =	sadd.s32 s6, s2  }
0x5b: {  	[tilespmem:s0], [sflag:$0x8] =	stream.linear.gather [hbm:s2], $0x7D0, $0x38;
	[tilespmem:$0x4770] =	vst v63  }
.LBB2_5:
0x5c: {  	p1 =	slt.u32 s24, $0x2  }
0x5d: {  	p2 =	sge.u32 @!p1 s24, s12  }
0x5e: {  	p1 =	por p1, p2  }
.Ltmp4:
0x5f: {  	_ = 	snop;
	(pc) =	sbr.rel @p1 .LBB2_9-.Ltmp4, $1  }
0x60: {  	_ =	sdelay $0x3  }
0x61: {  	s0 =	sadd.s32 $0xFFFFFFFE, s24  }
0x62: {  	s2 =	smulhi.u32 $0xAAAAAAAB, s0;
	_ =	sdelay $0x1  }
0x63: {  	s2 =	sshrl.u32 s2, $0x1  }
0x64: {  	s2 =	smul.u32 $0x3, s2;
	_ =	sdelay $0x1  }
0x65: {  	s0 =	ssub.s32 s0, s2  }
0x66: {  	_ =	swait.ge [sflag:s8], $0xFA0;
	s0 =	smul.u32 $0x7D0, s0  }
0x67: {  	p1 =	sne.s32 s24, s11;
	[sflag:s8] =	ssyncset.done $0x0  }
0x68: {  	[sflag:s8] =	ssyncadd.s32 $0xFFFFF060;
	s2 =	sadd.s32 @!p1 $0x8CF, s0  }
0x69: {  	[spmem:s13] =	stream.linear.scatter @!p1 [tilespmem:s2], [sflag:$0x1], $0x1, $0x38;
	[tilespmem:$0x4770] =	vst v63  }
0x6a: {  	s2 =	simm.s32 @!p1 $0x1  }
0x6b: {  	_ =	swait.ge @!p1 [sflag:s2], $0x1  }
0x6c: {  	s22 =	sshll.u32 s24, $0x4;
	[sflag:s2] =	ssyncset.done @!p1 $0x0  }
0x6d: {  	s25 =	sand.u32 $0x10, s22;
	[sflag:s2] =	ssyncadd.s32 @!p1 $0xFFFFFFFF  }
0x6e: {  	s2 =	sxor.u32 $0x10, s25;
	v4 =	vld [tilespmem:s25+$0x10]  }
0x6f: {  	v5 =	vld [tilespmem:s2+$0x60]  }
0x70: {  	v3 =	vld [tilespmem:$0x80];
	_ =	sdelay $0x2  }
0x71: {  	(v2sf) =	vpush v4, $0x0  }
0x72: {  	(v2sf) =	vpush v5, $0x0  }
0x73: {  	(v2sf) =	vpush v3, $0x0;
	_ =	sdelay $0xc  }
0x74: {  	s6 =	spop (v2sf)  }
0x75: {  	s28 =	spop (v2sf)  }
0x76: {  	s26 =	spop (v2sf)  }
0x77: {  	p2 =	seq.s32 s6, s28;
	p3 =	seq.s32 s26, s6  }
0x78: {  	p3 =	por p2, p3  }
0x79: {  	s6 =	sand.u32 $0x1, s24;
	v4 =	vpsel p3, $0xFFFFFFFF, v4  }
0x7a: {  	s28 =	smul.u32 $0x7D0, s6;
	[tilespmem:s25+$0x10] =	vst.msk $0x1, v4  }
0x7b: {  	v4 =	vld [tilespmem:$0x30]  }
0x7c: {  	v5 =	vld [tilespmem:s28+$0x2810]  }
0x7d: {  	v6 =	vld [tilespmem:s25+$0x40];
	_ =	sdelay $0x3  }
0x7e: {  	vm4 =	vmmov vm1;
	v5 =	vadd.f32 v5, v4  }
0x7f: {  	vm5 =	vmmov vm2;
	vm4 =	vmmov @p2 vm2;
	v4 =	vadd.f32 v6, v4  }
0x80: {  	s22 =	sshll.u32 s6, $0x4;
	vm5 =	vmmov @p3 vm1;
	[tilespmem:s28+$0x2810] =	vst.msk vm4, v5  }
0x81: {  	[tilespmem:s22+$0x4750] =	vst.msk vm5, v4  }
0x82: {  	v4 =	vld [tilespmem:s28+$0x2030];
	_ =	sdelay $0x3  }
0x83: {  	v5 =	vimm.f32 $0.0e+00  }
0x84: {  	v4 =	vshift.insert v4, v5, s21  }
0x85: {  	s29 =	sor.u32 $0x40, s2  }
0x86: {  	[tilespmem:s29+$0x0] =	vst.msk $0x1, v4  }
0x87: {  	[tilespmem:s28+$0x203F] =	vst.msk $0x1, v5  }
0x88: {  	v4 =	vld [tilespmem:s0+$0x8C0];
	_ =	sdelay $0x1  }
0x89: {  	s29 =	smulhi.u32 $0xAAAAAAAB, s20;
	s0 =	simm.s32 $0x1  }
0x8a: {  	s0 =	simm.s32 @!p0 $0x0  }
0x8b: {  	s29 =	sshrl.u32 s29, $0x1;
	s0 =	smul.u32 $0x1F40, s0  }
0x8c: {  	s29 =	smul.u32 $0xFFFFA240, s29;
	v4 =	vshift.insert v4, v1, s21  }
0x8d: {  	s0 =	sshrl.u32 s0, $0x2  }
0x8e: {  	s29 =	sshra.s32 s29, $0x2;
	s30 =	sadd.s32 $0x2810, s0;
	[tilespmem:s2+$0x10] =	vst.msk $0x1, v4  }
0x8f: {  	s6 =	sadd.s32 s29, s19;
	v6 =	vld [tilespmem:s30+$0x0]  }
0x90: {  	v7 =	vld [tilespmem:s6+$0x0];
	_ =	sdelay $0x3  }
0x91: {  	v5 =	vadd.f32 v6, v5  }
0x92: {  	vm4 =	vne.s32 v7, $0xFFFFFFFF  }
0x93: {  	(xrf2) =	vadd.seg.scan.f32 vm4, v5;
	_ =	sdelay $0x3  }
0x94: {  	s31 =	sadd.s32 $0x1870, s0;
	v5 =	vperm.xlane v4, v1  }
0x95: {  	v6 =	vld [tilespmem:s31+$0x0]  }
0x96: {  	vm5 =	veq.s32 v7, v3;
	vm6 =	veq.s32 v7, v5  }
0x97: {  	vm7 =	vgt.u32 v7, $0xFFFFFFFD;
	vm6 =	vmor vm6, vm5  }
0x98: {  	vm6 =	vmor vm6, vm7  }
0x99: {  	v9 =	vld [tilespmem:$0xA0];
	v7 =	vsel vm6, $0xFFFFFFFF, v7  }
0x9a: {  	v10 =	vld [tilespmem:$0x90];
	v6 =	vsel vm5, $0x0, v6;
	v8, _, _ =	vpop (xrf2)  }
0x9b: {  	v6 =	vadd.f32 v8, v6  }
0x9c: {  	s0 =	sadd.s32 $0x37B0, s0  }
0x9d: {  	vm4 =	vmand vm4, vm3;
	[tilespmem:s0+$0x0] =	vst v6;
	(ifvalue) =	ssetifvalue $0xFFFFFFFF  }
0x9e: {  	vm6 =	veq.s32 v9, $0x1;
	[hbm4b:s1+s16] =	stream.indirect_vreg.scatter [tilespmem:s0], [sflag:$0x2], $0x1, v7, vm0, $0x4038;
	v7 =	vsel vm4, $0x0, v8;
	[tilespmem:$0x4770] =	vst v63  }
0x9f: {  	s29 =	sadd.s32 $0x4750, s22;
	s22 =	sadd.s32 $0x10, s6;
	s2 =	simm.s32 $0x0;
	vm4 =	vmor vm6, vm5;
	v6 =	vsel vm5, v8, v10;
	v7 =	vshift.insert v7, v0, s21  }
.LBB2_7:
0xa0: {  	v8 =	vld [tilespmem:s22+$0x0];
	s30 =	sadd.s32 $0x10, s30  }
0xa1: {  	s31 =	sadd.s32 $0x10, s31;
	v9 =	vld [tilespmem:s30+$0x0]  }
0xa2: {  	s2 =	sadd.s32 $0x10, s2;
	v10 =	vld [tilespmem:s31+$0x0]  }
0xa3: {  	p2 =	slt.u32 s2, $0x7C0;
	_ =	sdelay $0x2  }
0xa4: {  	v7 =	vadd.f32 v9, v7  }
0xa5: {  	vm5 =	vne.s32 v8, $0xFFFFFFFF  }
0xa6: {  	vm6 =	vmand vm5, vm3;
	(xrf2) =	vadd.seg.scan.f32 vm5, v7;
	_ =	sdelay $0x5  }
0xa7: {  	vm7 =	veq.s32 v8, v5;
	vm5 =	veq.s32 v8, v3  }
0xa8: {  	vm8 =	vgt.u32 v8, $0xFFFFFFFD;
	vm4 =	vmor vm4, vm5;
	vm7 =	vmor vm7, vm5  }
0xa9: {  	vm7 =	vmor vm7, vm8  }
0xaa: {  	v8 =	vsel vm7, $0xFFFFFFFF, v8  }
.Ltmp5:
0xab: {  	v7 =	vsel vm5, $0x0, v10;
	v9, _, _ =	vpop (xrf2);
	(pc) =	sbr.rel @p2 .LBB2_7-.Ltmp5, $4  }
0xac: {  	v6 =	vsel vm5, v9, v6;
	v10 =	vadd.f32 v9, v7;
	v7 =	vsel vm6, $0x0, v9  }
0xad: {  	s0 =	sadd.s32 $0x10, s0;
	v7 =	vshift.insert v7, v0, s21  }
0xae: {  	s22 =	sadd.s32 $0x10, s22;
	[tilespmem:s0+$0x0] =	vst v10;
	(ifvalue) =	ssetifvalue $0xFFFFFFFF  }
0xaf: {  	[hbm4b:s1+s16] =	stream.indirect_vreg.scatter [tilespmem:s0], [sflag:$0x2], $0x1, v8, vm0, $0x4038;
	[tilespmem:$0x4770] =	vst v63  }
0xb0: {  	v3 =	vld [tilespmem:s28+$0x3F70];
	_ =	sdelay $0x4  }
0xb1: {  	v3 =	vshift.insert v3, v0, s21  }
0xb2: {  	s0 =	simm.s32 $0x30  }
0xb3: {  	[tilespmem:s0+$0x0] =	vst.msk $0x1, v3  }
0xb4: {  	v3 =	vsel vm4, $0x1, v1;
	[tilespmem:$0x90] =	vst v6  }
0xb5: {  	s0 =	sadd.s32 @!p1 $0x3F7F, s28;
	[tilespmem:$0xA0] =	vst v3  }
0xb6: {  	[spmem:s14] =	stream.linear.scatter @!p1 [tilespmem:s0], [sflag:$0x1], $0x1, $0x38;
	[tilespmem:$0x4770] =	vst v63  }
0xb7: {  	s0 =	simm.s32 @!p1 $0x1  }
0xb8: {  	v3 =	vmctz.xlane @!p1 vm4;
	_ =	swait.ge @!p1 [sflag:s0], $0x1  }
0xb9: {  	(v2sf) =	vpush @!p1 v4, $0x0  }
0xba: {  	(v2sf) =	vpush @!p1 v3, $0x0;
	_ =	sdelay $0xd  }
0xbb: {  	s2 =	spop @!p1 (v2sf)  }
0xbc: {  	s6 =	spop @!p1 (v2sf)  }
0xbd: {  	p2 =	sne.s32 @!p1 s26, s2;
	p3 =	slt.s32 @!p1 s6, $0xF  }
0xbe: {  	[sflag:s0] =	ssyncset.done @!p1 $0x0;
	p2 =	por p2, p1;
	p3 =	por !p3, p1  }
0xbf: {  	[sflag:s0] =	ssyncadd.s32 @!p1 $0xFFFFFFFF;
	v3 =	vimm.s32 @!p2 $0xFFFFFFFF;
	s6 =	simm.s32 @p3 $0xF  }
0xc0: {  	[tilespmem:$0x80] =	vst @!p2 v3;
	s2 =	sadd.s32 @!p1 $0x90, s6  }
0xc1: {  	[spmem:s10] =	stream.linear.scatter @!p1 [tilespmem:s2], [sflag:$0x1], $0x1, $0x38;
	[tilespmem:$0x4770] =	vst v63  }
0xc2: {  	_ =	swait.ge @!p1 [sflag:s0], $0x1  }
0xc3: {  	[sflag:s0] =	ssyncset.done @!p1 $0x0  }
0xc4: {  	s2 =	simm.s32 @!p1 $0x80;
	[sflag:s0] =	ssyncadd.s32 @!p1 $0xFFFFFFFF  }
0xc5: {  	[spmem:s15] =	stream.linear.scatter @!p1 [tilespmem:s2], [sflag:$0x1], $0x1, $0x38;
	[tilespmem:$0x4770] =	vst v63  }
0xc6: {  	_ =	swait.ge @!p1 [sflag:s0], $0x1  }
0xc7: {  	[sflag:s0] =	ssyncset.done @!p1 $0x0  }
0xc8: {  	[sflag:s0] =	ssyncadd.s32 @!p1 $0xFFFFFFFF;
	(ifvalue) =	ssetifvalue $0xFFFFFFFF;
	v3 =	vld [tilespmem:s25+$0x10];
	_ =	sdelay $0x3  }
.Ltmp6:
0xc9: {  	_ = 	snop;
	(pc) =	sbr.rel .LBB2_9-.Ltmp6, $3  }
0xca: {  	_ =	sdelay $0x1  }
0xcb: {  	(ifvalue) =	ssetifvalue $0xFFFFFFFF  }
0xcc: {  	[hbm4b:s1+s16] =	stream.indirect_vreg.scatter [tilespmem:s29], [sflag:$0x9], $0x1, v3, vm0, $0x4038;
	[tilespmem:$0x4770] =	vst v63  }
.LBB2_10:
0xcd: {  	_ =	sfence.sel $0x180000  }
0xce: {  	s0 =	simm.s32 $0x7;
	[bflag:$0x0] =	sbarrier.arrive $0xFFFF  }
0xcf: {  	s26 =	simm.s32 $0x8;
	[sflag:s0] =	ssyncpa.u1 $0x1  }
0xd0: {  	s28 =	simm.s32 $0x9;
	[sflag:s26] =	ssyncpa.u1 $0x1  }
0xd1: {  	[sflag:s28] =	ssyncpa.u1 $0x1  }
0xd2: {  	_ =	sfence.stream.spmem  }
0xd3: {  	s29 =	simm.s32 $0x3;
	[bflag:$0x0] =	sbarrier.arrive $0xFFFF  }
0xd4: {  	s30 =	simm.s32 $0x4;
	[sflag:s29] =	ssyncpa.u1 $0x1  }
0xd5: {  	s31 =	simm.s32 $0x3C;
	s2 =	stileid.u32;
	[sflag:s30] =	ssyncpa.u1 $0x1  }
0xd6: {  	p0 =	sne.s32 s2, $0x0;
	[sflag:s31] =	ssyncpa.u1 $0x1  }
0xd7: {  	s0 =	simm.s32 @p0 $0x1;
	_ =	sfence @p0  }
0xd8: {  	[sflag:s0] =	ssyncpa.u1 @p0 $0x1;
	s0 =	simm.s32 @p0 $0x2  }
0xd9: {  	[sflag:s0] =	ssyncpa.u1 @p0 $0x1  }
0xda: {  	_ =	strace @p0 $0x9000004A  }
0xdb: {  	[bflag:$0x2] =	sbarrier.arrive @p0 $0xFFFF  }
0xdc: {  	_ =	shalt @p0  }
.LBB2_11:
0xdd: {  	_ =	sfence.stream.spmem;
	s0 =	simm.s32 $0x5  }
0xde: {  	s2 =	simm.s32 $0x80;
	s3 =	simm.s32 $0xC0;
	[sflag:s0] =	ssyncpa.u1 $0x0  }
0xdf: {  	[tilespmem:s3], [sflag:$0x5] =	stream.linear.gather [spmem:s2], $0x20, $0x38;
	[tilespmem:$0x4770] =	vst v63  }
0xe0: {  	s2 =	simm.s32 $0x0;
	s3 =	simm.s32 $0xE0  }
0xe1: {  	[tilespmem:s3], [sflag:$0x5] =	stream.linear.gather [spmem:s2], $0x20, $0x38;
	[tilespmem:$0x4770] =	vst v63  }
.Ltmp7:
0xe2: {  	_ = 	snop;
	(pc) =	sbr.rel .LBB2_12-.Ltmp7, $4  }
0xe3: {  	_ =	swait.ge [sflag:s0], $0x40  }
0xe4: {  	[sflag:s0] =	ssyncset.done $0x0  }
0xe5: {  	s31 =	simm.s32 $0x6;
	[sflag:s0] =	ssyncadd.s32 $0xFFFFFFC0  }
0xe6: {  	s4 =	simm.s32 $0x0;
	[sflag:s31] =	ssyncpa.u1 $0x0  }
.LBB2_17:
0xe7: {  	p0 =	sgt.u32 s5, $0xC3FF  }
0xe8: {  	s0 =	sshrl.u32 @!p0 s5, $0x3  }
0xe9: {  	s5 =	sand.u32 @!p0 $0x7, s5;
	s6 =	simm.s32 @!p0 $0xB0;
	s0 =	sadd.s32 @!p0 s1, s0  }
0xea: {  	[tilespmem:s6], [sflag:$0x6] =	stream.linear.gather @!p0 [hbm4b:s0+s5], $0x1, $0x38;
	[tilespmem:$0x4770] =	vst v63  }
0xeb: {  	s0 =	simm.s32 @!p0 $0x6  }
0xec: {  	_ =	swait.ge @!p0 [sflag:s0], $0x1  }
0xed: {  	[sflag:s0] =	ssyncset.done @!p0 $0x0  }
0xee: {  	[sflag:s0] =	ssyncadd.s32 @!p0 $0xFFFFFFFF  }
0xef: {  	v2 =	vmov @!p0 s4;
	v1 =	vld.msk @!p0 [tilespmem:$0xB0], $0x1;
	_ =	sdelay $0x3  }
0xf0: {  	s0 =	simm.s32 @!p0 $0xE0  }
0xf1: {  	[tilespmem:v2+s0+$0x0], v1 =	vst.idx.ret.add.f32.msk @!p0 $0x1, v1  }
0xf2: {  	[tilespmem:s2+$0xC0] =	vst.msk $0x1, v0  }
0xf3: {  	v0 =	vld.msk [tilespmem:s4+$0xE0], $0x1;
	_ =	sdelay $0x4  }
0xf4: {  	[tilespmem:s2+$0xE0] =	vst.msk $0x1, v0;
	s2 =	sadd.s32 $0x1, s2  }
.LBB2_19:
0xf5: {  	s4 =	sadd.s32 $0x1, s4  }
0xf6: {  	p0 =	sne.s32 s4, $0x20  }
.Ltmp8:
0xf7: {  	_ = 	snop;
	(pc) =	sbr.rel @!p0 .LBB2_20-.Ltmp8, $1  }
0xf8: {  	_ =	sdelay $0x3  }
.LBB2_12:
0xf9: {  	v0 =	vld.msk [tilespmem:s4+$0xC0], $0x1;
	_ =	sdelay $0x4  }
0xfa: {  	(v2sf) =	vpush v0, $0x0;
	_ =	sdelay $0xe  }
0xfb: {  	s5 =	spop (v2sf)  }
0xfc: {  	p0 =	seq.s32 s5, $0xFFFFFFFF  }
.Ltmp9:
0xfd: {  	_ = 	snop;
	(pc) =	sbr.rel @p0 .LBB2_19-.Ltmp9, $1  }
0xfe: {  	_ =	sdelay $0x3  }
0xff: {  	p0 =	slt.s32 s2, $0x1  }
.Ltmp10:
0x100: {  	_ = 	snop;
	(pc) =	sbr.rel @p0 .LBB2_17-.Ltmp10, $1  }
0x101: {  	_ =	sdelay $0x3  }
0x102: {  	s0 =	simm.s32 $0xC0;
	p0 =	por $0x0, $0x0  }
0x103: {  	v1 =	vld.msk @!p0 [tilespmem:s0+$0x0], $0x1;
	_ =	sdelay $0x4  }
0x104: {  	(v2sf) =	vpush @!p0 v1, $0x0;
	_ =	sdelay $0xd  }
0x105: {  	p2 =	sne.s32 s2, $0x1  }
.Ltmp11:
0x106: {  	s6 =	spop @!p0 (v2sf);
	(pc) =	sbr.rel @!p2 .LBB2_16-.Ltmp11, $4  }
0x107: {  	p1 =	seq.s32 @!p0 s5, s6  }
0x108: {  	s6 =	simm.s32 $0x0;
	p1 =	por !p1, p0  }
0x109: {  	s8 =	simm.s32 $0xFFFFFFFF;
	s6 =	simm.s32 @p1 $0xFFFFFFFF  }
0x10a: {  	s7 =	simm.s32 $0x1;
	s6 =	smov.u32 @p0 s8  }
.LBB2_15:
0x10b: {  	s8 =	smov.u32 s6;
	p0 =	sne.s32 s6, $0xFFFFFFFF  }
0x10c: {  	s0 =	sadd.s32 $0x1, s0;
	s6 =	smov.u32 s7;
	s7 =	sadd.s32 $0x1, s7  }
0x10d: {  	p1 =	sne.s32 s2, s7;
	v1 =	vld.msk @!p0 [tilespmem:s0+$0x0], $0x1;
	_ =	sdelay $0x4  }
0x10e: {  	(v2sf) =	vpush @!p0 v1, $0x0;
	_ =	sdelay $0xe  }
.Ltmp12:
0x10f: {  	s9 =	spop @!p0 (v2sf);
	(pc) =	sbr.rel @p1 .LBB2_15-.Ltmp12, $4  }
0x110: {  	p2 =	seq.s32 @!p0 s5, s9  }
0x111: {  	p2 =	por !p2, p0  }
0x112: {  	s6 =	simm.s32 @p2 $0xFFFFFFFF  }
0x113: {  	s6 =	smov.u32 @p0 s8  }
.LBB2_16:
0x114: {  	p0 =	sne.s32 s6, $0xFFFFFFFF  }
.Ltmp13:
0x115: {  	_ = 	snop;
	(pc) =	sbr.rel @!p0 .LBB2_17-.Ltmp13, $1  }
0x116: {  	_ =	sdelay $0x3  }
0x117: {  	v0 =	vld.msk [tilespmem:s4+$0xE0], $0x1;
	v1 =	vmov s6  }
.Ltmp14:
0x118: {  	_ = 	snop;
	(pc) =	sbr.rel .LBB2_19-.Ltmp14, $2  }
0x119: {  	_ =	sdelay $0x2  }
0x11a: {  	[tilespmem:v1+s3+$0x0], v0 =	vst.idx.ret.add.f32.msk $0x1, v0  }
.LBB2_20:
0x11b: {  	p0 =	slt.s32 s2, $0x1  }
.Ltmp15:
0x11c: {  	_ = 	snop;
	(pc) =	sbr.rel @p0 .LBB2_24-.Ltmp15, $3  }
0x11d: {  	_ =	sdelay $0x1  }
0x11e: {  	s0 =	simm.s32 $0x6  }
0x11f: {  	s3 =	simm.s32 $0x0;
	[sflag:s0] =	ssyncpa.u1 $0x1  }
0x120: {  	s0 =	simm.s32 $0xC0  }
0x121: {  	v0 =	vld.msk [tilespmem:s0+$0x0], $0x1;
	_ =	sdelay $0x4  }
0x122: {  	(v2sf) =	vpush v0, $0x0;
	_ =	sdelay $0xe  }
0x123: {  	s2 =	sadd.s32 $0xFFFFFFFF, s2;
	s4 =	spop (v2sf)  }
0x124: {  	p1 =	sne.s32 s2, $0x0;
	p0 =	sgt.u32 s4, $0xC3FF  }
.Ltmp16:
0x125: {  	s5 =	sshrl.u32 @!p0 s4, $0x3;
	(pc) =	sbr.rel @!p1 .LBB2_23-.Ltmp16, $4  }
0x126: {  	s0 =	simm.s32 $0xE0;
	s4 =	sand.u32 @!p0 $0x7, s4;
	s5 =	sadd.s32 @!p0 s1, s5  }
0x127: {  	[hbm4b:s5+s4] =	stream.linear.scatter @!p0 [tilespmem:s0], [sflag:$0x5], $0x1, $0x38;
	[tilespmem:$0x4770] =	vst v63  }
0x128: {  	s5 =	simm.s32 $0x0  }
0x129: {  	s4 =	simm.s32 $0xC1;
	s5 =	simm.s32 @!p0 $0x4  }
.LBB2_22:
0x12a: {  	v0 =	vld.msk [tilespmem:s4+$0x0], $0x1;
	s2 =	sadd.s32 $0xFFFFFFFF, s2;
	s3 =	sadd.s32 s3, s5  }
0x12b: {  	p0 =	sne.s32 s2, $0x0;
	_ =	sdelay $0x3  }
0x12c: {  	(v2sf) =	vpush v0, $0x0;
	_ =	sdelay $0xe  }
.Ltmp17:
0x12d: {  	s6 =	spop (v2sf);
	(pc) =	sbr.rel @p0 .LBB2_22-.Ltmp17, $4  }
0x12e: {  	s5 =	simm.s32 $0x0;
	p1 =	sgt.u32 s6, $0xC3FF  }
0x12f: {  	s0 =	sadd.s32 $0x1, s0;
	s5 =	simm.s32 @!p1 $0x4;
	s7 =	sshrl.u32 @!p1 s6, $0x3  }
0x130: {  	s4 =	sadd.s32 $0x1, s4;
	s6 =	sand.u32 @!p1 $0x7, s6;
	s7 =	sadd.s32 @!p1 s1, s7  }
0x131: {  	[hbm4b:s7+s6] =	stream.linear.scatter @!p1 [tilespmem:s0], [sflag:$0x5], $0x1, $0x38;
	[tilespmem:$0x4770] =	vst v63  }
.LBB2_23:
0x132: {  	s0 =	sadd.s32 s3, s5  }
0x133: {  	s3 =	sshrl.u32 s0, $0x2  }
.LBB2_24:
0x134: {  	s0 =	simm.s32 $0x5  }
0x135: {  	_ =	swait.ge [sflag:s0], s3  }
0x136: {  	s1 =	ssub.s32 $0x0, s3;
	[sflag:s0] =	ssyncset.done $0x0  }
0x137: {  	[sflag:s0] =	ssyncadd.s32 s1  }
0x138: {  	[sflag:s0] =	ssyncpa.u1 $0x1  }
0x139: {  	s29 =	simm.s32 $0x1;
	_ =	sfence  }
0x13a: {  	s30 =	simm.s32 $0x2;
	[sflag:s29] =	ssyncpa.u1 $0x1  }
0x13b: {  	[sflag:s30] =	ssyncpa.u1 $0x1  }
0x13c: {  	_ =	strace $0x9000004A  }
0x13d: {  	[bflag:$0x2] =	sbarrier.arrive $0xFFFF  }
0x13e: {  	s31 =	rddreg [dreg:$0x1]  }
0x13f: {  	s0 =	sadd.s32 $0x100000, s31  }
0x140: {  	[sflag:s0] =	ssyncadd.tile.s32 $0x1;
	_ =	shalt  }
.Lfunc_end2:
_tile_overlayer_lowered:
.L_overlay_start_2:
0x141: {  	(tag) =	ssettag $0x2  }
0x142: {  	s0 =	rddreg [dreg:$0x0];
	s2 =	stileid.u32  }
0x143: {  	s1 =	rddreg [dreg:$0x1];
	p0 =	sne.s32 s2, $0x0  }
0x144: {  	s3 =	rddreg [dreg:$0x2];
	[bflag:$0x3] =	sbarrier.arrive $0xFFFF;
	s2 =	simm.s32 @!p0 $0x1C01  }
0x145: {  	[timem:s3], [sflag:s2] =	dma.local @!p0 [hbm:s0], s1  }
0x146: {  	s0 =	simm.s32 @!p0 $0x1  }
0x147: {  	_ =	swait.ge @!p0 [sflag:s0], s1  }
0x148: {  	s1 =	ssub.s32 @!p0 $0x0, s1;
	[sflag:s0] =	ssyncset.done @!p0 $0x0  }
0x149: {  	[sflag:s0] =	ssyncadd.s32 @!p0 s1  }
0x14a: {  	[bflag:$0x3] =	sbarrier.arrive $0xFFFF  }
0x14b: {  	_ =	shalt  }

// kernel: scatter_offload_async_start
scs
__scs_entry_jumppad:
0x0: {  	(pc) =	sbr.rel $0x88, $3  }
0x1: {  	(tag) =	ssettag $0x0;
	lr =	simm.s32 $0x1  }
0x2: {  	[smem:$0x3F86] =	sst lr;
	_ =	strace $0xD0000000  }
0x3: {  	_ = 	snop  }
0x4: {  	_ = 	snop  }
0x5: {  	_ = 	snop  }
0x6: {  	_ = 	snop  }
0x7: {  	_ = 	snop  }
__scs_overlays_trampoline_lowered:
0x8: {  	[smem:$0x3F95] =	sst s0  }
0x9: {  	[smem:$0x3F96] =	sst s1  }
0xa: {  	[smem:$0x3F97] =	sst s2  }
0xb: {  	[smem:$0x3F98] =	sst s3  }
0xc: {  	[smem:$0x3F99] =	sst s4  }
0xd: {  	[smem:$0x3F9A] =	sst s5  }
0xe: {  	[smem:$0x3F9B] =	sst s6  }
0xf: {  	[smem:$0x3F9C] =	sst s7  }
0x10: {  	[smem:$0x3F9D] =	sst s8  }
0x11: {  	[smem:$0x3F9E] =	sst s9;
	s0 =	simm.s32 @!p0 $0x0  }
0x12: {  	s1 =	sld [smem:$0x3F84];
	s0 =	simm.s32 @p0 $0x1  }
0x13: {  	[smem:$0x3F9F] =	sst s0;
	s0 =	simm.s32 @!p1 $0x0  }
0x14: {  	s2 =	sld [smem:$0x3F83];
	s0 =	simm.s32 @p1 $0x1  }
0x15: {  	[smem:$0x3FA0] =	sst s0;
	s0 =	simm.s32 @!p2 $0x0  }
0x16: {  	s3 =	sld [smem:$0x3FDB];
	s0 =	simm.s32 @p2 $0x1  }
0x17: {  	s4 =	simm.s32 $0x1BF5;
	[smem:$0x3FA2] =	sst s0  }
0x18: {  	s0 =	sld [smem:$0x3F85];
	_ =	swait.ge [sflag:s4], $0x0  }
0x19: {  	s7 =	sld [smem:$0x3F86]  }
0x1a: {  	s8 =	sadd.s32 $0xFFFFE003, lr  }
0x1b: {  	s9 =	sadd.s32 $0xFFFFFEF7, lr;
	s5 =	simm.s32 $0xFFFFFFFF;
	p2 =	slt.u32 s8, $0xFFFFF086  }
0x1c: {  	p1 =	slt.u32 s9, $0xF7A;
	s5 =	simm.s32 @!p2 $0x0  }
0x1d: {  	s5 =	simm.s32 @p1 $0x1;
	p0 =	seq.s32 s7, s2  }
0x1e: {  	s7 =	smul.u32 @!p0 $0xF7A, s2;
	p2 =	seq.s32 @!p0 s5, $0x0  }
0x1f: {  	s9 =	smul.u32 $0xF7A, s1;
	s8 =	simm.s32 @!p0 $0x1BF5;
	p2 =	por !p2, p0  }
0x20: {  	[sflag:s8] =	ssyncset.s32 @!p0 $0xFFFFF086;
	s6 =	sadd.s32 @!p0 s3, s7;
	s7 =	simm.s32 @!p0 $0x108  }
0x21: {  	s3 =	sadd.s32 s3, s9;
	s6 =	sadd.s32 @!p0 $0x88, s6;
	s7 =	simm.s32 @p2 $0x1082  }
0x22: {  	[simem:s7], [sflag:s8] =	dma.local @!p0 [hbm:s6], $0xF7A  }
0x23: {  	s9 =	sor.u32 $0xD0000000, s2;
	s6 =	simm.s32 $0x108;
	_ =	swait.ge @!p0 [sflag:s8], $0x0  }
0x24: {  	s3 =	sadd.s32 $0x88, s3;
	s6 =	simm.s32 @!p1 $0x1082;
	[sflag:s4] =	ssyncset.s32 $0xFFFFF086  }
0x25: {  	[simem:s6], [sflag:s4] =	dma.local [hbm:s3], $0xF7A  }
0x26: {  	[smem:$0x3F86] =	sst s1;
	(tag) =	ssettag s2;
	_ =	strace s9  }
0x27: {  	s1 =	sld [smem:$0x3F96]  }
0x28: {  	s2 =	sld [smem:$0x3F97]  }
0x29: {  	s4 =	sld [smem:$0x3F99]  }
0x2a: {  	p0 =	seq.s32 s5, $0x0;
	s5 =	sld [smem:$0x3F9A]  }
0x2b: {  	s6 =	sld [smem:$0x3F9B]  }
0x2c: {  	s7 =	sld [smem:$0x3F9C]  }
0x2d: {  	s3 =	simm.s32 $0x108;
	s8 =	sld [smem:$0x3F9D]  }
0x2e: {  	s3 =	simm.s32 @!p0 $0x1082;
	s9 =	sld [smem:$0x3F9E]  }
0x2f: {  	lr =	sadd.s32 s0, s3;
	s0 =	sld [smem:$0x3F95]  }
0x30: {  	s3 =	sld [smem:$0x3F98]  }
0x31: {  	[smem:$0x3FA1] =	sst s10  }
0x32: {  	s10 =	sld [smem:$0x3F9F];
	_ =	sdelay $0x3  }
0x33: {  	p0 =	seq.s32 s10, $0x1;
	s10 =	sld [smem:$0x3FA1];
	_ =	sdelay $0x3  }
0x34: {  	[smem:$0x3FA1] =	sst s10  }
0x35: {  	s10 =	sld [smem:$0x3FA0];
	_ =	sdelay $0x3  }
0x36: {  	p1 =	seq.s32 s10, $0x1;
	s10 =	sld [smem:$0x3FA1];
	_ =	sdelay $0x3  }
0x37: {  	[smem:$0x3FA1] =	sst s10  }
0x38: {  	s10 =	sld [smem:$0x3FA2]  }
0x39: {  	_ = 	snop;
	(pc) =	sbr.ind lr, $3  }
0x3a: {  	_ = 	snop  }
0x3b: {  	_ = 	snop  }
0x3c: {  	p2 =	seq.s32 s10, $0x1;
	s10 =	sld [smem:$0x3FA1]  }
0x3d: {  	_ =	shalt  }
0x3e: {  	_ =	shalt  }
0x3f: {  	_ =	shalt  }
0x40: {  	_ =	shalt  }
0x41: {  	_ =	shalt  }
0x42: {  	_ =	shalt  }
0x43: {  	_ =	shalt  }
0x44: {  	_ =	shalt  }
0x45: {  	_ =	shalt  }
0x46: {  	_ =	shalt  }
0x47: {  	_ =	shalt  }
0x48: {  	_ =	shalt  }
0x49: {  	_ =	shalt  }
0x4a: {  	_ =	shalt  }
0x4b: {  	_ =	shalt  }
0x4c: {  	_ =	shalt  }
0x4d: {  	_ =	shalt  }
0x4e: {  	_ =	shalt  }
0x4f: {  	_ =	shalt  }
0x50: {  	_ =	shalt  }
0x51: {  	_ =	shalt  }
0x52: {  	_ =	shalt  }
0x53: {  	_ =	shalt  }
0x54: {  	_ =	shalt  }
0x55: {  	_ =	shalt  }
0x56: {  	_ =	shalt  }
0x57: {  	_ =	shalt  }
0x58: {  	_ =	shalt  }
0x59: {  	_ =	shalt  }
0x5a: {  	_ =	shalt  }
0x5b: {  	_ =	shalt  }
0x5c: {  	_ =	shalt  }
0x5d: {  	_ =	shalt  }
0x5e: {  	_ =	shalt  }
0x5f: {  	_ =	shalt  }
0x60: {  	_ =	shalt  }
0x61: {  	_ =	shalt  }
0x62: {  	_ =	shalt  }
0x63: {  	_ =	shalt  }
0x64: {  	_ =	shalt  }
0x65: {  	_ =	shalt  }
0x66: {  	_ =	shalt  }
0x67: {  	_ =	shalt  }
0x68: {  	_ =	shalt  }
0x69: {  	_ =	shalt  }
0x6a: {  	_ =	shalt  }
0x6b: {  	_ =	shalt  }
0x6c: {  	_ =	shalt  }
0x6d: {  	_ =	shalt  }
0x6e: {  	_ =	shalt  }
0x6f: {  	_ =	shalt  }
0x70: {  	_ =	shalt  }
0x71: {  	_ =	shalt  }
0x72: {  	_ =	shalt  }
0x73: {  	_ =	shalt  }
0x74: {  	_ =	shalt  }
0x75: {  	_ =	shalt  }
0x76: {  	_ =	shalt  }
0x77: {  	_ =	shalt  }
0x78: {  	_ =	shalt  }
0x79: {  	_ =	shalt  }
0x7a: {  	_ =	shalt  }
0x7b: {  	_ =	shalt  }
0x7c: {  	_ =	shalt  }
0x7d: {  	_ =	shalt  }
0x7e: {  	_ =	shalt  }
0x7f: {  	_ =	shalt  }
0x80: {  	_ =	shalt  }
0x81: {  	_ =	shalt  }
0x82: {  	_ =	shalt  }
0x83: {  	_ =	shalt  }
0x84: {  	_ =	shalt  }
0x85: {  	_ =	shalt  }
0x86: {  	_ =	shalt  }
0x87: {  	_ =	shalt  }
.Lfunc_end0:
.L_simem_size_0:
called_computation_lowered:
.L_overlay_start_0:
0x88: {  	s0 =	sld [smem:$0x3FD9]  }
0x89: {  	s1 =	sld [smem:$0x3FFE];
	_ =	sdelay $0x3  }
0x8a: {  	s0 =	sadd.s32 s1, s0  }
0x8b: {  	[smem:$0x3FAD] =	sst s0  }
0x8c: {  	_ = 	snop  }
0x8d: {  	s0 =	sld [smem:$0x3FD0];
	_ =	sdelay $0x2  }
0x8e: {  	s13 =	simm.s32 $0xC;
	s2 =	simm.s32 $0x10  }
0x8f: {  	[smem:s2], [sflag:s13] =	dma.local [hbm:s0], $0x1  }
0x90: {  	_ =	swait.eq [sflag:s13], $0x1  }
0x91: {  	[sflag:s13] =	ssyncset.done $0x0  }
0x92: {  	[sflag:s13] =	ssyncadd.s32 $0xFFFFFFFF  }
0x93: {  	s14 =	sld [smem:$0x10];
	(tm) =	ssettm $0x1  }
0x94: {  	s15 =	sld [smem:$0x3FFB];
	_ =	sdelay $0x3  }
0x95: {  	_ =	strace s15  }
0x96: {  	s1 =	sld [smem:$0x3FFC];
	_ =	sdelay $0x3  }
0x97: {  	_ =	strace s1  }
0x98: {  	s1 =	sld [smem:$0x3FFD];
	_ =	sdelay $0x3  }
0x99: {  	_ =	strace s1  }
0x9a: {  	_ =	strace $0x8FFFFFFF  }
0x9b: {  	s16 =	sld [smem:$0x3FDB];
	_ =	sdelay $0x1  }
0x9c: {  	s17 =	simm.s32 $_scs_section_size  }
0x9d: {  	s3 =	simm.s32 $_size__tile_overlayer_lowered;
	s4 =	simm.s32 $_tile_overlayer_lowered  }
0x9e: {  	s20 =	simm.s32 $0x1BFF;
	s19 =	sshll.u32 s4, $0x1;
	s1 =	sadd.s32 s17, s16  }
0x9f: {  	s5 =	simm.s32 $0x0;
	s18 =	sshll.u32 s3, $0x1;
	s3 =	sadd.s32 s19, s1  }
0xa0: {  	[timem:s5], [sflag:s20] =	dma.local [hbm:s3], s18  }
0xa1: {  	_ =	swait.ge [sflag:s20], s18  }
0xa2: {  	s2 =	ssub.s32 $0x0, s18;
	[sflag:s20] =	ssyncset.done $0x0  }
0xa3: {  	[sflag:s20] =	ssyncadd.s32 s2;
	_ =	sdelay $0x1  }
0xa4: {  	s21 =	simm.s32 $0x1B8B  }
0xa5: {  	_ =	swait.ge [sflag:s21], $0x1  }
0xa6: {  	[sflag:s21] =	ssyncset.done $0x0  }
0xa7: {  	s23 =	simm.s32 $0x1B8E;
	s22 =	sld [smem:$0x3FFE];
	[sflag:s21] =	ssyncadd.s32 $0xFFFFFFFF  }
0xa8: {  	s24 =	simm.s32 $execute0_lowered;
	[smem:$0x3FD2] =	sst s23  }
0xa9: {  	s3 =	sshll.u32 s24, $0x1;
	_ =	strace $0x8000004C;
	[dreg:$0x1] =	wrdreg $0xFFFFFFFF  }
0xaa: {  	s25 =	simm.s32 $_size_execute0_lowered;
	s1 =	sadd.s32 s1, s3;
	[dreg:$0x0] =	wrdreg $0x0  }
0xab: {  	s3 =	sshll.u32 s25, $0x1;
	[dreg:$0x2] =	wrdreg s1  }
0xac: {  	[dreg:$0x3] =	wrdreg s3  }
0xad: {  	[dreg:$0x4] =	wrdreg $0xC0  }
0xae: {  	_ =	task [dreg:s5], $0x5FFFF  }
0xaf: {  	[dreg:$0x1] =	wrdreg $0xFFFFFFFF  }
0xb0: {  	[dreg:$0x0] =	wrdreg $0x60  }
0xb1: {  	[dreg:$0x2] =	wrdreg s14  }
0xb2: {  	[dreg:$0x3] =	wrdreg s22  }
0xb3: {  	[dreg:$0x4] =	wrdreg $0xA  }
0xb4: {  	_ =	task.clear_ibuf [dreg:s5], $0x5FFFF;
	_ =	strace $0x9000004C  }
0xb5: {  	s26 =	simm.s32 $0xA;
	_ =	strace $0x8000004E  }
0xb6: {  	_ =	swait.ge [sflag:s26], $0x1  }
0xb7: {  	[sflag:s26] =	ssyncadd.s32 $0xFFFFFFFF  }
0xb8: {  	_ =	strace $0x9000004E  }
0xb9: {  	_ =	sfence  }
0xba: {  	s28 =	sld [smem:$0x0];
	_ =	sdelay $0x1  }
0xbb: {  	s29 =	srdreg.scid  }
0xbc: {  	s30 =	sshll.u32 s29, $0xD;
	s31 =	sshrl.u32 s29, $0x2  }
0xbd: {  	s2 =	sand.u32 $0x4000, s30;
	s1 =	sand.u32 $0x1, s29;
	s0 =	sadd.s32 s31, s28  }
0xbe: {  	s1 =	sor.u32 s2, s1;
	s0 =	sshll.u32 s0, $0x11  }
0xbf: {  	s0 =	sor.u32 s0, s1  }
0xc0: {  	s0 =	sadd.s32 $0x8F2B, s0  }
0xc1: {  	[sflag:s0] =	ssyncadd.remote.s32 $0x1  }
0xc2: {  	_ =	sfence.sel $0xFFFF  }
0xc3: {  	[dreg:$0x0] =	wrdreg $0xFFFFFFFF;
	(pc) =	sbr.abs _section_cstart, $3  }
0xc4: {  	[dreg:$0x1] =	wrdreg $0xFFFFFFFF  }
0xc5: {  	_ =	task.clear_ibuf [dreg:s5], $0x2FFFF;
	_ =	strace $0x9FFFFFFF  }
0xc6: {  	(tm) =	ssettm $0x7FFFFFFF  }
0xc7: {  	_ =	shalt  }
tec
execute0_lowered:
.L_overlay_start_1:
0x0: {  	(tag) =	ssettag $0x1  }
0x1: {  	s1 =	rddreg [dreg:$0x0]  }
0x2: {  	s0 =	rddreg [dreg:$0x1];
	_ =	strace $0x8000004D;
	s2 =	simm.s32 $0x1  }
0x3: {  	s8 =	simm.s32 $0x108;
	v0 =	vimm.s32 $0x0;
	[sflag:s2] =	ssyncpa.u1 $0x0  }
0x4: {  	[tilespmem:s8+$0x70] =	vst v0  }
0x5: {  	[tilespmem:s8+$0x60] =	vst v0  }
0x6: {  	[tilespmem:s8+$0x50] =	vst v0  }
0x7: {  	[tilespmem:s8+$0x40] =	vst v0  }
0x8: {  	[tilespmem:s8+$0x30] =	vst v0  }
0x9: {  	s4 =	simm.s32 $0x40;
	[tilespmem:s8+$0x20] =	vst v0  }
0xa: {  	s2 =	sadd.s32 $0x5600, s0;
	s3 =	sadd.s32 $0xDC200, s0;
	s5 =	sadd.s32 $0x7000, s0;
	[tilespmem:s8+$0x10] =	vst v0  }
.LBB2_1:
0xb: {  	s4 =	sadd.s32 $0x40, s4;
	[tilespmem:s8+$0x0] =	vst v0;
	s8 =	sadd.s32 $0x80, s8  }
0xc: {  	p0 =	slt.u32 s4, $0x3C40;
	[tilespmem:s8+$0x70] =	vst v0  }
0xd: {  	[tilespmem:s8+$0x60] =	vst v0  }
.Ltmp0:
0xe: {  	[tilespmem:s8+$0x50] =	vst v0;
	(pc) =	sbr.rel @p0 .LBB2_1-.Ltmp0, $4  }
0xf: {  	[tilespmem:s8+$0x40] =	vst v0  }
0x10: {  	[tilespmem:s8+$0x30] =	vst v0  }
0x11: {  	[tilespmem:s8+$0x20] =	vst v0  }
0x12: {  	[tilespmem:s8+$0x10] =	vst v0  }
0x13: {  	s13 =	stileid.u32  }
0x14: {  	s0 =	simm.s32 $0x1;
	p0 =	sne.s32 s13, $0x0;
	s4 =	smul.u32 $0xD, s13  }
0x15: {  	s0 =	simm.s32 @!p0 $0x0  }
0x16: {  	s0 =	sadd.s32 s0, s4  }
0x17: {  	p1 =	seq.s32 s13, $0x0;
	s6 =	smul.u32 $0xF0, s0;
	s0 =	simm.s32 $0xD20  }
0x18: {  	s0 =	simm.s32 @!p1 $0xC30  }
0x19: {  	s0 =	sadd.s32 s0, s6  }
0x1a: {  	s7 =	smin.u32 s0, $0xC350  }
0x1b: {  	s0 =	ssub.s32 s7, s6  }
0x1c: {  	p1 =	sgt.s32 s0, $0x0  }
0x1d: {  	s0 =	simm.s32 @!p1 $0x0  }
0x1e: {  	s30 =	smul.u32 $0x8889, s0  }
0x1f: {  	s31 =	simm.s32 $0x2;
	s9 =	simm.s32 $0x7;
	s10 =	simm.s32 $0x1  }
0x20: {  	s12 =	simm.s32 $0x8;
	s19 =	simm.s32 $0x0;
	s4 =	sshrl.u32 s30, $0x17  }
0x21: {  	s15 =	simm.s32 $0xA;
	s17 =	simm.s32 $0x0;
	s11 =	smul.u32 $0xF0, s4  }
.Ltmp1:
0x22: {  	[tilespmem:s8+$0x0] =	vst v0;
	v0 =	vimm.s32 $0xFFFFFFFF;
	s18 =	simm.s32 $0x0;
	[sflag:s31] =	ssyncpa.u1 $0x0;
	(pc) =	sbr.rel .LBB2_3-.Ltmp1, $4  }
0x23: {  	[tilespmem:$0xF208] =	vst v0;
	[sflag:s9] =	ssyncpa.u1 $0x0;
	p1 =	sne.s32 s0, s11;
	s0 =	simm.s32 $0x1  }
0x24: {  	s13 =	sshll.u32 s13, $0x8;
	[sflag:s12] =	ssyncpa.u1 $0x0;
	s0 =	simm.s32 @!p1 $0x0  }
0x25: {  	s16 =	smov.u32 s6;
	s11 =	simm.s32 $0x9;
	s12 =	sadd.s32 s4, s0  }
0x26: {  	v0 =	vlaneseq.u32;
	[sflag:s11] =	ssyncpa.u1 $0x0;
	p1 =	por $0x0, $0x0;
	s14 =	sadd.s32 $0x1, s12  }
.LBB2_18:
0x27: {  	s0 =	sshrl.u32 s28, $0x2  }
.LBB2_20:
0x28: {  	_ =	swait.ge [sflag:s15], s0  }
0x29: {  	s31 =	ssub.s32 $0x0, s0;
	v1 =	vmov s21;
	vm0 =	veq.s32 v0, $0x0;
	[sflag:s15] =	ssyncset.done $0x0  }
0x2a: {  	vm15 =	veq.s32 v0, $0x2;
	v1 =	vsel vm0, s26, v1;
	[sflag:s15] =	ssyncadd.s32 s31  }
0x2b: {  	v1 =	vsel vm15, s19, v1;
	[sflag:s15] =	ssyncpa.u1 $0x1  }
0x2c: {  	[tilespmem:$0xF208] =	vst v1  }
.LBB2_21:
0x2d: {  	s0 =	sadd.s32 $0xF0, s16  }
0x2e: {  	s4 =	smov.u32 s6;
	p2 =	slt.s32 s0, s7  }
0x2f: {  	s4 =	smov.u32 @p2 s0;
	p2 =	sne.s32 s18, s14  }
.Ltmp2:
0x30: {  	_ = 	snop;
	(pc) =	sbr.rel @!p2 .LBB2_22-.Ltmp2, $3  }
0x31: {  	_ =	sdelay $0x1  }
0x32: {  	s19 =	smov.u32 s17;
	s31 =	sadd.s32 $0x1, s18;
	s17 =	smov.u32 s16  }
0x33: {  	p1 =	por !p1, !p1;
	s18 =	smov.u32 s31;
	s16 =	smov.u32 s4  }
.LBB2_3:
0x34: {  	p2 =	sge.u32 s18, s12  }
0x35: {  	s0 =	smulhi.u32 @!p2 $0xAAAAAAAB, s18  }
0x36: {  	s4 =	smov.u32 s16;
	p3 =	sgt.s32 @!p2 s16, $0xC260  }
0x37: {  	s20 =	sshra.s32 @!p2 s16, $0x1F;
	p3 =	por !p3, p2;
	s0 =	sshrl.u32 @!p2 s0, $0x1  }
0x38: {  	s20 =	sand.u32 @!p2 s20, s16;
	s4 =	simm.s32 @p3 $0xC260;
	s0 =	smul.u32 @!p2 $0x3, s0  }
0x39: {  	s4 =	ssub.s32 @!p2 s4, s20  }
0x3a: {  	s4 =	sadd.s32 @!p2 $0xFFFF3DA0, s4;
	s0 =	ssub.s32 @!p2 s18, s0  }
0x3b: {  	s20 =	sshll.u32 @!p2 s4, $0x2;
	p3 =	sgt.s32 @!p2 s4, $0xEF;
	s0 =	smul.u32 @!p2 $0x3C0, s0  }
0x3c: {  	s21 =	sand.u32 @!p2 $0x7, s16;
	s4 =	ssub.s32 @!p2 $0x3C0, s20;
	p3 =	por !p3, p2  }
0x3d: {  	s20 =	sshrl.u32 @!p2 s16, $0x3;
	s4 =	sshrl.u32 @!p2 s4, $0x2;
	s0 =	sshrl.u32 @!p2 s0, $0x2  }
0x3e: {  	s20 =	sadd.s32 @!p2 s5, s20;
	s4 =	simm.s32 @!p3 $0x0;
	s0 =	sadd.s32 @!p2 $0x10238, s0  }
0x3f: {  	[tilespmem:s0], [sflag:$0x8] =	stream.linear.gather @!p2 [hbm4b:s20+s21], s4, $0x38;
	[tilespmem:$0x1F6E8] =	vst v63  }
0x40: {  	s0 =	sadd.s32 $0xFFFFFFFF, s18  }
0x41: {  	p2 =	sge.u32 s0, s12  }
0x42: {  	p3 =	sgt.s32 @!p2 s17, $0xC260  }
0x43: {  	s4 =	smov.u32 s17;
	s20 =	sshra.s32 @!p2 s17, $0x1F;
	p3 =	por !p3, p2  }
0x44: {  	s20 =	sand.u32 @!p2 s20, s17;
	s4 =	simm.s32 @p3 $0xC260  }
0x45: {  	s4 =	ssub.s32 @!p2 s4, s20  }
0x46: {  	s4 =	sadd.s32 @!p2 $0xFFFF3DA0, s4  }
0x47: {  	s21 =	sand.u32 @!p2 $0x1, s0;
	s20 =	sshll.u32 @!p2 s4, $0x2  }
0x48: {  	p3 =	sgt.s32 @!p2 s4, $0xEF;
	s4 =	ssub.s32 @!p2 $0x3C0, s20;
	s20 =	smulhi.u32 @!p2 $0xAAAAAAAB, s0  }
0x49: {  	s23 =	smul.u32 @!p2 $0x3C0, s21;
	p3 =	por !p3, p2;
	s4 =	sshrl.u32 @!p2 s4, $0x2  }
0x4a: {  	s22 =	simm.s32 @!p2 $0x8;
	s4 =	simm.s32 @!p3 $0x0;
	s20 =	sshrl.u32 @!p2 s20, $0x1  }
0x4b: {  	s23 =	sshrl.u32 @!p2 s23, $0x2;
	_ =	swait.ge @!p2 [sflag:s22], s4;
	s20 =	smul.u32 @!p2 $0x3, s20  }
0x4c: {  	s23 =	sor.u32 @!p2 $0x10508, s23;
	s24 =	ssub.s32 @!p2 $0x0, s4;
	[sflag:s22] =	ssyncset.done @!p2 $0x0  }
0x4d: {  	[sflag:s22] =	ssyncadd.s32 @!p2 s24;
	s22 =	sshrl.u32 @!p2 s17, $0x3;
	s0 =	ssub.s32 @!p2 s0, s20  }
0x4e: {  	s24 =	sand.u32 @!p2 $0x7, s17;
	s22 =	sadd.s32 @!p2 s2, s22;
	s0 =	smul.u32 @!p2 $0x3C0, s0  }
0x4f: {  	[tilespmem:s23], [sflag:$0x9] =	stream.linear.gather @!p2 [hbm4b:s22+s24], s4, $0x38;
	[tilespmem:$0x1F6E8] =	vst v63  }
0x50: {  	s20 =	ssub.s32 @!p2 $0xC350, s17;
	s4 =	smul.u32 @!p2 $0x1E000, s21  }
0x51: {  	p3 =	slt.s32 @!p2 s20, $0xF0  }
0x52: {  	p3 =	por !p3, p2;
	s0 =	sshrl.u32 @!p2 s0, $0x2;
	s4 =	sshrl.u32 @!p2 s4, $0x2  }
0x53: {  	s20 =	simm.s32 @p3 $0xF0;
	s0 =	sadd.s32 @!p2 $0x10238, s0;
	s4 =	sor.u32 @!p2 $0x106E8, s4  }
0x54: {  	[tilespmem:s4], [sflag:$0x7] =	stream.indirect.gather @!p2 [hbm4b:s3+s20], $0x80, s0, s20, $0xb8;
	[tilespmem:$0x1F6E8] =	vst v63  }
0x55: {  	p2 =	slt.u32 s18, $0x2  }
.Ltmp3:
0x56: {  	_ = 	snop;
	(pc) =	sbr.rel @p2 .LBB2_21-.Ltmp3, $1  }
0x57: {  	_ =	sdelay $0x3  }
0x58: {  	p2 =	sgt.s32 s19, $0xC260;
	s0 =	smov.u32 s19  }
0x59: {  	s4 =	sshra.s32 s19, $0x1F;
	s20 =	ssub.s32 $0xC350, s19;
	s0 =	simm.s32 @!p2 $0xC260  }
0x5a: {  	s4 =	sand.u32 s4, s19;
	p2 =	slt.s32 s20, $0xF0;
	s21 =	smov.u32 s20  }
0x5b: {  	s0 =	ssub.s32 s0, s4;
	s21 =	simm.s32 @!p2 $0xF0  }
0x5c: {  	s0 =	sadd.s32 $0xFFFF3DA0, s0;
	s28 =	sshll.u32 s21, $0x7  }
0x5d: {  	s29 =	sshll.u32 s0, $0x2;
	s4 =	sand.u32 $0x3FFFFF80, s28  }
0x5e: {  	p2 =	sgt.s32 s0, $0xEF;
	s30 =	ssub.s32 $0x3C0, s29;
	_ =	swait.ge [sflag:s9], s4  }
0x5f: {  	s4 =	ssub.s32 $0x0, s4;
	[sflag:s9] =	ssyncset.done $0x0;
	s0 =	sshrl.u32 s30, $0x2  }
0x60: {  	[sflag:s9] =	ssyncadd.s32 s4;
	s0 =	simm.s32 @p2 $0x0  }
0x61: {  	_ =	swait.ge [sflag:s11], s0  }
0x62: {  	s0 =	ssub.s32 $0x0, s0;
	[sflag:s11] =	ssyncset.done $0x0  }
0x63: {  	[sflag:s11] =	ssyncadd.s32 s0  }
0x64: {  	v1 =	vld [tilespmem:$0xF208];
	_ =	sdelay $0x4  }
0x65: {  	(v2sf) =	vpush v1, $0x0  }
0x66: {  	(v2sf) =	vpush v1, $0x1  }
0x67: {  	(v2sf) =	vpush v1, $0x2;
	_ =	sdelay $0x3  }
0x68: {  	s0 =	sadd.s32 $0xF0, s19  }
0x69: {  	p2 =	slt.s32 s7, s0  }
0x6a: {  	s0 =	smov.u32 @p2 s7;
	p2 =	sgt.s32 s20, $0x0  }
0x6b: {  	s23 =	ssub.s32 s0, s19;
	s20 =	simm.s32 @!p2 $0x0  }
0x6c: {  	p2 =	slt.s32 s20, s23  }
0x6d: {  	s23 =	smov.u32 @p2 s20  }
0x6e: {  	s22 =	simm.s32 $0x1;
	p2 =	slt.s32 s23, $0x1  }
.Ltmp4:
0x6f: {  	s22 =	simm.s32 @!p1 $0x0;
	(pc) =	sbr.rel @p2 .LBB2_8-.Ltmp4, $4  }
0x70: {  	s31 =	smul.u32 $0x3C0, s22  }
0x71: {  	s24 =	spop (v2sf)  }
0x72: {  	s0 =	sshrl.u32 s31, $0x2;
	s26 =	spop (v2sf)  }
0x73: {  	s20 =	sor.u32 $0x10508, s0;
	s19 =	spop (v2sf)  }
0x74: {  	s0 =	smin.u32 s23, $0x10  }
0x75: {  	v1 =	vmov s0  }
0x76: {  	p3 =	sgt.s32 s23, $0x10;
	vm1 =	vgt.u32 v1, v0  }
.Ltmp5:
0x77: {  	_ = 	snop;
	(pc) =	sbr.rel @!p3 .LBB2_7-.Ltmp5, $2  }
0x78: {  	_ =	sdelay $0x2  }
0x79: {  	s25 =	simm.s32 $0x10;
	s28 =	sadd.s32 $0xFFFFFFF0, s23;
	s21 =	smov.u32 s20;
	vm0 =	vmmov vm1  }
.LBB2_6:
0x7a: {  	s0 =	smin.u32 s28, $0x10;
	s25 =	sadd.s32 $0x10, s25;
	v1 =	vld.msk [tilespmem:s21+$0x0 ss:$0x1], vm1  }
0x7b: {  	v2 =	vmov s0;
	p3 =	slt.s32 s25, s23  }
0x7c: {  	vm1 =	vgt.u32 v2, v0  }
.Ltmp6:
0x7d: {  	(pc) =	sbr.rel @p3 .LBB2_6-.Ltmp6, $3  }
0x7e: {  	_ =	sdelay $0x1  }
0x7f: {  	v1 =	vshll.u32 v1, $0x4  }
0x80: {  	s28 =	sadd.s32 $0xFFFFFFF0, s28;
	[tilespmem:s21+$0x0] =	vst.msk vm0, v1;
	s21 =	sadd.s32 $0x10, s21;
	vm0 =	vmmov vm1  }
.LBB2_7:
0x81: {  	_ =	sdelay $0x4  }
0x82: {  	v1 =	vld.msk [tilespmem:s21+$0x0 ss:$0x1], vm1;
	_ =	sdelay $0x4  }
0x83: {  	v1 =	vshll.u32 v1, $0x4  }
0x84: {  	[tilespmem:s21+$0x0] =	vst.msk vm0, v1  }
.LBB2_8:
0x85: {  	s0 =	sand.u32 $0x1, s18  }
0x86: {  	s0 =	smul.u32 $0xF0, s0  }
0x87: {  	p3 =	sne.s32 s26, $0xFFFFFFFF  }
0x88: {  	v1 =	vld.msk @!p3 [tilespmem:s0+$0x10508], $0x1;
	_ =	sdelay $0x4  }
0x89: {  	(v2sf) =	vpush @!p3 v1, $0x0;
	_ =	sdelay $0xc  }
.Ltmp7:
0x8a: {  	_ = 	snop;
	(pc) =	sbr.rel @p2 .LBB2_19-.Ltmp7, $4  }
0x8b: {  	_ = 	snop  }
0x8c: {  	s25 =	spop @!p3 (v2sf)  }
0x8d: {  	s19 =	simm.s32 @!p3 $0x0;
	s21 =	smov.u32 s25  }
0x8e: {  	[sflag:s15] =	ssyncpa.u1 $0x0;
	s25 =	smov.u32 @p3 s24;
	s21 =	smov.u32 @p3 s26  }
0x8f: {  	v1 =	vld.msk [tilespmem:s20+$0x0], $0x1;
	_ =	sdelay $0x4  }
0x90: {  	(v2sf) =	vpush v1, $0x0;
	_ =	sdelay $0xe  }
0x91: {  	s0 =	smul.u32 $0x1E000, s22;
	s29 =	spop (v2sf)  }
0x92: {  	s23 =	ssub.s32 $0x0, s23;
	p2 =	seq.s32 s25, s29  }
0x93: {  	s26 =	sadd.s32 $0x1, s23;
	s0 =	sshrl.u32 s0, $0x2;
	p3 =	sgt.s32 @!p2 s25, $0x0  }
0x94: {  	s22 =	sor.u32 $0x10728, s0;
	s0 =	smov.u32 s25;
	p3 =	por !p3, p2  }
0x95: {  	s0 =	simm.s32 @p3 $0x0;
	p3 =	seq.s32 s26, $0x0  }
.Ltmp8:
0x96: {  	_ = 	snop;
	(pc) =	sbr.rel @p3 .LBB2_11-.Ltmp8, $4  }
0x97: {  	_ = 	snop  }
0x98: {  	s24 =	simm.s32 $0x0;
	s28 =	sadd.s32 $0x1, s20;
	s0 =	smin.u32 @!p2 s0, $0xC34F0  }
0x99: {  	s30 =	simm.s32 @!p2 $0x1;
	s31 =	simm.s32 @!p2 $0x7988;
	s4 =	sand.u32 @!p2 $0xFFFF8, s0  }
0x9a: {  	s30 =	smov.u32 @p2 s24;
	s0 =	sand.u32 @!p2 $0x7, s0;
	s4 =	sadd.s32 @!p2 s1, s4  }
.LBB2_10:
0x9b: {  	s8 =	smov.u32 s30  }
0x9c: {  	[tilespmem:s31], [sflag:$0x2] =	stream.linear.gather @!p2 [hbm4b:s4+s0], $0x80, $0x38;
	[tilespmem:$0x1F6E8] =	vst v63  }
0x9d: {  	s26 =	sadd.s32 $0x1, s26;
	s0 =	smov.u32 s29;
	v1 =	vld.msk [tilespmem:s28+$0x0], $0x1  }
0x9e: {  	p3 =	seq.s32 s26, $0x0;
	_ =	sdelay $0x3  }
0x9f: {  	(v2sf) =	vpush v1, $0x0;
	_ =	sdelay $0xe  }
0xa0: {  	s29 =	spop (v2sf)  }
0xa1: {  	p2 =	seq.s32 s0, s29  }
0xa2: {  	p4 =	sgt.s32 @!p2 s0, $0x0;
	s4 =	sshll.u32 @!p2 s30, $0x9;
	s30 =	sadd.s32 @!p2 $0x1, s30  }
.Ltmp9:
0xa3: {  	p4 =	por !p4, p2;
	s4 =	sshra.s32 @!p2 s4, $0x2;
	(pc) =	sbr.rel @!p3 .LBB2_10-.Ltmp9, $4  }
0xa4: {  	s30 =	smov.u32 @p2 s8;
	s0 =	simm.s32 @p4 $0x0;
	s31 =	sadd.s32 @!p2 $0x7988, s4  }
0xa5: {  	s0 =	smin.u32 @!p2 s0, $0xC34F0  }
0xa6: {  	s4 =	sand.u32 @!p2 $0xFFFF8, s0;
	s0 =	sand.u32 @!p2 $0x7, s0  }
0xa7: {  	s28 =	sadd.s32 $0x1, s28;
	s4 =	sadd.s32 @!p2 s1, s4  }
.LBB2_11:
0xa8: {  	[tilespmem:s31], [sflag:$0x2] =	stream.linear.gather @!p2 [hbm4b:s4+s0], $0x80, $0x38;
	[tilespmem:$0x1F6E8] =	vst v63  }
.Ltmp10:
0xa9: {  	s30 =	sshll.u32 s30, $0x7;
	(pc) =	sbr.rel .LBB2_12-.Ltmp10, $4  }
0xaa: {  	s31 =	simm.s32 $0x2;
	s0 =	sand.u32 $0x3FFFFF80, s30  }
0xab: {  	_ =	swait.ge [sflag:s31], s0  }
0xac: {  	s0 =	ssub.s32 $0x0, s0;
	[sflag:s31] =	ssyncset.done $0x0  }
0xad: {  	s28 =	simm.s32 $0x0;
	[sflag:s31] =	ssyncadd.s32 s0  }
.LBB2_13:
0xae: {  	v1 =	vld [tilespmem:s22+$0xFFFFFFC0];
	_ =	sdelay $0x3  }
0xaf: {  	s0 =	sshra.s32 s0, $0x2  }
0xb0: {  	[tilespmem:s0+$0x108] =	vst.add.f32.msk $0xffff, v1  }
0xb1: {  	v1 =	vld [tilespmem:s22+$0xFFFFFFD0];
	_ =	sdelay $0x4  }
0xb2: {  	[tilespmem:s0+$0x118] =	vst.add.f32.msk $0xffff, v1  }
0xb3: {  	v1 =	vld [tilespmem:s22+$0xFFFFFFE0];
	_ =	sdelay $0x4  }
0xb4: {  	[tilespmem:s0+$0x128] =	vst.add.f32.msk $0xffff, v1  }
0xb5: {  	v1 =	vld [tilespmem:s22+$0xFFFFFFF0];
	_ =	sdelay $0x4  }
0xb6: {  	[tilespmem:s0+$0x138] =	vst.add.f32.msk $0xffff, v1  }
0xb7: {  	v1 =	vld [tilespmem:s22+$0x0];
	_ =	sdelay $0x4  }
0xb8: {  	[tilespmem:s0+$0x148] =	vst.add.f32.msk $0xffff, v1  }
0xb9: {  	v1 =	vld [tilespmem:s22+$0x10];
	_ =	sdelay $0x4  }
0xba: {  	[tilespmem:s0+$0x158] =	vst.add.f32.msk $0xffff, v1  }
0xbb: {  	v1 =	vld [tilespmem:s22+$0x20];
	_ =	sdelay $0x4  }
0xbc: {  	[tilespmem:s0+$0x168] =	vst.add.f32.msk $0xffff, v1  }
0xbd: {  	v1 =	vld [tilespmem:s22+$0x30];
	_ =	sdelay $0x4  }
0xbe: {  	[tilespmem:s0+$0x178] =	vst.add.f32.msk $0xffff, v1  }
.LBB2_17:
0xbf: {  	s23 =	sadd.s32 $0x1, s23  }
0xc0: {  	p2 =	seq.s32 s23, $0x0  }
.Ltmp11:
0xc1: {  	_ = 	snop;
	(pc) =	sbr.rel @p2 .LBB2_18-.Ltmp11, $2  }
0xc2: {  	_ =	sdelay $0x2  }
0xc3: {  	s20 =	sadd.s32 $0x1, s20;
	s22 =	sadd.s32 $0x80, s22;
	s25 =	smov.u32 s26  }
.LBB2_12:
0xc4: {  	v1 =	vld.msk [tilespmem:s20+$0x0], $0x1;
	_ =	sdelay $0x4  }
0xc5: {  	(v2sf) =	vpush v1, $0x0;
	_ =	sdelay $0xe  }
0xc6: {  	s26 =	spop (v2sf)  }
0xc7: {  	p2 =	sne.s32 s25, s26  }
.Ltmp12:
0xc8: {  	_ = 	snop;
	(pc) =	sbr.rel @!p2 .LBB2_13-.Ltmp12, $2  }
0xc9: {  	_ =	sdelay $0x2  }
0xca: {  	s0 =	sshll.u32 s19, $0x9  }
0xcb: {  	p2 =	seq.s32 s25, s21  }
.Ltmp13:
0xcc: {  	_ = 	snop;
	(pc) =	sbr.rel @!p2 .LBB2_15-.Ltmp13, $1  }
0xcd: {  	_ =	sdelay $0x3  }
0xce: {  	s0 =	sshra.s32 s0, $0x2  }
.Ltmp14:
0xcf: {  	s0 =	sadd.s32 $0x108, s0;
	(pc) =	sbr.rel .LBB2_16-.Ltmp14, $4  }
0xd0: {  	[spmem:s13] =	stream.linear.scatter [tilespmem:s0], [sflag:$0x1], $0x80, $0x38;
	[tilespmem:$0x1F6E8] =	vst v63  }
0xd1: {  	_ =	swait.ge [sflag:s10], $0x80  }
0xd2: {  	[sflag:s10] =	ssyncset.done $0x0  }
0xd3: {  	[sflag:s10] =	ssyncadd.s32 $0xFFFFFF80  }
.LBB2_15:
0xd4: {  	s4 =	sshll.u32 s24, $0x9  }
0xd5: {  	s4 =	sshra.s32 s4, $0x2  }
0xd6: {  	v1 =	vld [tilespmem:s4+$0x7988];
	_ =	sdelay $0x3  }
0xd7: {  	s0 =	sshra.s32 s0, $0x2  }
0xd8: {  	[tilespmem:s0+$0x108] =	vst.add.f32.msk $0xffff, v1  }
0xd9: {  	v1 =	vld [tilespmem:s4+$0x7998];
	_ =	sdelay $0x4  }
0xda: {  	[tilespmem:s0+$0x118] =	vst.add.f32.msk $0xffff, v1  }
0xdb: {  	v1 =	vld [tilespmem:s4+$0x79A8];
	_ =	sdelay $0x4  }
0xdc: {  	[tilespmem:s0+$0x128] =	vst.add.f32.msk $0xffff, v1  }
0xdd: {  	v1 =	vld [tilespmem:s4+$0x79B8];
	_ =	sdelay $0x4  }
0xde: {  	[tilespmem:s0+$0x138] =	vst.add.f32.msk $0xffff, v1  }
0xdf: {  	v1 =	vld [tilespmem:s4+$0x79C8];
	_ =	sdelay $0x4  }
0xe0: {  	[tilespmem:s0+$0x148] =	vst.add.f32.msk $0xffff, v1  }
0xe1: {  	v1 =	vld [tilespmem:s4+$0x79D8];
	_ =	sdelay $0x4  }
0xe2: {  	[tilespmem:s0+$0x158] =	vst.add.f32.msk $0xffff, v1  }
0xe3: {  	v1 =	vld [tilespmem:s4+$0x79E8];
	_ =	sdelay $0x4  }
0xe4: {  	[tilespmem:s0+$0x168] =	vst.add.f32.msk $0xffff, v1  }
0xe5: {  	v1 =	vld [tilespmem:s4+$0x79F8];
	_ =	sdelay $0x2  }
0xe6: {  	p2 =	sgt.u32 s25, $0xC34F0  }
0xe7: {  	s4 =	sand.u32 @!p2 $0xFFFF8, s25  }
0xe8: {  	s8 =	sadd.s32 $0x108, s0;
	[tilespmem:s0+$0x178] =	vst.add.f32.msk $0xffff, v1;
	s0 =	sadd.s32 @!p2 s1, s4;
	s4 =	sand.u32 @!p2 $0x7, s25  }
0xe9: {  	[hbm4b:s0+s4] =	stream.linear.scatter @!p2 [tilespmem:s8], [sflag:$0xA], $0x80, $0x38;
	[tilespmem:$0x1F6E8] =	vst v63  }
0xea: {  	s0 =	simm.s32 $0x0  }
0xeb: {  	s0 =	simm.s32 @!p2 $0x200  }
0xec: {  	s28 =	sadd.s32 s0, s28  }
.LBB2_16:
0xed: {  	s0 =	sadd.s32 $0x1, s19  }
0xee: {  	s4 =	smulhi.u32 $0x88888889, s0;
	_ =	sdelay $0x1  }
0xef: {  	v1 =	vld [tilespmem:s22+$0xFFFFFFC0];
	s4 =	sshrl.u32 s4, $0x7  }
0xf0: {  	s4 =	smul.u32 $0xF0, s4;
	_ =	sdelay $0x1  }
0xf1: {  	s19 =	ssub.s32 s0, s4  }
0xf2: {  	s0 =	sshll.u32 s19, $0x7  }
0xf3: {  	[tilespmem:s0+$0x108] =	vst v1  }
0xf4: {  	v1 =	vld [tilespmem:s22+$0xFFFFFFD0];
	_ =	sdelay $0x4  }
0xf5: {  	[tilespmem:s0+$0x118] =	vst v1  }
0xf6: {  	v1 =	vld [tilespmem:s22+$0xFFFFFFE0];
	_ =	sdelay $0x4  }
0xf7: {  	[tilespmem:s0+$0x128] =	vst v1  }
0xf8: {  	v1 =	vld [tilespmem:s22+$0xFFFFFFF0];
	_ =	sdelay $0x4  }
0xf9: {  	[tilespmem:s0+$0x138] =	vst v1  }
0xfa: {  	v1 =	vld [tilespmem:s22+$0x0];
	_ =	sdelay $0x4  }
0xfb: {  	[tilespmem:s0+$0x148] =	vst v1  }
0xfc: {  	v1 =	vld [tilespmem:s22+$0x10];
	_ =	sdelay $0x4  }
0xfd: {  	[tilespmem:s0+$0x158] =	vst v1  }
0xfe: {  	v1 =	vld [tilespmem:s22+$0x20];
	_ =	sdelay $0x4  }
0xff: {  	[tilespmem:s0+$0x168] =	vst v1  }
0x100: {  	v1 =	vld [tilespmem:s22+$0x30]  }
.Ltmp15:
0x101: {  	_ = 	snop;
	(pc) =	sbr.rel .LBB2_17-.Ltmp15, $2  }
0x102: {  	_ =	sdelay $0x2  }
0x103: {  	s24 =	sadd.s32 $0x1, s24;
	[tilespmem:s0+$0x178] =	vst v1  }
.LBB2_19:
.Ltmp16:
0x104: {  	(pc) =	sbr.rel .LBB2_20-.Ltmp16, $4  }
0x105: {  	_ = 	snop  }
0x106: {  	s0 =	simm.s32 $0x2  }
0x107: {  	_ =	swait.ge [sflag:s0], $0x0  }
0x108: {  	s26 =	smov.u32 s25;
	[sflag:s0] =	ssyncset.done $0x0;
	s0 =	simm.s32 $0x0  }
.LBB2_22:
0x109: {  	_ =	sfence.sel $0x180000  }
0x10a: {  	s0 =	simm.s32 $0x7;
	[bflag:$0x0] =	sbarrier.arrive $0xFFFF  }
0x10b: {  	s24 =	simm.s32 $0x8;
	[sflag:s0] =	ssyncpa.u1 $0x1  }
0x10c: {  	s25 =	simm.s32 $0x9;
	[sflag:s24] =	ssyncpa.u1 $0x1  }
0x10d: {  	s26 =	simm.s32 $0x2;
	[sflag:s25] =	ssyncpa.u1 $0x1  }
0x10e: {  	[sflag:s26] =	ssyncpa.u1 $0x1  }
0x10f: {  	v0 =	vld [tilespmem:$0xF208];
	_ =	sdelay $0x4  }
0x110: {  	(v2sf) =	vpush v0, $0x0  }
0x111: {  	(v2sf) =	vpush v0, $0x1;
	_ =	sdelay $0x1  }
0x112: {  	(v2sf) =	vpush v0, $0x2;
	_ =	sdelay $0xb  }
0x113: {  	s0 =	spop (v2sf)  }
0x114: {  	s2 =	spop (v2sf)  }
0x115: {  	s3 =	smov.u32 s0;
	p1 =	sne.s32 s0, s2  }
0x116: {  	s4 =	spop (v2sf);
	s3 =	simm.s32 @!p1 $0xFFFFFFFF  }
0x117: {  	v2 =	vimm.s32 $0x1;
	v3 =	vlaneseq.u32;
	p1 =	seq.s32 s4, $0xFFFFFFFF;
	v1 =	vmov s3  }
0x118: {  	s28 =	stileid.u32;
	v0 =	vperm.xlane v0, v2;
	p2 =	sne.s32 @!p1 s0, s2;
	v1 =	vperm.xlane v1, v3  }
0x119: {  	vm0 =	vcmask $0x3F04;
	s6 =	simm.s32 $0xF208;
	s0 =	simm.s32 @!p1 $0x1;
	p2 =	por !p2, p1  }
0x11a: {  	s3 =	sshll.u32 s28, $0x1;
	s2 =	sshll.u32 @!p1 s4, $0x9;
	s0 =	simm.s32 @p2 $0x0;
	v0 =	vsel vm0, v1, v0  }
0x11b: {  	s5 =	sor.u32 $0x1000, s3;
	s2 =	sshra.s32 @!p1 s2, $0x2;
	s0 =	sor.u32 @!p1 s0, s3;
	[tilespmem:$0xF208] =	vst v0  }
0x11c: {  	[spmem:s5] =	stream.linear.scatter [tilespmem:s6], [sflag:$0x1], $0x2, $0x38;
	[tilespmem:$0x1F6E8] =	vst v63  }
0x11d: {  	s2 =	sadd.s32 @!p1 $0x108, s2;
	s0 =	sshll.u32 @!p1 s0, $0x7  }
0x11e: {  	[spmem:s0] =	stream.linear.scatter @!p1 [tilespmem:s2], [sflag:$0x1], $0x80, $0x38;
	[tilespmem:$0x1F6E8] =	vst v63  }
0x11f: {  	s0 =	simm.s32 @!p1 $0x82  }
0x120: {  	s2 =	simm.s32 $0x1;
	s0 =	simm.s32 @p1 $0x2  }
0x121: {  	_ =	swait.ge [sflag:s2], s0  }
0x122: {  	s0 =	ssub.s32 $0x0, s0;
	[sflag:s2] =	ssyncset.done $0x0  }
0x123: {  	[sflag:s2] =	ssyncadd.s32 s0  }
0x124: {  	_ =	sfence.stream.spmem  }
0x125: {  	s29 =	simm.s32 $0x3;
	[bflag:$0x0] =	sbarrier.arrive $0xFFFF  }
0x126: {  	s30 =	simm.s32 $0x4;
	[sflag:s29] =	ssyncpa.u1 $0x1  }
0x127: {  	s31 =	simm.s32 $0x3C;
	[sflag:s30] =	ssyncpa.u1 $0x1  }
0x128: {  	[sflag:s31] =	ssyncpa.u1 $0x1  }
0x129: {  	_ =	sfence @p0  }
0x12a: {  	[sflag:s2] =	ssyncpa.u1 @p0 $0x1  }
0x12b: {  	_ =	strace @p0 $0x9000004D  }
0x12c: {  	[bflag:$0x2] =	sbarrier.arrive @p0 $0xFFFF  }
0x12d: {  	_ =	shalt @p0  }
.LBB2_23:
0x12e: {  	_ =	sfence.stream.spmem;
	s0 =	simm.s32 $0x5  }
0x12f: {  	s2 =	simm.s32 $0x1000;
	s3 =	simm.s32 $0xF218;
	[sflag:s0] =	ssyncpa.u1 $0x0  }
0x130: {  	[tilespmem:s3], [sflag:$0x5] =	stream.linear.gather [spmem:s2], $0x20, $0x38;
	[tilespmem:$0x1F6E8] =	vst v63  }
0x131: {  	s30 =	simm.s32 $0xF238;
	s2 =	simm.s32 $0x0  }
0x132: {  	[tilespmem:s30], [sflag:$0x5] =	stream.linear.gather [spmem:s2], $0x1000, $0x38;
	[tilespmem:$0x1F6E8] =	vst v63  }
.Ltmp17:
0x133: {  	_ = 	snop;
	(pc) =	sbr.rel .LBB2_24-.Ltmp17, $4  }
0x134: {  	_ =	swait.ge [sflag:s0], $0x1020  }
0x135: {  	[sflag:s0] =	ssyncset.done $0x0  }
0x136: {  	s31 =	simm.s32 $0x6;
	[sflag:s0] =	ssyncadd.s32 $0xFFFFEFE0  }
0x137: {  	s3 =	simm.s32 $0x0;
	[sflag:s31] =	ssyncpa.u1 $0x0  }
.LBB2_30:
0x138: {  	p0 =	slt.u32 s4, $0xC34F1  }
0x139: {  	s0 =	sand.u32 @p0 $0xFFFF8, s4  }
0x13a: {  	s4 =	sand.u32 @p0 $0x7, s4;
	s5 =	simm.s32 @p0 $0xF188;
	s0 =	sadd.s32 @p0 s1, s0  }
0x13b: {  	[tilespmem:s5], [sflag:$0x6] =	stream.linear.gather @p0 [hbm4b:s0+s4], $0x80, $0x38;
	[tilespmem:$0x1F6E8] =	vst v63  }
0x13c: {  	s0 =	simm.s32 @p0 $0x6  }
0x13d: {  	_ =	swait.ge @p0 [sflag:s0], $0x80  }
0x13e: {  	[sflag:s0] =	ssyncset.done @p0 $0x0  }
0x13f: {  	[sflag:s0] =	ssyncadd.s32 @p0 $0xFFFFFF80  }
0x140: {  	v1 =	vld @p0 [tilespmem:$0xF188];
	_ =	sdelay $0x2  }
0x141: {  	s0 =	sshll.u32 @p0 s3, $0x9  }
0x142: {  	s4 =	sshrl.u32 @p0 s0, $0x2  }
0x143: {  	[tilespmem:s4+$0xF238] =	vst.add.f32.msk @p0 $0xffff, v1  }
0x144: {  	v1 =	vld @p0 [tilespmem:$0xF198];
	_ =	sdelay $0x4  }
0x145: {  	[tilespmem:s4+$0xF248] =	vst.add.f32.msk @p0 $0xffff, v1  }
0x146: {  	v1 =	vld @p0 [tilespmem:$0xF1A8];
	_ =	sdelay $0x4  }
0x147: {  	[tilespmem:s4+$0xF258] =	vst.add.f32.msk @p0 $0xffff, v1  }
0x148: {  	v1 =	vld @p0 [tilespmem:$0xF1B8];
	_ =	sdelay $0x4  }
0x149: {  	[tilespmem:s4+$0xF268] =	vst.add.f32.msk @p0 $0xffff, v1  }
0x14a: {  	v1 =	vld @p0 [tilespmem:$0xF1C8];
	_ =	sdelay $0x4  }
0x14b: {  	[tilespmem:s4+$0xF278] =	vst.add.f32.msk @p0 $0xffff, v1  }
0x14c: {  	v1 =	vld @p0 [tilespmem:$0xF1D8];
	_ =	sdelay $0x4  }
0x14d: {  	[tilespmem:s4+$0xF288] =	vst.add.f32.msk @p0 $0xffff, v1  }
0x14e: {  	v1 =	vld @p0 [tilespmem:$0xF1E8];
	_ =	sdelay $0x4  }
0x14f: {  	[tilespmem:s4+$0xF298] =	vst.add.f32.msk @p0 $0xffff, v1  }
0x150: {  	v1 =	vld @p0 [tilespmem:$0xF1F8];
	_ =	sdelay $0x3  }
0x151: {  	s5 =	sshll.u32 @!p0 s3, $0x9  }
0x152: {  	s5 =	smov.u32 @p0 s0;
	[tilespmem:s4+$0xF2A8] =	vst.add.f32.msk @p0 $0xffff, v1  }
0x153: {  	s0 =	sshrl.u32 s5, $0x2;
	[tilespmem:s2+$0xF218] =	vst.msk $0x1, v0  }
0x154: {  	v0 =	vld [tilespmem:s0+$0xF238];
	_ =	sdelay $0x2  }
0x155: {  	s31 =	sshll.u32 s2, $0x9  }
0x156: {  	s4 =	sshra.s32 s31, $0x2  }
0x157: {  	[tilespmem:s4+$0xF238] =	vst v0  }
0x158: {  	v0 =	vld [tilespmem:s0+$0xF248];
	_ =	sdelay $0x4  }
0x159: {  	[tilespmem:s4+$0xF248] =	vst v0  }
0x15a: {  	v0 =	vld [tilespmem:s0+$0xF258];
	_ =	sdelay $0x4  }
0x15b: {  	[tilespmem:s4+$0xF258] =	vst v0  }
0x15c: {  	v0 =	vld [tilespmem:s0+$0xF268];
	_ =	sdelay $0x4  }
0x15d: {  	[tilespmem:s4+$0xF268] =	vst v0  }
0x15e: {  	v0 =	vld [tilespmem:s0+$0xF278];
	_ =	sdelay $0x4  }
0x15f: {  	[tilespmem:s4+$0xF278] =	vst v0  }
0x160: {  	v0 =	vld [tilespmem:s0+$0xF288];
	_ =	sdelay $0x4  }
0x161: {  	[tilespmem:s4+$0xF288] =	vst v0  }
0x162: {  	v0 =	vld [tilespmem:s0+$0xF298];
	_ =	sdelay $0x4  }
0x163: {  	[tilespmem:s4+$0xF298] =	vst v0  }
0x164: {  	v0 =	vld [tilespmem:s0+$0xF2A8];
	_ =	sdelay $0x4  }
0x165: {  	s2 =	sadd.s32 $0x1, s2;
	[tilespmem:s4+$0xF2A8] =	vst v0  }
.LBB2_31:
0x166: {  	s3 =	sadd.s32 $0x1, s3  }
0x167: {  	p0 =	sne.s32 s3, $0x20  }
.Ltmp18:
0x168: {  	_ = 	snop;
	(pc) =	sbr.rel @!p0 .LBB2_32-.Ltmp18, $1  }
0x169: {  	_ =	sdelay $0x3  }
.LBB2_24:
0x16a: {  	v0 =	vld.msk [tilespmem:s3+$0xF218], $0x1;
	_ =	sdelay $0x4  }
0x16b: {  	(v2sf) =	vpush v0, $0x0;
	_ =	sdelay $0xe  }
0x16c: {  	s4 =	spop (v2sf)  }
0x16d: {  	p0 =	seq.s32 s4, $0xFFFFFFFF  }
.Ltmp19:
0x16e: {  	_ = 	snop;
	(pc) =	sbr.rel @p0 .LBB2_31-.Ltmp19, $1  }
0x16f: {  	_ =	sdelay $0x3  }
0x170: {  	p0 =	slt.s32 s2, $0x1  }
.Ltmp20:
0x171: {  	_ = 	snop;
	(pc) =	sbr.rel @p0 .LBB2_30-.Ltmp20, $1  }
0x172: {  	_ =	sdelay $0x3  }
0x173: {  	s5 =	simm.s32 $0xF218;
	p0 =	por $0x0, $0x0  }
0x174: {  	v1 =	vld.msk @!p0 [tilespmem:s5+$0x0], $0x1;
	_ =	sdelay $0x4  }
0x175: {  	(v2sf) =	vpush @!p0 v1, $0x0;
	_ =	sdelay $0xd  }
0x176: {  	p2 =	sne.s32 s2, $0x1  }
.Ltmp21:
0x177: {  	s0 =	spop @!p0 (v2sf);
	(pc) =	sbr.rel @!p2 .LBB2_28-.Ltmp21, $4  }
0x178: {  	p1 =	seq.s32 @!p0 s4, s0  }
0x179: {  	s6 =	simm.s32 $0x0;
	p1 =	por !p1, p0  }
0x17a: {  	s0 =	simm.s32 $0xFFFFFFFF;
	s6 =	simm.s32 @p1 $0xFFFFFFFF  }
0x17b: {  	s7 =	simm.s32 $0x1;
	s6 =	smov.u32 @p0 s0  }
.LBB2_27:
0x17c: {  	s0 =	smov.u32 s6;
	p0 =	sne.s32 s6, $0xFFFFFFFF  }
0x17d: {  	s5 =	sadd.s32 $0x1, s5;
	s6 =	smov.u32 s7;
	s7 =	sadd.s32 $0x1, s7  }
0x17e: {  	p1 =	sne.s32 s2, s7;
	v1 =	vld.msk @!p0 [tilespmem:s5+$0x0], $0x1;
	_ =	sdelay $0x4  }
0x17f: {  	(v2sf) =	vpush @!p0 v1, $0x0;
	_ =	sdelay $0xe  }
.Ltmp22:
0x180: {  	s8 =	spop @!p0 (v2sf);
	(pc) =	sbr.rel @p1 .LBB2_27-.Ltmp22, $4  }
0x181: {  	p2 =	seq.s32 @!p0 s4, s8  }
0x182: {  	p2 =	por !p2, p0  }
0x183: {  	s6 =	simm.s32 @p2 $0xFFFFFFFF  }
0x184: {  	s6 =	smov.u32 @p0 s0  }
.LBB2_28:
0x185: {  	p0 =	seq.s32 s6, $0xFFFFFFFF  }
.Ltmp23:
0x186: {  	_ = 	snop;
	(pc) =	sbr.rel @p0 .LBB2_30-.Ltmp23, $1  }
0x187: {  	_ =	sdelay $0x3  }
0x188: {  	s0 =	sshll.u32 s3, $0x7  }
0x189: {  	s0 =	sand.u32 $0x3FFFFF80, s0  }
0x18a: {  	v0 =	vld [tilespmem:s0+$0xF238];
	_ =	sdelay $0x2  }
0x18b: {  	s4 =	sshll.u32 s6, $0x9  }
0x18c: {  	s4 =	sshra.s32 s4, $0x2  }
0x18d: {  	[tilespmem:s4+$0xF238] =	vst.add.f32.msk $0xffff, v0  }
0x18e: {  	v0 =	vld [tilespmem:s0+$0xF248];
	_ =	sdelay $0x4  }
0x18f: {  	[tilespmem:s4+$0xF248] =	vst.add.f32.msk $0xffff, v0  }
0x190: {  	v0 =	vld [tilespmem:s0+$0xF258];
	_ =	sdelay $0x4  }
0x191: {  	[tilespmem:s4+$0xF258] =	vst.add.f32.msk $0xffff, v0  }
0x192: {  	v0 =	vld [tilespmem:s0+$0xF268];
	_ =	sdelay $0x4  }
0x193: {  	[tilespmem:s4+$0xF268] =	vst.add.f32.msk $0xffff, v0  }
0x194: {  	v0 =	vld [tilespmem:s0+$0xF278];
	_ =	sdelay $0x4  }
0x195: {  	[tilespmem:s4+$0xF278] =	vst.add.f32.msk $0xffff, v0  }
0x196: {  	v0 =	vld [tilespmem:s0+$0xF288];
	_ =	sdelay $0x4  }
0x197: {  	[tilespmem:s4+$0xF288] =	vst.add.f32.msk $0xffff, v0  }
0x198: {  	v0 =	vld [tilespmem:s0+$0xF298];
	_ =	sdelay $0x4  }
0x199: {  	[tilespmem:s4+$0xF298] =	vst.add.f32.msk $0xffff, v0  }
0x19a: {  	v0 =	vld [tilespmem:s0+$0xF2A8]  }
.Ltmp24:
0x19b: {  	_ = 	snop;
	(pc) =	sbr.rel .LBB2_31-.Ltmp24, $2  }
0x19c: {  	_ =	sdelay $0x2  }
0x19d: {  	[tilespmem:s4+$0xF2A8] =	vst.add.f32.msk $0xffff, v0  }
.LBB2_32:
0x19e: {  	p0 =	slt.s32 s2, $0x1  }
.Ltmp25:
0x19f: {  	_ = 	snop;
	(pc) =	sbr.rel @p0 .LBB2_36-.Ltmp25, $3  }
0x1a0: {  	_ =	sdelay $0x1  }
0x1a1: {  	s0 =	simm.s32 $0x6  }
0x1a2: {  	s3 =	simm.s32 $0x0;
	[sflag:s0] =	ssyncpa.u1 $0x1  }
0x1a3: {  	s0 =	simm.s32 $0xF218  }
0x1a4: {  	v0 =	vld.msk [tilespmem:s0+$0x0], $0x1;
	_ =	sdelay $0x4  }
0x1a5: {  	(v2sf) =	vpush v0, $0x0;
	_ =	sdelay $0xd  }
0x1a6: {  	s2 =	sadd.s32 $0xFFFFFFFF, s2  }
0x1a7: {  	p1 =	sne.s32 s2, $0x0;
	s0 =	spop (v2sf)  }
.Ltmp26:
0x1a8: {  	p0 =	sgt.u32 s0, $0xC34F0;
	(pc) =	sbr.rel @!p1 .LBB2_35-.Ltmp26, $4  }
0x1a9: {  	s4 =	simm.s32 $0xF238;
	s5 =	sand.u32 @!p0 $0xFFFF8, s0  }
0x1aa: {  	s6 =	simm.s32 $0x0;
	s0 =	sand.u32 @!p0 $0x7, s0;
	s5 =	sadd.s32 @!p0 s1, s5  }
0x1ab: {  	[hbm4b:s5+s0] =	stream.linear.scatter @!p0 [tilespmem:s4], [sflag:$0x5], $0x80, $0x38;
	[tilespmem:$0x1F6E8] =	vst v63  }
0x1ac: {  	s6 =	simm.s32 @!p0 $0x200;
	s5 =	simm.s32 $0xF219  }
.LBB2_34:
0x1ad: {  	v0 =	vld.msk [tilespmem:s5+$0x0], $0x1;
	s2 =	sadd.s32 $0xFFFFFFFF, s2;
	s3 =	sadd.s32 s3, s6  }
0x1ae: {  	p0 =	sne.s32 s2, $0x0;
	_ =	sdelay $0x3  }
0x1af: {  	(v2sf) =	vpush v0, $0x0;
	_ =	sdelay $0xe  }
.Ltmp27:
0x1b0: {  	s0 =	spop (v2sf);
	(pc) =	sbr.rel @p0 .LBB2_34-.Ltmp27, $4  }
0x1b1: {  	s6 =	simm.s32 $0x0;
	p1 =	sgt.u32 s0, $0xC34F0  }
0x1b2: {  	s4 =	sadd.s32 $0x80, s4;
	s6 =	simm.s32 @!p1 $0x200;
	s7 =	sand.u32 @!p1 $0xFFFF8, s0  }
0x1b3: {  	s5 =	sadd.s32 $0x1, s5;
	s0 =	sand.u32 @!p1 $0x7, s0;
	s7 =	sadd.s32 @!p1 s1, s7  }
0x1b4: {  	[hbm4b:s7+s0] =	stream.linear.scatter @!p1 [tilespmem:s4], [sflag:$0x5], $0x80, $0x38;
	[tilespmem:$0x1F6E8] =	vst v63  }
.LBB2_35:
0x1b5: {  	s0 =	sadd.s32 s3, s6  }
0x1b6: {  	s3 =	sshrl.u32 s0, $0x2  }
.LBB2_36:
0x1b7: {  	s0 =	simm.s32 $0x5  }
0x1b8: {  	_ =	swait.ge [sflag:s0], s3  }
0x1b9: {  	s1 =	ssub.s32 $0x0, s3;
	[sflag:s0] =	ssyncset.done $0x0  }
0x1ba: {  	[sflag:s0] =	ssyncadd.s32 s1  }
0x1bb: {  	[sflag:s0] =	ssyncpa.u1 $0x1  }
0x1bc: {  	s30 =	simm.s32 $0x1;
	_ =	sfence  }
0x1bd: {  	[sflag:s30] =	ssyncpa.u1 $0x1  }
0x1be: {  	_ =	strace $0x9000004D  }
0x1bf: {  	[bflag:$0x2] =	sbarrier.arrive $0xFFFF  }
0x1c0: {  	s31 =	rddreg [dreg:$0x2]  }
0x1c1: {  	s0 =	sadd.s32 $0x100000, s31  }
0x1c2: {  	[sflag:s0] =	ssyncadd.tile.s32 $0x1;
	_ =	shalt  }
.Lfunc_end2:
_tile_overlayer_lowered:
.L_overlay_start_2:
0x1c3: {  	(tag) =	ssettag $0x2  }
0x1c4: {  	s0 =	rddreg [dreg:$0x0];
	s2 =	stileid.u32  }
0x1c5: {  	s1 =	rddreg [dreg:$0x1];
	p0 =	sne.s32 s2, $0x0  }
0x1c6: {  	s3 =	rddreg [dreg:$0x2];
	[bflag:$0x3] =	sbarrier.arrive $0xFFFF;
	s2 =	simm.s32 @!p0 $0x1C01  }
0x1c7: {  	[timem:s3], [sflag:s2] =	dma.local @!p0 [hbm:s0], s1  }
0x1c8: {  	s0 =	simm.s32 @!p0 $0x1  }
0x1c9: {  	_ =	swait.ge @!p0 [sflag:s0], s1  }
0x1ca: {  	s1 =	ssub.s32 @!p0 $0x0, s1;
	[sflag:s0] =	ssyncset.done @!p0 $0x0  }
0x1cb: {  	[sflag:s0] =	ssyncadd.s32 @!p0 s1  }
0x1cc: {  	[bflag:$0x3] =	sbarrier.arrive $0xFFFF  }
0x1cd: {  	_ =	shalt  }

</sc_bundles>
